<compile_context>
chip_gen: v7x
topology: tpu7x:2x2x1
jax: 0.10.2.dev20260603
libtpu: 0.0.44.dev20260713+nightly
codegen_flags: <defaults>
</compile_context>

<pallas_src>
import functools

import jax
import jax.numpy as jnp
from jax import lax
from jax.experimental import pallas as pl
from jax.experimental.pallas import tpu as pltpu
from jax.experimental.pallas import tpu_sc as plsc

B = 16384
D = 64
NFEAT = 5
OUT_W = 4 * D + NFEAT

NC = 2
NS = 16
L = 16
NW = NC * NS
BPW = B // NW
CH = 128
NCH = BPW // CH


def _fire_gathers(table, idx_v, t, buf, sem):
  return [
      pltpu.async_copy(
          table.at[idx_v.at[t, pl.ds(j * CH, CH)]],
          buf.at[pl.ds(j * CH, CH), :], sem)
      for j in range(NCH)
  ]


def _body(weapon, rank, sub_w, spec_w, level, wrange, wpower, wrounds,
          wiine, W_weapon, W_rank, W_sub, W_special, out,
          idx_v, rows_a, rows_b, feats_v, sbuf_v, isem, gsem, osem):
  wid = lax.axis_index("s") * NC + lax.axis_index("c")
  base = wid * BPW

  stage = []
  for i, ref in enumerate((weapon, rank, sub_w, spec_w)):
    stage.append(pltpu.async_copy(ref.at[pl.ds(base, BPW)], idx_v.at[i],
                                  isem))
  for f, ref in enumerate((level, wrange, wpower, wrounds, wiine)):
    stage.append(pltpu.async_copy(ref.at[pl.ds(base, BPW)], feats_v.at[f],
                                  isem))
  for c in stage:
    c.wait()

  tables = (W_weapon, W_rank, W_sub, W_special)
  bufs = (rows_a, rows_b)

  gathers = _fire_gathers(tables[0], idx_v, 0, bufs[0], gsem)
  out_dmas = [None, None]
  for t in range(4):
    nxt = None
    if t + 1 < 4:
      if out_dmas[(t + 1) % 2] is not None:
        out_dmas[(t + 1) % 2].wait()
        out_dmas[(t + 1) % 2] = None
      nxt = _fire_gathers(tables[t + 1], idx_v, t + 1, bufs[(t + 1) % 2],
                          gsem)
    if t == 0:
      for f in range(NFEAT):
        col = jnp.full((L,), f, jnp.int32)
        for j in range(BPW // L):
          vals = feats_v[f, pl.ds(j * L, L)]
          rows = lax.iota(jnp.int32, L) + (j * L)
          plsc.store_scatter(sbuf_v, [rows, col], vals)
    for c in gathers:
      c.wait()
    out_dmas[t % 2] = pltpu.async_copy(
        bufs[t % 2], out.at[pl.ds(base, BPW), pl.ds(t * D, D)], osem)
    gathers = nxt

  pltpu.sync_copy(sbuf_v, out.at[pl.ds(base, BPW), pl.ds(4 * D, NFEAT)])
  for d in out_dmas:
    if d is not None:
      d.wait()


_embed = functools.partial(
    pl.kernel,
    out_type=jax.ShapeDtypeStruct((B, OUT_W), jnp.float32),
    mesh=plsc.VectorSubcoreMesh(core_axis_name="c", subcore_axis_name="s"),
    compiler_params=pltpu.CompilerParams(use_tc_tiling_on_sc=False,
                                         needs_layout_passes=False),
    scratch_types=[
        pltpu.VMEM((4, BPW), jnp.int32),
        pltpu.VMEM((BPW, D), jnp.float32),
        pltpu.VMEM((BPW, D), jnp.float32),
        pltpu.VMEM((NFEAT, BPW), jnp.float32),
        pltpu.VMEM((BPW, NFEAT), jnp.float32),
        pltpu.SemaphoreType.DMA,
        pltpu.SemaphoreType.DMA,
        pltpu.SemaphoreType.DMA,
    ],
)(_body)


V = 100000
TJ_FULL = V // 128
V_TAIL = V - TJ_FULL * 128


NB = 4
SW = NB * 128


def _t_block(stage_b, pbuf_v, ncb, boff, lane, fvs):
  @plsc.parallel_loop(0, ncb * 16, 1, unroll=4)
  def diag(i):
    k = i & 15
    sv = (i - k) + ((lane + k) & 15)
    rv = lax.shift_right_logical(sv, 1) + boff
    cpar = lax.shift_left(sv & 1, 6)
    for rb in range(4):
      g = plsc.load_gather(stage_b, [fvs[rb], sv])
      plsc.store_scatter(pbuf_v, [rv, cpar + fvs[rb]], g)


def _t_body(wt, p, stage_v, tail_v, pbuf_v, ssem):
  wid = lax.axis_index("s") * NC + lax.axis_index("c")
  cnt = jnp.where(wid < 14, 25, 24) - jnp.where(wid == 31, 1, 0)
  j0 = wid * 24 + jnp.minimum(wid, 14)
  lane = lax.iota(jnp.int32, 16)
  fvs = [lane + 16 * rb for rb in range(4)]

  nblk = lax.div(cnt + NB - 1, NB)

  def loop_body(i, _):
    j = j0 + jnp.minimum(i * NB, cnt - NB)
    stages = [
        pltpu.async_copy(
            wt.at[:, pl.ds(pl.multiple_of((j + b) * 128, 128), 128)],
            stage_v.at[b], ssem)
        for b in range(NB)
    ]
    for c in stages:
      c.wait()
    for b in range(NB):
      _t_block(stage_v.at[b], pbuf_v, 8, b * 64, lane, fvs)
    pltpu.sync_copy(pbuf_v,
                    p.at[pl.ds(pl.multiple_of(j * 64, 64), NB * 64), :])
    return 0
  lax.fori_loop(0, nblk, loop_body, 0)

  @pl.when(wid == 31)
  def _tail():
    pltpu.sync_copy(wt.at[:, pl.ds(TJ_FULL * 128, V_TAIL)], tail_v)
    _t_block(tail_v, pbuf_v, V_TAIL // 16, 0, lane, fvs)
    pltpu.sync_copy(pbuf_v.at[pl.ds(0, V_TAIL // 2), :],
                    p.at[pl.ds(TJ_FULL * 64, V_TAIL // 2), :])


_transposer = functools.partial(
    pl.kernel,
    out_type=jax.ShapeDtypeStruct((V // 2, 128), jnp.float32),
    mesh=plsc.VectorSubcoreMesh(core_axis_name="c", subcore_axis_name="s"),
    compiler_params=pltpu.CompilerParams(use_tc_tiling_on_sc=True,
                                         needs_layout_passes=False),
    scratch_types=[
        pltpu.VMEM((NB, 64, 128), jnp.float32),
        pltpu.VMEM((64, V_TAIL), jnp.float32),
        pltpu.VMEM((NB * 64, 128), jnp.float32),
        pltpu.SemaphoreType.DMA,
    ],
)(_t_body)


def kernel(weapon, rank, level, sub_weapon, special_weapon, weapon_range,
           weapon_power, weapon_rounds_per, weapon_iine,
           W_weapon, W_rank, W_sub, W_special):
  p = _transposer(jnp.transpose(W_weapon))
  w_lin = jnp.reshape(p, (V, D))
  return _embed(weapon, rank, sub_weapon, special_weapon, level,
                weapon_range, weapon_power, weapon_rounds_per, weapon_iine,
                w_lin, W_rank, W_sub, W_special)

# --- scband reference (transcript-rebuilt; emitter-appended) ---
"""Pipeline reference for scband-player-embedding-55963423866935 (READ-ONLY COPY).

The authoritative reference and input builder live on the scoring server;
editing this copy changes nothing except your own understanding.
"""

import jax, jax.numpy as jnp
import numpy as np

B = 16384
V_WEAPON, V_RANK, V_SUB, V_SPECIAL = 100000, 1000, 1000, 1000
D = 64

def setup_inputs(seed: int = 0) -> dict:
    key = jax.random.key(seed)
    ks = jax.random.split(key, 13)
    weapon = jax.random.randint(ks[0], (B,), 0, V_WEAPON, dtype=jnp.int32)
    rank = jax.random.randint(ks[1], (B,), 0, V_RANK, dtype=jnp.int32)
    sub_weapon = jax.random.randint(ks[2], (B,), 0, V_SUB, dtype=jnp.int32)
    special_weapon = jax.random.randint(ks[3], (B,), 0, V_SPECIAL, dtype=jnp.int32)
    level = jax.random.normal(ks[4], (B,), dtype=jnp.float32)
    weapon_range = jax.random.normal(ks[5], (B,), dtype=jnp.float32)
    weapon_power = jax.random.normal(ks[6], (B,), dtype=jnp.float32)
    weapon_rounds_per = jax.random.normal(ks[7], (B,), dtype=jnp.float32)
    weapon_iine = jax.random.normal(ks[8], (B,), dtype=jnp.float32)
    W_weapon = jax.random.normal(ks[9], (V_WEAPON, D), dtype=jnp.float32)
    W_rank = jax.random.normal(ks[10], (V_RANK, D), dtype=jnp.float32)
    W_sub = jax.random.normal(ks[11], (V_SUB, D), dtype=jnp.float32)
    W_special = jax.random.normal(ks[12], (V_SPECIAL, D), dtype=jnp.float32)
    return {"weapon": weapon, "rank": rank, "level": level, "sub_weapon": sub_weapon,
            "special_weapon": special_weapon, "weapon_range": weapon_range,
            "weapon_power": weapon_power, "weapon_rounds_per": weapon_rounds_per,
            "weapon_iine": weapon_iine, "W_weapon": W_weapon, "W_rank": W_rank,
            "W_sub": W_sub, "W_special": W_special}

def reference(weapon, rank, level, sub_weapon, special_weapon, weapon_range,
              weapon_power, weapon_rounds_per, weapon_iine,
              W_weapon, W_rank, W_sub, W_special):
    weapon_embedded = jnp.take(W_weapon, weapon, axis=0)
    rank_embedded = jnp.take(W_rank, rank, axis=0)
    sub_weapon_embedded = jnp.take(W_sub, sub_weapon, axis=0)
    special_weapon_embedded = jnp.take(W_special, special_weapon, axis=0)
    feat = jnp.concatenate([
        weapon_embedded, rank_embedded, sub_weapon_embedded, special_weapon_embedded,
        level[:, None], weapon_range[:, None], weapon_power[:, None],
        weapon_rounds_per[:, None], weapon_iine[:, None]], axis=1)
    return feat

if __name__ == "__main__":
    import jax
    _d = setup_inputs()
    print(jax.jit(kernel)(*tuple(_d.values())))

</pallas_src>

<mosaic_0001>
#map = affine_map<(d0, d1) -> (0)>
#map1 = affine_map<(d0, d1) -> (0, 0)>
module attributes {stable_mosaic.version = 14 : i64} {
  func.func @_body(%arg0: i32, %arg1: i32, %arg2: memref<16384xi32, #tpu.memory_space<hbm>>, %arg3: memref<16384xi32, #tpu.memory_space<hbm>>, %arg4: memref<16384xi32, #tpu.memory_space<hbm>>, %arg5: memref<16384xi32, #tpu.memory_space<hbm>>, %arg6: memref<16384xf32, #tpu.memory_space<hbm>>, %arg7: memref<16384xf32, #tpu.memory_space<hbm>>, %arg8: memref<16384xf32, #tpu.memory_space<hbm>>, %arg9: memref<16384xf32, #tpu.memory_space<hbm>>, %arg10: memref<16384xf32, #tpu.memory_space<hbm>>, %arg11: memref<100000x64xf32, #tpu.memory_space<hbm>>, %arg12: memref<1000x64xf32, #tpu.memory_space<hbm>>, %arg13: memref<1000x64xf32, #tpu.memory_space<hbm>>, %arg14: memref<1000x64xf32, #tpu.memory_space<hbm>>, %arg15: memref<16384x261xf32, #tpu.memory_space<hbm>>, %arg16: memref<4x512xi32, #tpu.memory_space<vmem>>, %arg17: memref<512x64xf32, #tpu.memory_space<vmem>>, %arg18: memref<512x64xf32, #tpu.memory_space<vmem>>, %arg19: memref<5x512xf32, #tpu.memory_space<vmem>>, %arg20: memref<512x5xf32, #tpu.memory_space<vmem>>, %arg21: memref<!tpu.dma_semaphore, #tpu.memory_space<semaphore_mem>>, %arg22: memref<!tpu.dma_semaphore, #tpu.memory_space<semaphore_mem>>, %arg23: memref<!tpu.dma_semaphore, #tpu.memory_space<semaphore_mem>>) attributes {dimension_semantics = [#tpu.dimension_semantics<core_parallel>, #tpu.dimension_semantics<subcore_parallel>], iteration_bounds = array<i64: 2, 16>, scalar_prefetch = 0 : i64, scratch_operands = 8 : i64, tpu.core_type = #tpu.core_type<sc_vector_subcore>, window_params = [{transform_indices = #map}, {transform_indices = #map}, {transform_indices = #map}, {transform_indices = #map}, {transform_indices = #map}, {transform_indices = #map}, {transform_indices = #map}, {transform_indices = #map}, {transform_indices = #map}, {transform_indices = #map1}, {transform_indices = #map1}, {transform_indices = #map1}, {transform_indices = #map1}, {transform_indices = #map1}]} {
    %mul3A = arith.constant 2 : i32
    %mul3A_0 = arith.muli %arg1, %mul3A : i32
    %add3A = arith.addi %mul3A_0, %arg0 : i32
    %mul3A_1 = arith.constant 512 : i32
    %mul3A_2 = arith.muli %add3A, %mul3A_1 : i32
    %dma_start3A = arith.constant 0 : i32
    %dma_start3A_3 = arith.constant 0 : i32
    %dma_start3A_4 = tpu.memref_slice %arg16[%dma_start3A, %dma_start3A_3] : memref<4x512xi32, #tpu.memory_space<vmem>> -> memref<1x512xi32, #tpu.memory_space<vmem>>
    %dma_start3A_5 = tpu.memref_squeeze %dma_start3A_4 : memref<1x512xi32, #tpu.memory_space<vmem>> -> memref<512xi32, #tpu.memory_space<vmem>>
    %dma_start3A_6 = tpu.memref_slice %arg2[%mul3A_2] : memref<16384xi32, #tpu.memory_space<hbm>> -> memref<512xi32, #tpu.memory_space<hbm>>
    %dma_start3A_7 = arith.constant 0 : i32
    %dma_start3A_8 = tpu.memref_slice %arg16[%dma_start3A, %dma_start3A_7] : memref<4x512xi32, #tpu.memory_space<vmem>> -> memref<1x512xi32, #tpu.memory_space<vmem>>
    %dma_start3A_9 = tpu.memref_squeeze %dma_start3A_8 : memref<1x512xi32, #tpu.memory_space<vmem>> -> memref<512xi32, #tpu.memory_space<vmem>>
    %dma_start3A_10 = tpu.memref_slice %arg2[%mul3A_2] : memref<16384xi32, #tpu.memory_space<hbm>> -> memref<512xi32, #tpu.memory_space<hbm>>
    tpu.enqueue_dma source(%dma_start3A_10 : memref<512xi32, #tpu.memory_space<hbm>>) target(%dma_start3A_9 : memref<512xi32, #tpu.memory_space<vmem>>) target_semaphore(%arg21 : memref<!tpu.dma_semaphore, #tpu.memory_space<semaphore_mem>>)
    %dma_start3A_11 = arith.constant 1 : i32
    %dma_start3A_12 = arith.constant 0 : i32
    %dma_start3A_13 = tpu.memref_slice %arg16[%dma_start3A_11, %dma_start3A_12] : memref<4x512xi32, #tpu.memory_space<vmem>> -> memref<1x512xi32, #tpu.memory_space<vmem>>
    %dma_start3A_14 = tpu.memref_squeeze %dma_start3A_13 : memref<1x512xi32, #tpu.memory_space<vmem>> -> memref<512xi32, #tpu.memory_space<vmem>>
    %dma_start3A_15 = tpu.memref_slice %arg3[%mul3A_2] : memref<16384xi32, #tpu.memory_space<hbm>> -> memref<512xi32, #tpu.memory_space<hbm>>
    %dma_start3A_16 = arith.constant 0 : i32
    %dma_start3A_17 = tpu.memref_slice %arg16[%dma_start3A_11, %dma_start3A_16] : memref<4x512xi32, #tpu.memory_space<vmem>> -> memref<1x512xi32, #tpu.memory_space<vmem>>
    %dma_start3A_18 = tpu.memref_squeeze %dma_start3A_17 : memref<1x512xi32, #tpu.memory_space<vmem>> -> memref<512xi32, #tpu.memory_space<vmem>>
    %dma_start3A_19 = tpu.memref_slice %arg3[%mul3A_2] : memref<16384xi32, #tpu.memory_space<hbm>> -> memref<512xi32, #tpu.memory_space<hbm>>
    tpu.enqueue_dma source(%dma_start3A_19 : memref<512xi32, #tpu.memory_space<hbm>>) target(%dma_start3A_18 : memref<512xi32, #tpu.memory_space<vmem>>) target_semaphore(%arg21 : memref<!tpu.dma_semaphore, #tpu.memory_space<semaphore_mem>>)
    %dma_start3A_20 = arith.constant 2 : i32
    %dma_start3A_21 = arith.constant 0 : i32
    %dma_start3A_22 = tpu.memref_slice %arg16[%dma_start3A_20, %dma_start3A_21] : memref<4x512xi32, #tpu.memory_space<vmem>> -> memref<1x512xi32, #tpu.memory_space<vmem>>
    %dma_start3A_23 = tpu.memref_squeeze %dma_start3A_22 : memref<1x512xi32, #tpu.memory_space<vmem>> -> memref<512xi32, #tpu.memory_space<vmem>>
    %dma_start3A_24 = tpu.memref_slice %arg4[%mul3A_2] : memref<16384xi32, #tpu.memory_space<hbm>> -> memref<512xi32, #tpu.memory_space<hbm>>
    %dma_start3A_25 = arith.constant 0 : i32
    %dma_start3A_26 = tpu.memref_slice %arg16[%dma_start3A_20, %dma_start3A_25] : memref<4x512xi32, #tpu.memory_space<vmem>> -> memref<1x512xi32, #tpu.memory_space<vmem>>
    %dma_start3A_27 = tpu.memref_squeeze %dma_start3A_26 : memref<1x512xi32, #tpu.memory_space<vmem>> -> memref<512xi32, #tpu.memory_space<vmem>>
    %dma_start3A_28 = tpu.memref_slice %arg4[%mul3A_2] : memref<16384xi32, #tpu.memory_space<hbm>> -> memref<512xi32, #tpu.memory_space<hbm>>
    tpu.enqueue_dma source(%dma_start3A_28 : memref<512xi32, #tpu.memory_space<hbm>>) target(%dma_start3A_27 : memref<512xi32, #tpu.memory_space<vmem>>) target_semaphore(%arg21 : memref<!tpu.dma_semaphore, #tpu.memory_space<semaphore_mem>>)
    %dma_start3A_29 = arith.constant 3 : i32
    %dma_start3A_30 = arith.constant 0 : i32
    %dma_start3A_31 = tpu.memref_slice %arg16[%dma_start3A_29, %dma_start3A_30] : memref<4x512xi32, #tpu.memory_space<vmem>> -> memref<1x512xi32, #tpu.memory_space<vmem>>
    %dma_start3A_32 = tpu.memref_squeeze %dma_start3A_31 : memref<1x512xi32, #tpu.memory_space<vmem>> -> memref<512xi32, #tpu.memory_space<vmem>>
    %dma_start3A_33 = tpu.memref_slice %arg5[%mul3A_2] : memref<16384xi32, #tpu.memory_space<hbm>> -> memref<512xi32, #tpu.memory_space<hbm>>
    %dma_start3A_34 = arith.constant 0 : i32
    %dma_start3A_35 = tpu.memref_slice %arg16[%dma_start3A_29, %dma_start3A_34] : memref<4x512xi32, #tpu.memory_space<vmem>> -> memref<1x512xi32, #tpu.memory_space<vmem>>
    %dma_start3A_36 = tpu.memref_squeeze %dma_start3A_35 : memref<1x512xi32, #tpu.memory_space<vmem>> -> memref<512xi32, #tpu.memory_space<vmem>>
    %dma_start3A_37 = tpu.memref_slice %arg5[%mul3A_2] : memref<16384xi32, #tpu.memory_space<hbm>> -> memref<512xi32, #tpu.memory_space<hbm>>
    tpu.enqueue_dma source(%dma_start3A_37 : memref<512xi32, #tpu.memory_space<hbm>>) target(%dma_start3A_36 : memref<512xi32, #tpu.memory_space<vmem>>) target_semaphore(%arg21 : memref<!tpu.dma_semaphore, #tpu.memory_space<semaphore_mem>>)
    %dma_start3A_38 = arith.constant 0 : i32
    %dma_start3A_39 = arith.constant 0 : i32
    %dma_start3A_40 = tpu.memref_slice %arg19[%dma_start3A_38, %dma_start3A_39] : memref<5x512xf32, #tpu.memory_space<vmem>> -> memref<1x512xf32, #tpu.memory_space<vmem>>
    %dma_start3A_41 = tpu.memref_squeeze %dma_start3A_40 : memref<1x512xf32, #tpu.memory_space<vmem>> -> memref<512xf32, #tpu.memory_space<vmem>>
    %dma_start3A_42 = tpu.memref_slice %arg6[%mul3A_2] : memref<16384xf32, #tpu.memory_space<hbm>> -> memref<512xf32, #tpu.memory_space<hbm>>
    %dma_start3A_43 = arith.constant 0 : i32
    %dma_start3A_44 = tpu.memref_slice %arg19[%dma_start3A_38, %dma_start3A_43] : memref<5x512xf32, #tpu.memory_space<vmem>> -> memref<1x512xf32, #tpu.memory_space<vmem>>
    %dma_start3A_45 = tpu.memref_squeeze %dma_start3A_44 : memref<1x512xf32, #tpu.memory_space<vmem>> -> memref<512xf32, #tpu.memory_space<vmem>>
    %dma_start3A_46 = tpu.memref_slice %arg6[%mul3A_2] : memref<16384xf32, #tpu.memory_space<hbm>> -> memref<512xf32, #tpu.memory_space<hbm>>
    tpu.enqueue_dma source(%dma_start3A_46 : memref<512xf32, #tpu.memory_space<hbm>>) target(%dma_start3A_45 : memref<512xf32, #tpu.memory_space<vmem>>) target_semaphore(%arg21 : memref<!tpu.dma_semaphore, #tpu.memory_space<semaphore_mem>>)
    %dma_start3A_47 = arith.constant 1 : i32
    %dma_start3A_48 = arith.constant 0 : i32
    %dma_start3A_49 = tpu.memref_slice %arg19[%dma_start3A_47, %dma_start3A_48] : memref<5x512xf32, #tpu.memory_space<vmem>> -> memref<1x512xf32, #tpu.memory_space<vmem>>
    %dma_start3A_50 = tpu.memref_squeeze %dma_start3A_49 : memref<1x512xf32, #tpu.memory_space<vmem>> -> memref<512xf32, #tpu.memory_space<vmem>>
    %dma_start3A_51 = tpu.memref_slice %arg7[%mul3A_2] : memref<16384xf32, #tpu.memory_space<hbm>> -> memref<512xf32, #tpu.memory_space<hbm>>
    %dma_start3A_52 = arith.constant 0 : i32
    %dma_start3A_53 = tpu.memref_slice %arg19[%dma_start3A_47, %dma_start3A_52] : memref<5x512xf32, #tpu.memory_space<vmem>> -> memref<1x512xf32, #tpu.memory_space<vmem>>
    %dma_start3A_54 = tpu.memref_squeeze %dma_start3A_53 : memref<1x512xf32, #tpu.memory_space<vmem>> -> memref<512xf32, #tpu.memory_space<vmem>>
    %dma_start3A_55 = tpu.memref_slice %arg7[%mul3A_2] : memref<16384xf32, #tpu.memory_space<hbm>> -> memref<512xf32, #tpu.memory_space<hbm>>
    tpu.enqueue_dma source(%dma_start3A_55 : memref<512xf32, #tpu.memory_space<hbm>>) target(%dma_start3A_54 : memref<512xf32, #tpu.memory_space<vmem>>) target_semaphore(%arg21 : memref<!tpu.dma_semaphore, #tpu.memory_space<semaphore_mem>>)
    %dma_start3A_56 = arith.constant 2 : i32
    %dma_start3A_57 = arith.constant 0 : i32
    %dma_start3A_58 = tpu.memref_slice %arg19[%dma_start3A_56, %dma_start3A_57] : memref<5x512xf32, #tpu.memory_space<vmem>> -> memref<1x512xf32, #tpu.memory_space<vmem>>
    %dma_start3A_59 = tpu.memref_squeeze %dma_start3A_58 : memref<1x512xf32, #tpu.memory_space<vmem>> -> memref<512xf32, #tpu.memory_space<vmem>>
    %dma_start3A_60 = tpu.memref_slice %arg8[%mul3A_2] : memref<16384xf32, #tpu.memory_space<hbm>> -> memref<512xf32, #tpu.memory_space<hbm>>
    %dma_start3A_61 = arith.constant 0 : i32
    %dma_start3A_62 = tpu.memref_slice %arg19[%dma_start3A_56, %dma_start3A_61] : memref<5x512xf32, #tpu.memory_space<vmem>> -> memref<1x512xf32, #tpu.memory_space<vmem>>
    %dma_start3A_63 = tpu.memref_squeeze %dma_start3A_62 : memref<1x512xf32, #tpu.memory_space<vmem>> -> memref<512xf32, #tpu.memory_space<vmem>>
    %dma_start3A_64 = tpu.memref_slice %arg8[%mul3A_2] : memref<16384xf32, #tpu.memory_space<hbm>> -> memref<512xf32, #tpu.memory_space<hbm>>
    tpu.enqueue_dma source(%dma_start3A_64 : memref<512xf32, #tpu.memory_space<hbm>>) target(%dma_start3A_63 : memref<512xf32, #tpu.memory_space<vmem>>) target_semaphore(%arg21 : memref<!tpu.dma_semaphore, #tpu.memory_space<semaphore_mem>>)
    %dma_start3A_65 = arith.constant 3 : i32
    %dma_start3A_66 = arith.constant 0 : i32
    %dma_start3A_67 = tpu.memref_slice %arg19[%dma_start3A_65, %dma_start3A_66] : memref<5x512xf32, #tpu.memory_space<vmem>> -> memref<1x512xf32, #tpu.memory_space<vmem>>
    %dma_start3A_68 = tpu.memref_squeeze %dma_start3A_67 : memref<1x512xf32, #tpu.memory_space<vmem>> -> memref<512xf32, #tpu.memory_space<vmem>>
    %dma_start3A_69 = tpu.memref_slice %arg9[%mul3A_2] : memref<16384xf32, #tpu.memory_space<hbm>> -> memref<512xf32, #tpu.memory_space<hbm>>
    %dma_start3A_70 = arith.constant 0 : i32
    %dma_start3A_71 = tpu.memref_slice %arg19[%dma_start3A_65, %dma_start3A_70] : memref<5x512xf32, #tpu.memory_space<vmem>> -> memref<1x512xf32, #tpu.memory_space<vmem>>
    %dma_start3A_72 = tpu.memref_squeeze %dma_start3A_71 : memref<1x512xf32, #tpu.memory_space<vmem>> -> memref<512xf32, #tpu.memory_space<vmem>>
    %dma_start3A_73 = tpu.memref_slice %arg9[%mul3A_2] : memref<16384xf32, #tpu.memory_space<hbm>> -> memref<512xf32, #tpu.memory_space<hbm>>
    tpu.enqueue_dma source(%dma_start3A_73 : memref<512xf32, #tpu.memory_space<hbm>>) target(%dma_start3A_72 : memref<512xf32, #tpu.memory_space<vmem>>) target_semaphore(%arg21 : memref<!tpu.dma_semaphore, #tpu.memory_space<semaphore_mem>>)
    %dma_start3A_74 = arith.constant 4 : i32
    %dma_start3A_75 = arith.constant 0 : i32
    %dma_start3A_76 = tpu.memref_slice %arg19[%dma_start3A_74, %dma_start3A_75] : memref<5x512xf32, #tpu.memory_space<vmem>> -> memref<1x512xf32, #tpu.memory_space<vmem>>
    %dma_start3A_77 = tpu.memref_squeeze %dma_start3A_76 : memref<1x512xf32, #tpu.memory_space<vmem>> -> memref<512xf32, #tpu.memory_space<vmem>>
    %dma_start3A_78 = tpu.memref_slice %arg10[%mul3A_2] : memref<16384xf32, #tpu.memory_space<hbm>> -> memref<512xf32, #tpu.memory_space<hbm>>
    %dma_start3A_79 = arith.constant 0 : i32
    %dma_start3A_80 = tpu.memref_slice %arg19[%dma_start3A_74, %dma_start3A_79] : memref<5x512xf32, #tpu.memory_space<vmem>> -> memref<1x512xf32, #tpu.memory_space<vmem>>
    %dma_start3A_81 = tpu.memref_squeeze %dma_start3A_80 : memref<1x512xf32, #tpu.memory_space<vmem>> -> memref<512xf32, #tpu.memory_space<vmem>>
    %dma_start3A_82 = tpu.memref_slice %arg10[%mul3A_2] : memref<16384xf32, #tpu.memory_space<hbm>> -> memref<512xf32, #tpu.memory_space<hbm>>
    tpu.enqueue_dma source(%dma_start3A_82 : memref<512xf32, #tpu.memory_space<hbm>>) target(%dma_start3A_81 : memref<512xf32, #tpu.memory_space<vmem>>) target_semaphore(%arg21 : memref<!tpu.dma_semaphore, #tpu.memory_space<semaphore_mem>>)
    %dma_wait3A = arith.constant 0 : i32
    %dma_wait3A_83 = arith.constant 0 : i32
    %dma_wait3A_84 = tpu.memref_slice %arg16[%dma_wait3A, %dma_wait3A_83] : memref<4x512xi32, #tpu.memory_space<vmem>> -> memref<1x512xi32, #tpu.memory_space<vmem>>
    %dma_wait3A_85 = tpu.memref_squeeze %dma_wait3A_84 : memref<1x512xi32, #tpu.memory_space<vmem>> -> memref<512xi32, #tpu.memory_space<vmem>>
    %dma_wait3A_86 = tpu.memref_slice %arg2[%mul3A_2] : memref<16384xi32, #tpu.memory_space<hbm>> -> memref<512xi32, #tpu.memory_space<hbm>>
    %dma_wait3A_87 = arith.constant 0 : i32
    %dma_wait3A_88 = tpu.memref_slice %arg16[%dma_wait3A, %dma_wait3A_87] : memref<4x512xi32, #tpu.memory_space<vmem>> -> memref<1x512xi32, #tpu.memory_space<vmem>>
    %dma_wait3A_89 = tpu.memref_squeeze %dma_wait3A_88 : memref<1x512xi32, #tpu.memory_space<vmem>> -> memref<512xi32, #tpu.memory_space<vmem>>
    %dma_wait3A_90 = tpu.memref_slice %arg2[%mul3A_2] : memref<16384xi32, #tpu.memory_space<hbm>> -> memref<512xi32, #tpu.memory_space<hbm>>
    tpu.wait_dma2 semaphore(%arg21 : memref<!tpu.dma_semaphore, #tpu.memory_space<semaphore_mem>>) src(%dma_wait3A_90 : memref<512xi32, #tpu.memory_space<hbm>>) dst(%dma_wait3A_89 : memref<512xi32, #tpu.memory_space<vmem>>)
    %dma_wait3A_91 = arith.constant 1 : i32
    %dma_wait3A_92 = arith.constant 0 : i32
    %dma_wait3A_93 = tpu.memref_slice %arg16[%dma_wait3A_91, %dma_wait3A_92] : memref<4x512xi32, #tpu.memory_space<vmem>> -> memref<1x512xi32, #tpu.memory_space<vmem>>
    %dma_wait3A_94 = tpu.memref_squeeze %dma_wait3A_93 : memref<1x512xi32, #tpu.memory_space<vmem>> -> memref<512xi32, #tpu.memory_space<vmem>>
    %dma_wait3A_95 = tpu.memref_slice %arg3[%mul3A_2] : memref<16384xi32, #tpu.memory_space<hbm>> -> memref<512xi32, #tpu.memory_space<hbm>>
    %dma_wait3A_96 = arith.constant 0 : i32
    %dma_wait3A_97 = tpu.memref_slice %arg16[%dma_wait3A_91, %dma_wait3A_96] : memref<4x512xi32, #tpu.memory_space<vmem>> -> memref<1x512xi32, #tpu.memory_space<vmem>>
    %dma_wait3A_98 = tpu.memref_squeeze %dma_wait3A_97 : memref<1x512xi32, #tpu.memory_space<vmem>> -> memref<512xi32, #tpu.memory_space<vmem>>
    %dma_wait3A_99 = tpu.memref_slice %arg3[%mul3A_2] : memref<16384xi32, #tpu.memory_space<hbm>> -> memref<512xi32, #tpu.memory_space<hbm>>
    tpu.wait_dma2 semaphore(%arg21 : memref<!tpu.dma_semaphore, #tpu.memory_space<semaphore_mem>>) src(%dma_wait3A_99 : memref<512xi32, #tpu.memory_space<hbm>>) dst(%dma_wait3A_98 : memref<512xi32, #tpu.memory_space<vmem>>)
    %dma_wait3A_100 = arith.constant 2 : i32
    %dma_wait3A_101 = arith.constant 0 : i32
    %dma_wait3A_102 = tpu.memref_slice %arg16[%dma_wait3A_100, %dma_wait3A_101] : memref<4x512xi32, #tpu.memory_space<vmem>> -> memref<1x512xi32, #tpu.memory_space<vmem>>
    %dma_wait3A_103 = tpu.memref_squeeze %dma_wait3A_102 : memref<1x512xi32, #tpu.memory_space<vmem>> -> memref<512xi32, #tpu.memory_space<vmem>>
    %dma_wait3A_104 = tpu.memref_slice %arg4[%mul3A_2] : memref<16384xi32, #tpu.memory_space<hbm>> -> memref<512xi32, #tpu.memory_space<hbm>>
    %dma_wait3A_105 = arith.constant 0 : i32
    %dma_wait3A_106 = tpu.memref_slice %arg16[%dma_wait3A_100, %dma_wait3A_105] : memref<4x512xi32, #tpu.memory_space<vmem>> -> memref<1x512xi32, #tpu.memory_space<vmem>>
    %dma_wait3A_107 = tpu.memref_squeeze %dma_wait3A_106 : memref<1x512xi32, #tpu.memory_space<vmem>> -> memref<512xi32, #tpu.memory_space<vmem>>
    %dma_wait3A_108 = tpu.memref_slice %arg4[%mul3A_2] : memref<16384xi32, #tpu.memory_space<hbm>> -> memref<512xi32, #tpu.memory_space<hbm>>
    tpu.wait_dma2 semaphore(%arg21 : memref<!tpu.dma_semaphore, #tpu.memory_space<semaphore_mem>>) src(%dma_wait3A_108 : memref<512xi32, #tpu.memory_space<hbm>>) dst(%dma_wait3A_107 : memref<512xi32, #tpu.memory_space<vmem>>)
    %dma_wait3A_109 = arith.constant 3 : i32
    %dma_wait3A_110 = arith.constant 0 : i32
    %dma_wait3A_111 = tpu.memref_slice %arg16[%dma_wait3A_109, %dma_wait3A_110] : memref<4x512xi32, #tpu.memory_space<vmem>> -> memref<1x512xi32, #tpu.memory_space<vmem>>
    %dma_wait3A_112 = tpu.memref_squeeze %dma_wait3A_111 : memref<1x512xi32, #tpu.memory_space<vmem>> -> memref<512xi32, #tpu.memory_space<vmem>>
    %dma_wait3A_113 = tpu.memref_slice %arg5[%mul3A_2] : memref<16384xi32, #tpu.memory_space<hbm>> -> memref<512xi32, #tpu.memory_space<hbm>>
    %dma_wait3A_114 = arith.constant 0 : i32
    %dma_wait3A_115 = tpu.memref_slice %arg16[%dma_wait3A_109, %dma_wait3A_114] : memref<4x512xi32, #tpu.memory_space<vmem>> -> memref<1x512xi32, #tpu.memory_space<vmem>>
    %dma_wait3A_116 = tpu.memref_squeeze %dma_wait3A_115 : memref<1x512xi32, #tpu.memory_space<vmem>> -> memref<512xi32, #tpu.memory_space<vmem>>
    %dma_wait3A_117 = tpu.memref_slice %arg5[%mul3A_2] : memref<16384xi32, #tpu.memory_space<hbm>> -> memref<512xi32, #tpu.memory_space<hbm>>
    tpu.wait_dma2 semaphore(%arg21 : memref<!tpu.dma_semaphore, #tpu.memory_space<semaphore_mem>>) src(%dma_wait3A_117 : memref<512xi32, #tpu.memory_space<hbm>>) dst(%dma_wait3A_116 : memref<512xi32, #tpu.memory_space<vmem>>)
    %dma_wait3A_118 = arith.constant 0 : i32
    %dma_wait3A_119 = arith.constant 0 : i32
    %dma_wait3A_120 = tpu.memref_slice %arg19[%dma_wait3A_118, %dma_wait3A_119] : memref<5x512xf32, #tpu.memory_space<vmem>> -> memref<1x512xf32, #tpu.memory_space<vmem>>
    %dma_wait3A_121 = tpu.memref_squeeze %dma_wait3A_120 : memref<1x512xf32, #tpu.memory_space<vmem>> -> memref<512xf32, #tpu.memory_space<vmem>>
    %dma_wait3A_122 = tpu.memref_slice %arg6[%mul3A_2] : memref<16384xf32, #tpu.memory_space<hbm>> -> memref<512xf32, #tpu.memory_space<hbm>>
    %dma_wait3A_123 = arith.constant 0 : i32
    %dma_wait3A_124 = tpu.memref_slice %arg19[%dma_wait3A_118, %dma_wait3A_123] : memref<5x512xf32, #tpu.memory_space<vmem>> -> memref<1x512xf32, #tpu.memory_space<vmem>>
    %dma_wait3A_125 = tpu.memref_squeeze %dma_wait3A_124 : memref<1x512xf32, #tpu.memory_space<vmem>> -> memref<512xf32, #tpu.memory_space<vmem>>
    %dma_wait3A_126 = tpu.memref_slice %arg6[%mul3A_2] : memref<16384xf32, #tpu.memory_space<hbm>> -> memref<512xf32, #tpu.memory_space<hbm>>
    tpu.wait_dma2 semaphore(%arg21 : memref<!tpu.dma_semaphore, #tpu.memory_space<semaphore_mem>>) src(%dma_wait3A_126 : memref<512xf32, #tpu.memory_space<hbm>>) dst(%dma_wait3A_125 : memref<512xf32, #tpu.memory_space<vmem>>)
    %dma_wait3A_127 = arith.constant 1 : i32
    %dma_wait3A_128 = arith.constant 0 : i32
    %dma_wait3A_129 = tpu.memref_slice %arg19[%dma_wait3A_127, %dma_wait3A_128] : memref<5x512xf32, #tpu.memory_space<vmem>> -> memref<1x512xf32, #tpu.memory_space<vmem>>
    %dma_wait3A_130 = tpu.memref_squeeze %dma_wait3A_129 : memref<1x512xf32, #tpu.memory_space<vmem>> -> memref<512xf32, #tpu.memory_space<vmem>>
    %dma_wait3A_131 = tpu.memref_slice %arg7[%mul3A_2] : memref<16384xf32, #tpu.memory_space<hbm>> -> memref<512xf32, #tpu.memory_space<hbm>>
    %dma_wait3A_132 = arith.constant 0 : i32
    %dma_wait3A_133 = tpu.memref_slice %arg19[%dma_wait3A_127, %dma_wait3A_132] : memref<5x512xf32, #tpu.memory_space<vmem>> -> memref<1x512xf32, #tpu.memory_space<vmem>>
    %dma_wait3A_134 = tpu.memref_squeeze %dma_wait3A_133 : memref<1x512xf32, #tpu.memory_space<vmem>> -> memref<512xf32, #tpu.memory_space<vmem>>
    %dma_wait3A_135 = tpu.memref_slice %arg7[%mul3A_2] : memref<16384xf32, #tpu.memory_space<hbm>> -> memref<512xf32, #tpu.memory_space<hbm>>
    tpu.wait_dma2 semaphore(%arg21 : memref<!tpu.dma_semaphore, #tpu.memory_space<semaphore_mem>>) src(%dma_wait3A_135 : memref<512xf32, #tpu.memory_space<hbm>>) dst(%dma_wait3A_134 : memref<512xf32, #tpu.memory_space<vmem>>)
    %dma_wait3A_136 = arith.constant 2 : i32
    %dma_wait3A_137 = arith.constant 0 : i32
    %dma_wait3A_138 = tpu.memref_slice %arg19[%dma_wait3A_136, %dma_wait3A_137] : memref<5x512xf32, #tpu.memory_space<vmem>> -> memref<1x512xf32, #tpu.memory_space<vmem>>
    %dma_wait3A_139 = tpu.memref_squeeze %dma_wait3A_138 : memref<1x512xf32, #tpu.memory_space<vmem>> -> memref<512xf32, #tpu.memory_space<vmem>>
    %dma_wait3A_140 = tpu.memref_slice %arg8[%mul3A_2] : memref<16384xf32, #tpu.memory_space<hbm>> -> memref<512xf32, #tpu.memory_space<hbm>>
    %dma_wait3A_141 = arith.constant 0 : i32
    %dma_wait3A_142 = tpu.memref_slice %arg19[%dma_wait3A_136, %dma_wait3A_141] : memref<5x512xf32, #tpu.memory_space<vmem>> -> memref<1x512xf32, #tpu.memory_space<vmem>>
    %dma_wait3A_143 = tpu.memref_squeeze %dma_wait3A_142 : memref<1x512xf32, #tpu.memory_space<vmem>> -> memref<512xf32, #tpu.memory_space<vmem>>
    %dma_wait3A_144 = tpu.memref_slice %arg8[%mul3A_2] : memref<16384xf32, #tpu.memory_space<hbm>> -> memref<512xf32, #tpu.memory_space<hbm>>
    tpu.wait_dma2 semaphore(%arg21 : memref<!tpu.dma_semaphore, #tpu.memory_space<semaphore_mem>>) src(%dma_wait3A_144 : memref<512xf32, #tpu.memory_space<hbm>>) dst(%dma_wait3A_143 : memref<512xf32, #tpu.memory_space<vmem>>)
    %dma_wait3A_145 = arith.constant 3 : i32
    %dma_wait3A_146 = arith.constant 0 : i32
    %dma_wait3A_147 = tpu.memref_slice %arg19[%dma_wait3A_145, %dma_wait3A_146] : memref<5x512xf32, #tpu.memory_space<vmem>> -> memref<1x512xf32, #tpu.memory_space<vmem>>
    %dma_wait3A_148 = tpu.memref_squeeze %dma_wait3A_147 : memref<1x512xf32, #tpu.memory_space<vmem>> -> memref<512xf32, #tpu.memory_space<vmem>>
    %dma_wait3A_149 = tpu.memref_slice %arg9[%mul3A_2] : memref<16384xf32, #tpu.memory_space<hbm>> -> memref<512xf32, #tpu.memory_space<hbm>>
    %dma_wait3A_150 = arith.constant 0 : i32
    %dma_wait3A_151 = tpu.memref_slice %arg19[%dma_wait3A_145, %dma_wait3A_150] : memref<5x512xf32, #tpu.memory_space<vmem>> -> memref<1x512xf32, #tpu.memory_space<vmem>>
    %dma_wait3A_152 = tpu.memref_squeeze %dma_wait3A_151 : memref<1x512xf32, #tpu.memory_space<vmem>> -> memref<512xf32, #tpu.memory_space<vmem>>
    %dma_wait3A_153 = tpu.memref_slice %arg9[%mul3A_2] : memref<16384xf32, #tpu.memory_space<hbm>> -> memref<512xf32, #tpu.memory_space<hbm>>
    tpu.wait_dma2 semaphore(%arg21 : memref<!tpu.dma_semaphore, #tpu.memory_space<semaphore_mem>>) src(%dma_wait3A_153 : memref<512xf32, #tpu.memory_space<hbm>>) dst(%dma_wait3A_152 : memref<512xf32, #tpu.memory_space<vmem>>)
    %dma_wait3A_154 = arith.constant 4 : i32
    %dma_wait3A_155 = arith.constant 0 : i32
    %dma_wait3A_156 = tpu.memref_slice %arg19[%dma_wait3A_154, %dma_wait3A_155] : memref<5x512xf32, #tpu.memory_space<vmem>> -> memref<1x512xf32, #tpu.memory_space<vmem>>
    %dma_wait3A_157 = tpu.memref_squeeze %dma_wait3A_156 : memref<1x512xf32, #tpu.memory_space<vmem>> -> memref<512xf32, #tpu.memory_space<vmem>>
    %dma_wait3A_158 = tpu.memref_slice %arg10[%mul3A_2] : memref<16384xf32, #tpu.memory_space<hbm>> -> memref<512xf32, #tpu.memory_space<hbm>>
    %dma_wait3A_159 = arith.constant 0 : i32
    %dma_wait3A_160 = tpu.memref_slice %arg19[%dma_wait3A_154, %dma_wait3A_159] : memref<5x512xf32, #tpu.memory_space<vmem>> -> memref<1x512xf32, #tpu.memory_space<vmem>>
    %dma_wait3A_161 = tpu.memref_squeeze %dma_wait3A_160 : memref<1x512xf32, #tpu.memory_space<vmem>> -> memref<512xf32, #tpu.memory_space<vmem>>
    %dma_wait3A_162 = tpu.memref_slice %arg10[%mul3A_2] : memref<16384xf32, #tpu.memory_space<hbm>> -> memref<512xf32, #tpu.memory_space<hbm>>
    tpu.wait_dma2 semaphore(%arg21 : memref<!tpu.dma_semaphore, #tpu.memory_space<semaphore_mem>>) src(%dma_wait3A_162 : memref<512xf32, #tpu.memory_space<hbm>>) dst(%dma_wait3A_161 : memref<512xf32, #tpu.memory_space<vmem>>)
    %dma_start3A_163 = arith.constant 0 : i32
    %dma_start3A_164 = arith.constant 0 : i32
    %dma_start3A_165 = arith.constant 0 : i32
    %dma_start3A_166 = tpu.memref_slice %arg17[%dma_start3A_164, %dma_start3A_165] : memref<512x64xf32, #tpu.memory_space<vmem>> -> memref<128x64xf32, #tpu.memory_space<vmem>>
    %dma_start3A_167 = arith.constant 0 : i32
    %dma_start3A_168 = tpu.memref_slice %arg16[%dma_start3A_163, %dma_start3A_167] : memref<4x512xi32, #tpu.memory_space<vmem>> -> memref<1x128xi32, #tpu.memory_space<vmem>>
    %dma_start3A_169 = tpu.memref_squeeze %dma_start3A_168 : memref<1x128xi32, #tpu.memory_space<vmem>> -> memref<128xi32, #tpu.memory_space<vmem>>
    %dma_start3A_170 = arith.constant 0 : i32
    %dma_start3A_171 = arith.constant 0 : i32
    %dma_start3A_172 = tpu.memref_slice %arg11[%dma_start3A_170, %dma_start3A_171] : memref<100000x64xf32, #tpu.memory_space<hbm>> -> memref<100000x64xf32, #tpu.memory_space<hbm>>
    tpu.enqueue_indirect_dma source(%dma_start3A_172 : memref<100000x64xf32, #tpu.memory_space<hbm>>) target(%dma_start3A_166 : memref<128x64xf32, #tpu.memory_space<vmem>>) offsets(%dma_start3A_169 : memref<128xi32, #tpu.memory_space<vmem>>) semaphore(%arg22 : memref<!tpu.dma_semaphore, #tpu.memory_space<semaphore_mem>>)
    %dma_start3A_173 = arith.constant 0 : i32
    %dma_start3A_174 = arith.constant 128 : i32
    %dma_start3A_175 = arith.constant 0 : i32
    %dma_start3A_176 = tpu.memref_slice %arg17[%dma_start3A_174, %dma_start3A_175] : memref<512x64xf32, #tpu.memory_space<vmem>> -> memref<128x64xf32, #tpu.memory_space<vmem>>
    %dma_start3A_177 = arith.constant 128 : i32
    %dma_start3A_178 = tpu.memref_slice %arg16[%dma_start3A_173, %dma_start3A_177] : memref<4x512xi32, #tpu.memory_space<vmem>> -> memref<1x128xi32, #tpu.memory_space<vmem>>
    %dma_start3A_179 = tpu.memref_squeeze %dma_start3A_178 : memref<1x128xi32, #tpu.memory_space<vmem>> -> memref<128xi32, #tpu.memory_space<vmem>>
    %dma_start3A_180 = arith.constant 0 : i32
    %dma_start3A_181 = arith.constant 0 : i32
    %dma_start3A_182 = tpu.memref_slice %arg11[%dma_start3A_180, %dma_start3A_181] : memref<100000x64xf32, #tpu.memory_space<hbm>> -> memref<100000x64xf32, #tpu.memory_space<hbm>>
    tpu.enqueue_indirect_dma source(%dma_start3A_182 : memref<100000x64xf32, #tpu.memory_space<hbm>>) target(%dma_start3A_176 : memref<128x64xf32, #tpu.memory_space<vmem>>) offsets(%dma_start3A_179 : memref<128xi32, #tpu.memory_space<vmem>>) semaphore(%arg22 : memref<!tpu.dma_semaphore, #tpu.memory_space<semaphore_mem>>)
    %dma_start3A_183 = arith.constant 0 : i32
    %dma_start3A_184 = arith.constant 256 : i32
    %dma_start3A_185 = arith.constant 0 : i32
    %dma_start3A_186 = tpu.memref_slice %arg17[%dma_start3A_184, %dma_start3A_185] : memref<512x64xf32, #tpu.memory_space<vmem>> -> memref<128x64xf32, #tpu.memory_space<vmem>>
    %dma_start3A_187 = arith.constant 256 : i32
    %dma_start3A_188 = tpu.memref_slice %arg16[%dma_start3A_183, %dma_start3A_187] : memref<4x512xi32, #tpu.memory_space<vmem>> -> memref<1x128xi32, #tpu.memory_space<vmem>>
    %dma_start3A_189 = tpu.memref_squeeze %dma_start3A_188 : memref<1x128xi32, #tpu.memory_space<vmem>> -> memref<128xi32, #tpu.memory_space<vmem>>
    %dma_start3A_190 = arith.constant 0 : i32
    %dma_start3A_191 = arith.constant 0 : i32
    %dma_start3A_192 = tpu.memref_slice %arg11[%dma_start3A_190, %dma_start3A_191] : memref<100000x64xf32, #tpu.memory_space<hbm>> -> memref<100000x64xf32, #tpu.memory_space<hbm>>
    tpu.enqueue_indirect_dma source(%dma_start3A_192 : memref<100000x64xf32, #tpu.memory_space<hbm>>) target(%dma_start3A_186 : memref<128x64xf32, #tpu.memory_space<vmem>>) offsets(%dma_start3A_189 : memref<128xi32, #tpu.memory_space<vmem>>) semaphore(%arg22 : memref<!tpu.dma_semaphore, #tpu.memory_space<semaphore_mem>>)
    %dma_start3A_193 = arith.constant 0 : i32
    %dma_start3A_194 = arith.constant 384 : i32
    %dma_start3A_195 = arith.constant 0 : i32
    %dma_start3A_196 = tpu.memref_slice %arg17[%dma_start3A_194, %dma_start3A_195] : memref<512x64xf32, #tpu.memory_space<vmem>> -> memref<128x64xf32, #tpu.memory_space<vmem>>
    %dma_start3A_197 = arith.constant 384 : i32
    %dma_start3A_198 = tpu.memref_slice %arg16[%dma_start3A_193, %dma_start3A_197] : memref<4x512xi32, #tpu.memory_space<vmem>> -> memref<1x128xi32, #tpu.memory_space<vmem>>
    %dma_start3A_199 = tpu.memref_squeeze %dma_start3A_198 : memref<1x128xi32, #tpu.memory_space<vmem>> -> memref<128xi32, #tpu.memory_space<vmem>>
    %dma_start3A_200 = arith.constant 0 : i32
    %dma_start3A_201 = arith.constant 0 : i32
    %dma_start3A_202 = tpu.memref_slice %arg11[%dma_start3A_200, %dma_start3A_201] : memref<100000x64xf32, #tpu.memory_space<hbm>> -> memref<100000x64xf32, #tpu.memory_space<hbm>>
    tpu.enqueue_indirect_dma source(%dma_start3A_202 : memref<100000x64xf32, #tpu.memory_space<hbm>>) target(%dma_start3A_196 : memref<128x64xf32, #tpu.memory_space<vmem>>) offsets(%dma_start3A_199 : memref<128xi32, #tpu.memory_space<vmem>>) semaphore(%arg22 : memref<!tpu.dma_semaphore, #tpu.memory_space<semaphore_mem>>)
    %dma_start3A_203 = arith.constant 1 : i32
    %dma_start3A_204 = arith.constant 0 : i32
    %dma_start3A_205 = arith.constant 0 : i32
    %dma_start3A_206 = tpu.memref_slice %arg18[%dma_start3A_204, %dma_start3A_205] : memref<512x64xf32, #tpu.memory_space<vmem>> -> memref<128x64xf32, #tpu.memory_space<vmem>>
    %dma_start3A_207 = arith.constant 0 : i32
    %dma_start3A_208 = tpu.memref_slice %arg16[%dma_start3A_203, %dma_start3A_207] : memref<4x512xi32, #tpu.memory_space<vmem>> -> memref<1x128xi32, #tpu.memory_space<vmem>>
    %dma_start3A_209 = tpu.memref_squeeze %dma_start3A_208 : memref<1x128xi32, #tpu.memory_space<vmem>> -> memref<128xi32, #tpu.memory_space<vmem>>
    %dma_start3A_210 = arith.constant 0 : i32
    %dma_start3A_211 = arith.constant 0 : i32
    %dma_start3A_212 = tpu.memref_slice %arg12[%dma_start3A_210, %dma_start3A_211] : memref<1000x64xf32, #tpu.memory_space<hbm>> -> memref<1000x64xf32, #tpu.memory_space<hbm>>
    tpu.enqueue_indirect_dma source(%dma_start3A_212 : memref<1000x64xf32, #tpu.memory_space<hbm>>) target(%dma_start3A_206 : memref<128x64xf32, #tpu.memory_space<vmem>>) offsets(%dma_start3A_209 : memref<128xi32, #tpu.memory_space<vmem>>) semaphore(%arg22 : memref<!tpu.dma_semaphore, #tpu.memory_space<semaphore_mem>>)
    %dma_start3A_213 = arith.constant 1 : i32
    %dma_start3A_214 = arith.constant 128 : i32
    %dma_start3A_215 = arith.constant 0 : i32
    %dma_start3A_216 = tpu.memref_slice %arg18[%dma_start3A_214, %dma_start3A_215] : memref<512x64xf32, #tpu.memory_space<vmem>> -> memref<128x64xf32, #tpu.memory_space<vmem>>
    %dma_start3A_217 = arith.constant 128 : i32
    %dma_start3A_218 = tpu.memref_slice %arg16[%dma_start3A_213, %dma_start3A_217] : memref<4x512xi32, #tpu.memory_space<vmem>> -> memref<1x128xi32, #tpu.memory_space<vmem>>
    %dma_start3A_219 = tpu.memref_squeeze %dma_start3A_218 : memref<1x128xi32, #tpu.memory_space<vmem>> -> memref<128xi32, #tpu.memory_space<vmem>>
    %dma_start3A_220 = arith.constant 0 : i32
    %dma_start3A_221 = arith.constant 0 : i32
    %dma_start3A_222 = tpu.memref_slice %arg12[%dma_start3A_220, %dma_start3A_221] : memref<1000x64xf32, #tpu.memory_space<hbm>> -> memref<1000x64xf32, #tpu.memory_space<hbm>>
    tpu.enqueue_indirect_dma source(%dma_start3A_222 : memref<1000x64xf32, #tpu.memory_space<hbm>>) target(%dma_start3A_216 : memref<128x64xf32, #tpu.memory_space<vmem>>) offsets(%dma_start3A_219 : memref<128xi32, #tpu.memory_space<vmem>>) semaphore(%arg22 : memref<!tpu.dma_semaphore, #tpu.memory_space<semaphore_mem>>)
    %dma_start3A_223 = arith.constant 1 : i32
    %dma_start3A_224 = arith.constant 256 : i32
    %dma_start3A_225 = arith.constant 0 : i32
    %dma_start3A_226 = tpu.memref_slice %arg18[%dma_start3A_224, %dma_start3A_225] : memref<512x64xf32, #tpu.memory_space<vmem>> -> memref<128x64xf32, #tpu.memory_space<vmem>>
    %dma_start3A_227 = arith.constant 256 : i32
    %dma_start3A_228 = tpu.memref_slice %arg16[%dma_start3A_223, %dma_start3A_227] : memref<4x512xi32, #tpu.memory_space<vmem>> -> memref<1x128xi32, #tpu.memory_space<vmem>>
    %dma_start3A_229 = tpu.memref_squeeze %dma_start3A_228 : memref<1x128xi32, #tpu.memory_space<vmem>> -> memref<128xi32, #tpu.memory_space<vmem>>
    %dma_start3A_230 = arith.constant 0 : i32
    %dma_start3A_231 = arith.constant 0 : i32
    %dma_start3A_232 = tpu.memref_slice %arg12[%dma_start3A_230, %dma_start3A_231] : memref<1000x64xf32, #tpu.memory_space<hbm>> -> memref<1000x64xf32, #tpu.memory_space<hbm>>
    tpu.enqueue_indirect_dma source(%dma_start3A_232 : memref<1000x64xf32, #tpu.memory_space<hbm>>) target(%dma_start3A_226 : memref<128x64xf32, #tpu.memory_space<vmem>>) offsets(%dma_start3A_229 : memref<128xi32, #tpu.memory_space<vmem>>) semaphore(%arg22 : memref<!tpu.dma_semaphore, #tpu.memory_space<semaphore_mem>>)
    %dma_start3A_233 = arith.constant 1 : i32
    %dma_start3A_234 = arith.constant 384 : i32
    %dma_start3A_235 = arith.constant 0 : i32
    %dma_start3A_236 = tpu.memref_slice %arg18[%dma_start3A_234, %dma_start3A_235] : memref<512x64xf32, #tpu.memory_space<vmem>> -> memref<128x64xf32, #tpu.memory_space<vmem>>
    %dma_start3A_237 = arith.constant 384 : i32
    %dma_start3A_238 = tpu.memref_slice %arg16[%dma_start3A_233, %dma_start3A_237] : memref<4x512xi32, #tpu.memory_space<vmem>> -> memref<1x128xi32, #tpu.memory_space<vmem>>
    %dma_start3A_239 = tpu.memref_squeeze %dma_start3A_238 : memref<1x128xi32, #tpu.memory_space<vmem>> -> memref<128xi32, #tpu.memory_space<vmem>>
    %dma_start3A_240 = arith.constant 0 : i32
    %dma_start3A_241 = arith.constant 0 : i32
    %dma_start3A_242 = tpu.memref_slice %arg12[%dma_start3A_240, %dma_start3A_241] : memref<1000x64xf32, #tpu.memory_space<hbm>> -> memref<1000x64xf32, #tpu.memory_space<hbm>>
    tpu.enqueue_indirect_dma source(%dma_start3A_242 : memref<1000x64xf32, #tpu.memory_space<hbm>>) target(%dma_start3A_236 : memref<128x64xf32, #tpu.memory_space<vmem>>) offsets(%dma_start3A_239 : memref<128xi32, #tpu.memory_space<vmem>>) semaphore(%arg22 : memref<!tpu.dma_semaphore, #tpu.memory_space<semaphore_mem>>)
    %broadcast_in_dim3A = arith.constant 0 : i32
    %broadcast_in_dim3A_243 = vector.broadcast %broadcast_in_dim3A : i32 to vector<16xi32>
    %get3A = arith.constant 0 : i32
    %get3A_244 = arith.index_cast %get3A : i32 to index
    %get3A_245 = arith.constant 0 : index
    %get3A_246 = tpu.vector_load %arg19[%get3A_244, %get3A_245] {strides = array<i32>} : memref<5x512xf32, #tpu.memory_space<vmem>>, vector<16xf32>,
    %iota3A = tpu.iota {dimensions = array<i32: 0>} : vector<16xi32>
    %add3A_247 = arith.constant 0 : i32
    %add3A_248 = vector.broadcast %add3A_247 : i32 to vector<16xi32>
    %add3A_249 = arith.addi %iota3A, %add3A_248 : vector<16xi32>
    tpu.vector_store_idx %arg20[%add3A_249, %broadcast_in_dim3A_243], %get3A_246 : memref<512x5xf32, #tpu.memory_space<vmem>>[vector<16xi32>, vector<16xi32>], vector<16xf32>,
    %get3A_250 = arith.constant 0 : i32
    %get3A_251 = arith.index_cast %get3A_250 : i32 to index
    %get3A_252 = arith.constant 16 : index
    %get3A_253 = tpu.vector_load %arg19[%get3A_251, %get3A_252] {strides = array<i32>} : memref<5x512xf32, #tpu.memory_space<vmem>>, vector<16xf32>,
    %iota3A_254 = tpu.iota {dimensions = array<i32: 0>} : vector<16xi32>
    %add3A_255 = arith.constant 16 : i32
    %add3A_256 = vector.broadcast %add3A_255 : i32 to vector<16xi32>
    %add3A_257 = arith.addi %iota3A_254, %add3A_256 : vector<16xi32>
    tpu.vector_store_idx %arg20[%add3A_257, %broadcast_in_dim3A_243], %get3A_253 : memref<512x5xf32, #tpu.memory_space<vmem>>[vector<16xi32>, vector<16xi32>], vector<16xf32>,
    %get3A_258 = arith.constant 0 : i32
    %get3A_259 = arith.index_cast %get3A_258 : i32 to index
    %get3A_260 = arith.constant 32 : index
    %get3A_261 = tpu.vector_load %arg19[%get3A_259, %get3A_260] {strides = array<i32>} : memref<5x512xf32, #tpu.memory_space<vmem>>, vector<16xf32>,
    %iota3A_262 = tpu.iota {dimensions = array<i32: 0>} : vector<16xi32>
    %add3A_263 = arith.constant 32 : i32
    %add3A_264 = vector.broadcast %add3A_263 : i32 to vector<16xi32>
    %add3A_265 = arith.addi %iota3A_262, %add3A_264 : vector<16xi32>
    tpu.vector_store_idx %arg20[%add3A_265, %broadcast_in_dim3A_243], %get3A_261 : memref<512x5xf32, #tpu.memory_space<vmem>>[vector<16xi32>, vector<16xi32>], vector<16xf32>,
    %get3A_266 = arith.constant 0 : i32
    %get3A_267 = arith.index_cast %get3A_266 : i32 to index
    %get3A_268 = arith.constant 48 : index
    %get3A_269 = tpu.vector_load %arg19[%get3A_267, %get3A_268] {strides = array<i32>} : memref<5x512xf32, #tpu.memory_space<vmem>>, vector<16xf32>,
    %iota3A_270 = tpu.iota {dimensions = array<i32: 0>} : vector<16xi32>
    %add3A_271 = arith.constant 48 : i32
    %add3A_272 = vector.broadcast %add3A_271 : i32 to vector<16xi32>
    %add3A_273 = arith.addi %iota3A_270, %add3A_272 : vector<16xi32>
    tpu.vector_store_idx %arg20[%add3A_273, %broadcast_in_dim3A_243], %get3A_269 : memref<512x5xf32, #tpu.memory_space<vmem>>[vector<16xi32>, vector<16xi32>], vector<16xf32>,
    %get3A_274 = arith.constant 0 : i32
    %get3A_275 = arith.index_cast %get3A_274 : i32 to index
    %get3A_276 = arith.constant 64 : index
    %get3A_277 = tpu.vector_load %arg19[%get3A_275, %get3A_276] {strides = array<i32>} : memref<5x512xf32, #tpu.memory_space<vmem>>, vector<16xf32>,
    %iota3A_278 = tpu.iota {dimensions = array<i32: 0>} : vector<16xi32>
    %add3A_279 = arith.constant 64 : i32
    %add3A_280 = vector.broadcast %add3A_279 : i32 to vector<16xi32>
    %add3A_281 = arith.addi %iota3A_278, %add3A_280 : vector<16xi32>
    tpu.vector_store_idx %arg20[%add3A_281, %broadcast_in_dim3A_243], %get3A_277 : memref<512x5xf32, #tpu.memory_space<vmem>>[vector<16xi32>, vector<16xi32>], vector<16xf32>,
    %get3A_282 = arith.constant 0 : i32
    %get3A_283 = arith.index_cast %get3A_282 : i32 to index
    %get3A_284 = arith.constant 80 : index
    %get3A_285 = tpu.vector_load %arg19[%get3A_283, %get3A_284] {strides = array<i32>} : memref<5x512xf32, #tpu.memory_space<vmem>>, vector<16xf32>,
    %iota3A_286 = tpu.iota {dimensions = array<i32: 0>} : vector<16xi32>
    %add3A_287 = arith.constant 80 : i32
    %add3A_288 = vector.broadcast %add3A_287 : i32 to vector<16xi32>
    %add3A_289 = arith.addi %iota3A_286, %add3A_288 : vector<16xi32>
    tpu.vector_store_idx %arg20[%add3A_289, %broadcast_in_dim3A_243], %get3A_285 : memref<512x5xf32, #tpu.memory_space<vmem>>[vector<16xi32>, vector<16xi32>], vector<16xf32>,
    %get3A_290 = arith.constant 0 : i32
    %get3A_291 = arith.index_cast %get3A_290 : i32 to index
    %get3A_292 = arith.constant 96 : index
    %get3A_293 = tpu.vector_load %arg19[%get3A_291, %get3A_292] {strides = array<i32>} : memref<5x512xf32, #tpu.memory_space<vmem>>, vector<16xf32>,
    %iota3A_294 = tpu.iota {dimensions = array<i32: 0>} : vector<16xi32>
    %add3A_295 = arith.constant 96 : i32
    %add3A_296 = vector.broadcast %add3A_295 : i32 to vector<16xi32>
    %add3A_297 = arith.addi %iota3A_294, %add3A_296 : vector<16xi32>
    tpu.vector_store_idx %arg20[%add3A_297, %broadcast_in_dim3A_243], %get3A_293 : memref<512x5xf32, #tpu.memory_space<vmem>>[vector<16xi32>, vector<16xi32>], vector<16xf32>,
    %get3A_298 = arith.constant 0 : i32
    %get3A_299 = arith.index_cast %get3A_298 : i32 to index
    %get3A_300 = arith.constant 112 : index
    %get3A_301 = tpu.vector_load %arg19[%get3A_299, %get3A_300] {strides = array<i32>} : memref<5x512xf32, #tpu.memory_space<vmem>>, vector<16xf32>,
    %iota3A_302 = tpu.iota {dimensions = array<i32: 0>} : vector<16xi32>
    %add3A_303 = arith.constant 112 : i32
    %add3A_304 = vector.broadcast %add3A_303 : i32 to vector<16xi32>
    %add3A_305 = arith.addi %iota3A_302, %add3A_304 : vector<16xi32>
    tpu.vector_store_idx %arg20[%add3A_305, %broadcast_in_dim3A_243], %get3A_301 : memref<512x5xf32, #tpu.memory_space<vmem>>[vector<16xi32>, vector<16xi32>], vector<16xf32>,
    %get3A_306 = arith.constant 0 : i32
    %get3A_307 = arith.index_cast %get3A_306 : i32 to index
    %get3A_308 = arith.constant 128 : index
    %get3A_309 = tpu.vector_load %arg19[%get3A_307, %get3A_308] {strides = array<i32>} : memref<5x512xf32, #tpu.memory_space<vmem>>, vector<16xf32>,
    %iota3A_310 = tpu.iota {dimensions = array<i32: 0>} : vector<16xi32>
    %add3A_311 = arith.constant 128 : i32
    %add3A_312 = vector.broadcast %add3A_311 : i32 to vector<16xi32>
    %add3A_313 = arith.addi %iota3A_310, %add3A_312 : vector<16xi32>
    tpu.vector_store_idx %arg20[%add3A_313, %broadcast_in_dim3A_243], %get3A_309 : memref<512x5xf32, #tpu.memory_space<vmem>>[vector<16xi32>, vector<16xi32>], vector<16xf32>,
    %get3A_314 = arith.constant 0 : i32
    %get3A_315 = arith.index_cast %get3A_314 : i32 to index
    %get3A_316 = arith.constant 144 : index
    %get3A_317 = tpu.vector_load %arg19[%get3A_315, %get3A_316] {strides = array<i32>} : memref<5x512xf32, #tpu.memory_space<vmem>>, vector<16xf32>,
    %iota3A_318 = tpu.iota {dimensions = array<i32: 0>} : vector<16xi32>
    %add3A_319 = arith.constant 144 : i32
    %add3A_320 = vector.broadcast %add3A_319 : i32 to vector<16xi32>
    %add3A_321 = arith.addi %iota3A_318, %add3A_320 : vector<16xi32>
    tpu.vector_store_idx %arg20[%add3A_321, %broadcast_in_dim3A_243], %get3A_317 : memref<512x5xf32, #tpu.memory_space<vmem>>[vector<16xi32>, vector<16xi32>], vector<16xf32>,
    %get3A_322 = arith.constant 0 : i32
    %get3A_323 = arith.index_cast %get3A_322 : i32 to index
    %get3A_324 = arith.constant 160 : index
    %get3A_325 = tpu.vector_load %arg19[%get3A_323, %get3A_324] {strides = array<i32>} : memref<5x512xf32, #tpu.memory_space<vmem>>, vector<16xf32>,
    %iota3A_326 = tpu.iota {dimensions = array<i32: 0>} : vector<16xi32>
    %add3A_327 = arith.constant 160 : i32
    %add3A_328 = vector.broadcast %add3A_327 : i32 to vector<16xi32>
    %add3A_329 = arith.addi %iota3A_326, %add3A_328 : vector<16xi32>
    tpu.vector_store_idx %arg20[%add3A_329, %broadcast_in_dim3A_243], %get3A_325 : memref<512x5xf32, #tpu.memory_space<vmem>>[vector<16xi32>, vector<16xi32>], vector<16xf32>,
    %get3A_330 = arith.constant 0 : i32
    %get3A_331 = arith.index_cast %get3A_330 : i32 to index
    %get3A_332 = arith.constant 176 : index
    %get3A_333 = tpu.vector_load %arg19[%get3A_331, %get3A_332] {strides = array<i32>} : memref<5x512xf32, #tpu.memory_space<vmem>>, vector<16xf32>,
    %iota3A_334 = tpu.iota {dimensions = array<i32: 0>} : vector<16xi32>
    %add3A_335 = arith.constant 176 : i32
    %add3A_336 = vector.broadcast %add3A_335 : i32 to vector<16xi32>
    %add3A_337 = arith.addi %iota3A_334, %add3A_336 : vector<16xi32>
    tpu.vector_store_idx %arg20[%add3A_337, %broadcast_in_dim3A_243], %get3A_333 : memref<512x5xf32, #tpu.memory_space<vmem>>[vector<16xi32>, vector<16xi32>], vector<16xf32>,
    %get3A_338 = arith.constant 0 : i32
    %get3A_339 = arith.index_cast %get3A_338 : i32 to index
    %get3A_340 = arith.constant 192 : index
    %get3A_341 = tpu.vector_load %arg19[%get3A_339, %get3A_340] {strides = array<i32>} : memref<5x512xf32, #tpu.memory_space<vmem>>, vector<16xf32>,
    %iota3A_342 = tpu.iota {dimensions = array<i32: 0>} : vector<16xi32>
    %add3A_343 = arith.constant 192 : i32
    %add3A_344 = vector.broadcast %add3A_343 : i32 to vector<16xi32>
    %add3A_345 = arith.addi %iota3A_342, %add3A_344 : vector<16xi32>
    tpu.vector_store_idx %arg20[%add3A_345, %broadcast_in_dim3A_243], %get3A_341 : memref<512x5xf32, #tpu.memory_space<vmem>>[vector<16xi32>, vector<16xi32>], vector<16xf32>,
    %get3A_346 = arith.constant 0 : i32
    %get3A_347 = arith.index_cast %get3A_346 : i32 to index
    %get3A_348 = arith.constant 208 : index
    %get3A_349 = tpu.vector_load %arg19[%get3A_347, %get3A_348] {strides = array<i32>} : memref<5x512xf32, #tpu.memory_space<vmem>>, vector<16xf32>,
    %iota3A_350 = tpu.iota {dimensions = array<i32: 0>} : vector<16xi32>
    %add3A_351 = arith.constant 208 : i32
    %add3A_352 = vector.broadcast %add3A_351 : i32 to vector<16xi32>
    %add3A_353 = arith.addi %iota3A_350, %add3A_352 : vector<16xi32>
    tpu.vector_store_idx %arg20[%add3A_353, %broadcast_in_dim3A_243], %get3A_349 : memref<512x5xf32, #tpu.memory_space<vmem>>[vector<16xi32>, vector<16xi32>], vector<16xf32>,
    %get3A_354 = arith.constant 0 : i32
    %get3A_355 = arith.index_cast %get3A_354 : i32 to index
    %get3A_356 = arith.constant 224 : index
    %get3A_357 = tpu.vector_load %arg19[%get3A_355, %get3A_356] {strides = array<i32>} : memref<5x512xf32, #tpu.memory_space<vmem>>, vector<16xf32>,
    %iota3A_358 = tpu.iota {dimensions = array<i32: 0>} : vector<16xi32>
    %add3A_359 = arith.constant 224 : i32
    %add3A_360 = vector.broadcast %add3A_359 : i32 to vector<16xi32>
    %add3A_361 = arith.addi %iota3A_358, %add3A_360 : vector<16xi32>
    tpu.vector_store_idx %arg20[%add3A_361, %broadcast_in_dim3A_243], %get3A_357 : memref<512x5xf32, #tpu.memory_space<vmem>>[vector<16xi32>, vector<16xi32>], vector<16xf32>,
    %get3A_362 = arith.constant 0 : i32
    %get3A_363 = arith.index_cast %get3A_362 : i32 to index
    %get3A_364 = arith.constant 240 : index
    %get3A_365 = tpu.vector_load %arg19[%get3A_363, %get3A_364] {strides = array<i32>} : memref<5x512xf32, #tpu.memory_space<vmem>>, vector<16xf32>,
    %iota3A_366 = tpu.iota {dimensions = array<i32: 0>} : vector<16xi32>
    %add3A_367 = arith.constant 240 : i32
    %add3A_368 = vector.broadcast %add3A_367 : i32 to vector<16xi32>
    %add3A_369 = arith.addi %iota3A_366, %add3A_368 : vector<16xi32>
    tpu.vector_store_idx %arg20[%add3A_369, %broadcast_in_dim3A_243], %get3A_365 : memref<512x5xf32, #tpu.memory_space<vmem>>[vector<16xi32>, vector<16xi32>], vector<16xf32>,
    %get3A_370 = arith.constant 0 : i32
    %get3A_371 = arith.index_cast %get3A_370 : i32 to index
    %get3A_372 = arith.constant 256 : index
    %get3A_373 = tpu.vector_load %arg19[%get3A_371, %get3A_372] {strides = array<i32>} : memref<5x512xf32, #tpu.memory_space<vmem>>, vector<16xf32>,
    %iota3A_374 = tpu.iota {dimensions = array<i32: 0>} : vector<16xi32>
    %add3A_375 = arith.constant 256 : i32
    %add3A_376 = vector.broadcast %add3A_375 : i32 to vector<16xi32>
    %add3A_377 = arith.addi %iota3A_374, %add3A_376 : vector<16xi32>
    tpu.vector_store_idx %arg20[%add3A_377, %broadcast_in_dim3A_243], %get3A_373 : memref<512x5xf32, #tpu.memory_space<vmem>>[vector<16xi32>, vector<16xi32>], vector<16xf32>,
    %get3A_378 = arith.constant 0 : i32
    %get3A_379 = arith.index_cast %get3A_378 : i32 to index
    %get3A_380 = arith.constant 272 : index
    %get3A_381 = tpu.vector_load %arg19[%get3A_379, %get3A_380] {strides = array<i32>} : memref<5x512xf32, #tpu.memory_space<vmem>>, vector<16xf32>,
    %iota3A_382 = tpu.iota {dimensions = array<i32: 0>} : vector<16xi32>
    %add3A_383 = arith.constant 272 : i32
    %add3A_384 = vector.broadcast %add3A_383 : i32 to vector<16xi32>
    %add3A_385 = arith.addi %iota3A_382, %add3A_384 : vector<16xi32>
    tpu.vector_store_idx %arg20[%add3A_385, %broadcast_in_dim3A_243], %get3A_381 : memref<512x5xf32, #tpu.memory_space<vmem>>[vector<16xi32>, vector<16xi32>], vector<16xf32>,
    %get3A_386 = arith.constant 0 : i32
    %get3A_387 = arith.index_cast %get3A_386 : i32 to index
    %get3A_388 = arith.constant 288 : index
    %get3A_389 = tpu.vector_load %arg19[%get3A_387, %get3A_388] {strides = array<i32>} : memref<5x512xf32, #tpu.memory_space<vmem>>, vector<16xf32>,
    %iota3A_390 = tpu.iota {dimensions = array<i32: 0>} : vector<16xi32>
    %add3A_391 = arith.constant 288 : i32
    %add3A_392 = vector.broadcast %add3A_391 : i32 to vector<16xi32>
    %add3A_393 = arith.addi %iota3A_390, %add3A_392 : vector<16xi32>
    tpu.vector_store_idx %arg20[%add3A_393, %broadcast_in_dim3A_243], %get3A_389 : memref<512x5xf32, #tpu.memory_space<vmem>>[vector<16xi32>, vector<16xi32>], vector<16xf32>,
    %get3A_394 = arith.constant 0 : i32
    %get3A_395 = arith.index_cast %get3A_394 : i32 to index
    %get3A_396 = arith.constant 304 : index
    %get3A_397 = tpu.vector_load %arg19[%get3A_395, %get3A_396] {strides = array<i32>} : memref<5x512xf32, #tpu.memory_space<vmem>>, vector<16xf32>,
    %iota3A_398 = tpu.iota {dimensions = array<i32: 0>} : vector<16xi32>
    %add3A_399 = arith.constant 304 : i32
    %add3A_400 = vector.broadcast %add3A_399 : i32 to vector<16xi32>
    %add3A_401 = arith.addi %iota3A_398, %add3A_400 : vector<16xi32>
    tpu.vector_store_idx %arg20[%add3A_401, %broadcast_in_dim3A_243], %get3A_397 : memref<512x5xf32, #tpu.memory_space<vmem>>[vector<16xi32>, vector<16xi32>], vector<16xf32>,
    %get3A_402 = arith.constant 0 : i32
    %get3A_403 = arith.index_cast %get3A_402 : i32 to index
    %get3A_404 = arith.constant 320 : index
    %get3A_405 = tpu.vector_load %arg19[%get3A_403, %get3A_404] {strides = array<i32>} : memref<5x512xf32, #tpu.memory_space<vmem>>, vector<16xf32>,
    %iota3A_406 = tpu.iota {dimensions = array<i32: 0>} : vector<16xi32>
    %add3A_407 = arith.constant 320 : i32
    %add3A_408 = vector.broadcast %add3A_407 : i32 to vector<16xi32>
    %add3A_409 = arith.addi %iota3A_406, %add3A_408 : vector<16xi32>
    tpu.vector_store_idx %arg20[%add3A_409, %broadcast_in_dim3A_243], %get3A_405 : memref<512x5xf32, #tpu.memory_space<vmem>>[vector<16xi32>, vector<16xi32>], vector<16xf32>,
    %get3A_410 = arith.constant 0 : i32
    %get3A_411 = arith.index_cast %get3A_410 : i32 to index
    %get3A_412 = arith.constant 336 : index
    %get3A_413 = tpu.vector_load %arg19[%get3A_411, %get3A_412] {strides = array<i32>} : memref<5x512xf32, #tpu.memory_space<vmem>>, vector<16xf32>,
    %iota3A_414 = tpu.iota {dimensions = array<i32: 0>} : vector<16xi32>
    %add3A_415 = arith.constant 336 : i32
    %add3A_416 = vector.broadcast %add3A_415 : i32 to vector<16xi32>
    %add3A_417 = arith.addi %iota3A_414, %add3A_416 : vector<16xi32>
    tpu.vector_store_idx %arg20[%add3A_417, %broadcast_in_dim3A_243], %get3A_413 : memref<512x5xf32, #tpu.memory_space<vmem>>[vector<16xi32>, vector<16xi32>], vector<16xf32>,
    %get3A_418 = arith.constant 0 : i32
    %get3A_419 = arith.index_cast %get3A_418 : i32 to index
    %get3A_420 = arith.constant 352 : index
    %get3A_421 = tpu.vector_load %arg19[%get3A_419, %get3A_420] {strides = array<i32>} : memref<5x512xf32, #tpu.memory_space<vmem>>, vector<16xf32>,
    %iota3A_422 = tpu.iota {dimensions = array<i32: 0>} : vector<16xi32>
    %add3A_423 = arith.constant 352 : i32
    %add3A_424 = vector.broadcast %add3A_423 : i32 to vector<16xi32>
    %add3A_425 = arith.addi %iota3A_422, %add3A_424 : vector<16xi32>
    tpu.vector_store_idx %arg20[%add3A_425, %broadcast_in_dim3A_243], %get3A_421 : memref<512x5xf32, #tpu.memory_space<vmem>>[vector<16xi32>, vector<16xi32>], vector<16xf32>,
    %get3A_426 = arith.constant 0 : i32
    %get3A_427 = arith.index_cast %get3A_426 : i32 to index
    %get3A_428 = arith.constant 368 : index
    %get3A_429 = tpu.vector_load %arg19[%get3A_427, %get3A_428] {strides = array<i32>} : memref<5x512xf32, #tpu.memory_space<vmem>>, vector<16xf32>,
    %iota3A_430 = tpu.iota {dimensions = array<i32: 0>} : vector<16xi32>
    %add3A_431 = arith.constant 368 : i32
    %add3A_432 = vector.broadcast %add3A_431 : i32 to vector<16xi32>
    %add3A_433 = arith.addi %iota3A_430, %add3A_432 : vector<16xi32>
    tpu.vector_store_idx %arg20[%add3A_433, %broadcast_in_dim3A_243], %get3A_429 : memref<512x5xf32, #tpu.memory_space<vmem>>[vector<16xi32>, vector<16xi32>], vector<16xf32>,
    %get3A_434 = arith.constant 0 : i32
    %get3A_435 = arith.index_cast %get3A_434 : i32 to index
    %get3A_436 = arith.constant 384 : index
    %get3A_437 = tpu.vector_load %arg19[%get3A_435, %get3A_436] {strides = array<i32>} : memref<5x512xf32, #tpu.memory_space<vmem>>, vector<16xf32>,
    %iota3A_438 = tpu.iota {dimensions = array<i32: 0>} : vector<16xi32>
    %add3A_439 = arith.constant 384 : i32
    %add3A_440 = vector.broadcast %add3A_439 : i32 to vector<16xi32>
    %add3A_441 = arith.addi %iota3A_438, %add3A_440 : vector<16xi32>
    tpu.vector_store_idx %arg20[%add3A_441, %broadcast_in_dim3A_243], %get3A_437 : memref<512x5xf32, #tpu.memory_space<vmem>>[vector<16xi32>, vector<16xi32>], vector<16xf32>,
    %get3A_442 = arith.constant 0 : i32
    %get3A_443 = arith.index_cast %get3A_442 : i32 to index
    %get3A_444 = arith.constant 400 : index
    %get3A_445 = tpu.vector_load %arg19[%get3A_443, %get3A_444] {strides = array<i32>} : memref<5x512xf32, #tpu.memory_space<vmem>>, vector<16xf32>,
    %iota3A_446 = tpu.iota {dimensions = array<i32: 0>} : vector<16xi32>
    %add3A_447 = arith.constant 400 : i32
    %add3A_448 = vector.broadcast %add3A_447 : i32 to vector<16xi32>
    %add3A_449 = arith.addi %iota3A_446, %add3A_448 : vector<16xi32>
    tpu.vector_store_idx %arg20[%add3A_449, %broadcast_in_dim3A_243], %get3A_445 : memref<512x5xf32, #tpu.memory_space<vmem>>[vector<16xi32>, vector<16xi32>], vector<16xf32>,
    %get3A_450 = arith.constant 0 : i32
    %get3A_451 = arith.index_cast %get3A_450 : i32 to index
    %get3A_452 = arith.constant 416 : index
    %get3A_453 = tpu.vector_load %arg19[%get3A_451, %get3A_452] {strides = array<i32>} : memref<5x512xf32, #tpu.memory_space<vmem>>, vector<16xf32>,
    %iota3A_454 = tpu.iota {dimensions = array<i32: 0>} : vector<16xi32>
    %add3A_455 = arith.constant 416 : i32
    %add3A_456 = vector.broadcast %add3A_455 : i32 to vector<16xi32>
    %add3A_457 = arith.addi %iota3A_454, %add3A_456 : vector<16xi32>
    tpu.vector_store_idx %arg20[%add3A_457, %broadcast_in_dim3A_243], %get3A_453 : memref<512x5xf32, #tpu.memory_space<vmem>>[vector<16xi32>, vector<16xi32>], vector<16xf32>,
    %get3A_458 = arith.constant 0 : i32
    %get3A_459 = arith.index_cast %get3A_458 : i32 to index
    %get3A_460 = arith.constant 432 : index
    %get3A_461 = tpu.vector_load %arg19[%get3A_459, %get3A_460] {strides = array<i32>} : memref<5x512xf32, #tpu.memory_space<vmem>>, vector<16xf32>,
    %iota3A_462 = tpu.iota {dimensions = array<i32: 0>} : vector<16xi32>
    %add3A_463 = arith.constant 432 : i32
    %add3A_464 = vector.broadcast %add3A_463 : i32 to vector<16xi32>
    %add3A_465 = arith.addi %iota3A_462, %add3A_464 : vector<16xi32>
    tpu.vector_store_idx %arg20[%add3A_465, %broadcast_in_dim3A_243], %get3A_461 : memref<512x5xf32, #tpu.memory_space<vmem>>[vector<16xi32>, vector<16xi32>], vector<16xf32>,
    %get3A_466 = arith.constant 0 : i32
    %get3A_467 = arith.index_cast %get3A_466 : i32 to index
    %get3A_468 = arith.constant 448 : index
    %get3A_469 = tpu.vector_load %arg19[%get3A_467, %get3A_468] {strides = array<i32>} : memref<5x512xf32, #tpu.memory_space<vmem>>, vector<16xf32>,
    %iota3A_470 = tpu.iota {dimensions = array<i32: 0>} : vector<16xi32>
    %add3A_471 = arith.constant 448 : i32
    %add3A_472 = vector.broadcast %add3A_471 : i32 to vector<16xi32>
    %add3A_473 = arith.addi %iota3A_470, %add3A_472 : vector<16xi32>
    tpu.vector_store_idx %arg20[%add3A_473, %broadcast_in_dim3A_243], %get3A_469 : memref<512x5xf32, #tpu.memory_space<vmem>>[vector<16xi32>, vector<16xi32>], vector<16xf32>,
    %get3A_474 = arith.constant 0 : i32
    %get3A_475 = arith.index_cast %get3A_474 : i32 to index
    %get3A_476 = arith.constant 464 : index
    %get3A_477 = tpu.vector_load %arg19[%get3A_475, %get3A_476] {strides = array<i32>} : memref<5x512xf32, #tpu.memory_space<vmem>>, vector<16xf32>,
    %iota3A_478 = tpu.iota {dimensions = array<i32: 0>} : vector<16xi32>
    %add3A_479 = arith.constant 464 : i32
    %add3A_480 = vector.broadcast %add3A_479 : i32 to vector<16xi32>
    %add3A_481 = arith.addi %iota3A_478, %add3A_480 : vector<16xi32>
    tpu.vector_store_idx %arg20[%add3A_481, %broadcast_in_dim3A_243], %get3A_477 : memref<512x5xf32, #tpu.memory_space<vmem>>[vector<16xi32>, vector<16xi32>], vector<16xf32>,
    %get3A_482 = arith.constant 0 : i32
    %get3A_483 = arith.index_cast %get3A_482 : i32 to index
    %get3A_484 = arith.constant 480 : index
    %get3A_485 = tpu.vector_load %arg19[%get3A_483, %get3A_484] {strides = array<i32>} : memref<5x512xf32, #tpu.memory_space<vmem>>, vector<16xf32>,
    %iota3A_486 = tpu.iota {dimensions = array<i32: 0>} : vector<16xi32>
    %add3A_487 = arith.constant 480 : i32
    %add3A_488 = vector.broadcast %add3A_487 : i32 to vector<16xi32>
    %add3A_489 = arith.addi %iota3A_486, %add3A_488 : vector<16xi32>
    tpu.vector_store_idx %arg20[%add3A_489, %broadcast_in_dim3A_243], %get3A_485 : memref<512x5xf32, #tpu.memory_space<vmem>>[vector<16xi32>, vector<16xi32>], vector<16xf32>,
    %get3A_490 = arith.constant 0 : i32
    %get3A_491 = arith.index_cast %get3A_490 : i32 to index
    %get3A_492 = arith.constant 496 : index
    %get3A_493 = tpu.vector_load %arg19[%get3A_491, %get3A_492] {strides = array<i32>} : memref<5x512xf32, #tpu.memory_space<vmem>>, vector<16xf32>,
    %iota3A_494 = tpu.iota {dimensions = array<i32: 0>} : vector<16xi32>
    %add3A_495 = arith.constant 496 : i32
    %add3A_496 = vector.broadcast %add3A_495 : i32 to vector<16xi32>
    %add3A_497 = arith.addi %iota3A_494, %add3A_496 : vector<16xi32>
    tpu.vector_store_idx %arg20[%add3A_497, %broadcast_in_dim3A_243], %get3A_493 : memref<512x5xf32, #tpu.memory_space<vmem>>[vector<16xi32>, vector<16xi32>], vector<16xf32>,
    %broadcast_in_dim3A_498 = arith.constant 1 : i32
    %broadcast_in_dim3A_499 = vector.broadcast %broadcast_in_dim3A_498 : i32 to vector<16xi32>
    %get3A_500 = arith.constant 1 : i32
    %get3A_501 = arith.index_cast %get3A_500 : i32 to index
    %get3A_502 = arith.constant 0 : index
    %get3A_503 = tpu.vector_load %arg19[%get3A_501, %get3A_502] {strides = array<i32>} : memref<5x512xf32, #tpu.memory_space<vmem>>, vector<16xf32>,
    %iota3A_504 = tpu.iota {dimensions = array<i32: 0>} : vector<16xi32>
    %add3A_505 = arith.constant 0 : i32
    %add3A_506 = vector.broadcast %add3A_505 : i32 to vector<16xi32>
    %add3A_507 = arith.addi %iota3A_504, %add3A_506 : vector<16xi32>
    tpu.vector_store_idx %arg20[%add3A_507, %broadcast_in_dim3A_499], %get3A_503 : memref<512x5xf32, #tpu.memory_space<vmem>>[vector<16xi32>, vector<16xi32>], vector<16xf32>,
    %get3A_508 = arith.constant 1 : i32
    %get3A_509 = arith.index_cast %get3A_508 : i32 to index
    %get3A_510 = arith.constant 16 : index
    %get3A_511 = tpu.vector_load %arg19[%get3A_509, %get3A_510] {strides = array<i32>} : memref<5x512xf32, #tpu.memory_space<vmem>>, vector<16xf32>,
    %iota3A_512 = tpu.iota {dimensions = array<i32: 0>} : vector<16xi32>
    %add3A_513 = arith.constant 16 : i32
    %add3A_514 = vector.broadcast %add3A_513 : i32 to vector<16xi32>
    %add3A_515 = arith.addi %iota3A_512, %add3A_514 : vector<16xi32>
    tpu.vector_store_idx %arg20[%add3A_515, %broadcast_in_dim3A_499], %get3A_511 : memref<512x5xf32, #tpu.memory_space<vmem>>[vector<16xi32>, vector<16xi32>], vector<16xf32>,
    %get3A_516 = arith.constant 1 : i32
    %get3A_517 = arith.index_cast %get3A_516 : i32 to index
    %get3A_518 = arith.constant 32 : index
    %get3A_519 = tpu.vector_load %arg19[%get3A_517, %get3A_518] {strides = array<i32>} : memref<5x512xf32, #tpu.memory_space<vmem>>, vector<16xf32>,
    %iota3A_520 = tpu.iota {dimensions = array<i32: 0>} : vector<16xi32>
    %add3A_521 = arith.constant 32 : i32
    %add3A_522 = vector.broadcast %add3A_521 : i32 to vector<16xi32>
    %add3A_523 = arith.addi %iota3A_520, %add3A_522 : vector<16xi32>
    tpu.vector_store_idx %arg20[%add3A_523, %broadcast_in_dim3A_499], %get3A_519 : memref<512x5xf32, #tpu.memory_space<vmem>>[vector<16xi32>, vector<16xi32>], vector<16xf32>,
    %get3A_524 = arith.constant 1 : i32
    %get3A_525 = arith.index_cast %get3A_524 : i32 to index
    %get3A_526 = arith.constant 48 : index
    %get3A_527 = tpu.vector_load %arg19[%get3A_525, %get3A_526] {strides = array<i32>} : memref<5x512xf32, #tpu.memory_space<vmem>>, vector<16xf32>,
    %iota3A_528 = tpu.iota {dimensions = array<i32: 0>} : vector<16xi32>
    %add3A_529 = arith.constant 48 : i32
    %add3A_530 = vector.broadcast %add3A_529 : i32 to vector<16xi32>
    %add3A_531 = arith.addi %iota3A_528, %add3A_530 : vector<16xi32>
    tpu.vector_store_idx %arg20[%add3A_531, %broadcast_in_dim3A_499], %get3A_527 : memref<512x5xf32, #tpu.memory_space<vmem>>[vector<16xi32>, vector<16xi32>], vector<16xf32>,
    %get3A_532 = arith.constant 1 : i32
    %get3A_533 = arith.index_cast %get3A_532 : i32 to index
    %get3A_534 = arith.constant 64 : index
    %get3A_535 = tpu.vector_load %arg19[%get3A_533, %get3A_534] {strides = array<i32>} : memref<5x512xf32, #tpu.memory_space<vmem>>, vector<16xf32>,
    %iota3A_536 = tpu.iota {dimensions = array<i32: 0>} : vector<16xi32>
    %add3A_537 = arith.constant 64 : i32
    %add3A_538 = vector.broadcast %add3A_537 : i32 to vector<16xi32>
    %add3A_539 = arith.addi %iota3A_536, %add3A_538 : vector<16xi32>
    tpu.vector_store_idx %arg20[%add3A_539, %broadcast_in_dim3A_499], %get3A_535 : memref<512x5xf32, #tpu.memory_space<vmem>>[vector<16xi32>, vector<16xi32>], vector<16xf32>,
    %get3A_540 = arith.constant 1 : i32
    %get3A_541 = arith.index_cast %get3A_540 : i32 to index
    %get3A_542 = arith.constant 80 : index
    %get3A_543 = tpu.vector_load %arg19[%get3A_541, %get3A_542] {strides = array<i32>} : memref<5x512xf32, #tpu.memory_space<vmem>>, vector<16xf32>,
    %iota3A_544 = tpu.iota {dimensions = array<i32: 0>} : vector<16xi32>
    %add3A_545 = arith.constant 80 : i32
    %add3A_546 = vector.broadcast %add3A_545 : i32 to vector<16xi32>
    %add3A_547 = arith.addi %iota3A_544, %add3A_546 : vector<16xi32>
    tpu.vector_store_idx %arg20[%add3A_547, %broadcast_in_dim3A_499], %get3A_543 : memref<512x5xf32, #tpu.memory_space<vmem>>[vector<16xi32>, vector<16xi32>], vector<16xf32>,
    %get3A_548 = arith.constant 1 : i32
    %get3A_549 = arith.index_cast %get3A_548 : i32 to index
    %get3A_550 = arith.constant 96 : index
    %get3A_551 = tpu.vector_load %arg19[%get3A_549, %get3A_550] {strides = array<i32>} : memref<5x512xf32, #tpu.memory_space<vmem>>, vector<16xf32>,
    %iota3A_552 = tpu.iota {dimensions = array<i32: 0>} : vector<16xi32>
    %add3A_553 = arith.constant 96 : i32
    %add3A_554 = vector.broadcast %add3A_553 : i32 to vector<16xi32>
    %add3A_555 = arith.addi %iota3A_552, %add3A_554 : vector<16xi32>
    tpu.vector_store_idx %arg20[%add3A_555, %broadcast_in_dim3A_499], %get3A_551 : memref<512x5xf32, #tpu.memory_space<vmem>>[vector<16xi32>, vector<16xi32>], vector<16xf32>,
    %get3A_556 = arith.constant 1 : i32
    %get3A_557 = arith.index_cast %get3A_556 : i32 to index
    %get3A_558 = arith.constant 112 : index
    %get3A_559 = tpu.vector_load %arg19[%get3A_557, %get3A_558] {strides = array<i32>} : memref<5x512xf32, #tpu.memory_space<vmem>>, vector<16xf32>,
    %iota3A_560 = tpu.iota {dimensions = array<i32: 0>} : vector<16xi32>
    %add3A_561 = arith.constant 112 : i32
    %add3A_562 = vector.broadcast %add3A_561 : i32 to vector<16xi32>
    %add3A_563 = arith.addi %iota3A_560, %add3A_562 : vector<16xi32>
    tpu.vector_store_idx %arg20[%add3A_563, %broadcast_in_dim3A_499], %get3A_559 : memref<512x5xf32, #tpu.memory_space<vmem>>[vector<16xi32>, vector<16xi32>], vector<16xf32>,
    %get3A_564 = arith.constant 1 : i32
    %get3A_565 = arith.index_cast %get3A_564 : i32 to index
    %get3A_566 = arith.constant 128 : index
    %get3A_567 = tpu.vector_load %arg19[%get3A_565, %get3A_566] {strides = array<i32>} : memref<5x512xf32, #tpu.memory_space<vmem>>, vector<16xf32>,
    %iota3A_568 = tpu.iota {dimensions = array<i32: 0>} : vector<16xi32>
    %add3A_569 = arith.constant 128 : i32
    %add3A_570 = vector.broadcast %add3A_569 : i32 to vector<16xi32>
    %add3A_571 = arith.addi %iota3A_568, %add3A_570 : vector<16xi32>
    tpu.vector_store_idx %arg20[%add3A_571, %broadcast_in_dim3A_499], %get3A_567 : memref<512x5xf32, #tpu.memory_space<vmem>>[vector<16xi32>, vector<16xi32>], vector<16xf32>,
    %get3A_572 = arith.constant 1 : i32
    %get3A_573 = arith.index_cast %get3A_572 : i32 to index
    %get3A_574 = arith.constant 144 : index
    %get3A_575 = tpu.vector_load %arg19[%get3A_573, %get3A_574] {strides = array<i32>} : memref<5x512xf32, #tpu.memory_space<vmem>>, vector<16xf32>,
    %iota3A_576 = tpu.iota {dimensions = array<i32: 0>} : vector<16xi32>
    %add3A_577 = arith.constant 144 : i32
    %add3A_578 = vector.broadcast %add3A_577 : i32 to vector<16xi32>
    %add3A_579 = arith.addi %iota3A_576, %add3A_578 : vector<16xi32>
    tpu.vector_store_idx %arg20[%add3A_579, %broadcast_in_dim3A_499], %get3A_575 : memref<512x5xf32, #tpu.memory_space<vmem>>[vector<16xi32>, vector<16xi32>], vector<16xf32>,
    %get3A_580 = arith.constant 1 : i32
    %get3A_581 = arith.index_cast %get3A_580 : i32 to index
    %get3A_582 = arith.constant 160 : index
    %get3A_583 = tpu.vector_load %arg19[%get3A_581, %get3A_582] {strides = array<i32>} : memref<5x512xf32, #tpu.memory_space<vmem>>, vector<16xf32>,
    %iota3A_584 = tpu.iota {dimensions = array<i32: 0>} : vector<16xi32>
    %add3A_585 = arith.constant 160 : i32
    %add3A_586 = vector.broadcast %add3A_585 : i32 to vector<16xi32>
    %add3A_587 = arith.addi %iota3A_584, %add3A_586 : vector<16xi32>
    tpu.vector_store_idx %arg20[%add3A_587, %broadcast_in_dim3A_499], %get3A_583 : memref<512x5xf32, #tpu.memory_space<vmem>>[vector<16xi32>, vector<16xi32>], vector<16xf32>,
    %get3A_588 = arith.constant 1 : i32
    %get3A_589 = arith.index_cast %get3A_588 : i32 to index
    %get3A_590 = arith.constant 176 : index
    %get3A_591 = tpu.vector_load %arg19[%get3A_589, %get3A_590] {strides = array<i32>} : memref<5x512xf32, #tpu.memory_space<vmem>>, vector<16xf32>,
    %iota3A_592 = tpu.iota {dimensions = array<i32: 0>} : vector<16xi32>
    %add3A_593 = arith.constant 176 : i32
    %add3A_594 = vector.broadcast %add3A_593 : i32 to vector<16xi32>
    %add3A_595 = arith.addi %iota3A_592, %add3A_594 : vector<16xi32>
    tpu.vector_store_idx %arg20[%add3A_595, %broadcast_in_dim3A_499], %get3A_591 : memref<512x5xf32, #tpu.memory_space<vmem>>[vector<16xi32>, vector<16xi32>], vector<16xf32>,
    %get3A_596 = arith.constant 1 : i32
    %get3A_597 = arith.index_cast %get3A_596 : i32 to index
    %get3A_598 = arith.constant 192 : index
    %get3A_599 = tpu.vector_load %arg19[%get3A_597, %get3A_598] {strides = array<i32>} : memref<5x512xf32, #tpu.memory_space<vmem>>, vector<16xf32>,
    %iota3A_600 = tpu.iota {dimensions = array<i32: 0>} : vector<16xi32>
    %add3A_601 = arith.constant 192 : i32
    %add3A_602 = vector.broadcast %add3A_601 : i32 to vector<16xi32>
    %add3A_603 = arith.addi %iota3A_600, %add3A_602 : vector<16xi32>
    tpu.vector_store_idx %arg20[%add3A_603, %broadcast_in_dim3A_499], %get3A_599 : memref<512x5xf32, #tpu.memory_space<vmem>>[vector<16xi32>, vector<16xi32>], vector<16xf32>,
    %get3A_604 = arith.constant 1 : i32
    %get3A_605 = arith.index_cast %get3A_604 : i32 to index
    %get3A_606 = arith.constant 208 : index
    %get3A_607 = tpu.vector_load %arg19[%get3A_605, %get3A_606] {strides = array<i32>} : memref<5x512xf32, #tpu.memory_space<vmem>>, vector<16xf32>,
    %iota3A_608 = tpu.iota {dimensions = array<i32: 0>} : vector<16xi32>
    %add3A_609 = arith.constant 208 : i32
    %add3A_610 = vector.broadcast %add3A_609 : i32 to vector<16xi32>
    %add3A_611 = arith.addi %iota3A_608, %add3A_610 : vector<16xi32>
    tpu.vector_store_idx %arg20[%add3A_611, %broadcast_in_dim3A_499], %get3A_607 : memref<512x5xf32, #tpu.memory_space<vmem>>[vector<16xi32>, vector<16xi32>], vector<16xf32>,
    %get3A_612 = arith.constant 1 : i32
    %get3A_613 = arith.index_cast %get3A_612 : i32 to index
    %get3A_614 = arith.constant 224 : index
    %get3A_615 = tpu.vector_load %arg19[%get3A_613, %get3A_614] {strides = array<i32>} : memref<5x512xf32, #tpu.memory_space<vmem>>, vector<16xf32>,
    %iota3A_616 = tpu.iota {dimensions = array<i32: 0>} : vector<16xi32>
    %add3A_617 = arith.constant 224 : i32
    %add3A_618 = vector.broadcast %add3A_617 : i32 to vector<16xi32>
    %add3A_619 = arith.addi %iota3A_616, %add3A_618 : vector<16xi32>
    tpu.vector_store_idx %arg20[%add3A_619, %broadcast_in_dim3A_499], %get3A_615 : memref<512x5xf32, #tpu.memory_space<vmem>>[vector<16xi32>, vector<16xi32>], vector<16xf32>,
    %get3A_620 = arith.constant 1 : i32
    %get3A_621 = arith.index_cast %get3A_620 : i32 to index
    %get3A_622 = arith.constant 240 : index
    %get3A_623 = tpu.vector_load %arg19[%get3A_621, %get3A_622] {strides = array<i32>} : memref<5x512xf32, #tpu.memory_space<vmem>>, vector<16xf32>,
    %iota3A_624 = tpu.iota {dimensions = array<i32: 0>} : vector<16xi32>
    %add3A_625 = arith.constant 240 : i32
    %add3A_626 = vector.broadcast %add3A_625 : i32 to vector<16xi32>
    %add3A_627 = arith.addi %iota3A_624, %add3A_626 : vector<16xi32>
    tpu.vector_store_idx %arg20[%add3A_627, %broadcast_in_dim3A_499], %get3A_623 : memref<512x5xf32, #tpu.memory_space<vmem>>[vector<16xi32>, vector<16xi32>], vector<16xf32>,
    %get3A_628 = arith.constant 1 : i32
    %get3A_629 = arith.index_cast %get3A_628 : i32 to index
    %get3A_630 = arith.constant 256 : index
    %get3A_631 = tpu.vector_load %arg19[%get3A_629, %get3A_630] {strides = array<i32>} : memref<5x512xf32, #tpu.memory_space<vmem>>, vector<16xf32>,
    %iota3A_632 = tpu.iota {dimensions = array<i32: 0>} : vector<16xi32>
    %add3A_633 = arith.constant 256 : i32
    %add3A_634 = vector.broadcast %add3A_633 : i32 to vector<16xi32>
    %add3A_635 = arith.addi %iota3A_632, %add3A_634 : vector<16xi32>
    tpu.vector_store_idx %arg20[%add3A_635, %broadcast_in_dim3A_499], %get3A_631 : memref<512x5xf32, #tpu.memory_space<vmem>>[vector<16xi32>, vector<16xi32>], vector<16xf32>,
    %get3A_636 = arith.constant 1 : i32
    %get3A_637 = arith.index_cast %get3A_636 : i32 to index
    %get3A_638 = arith.constant 272 : index
    %get3A_639 = tpu.vector_load %arg19[%get3A_637, %get3A_638] {strides = array<i32>} : memref<5x512xf32, #tpu.memory_space<vmem>>, vector<16xf32>,
    %iota3A_640 = tpu.iota {dimensions = array<i32: 0>} : vector<16xi32>
    %add3A_641 = arith.constant 272 : i32
    %add3A_642 = vector.broadcast %add3A_641 : i32 to vector<16xi32>
    %add3A_643 = arith.addi %iota3A_640, %add3A_642 : vector<16xi32>
    tpu.vector_store_idx %arg20[%add3A_643, %broadcast_in_dim3A_499], %get3A_639 : memref<512x5xf32, #tpu.memory_space<vmem>>[vector<16xi32>, vector<16xi32>], vector<16xf32>,
    %get3A_644 = arith.constant 1 : i32
    %get3A_645 = arith.index_cast %get3A_644 : i32 to index
    %get3A_646 = arith.constant 288 : index
    %get3A_647 = tpu.vector_load %arg19[%get3A_645, %get3A_646] {strides = array<i32>} : memref<5x512xf32, #tpu.memory_space<vmem>>, vector<16xf32>,
    %iota3A_648 = tpu.iota {dimensions = array<i32: 0>} : vector<16xi32>
    %add3A_649 = arith.constant 288 : i32
    %add3A_650 = vector.broadcast %add3A_649 : i32 to vector<16xi32>
    %add3A_651 = arith.addi %iota3A_648, %add3A_650 : vector<16xi32>
    tpu.vector_store_idx %arg20[%add3A_651, %broadcast_in_dim3A_499], %get3A_647 : memref<512x5xf32, #tpu.memory_space<vmem>>[vector<16xi32>, vector<16xi32>], vector<16xf32>,
    %get3A_652 = arith.constant 1 : i32
    %get3A_653 = arith.index_cast %get3A_652 : i32 to index
    %get3A_654 = arith.constant 304 : index
    %get3A_655 = tpu.vector_load %arg19[%get3A_653, %get3A_654] {strides = array<i32>} : memref<5x512xf32, #tpu.memory_space<vmem>>, vector<16xf32>,
    %iota3A_656 = tpu.iota {dimensions = array<i32: 0>} : vector<16xi32>
    %add3A_657 = arith.constant 304 : i32
    %add3A_658 = vector.broadcast %add3A_657 : i32 to vector<16xi32>
    %add3A_659 = arith.addi %iota3A_656, %add3A_658 : vector<16xi32>
    tpu.vector_store_idx %arg20[%add3A_659, %broadcast_in_dim3A_499], %get3A_655 : memref<512x5xf32, #tpu.memory_space<vmem>>[vector<16xi32>, vector<16xi32>], vector<16xf32>,
    %get3A_660 = arith.constant 1 : i32
    %get3A_661 = arith.index_cast %get3A_660 : i32 to index
    %get3A_662 = arith.constant 320 : index
    %get3A_663 = tpu.vector_load %arg19[%get3A_661, %get3A_662] {strides = array<i32>} : memref<5x512xf32, #tpu.memory_space<vmem>>, vector<16xf32>,
    %iota3A_664 = tpu.iota {dimensions = array<i32: 0>} : vector<16xi32>
    %add3A_665 = arith.constant 320 : i32
    %add3A_666 = vector.broadcast %add3A_665 : i32 to vector<16xi32>
    %add3A_667 = arith.addi %iota3A_664, %add3A_666 : vector<16xi32>
    tpu.vector_store_idx %arg20[%add3A_667, %broadcast_in_dim3A_499], %get3A_663 : memref<512x5xf32, #tpu.memory_space<vmem>>[vector<16xi32>, vector<16xi32>], vector<16xf32>,
    %get3A_668 = arith.constant 1 : i32
    %get3A_669 = arith.index_cast %get3A_668 : i32 to index
    %get3A_670 = arith.constant 336 : index
    %get3A_671 = tpu.vector_load %arg19[%get3A_669, %get3A_670] {strides = array<i32>} : memref<5x512xf32, #tpu.memory_space<vmem>>, vector<16xf32>,
    %iota3A_672 = tpu.iota {dimensions = array<i32: 0>} : vector<16xi32>
    %add3A_673 = arith.constant 336 : i32
    %add3A_674 = vector.broadcast %add3A_673 : i32 to vector<16xi32>
    %add3A_675 = arith.addi %iota3A_672, %add3A_674 : vector<16xi32>
    tpu.vector_store_idx %arg20[%add3A_675, %broadcast_in_dim3A_499], %get3A_671 : memref<512x5xf32, #tpu.memory_space<vmem>>[vector<16xi32>, vector<16xi32>], vector<16xf32>,
    %get3A_676 = arith.constant 1 : i32
    %get3A_677 = arith.index_cast %get3A_676 : i32 to index
    %get3A_678 = arith.constant 352 : index
    %get3A_679 = tpu.vector_load %arg19[%get3A_677, %get3A_678] {strides = array<i32>} : memref<5x512xf32, #tpu.memory_space<vmem>>, vector<16xf32>,
    %iota3A_680 = tpu.iota {dimensions = array<i32: 0>} : vector<16xi32>
    %add3A_681 = arith.constant 352 : i32
    %add3A_682 = vector.broadcast %add3A_681 : i32 to vector<16xi32>
    %add3A_683 = arith.addi %iota3A_680, %add3A_682 : vector<16xi32>
    tpu.vector_store_idx %arg20[%add3A_683, %broadcast_in_dim3A_499], %get3A_679 : memref<512x5xf32, #tpu.memory_space<vmem>>[vector<16xi32>, vector<16xi32>], vector<16xf32>,
    %get3A_684 = arith.constant 1 : i32
    %get3A_685 = arith.index_cast %get3A_684 : i32 to index
    %get3A_686 = arith.constant 368 : index
    %get3A_687 = tpu.vector_load %arg19[%get3A_685, %get3A_686] {strides = array<i32>} : memref<5x512xf32, #tpu.memory_space<vmem>>, vector<16xf32>,
    %iota3A_688 = tpu.iota {dimensions = array<i32: 0>} : vector<16xi32>
    %add3A_689 = arith.constant 368 : i32
    %add3A_690 = vector.broadcast %add3A_689 : i32 to vector<16xi32>
    %add3A_691 = arith.addi %iota3A_688, %add3A_690 : vector<16xi32>
    tpu.vector_store_idx %arg20[%add3A_691, %broadcast_in_dim3A_499], %get3A_687 : memref<512x5xf32, #tpu.memory_space<vmem>>[vector<16xi32>, vector<16xi32>], vector<16xf32>,
    %get3A_692 = arith.constant 1 : i32
    %get3A_693 = arith.index_cast %get3A_692 : i32 to index
    %get3A_694 = arith.constant 384 : index
    %get3A_695 = tpu.vector_load %arg19[%get3A_693, %get3A_694] {strides = array<i32>} : memref<5x512xf32, #tpu.memory_space<vmem>>, vector<16xf32>,
    %iota3A_696 = tpu.iota {dimensions = array<i32: 0>} : vector<16xi32>
    %add3A_697 = arith.constant 384 : i32
    %add3A_698 = vector.broadcast %add3A_697 : i32 to vector<16xi32>
    %add3A_699 = arith.addi %iota3A_696, %add3A_698 : vector<16xi32>
    tpu.vector_store_idx %arg20[%add3A_699, %broadcast_in_dim3A_499], %get3A_695 : memref<512x5xf32, #tpu.memory_space<vmem>>[vector<16xi32>, vector<16xi32>], vector<16xf32>,
    %get3A_700 = arith.constant 1 : i32
    %get3A_701 = arith.index_cast %get3A_700 : i32 to index
    %get3A_702 = arith.constant 400 : index
    %get3A_703 = tpu.vector_load %arg19[%get3A_701, %get3A_702] {strides = array<i32>} : memref<5x512xf32, #tpu.memory_space<vmem>>, vector<16xf32>,
    %iota3A_704 = tpu.iota {dimensions = array<i32: 0>} : vector<16xi32>
    %add3A_705 = arith.constant 400 : i32
    %add3A_706 = vector.broadcast %add3A_705 : i32 to vector<16xi32>
    %add3A_707 = arith.addi %iota3A_704, %add3A_706 : vector<16xi32>
    tpu.vector_store_idx %arg20[%add3A_707, %broadcast_in_dim3A_499], %get3A_703 : memref<512x5xf32, #tpu.memory_space<vmem>>[vector<16xi32>, vector<16xi32>], vector<16xf32>,
    %get3A_708 = arith.constant 1 : i32
    %get3A_709 = arith.index_cast %get3A_708 : i32 to index
    %get3A_710 = arith.constant 416 : index
    %get3A_711 = tpu.vector_load %arg19[%get3A_709, %get3A_710] {strides = array<i32>} : memref<5x512xf32, #tpu.memory_space<vmem>>, vector<16xf32>,
    %iota3A_712 = tpu.iota {dimensions = array<i32: 0>} : vector<16xi32>
    %add3A_713 = arith.constant 416 : i32
    %add3A_714 = vector.broadcast %add3A_713 : i32 to vector<16xi32>
    %add3A_715 = arith.addi %iota3A_712, %add3A_714 : vector<16xi32>
    tpu.vector_store_idx %arg20[%add3A_715, %broadcast_in_dim3A_499], %get3A_711 : memref<512x5xf32, #tpu.memory_space<vmem>>[vector<16xi32>, vector<16xi32>], vector<16xf32>,
    %get3A_716 = arith.constant 1 : i32
    %get3A_717 = arith.index_cast %get3A_716 : i32 to index
    %get3A_718 = arith.constant 432 : index
    %get3A_719 = tpu.vector_load %arg19[%get3A_717, %get3A_718] {strides = array<i32>} : memref<5x512xf32, #tpu.memory_space<vmem>>, vector<16xf32>,
    %iota3A_720 = tpu.iota {dimensions = array<i32: 0>} : vector<16xi32>
    %add3A_721 = arith.constant 432 : i32
    %add3A_722 = vector.broadcast %add3A_721 : i32 to vector<16xi32>
    %add3A_723 = arith.addi %iota3A_720, %add3A_722 : vector<16xi32>
    tpu.vector_store_idx %arg20[%add3A_723, %broadcast_in_dim3A_499], %get3A_719 : memref<512x5xf32, #tpu.memory_space<vmem>>[vector<16xi32>, vector<16xi32>], vector<16xf32>,
    %get3A_724 = arith.constant 1 : i32
    %get3A_725 = arith.index_cast %get3A_724 : i32 to index
    %get3A_726 = arith.constant 448 : index
    %get3A_727 = tpu.vector_load %arg19[%get3A_725, %get3A_726] {strides = array<i32>} : memref<5x512xf32, #tpu.memory_space<vmem>>, vector<16xf32>,
    %iota3A_728 = tpu.iota {dimensions = array<i32: 0>} : vector<16xi32>
    %add3A_729 = arith.constant 448 : i32
    %add3A_730 = vector.broadcast %add3A_729 : i32 to vector<16xi32>
    %add3A_731 = arith.addi %iota3A_728, %add3A_730 : vector<16xi32>
    tpu.vector_store_idx %arg20[%add3A_731, %broadcast_in_dim3A_499], %get3A_727 : memref<512x5xf32, #tpu.memory_space<vmem>>[vector<16xi32>, vector<16xi32>], vector<16xf32>,
    %get3A_732 = arith.constant 1 : i32
    %get3A_733 = arith.index_cast %get3A_732 : i32 to index
    %get3A_734 = arith.constant 464 : index
    %get3A_735 = tpu.vector_load %arg19[%get3A_733, %get3A_734] {strides = array<i32>} : memref<5x512xf32, #tpu.memory_space<vmem>>, vector<16xf32>,
    %iota3A_736 = tpu.iota {dimensions = array<i32: 0>} : vector<16xi32>
    %add3A_737 = arith.constant 464 : i32
    %add3A_738 = vector.broadcast %add3A_737 : i32 to vector<16xi32>
    %add3A_739 = arith.addi %iota3A_736, %add3A_738 : vector<16xi32>
    tpu.vector_store_idx %arg20[%add3A_739, %broadcast_in_dim3A_499], %get3A_735 : memref<512x5xf32, #tpu.memory_space<vmem>>[vector<16xi32>, vector<16xi32>], vector<16xf32>,
    %get3A_740 = arith.constant 1 : i32
    %get3A_741 = arith.index_cast %get3A_740 : i32 to index
    %get3A_742 = arith.constant 480 : index
    %get3A_743 = tpu.vector_load %arg19[%get3A_741, %get3A_742] {strides = array<i32>} : memref<5x512xf32, #tpu.memory_space<vmem>>, vector<16xf32>,
    %iota3A_744 = tpu.iota {dimensions = array<i32: 0>} : vector<16xi32>
    %add3A_745 = arith.constant 480 : i32
    %add3A_746 = vector.broadcast %add3A_745 : i32 to vector<16xi32>
    %add3A_747 = arith.addi %iota3A_744, %add3A_746 : vector<16xi32>
    tpu.vector_store_idx %arg20[%add3A_747, %broadcast_in_dim3A_499], %get3A_743 : memref<512x5xf32, #tpu.memory_space<vmem>>[vector<16xi32>, vector<16xi32>], vector<16xf32>,
    %get3A_748 = arith.constant 1 : i32
    %get3A_749 = arith.index_cast %get3A_748 : i32 to index
    %get3A_750 = arith.constant 496 : index
    %get3A_751 = tpu.vector_load %arg19[%get3A_749, %get3A_750] {strides = array<i32>} : memref<5x512xf32, #tpu.memory_space<vmem>>, vector<16xf32>,
    %iota3A_752 = tpu.iota {dimensions = array<i32: 0>} : vector<16xi32>
    %add3A_753 = arith.constant 496 : i32
    %add3A_754 = vector.broadcast %add3A_753 : i32 to vector<16xi32>
    %add3A_755 = arith.addi %iota3A_752, %add3A_754 : vector<16xi32>
    tpu.vector_store_idx %arg20[%add3A_755, %broadcast_in_dim3A_499], %get3A_751 : memref<512x5xf32, #tpu.memory_space<vmem>>[vector<16xi32>, vector<16xi32>], vector<16xf32>,
    %broadcast_in_dim3A_756 = arith.constant 2 : i32
    %broadcast_in_dim3A_757 = vector.broadcast %broadcast_in_dim3A_756 : i32 to vector<16xi32>
    %get3A_758 = arith.constant 2 : i32
    %get3A_759 = arith.index_cast %get3A_758 : i32 to index
    %get3A_760 = arith.constant 0 : index
    %get3A_761 = tpu.vector_load %arg19[%get3A_759, %get3A_760] {strides = array<i32>} : memref<5x512xf32, #tpu.memory_space<vmem>>, vector<16xf32>,
    %iota3A_762 = tpu.iota {dimensions = array<i32: 0>} : vector<16xi32>
    %add3A_763 = arith.constant 0 : i32
    %add3A_764 = vector.broadcast %add3A_763 : i32 to vector<16xi32>
    %add3A_765 = arith.addi %iota3A_762, %add3A_764 : vector<16xi32>
    tpu.vector_store_idx %arg20[%add3A_765, %broadcast_in_dim3A_757], %get3A_761 : memref<512x5xf32, #tpu.memory_space<vmem>>[vector<16xi32>, vector<16xi32>], vector<16xf32>,
    %get3A_766 = arith.constant 2 : i32
    %get3A_767 = arith.index_cast %get3A_766 : i32 to index
    %get3A_768 = arith.constant 16 : index
    %get3A_769 = tpu.vector_load %arg19[%get3A_767, %get3A_768] {strides = array<i32>} : memref<5x512xf32, #tpu.memory_space<vmem>>, vector<16xf32>,
    %iota3A_770 = tpu.iota {dimensions = array<i32: 0>} : vector<16xi32>
    %add3A_771 = arith.constant 16 : i32
    %add3A_772 = vector.broadcast %add3A_771 : i32 to vector<16xi32>
    %add3A_773 = arith.addi %iota3A_770, %add3A_772 : vector<16xi32>
    tpu.vector_store_idx %arg20[%add3A_773, %broadcast_in_dim3A_757], %get3A_769 : memref<512x5xf32, #tpu.memory_space<vmem>>[vector<16xi32>, vector<16xi32>], vector<16xf32>,
    %get3A_774 = arith.constant 2 : i32
    %get3A_775 = arith.index_cast %get3A_774 : i32 to index
    %get3A_776 = arith.constant 32 : index
    %get3A_777 = tpu.vector_load %arg19[%get3A_775, %get3A_776] {strides = array<i32>} : memref<5x512xf32, #tpu.memory_space<vmem>>, vector<16xf32>,
    %iota3A_778 = tpu.iota {dimensions = array<i32: 0>} : vector<16xi32>
    %add3A_779 = arith.constant 32 : i32
    %add3A_780 = vector.broadcast %add3A_779 : i32 to vector<16xi32>
    %add3A_781 = arith.addi %iota3A_778, %add3A_780 : vector<16xi32>
    tpu.vector_store_idx %arg20[%add3A_781, %broadcast_in_dim3A_757], %get3A_777 : memref<512x5xf32, #tpu.memory_space<vmem>>[vector<16xi32>, vector<16xi32>], vector<16xf32>,
    %get3A_782 = arith.constant 2 : i32
    %get3A_783 = arith.index_cast %get3A_782 : i32 to index
    %get3A_784 = arith.constant 48 : index
    %get3A_785 = tpu.vector_load %arg19[%get3A_783, %get3A_784] {strides = array<i32>} : memref<5x512xf32, #tpu.memory_space<vmem>>, vector<16xf32>,
    %iota3A_786 = tpu.iota {dimensions = array<i32: 0>} : vector<16xi32>
    %add3A_787 = arith.constant 48 : i32
    %add3A_788 = vector.broadcast %add3A_787 : i32 to vector<16xi32>
    %add3A_789 = arith.addi %iota3A_786, %add3A_788 : vector<16xi32>
    tpu.vector_store_idx %arg20[%add3A_789, %broadcast_in_dim3A_757], %get3A_785 : memref<512x5xf32, #tpu.memory_space<vmem>>[vector<16xi32>, vector<16xi32>], vector<16xf32>,
    %get3A_790 = arith.constant 2 : i32
    %get3A_791 = arith.index_cast %get3A_790 : i32 to index
    %get3A_792 = arith.constant 64 : index
    %get3A_793 = tpu.vector_load %arg19[%get3A_791, %get3A_792] {strides = array<i32>} : memref<5x512xf32, #tpu.memory_space<vmem>>, vector<16xf32>,
    %iota3A_794 = tpu.iota {dimensions = array<i32: 0>} : vector<16xi32>
    %add3A_795 = arith.constant 64 : i32
    %add3A_796 = vector.broadcast %add3A_795 : i32 to vector<16xi32>
    %add3A_797 = arith.addi %iota3A_794, %add3A_796 : vector<16xi32>
    tpu.vector_store_idx %arg20[%add3A_797, %broadcast_in_dim3A_757], %get3A_793 : memref<512x5xf32, #tpu.memory_space<vmem>>[vector<16xi32>, vector<16xi32>], vector<16xf32>,
    %get3A_798 = arith.constant 2 : i32
    %get3A_799 = arith.index_cast %get3A_798 : i32 to index
    %get3A_800 = arith.constant 80 : index
    %get3A_801 = tpu.vector_load %arg19[%get3A_799, %get3A_800] {strides = array<i32>} : memref<5x512xf32, #tpu.memory_space<vmem>>, vector<16xf32>,
    %iota3A_802 = tpu.iota {dimensions = array<i32: 0>} : vector<16xi32>
    %add3A_803 = arith.constant 80 : i32
    %add3A_804 = vector.broadcast %add3A_803 : i32 to vector<16xi32>
    %add3A_805 = arith.addi %iota3A_802, %add3A_804 : vector<16xi32>
    tpu.vector_store_idx %arg20[%add3A_805, %broadcast_in_dim3A_757], %get3A_801 : memref<512x5xf32, #tpu.memory_space<vmem>>[vector<16xi32>, vector<16xi32>], vector<16xf32>,
    %get3A_806 = arith.constant 2 : i32
    %get3A_807 = arith.index_cast %get3A_806 : i32 to index
    %get3A_808 = arith.constant 96 : index
    %get3A_809 = tpu.vector_load %arg19[%get3A_807, %get3A_808] {strides = array<i32>} : memref<5x512xf32, #tpu.memory_space<vmem>>, vector<16xf32>,
    %iota3A_810 = tpu.iota {dimensions = array<i32: 0>} : vector<16xi32>
    %add3A_811 = arith.constant 96 : i32
    %add3A_812 = vector.broadcast %add3A_811 : i32 to vector<16xi32>
    %add3A_813 = arith.addi %iota3A_810, %add3A_812 : vector<16xi32>
    tpu.vector_store_idx %arg20[%add3A_813, %broadcast_in_dim3A_757], %get3A_809 : memref<512x5xf32, #tpu.memory_space<vmem>>[vector<16xi32>, vector<16xi32>], vector<16xf32>,
    %get3A_814 = arith.constant 2 : i32
    %get3A_815 = arith.index_cast %get3A_814 : i32 to index
    %get3A_816 = arith.constant 112 : index
    %get3A_817 = tpu.vector_load %arg19[%get3A_815, %get3A_816] {strides = array<i32>} : memref<5x512xf32, #tpu.memory_space<vmem>>, vector<16xf32>,
    %iota3A_818 = tpu.iota {dimensions = array<i32: 0>} : vector<16xi32>
    %add3A_819 = arith.constant 112 : i32
    %add3A_820 = vector.broadcast %add3A_819 : i32 to vector<16xi32>
    %add3A_821 = arith.addi %iota3A_818, %add3A_820 : vector<16xi32>
    tpu.vector_store_idx %arg20[%add3A_821, %broadcast_in_dim3A_757], %get3A_817 : memref<512x5xf32, #tpu.memory_space<vmem>>[vector<16xi32>, vector<16xi32>], vector<16xf32>,
    %get3A_822 = arith.constant 2 : i32
    %get3A_823 = arith.index_cast %get3A_822 : i32 to index
    %get3A_824 = arith.constant 128 : index
    %get3A_825 = tpu.vector_load %arg19[%get3A_823, %get3A_824] {strides = array<i32>} : memref<5x512xf32, #tpu.memory_space<vmem>>, vector<16xf32>,
    %iota3A_826 = tpu.iota {dimensions = array<i32: 0>} : vector<16xi32>
    %add3A_827 = arith.constant 128 : i32
    %add3A_828 = vector.broadcast %add3A_827 : i32 to vector<16xi32>
    %add3A_829 = arith.addi %iota3A_826, %add3A_828 : vector<16xi32>
    tpu.vector_store_idx %arg20[%add3A_829, %broadcast_in_dim3A_757], %get3A_825 : memref<512x5xf32, #tpu.memory_space<vmem>>[vector<16xi32>, vector<16xi32>], vector<16xf32>,
    %get3A_830 = arith.constant 2 : i32
    %get3A_831 = arith.index_cast %get3A_830 : i32 to index
    %get3A_832 = arith.constant 144 : index
    %get3A_833 = tpu.vector_load %arg19[%get3A_831, %get3A_832] {strides = array<i32>} : memref<5x512xf32, #tpu.memory_space<vmem>>, vector<16xf32>,
    %iota3A_834 = tpu.iota {dimensions = array<i32: 0>} : vector<16xi32>
    %add3A_835 = arith.constant 144 : i32
    %add3A_836 = vector.broadcast %add3A_835 : i32 to vector<16xi32>
    %add3A_837 = arith.addi %iota3A_834, %add3A_836 : vector<16xi32>
    tpu.vector_store_idx %arg20[%add3A_837, %broadcast_in_dim3A_757], %get3A_833 : memref<512x5xf32, #tpu.memory_space<vmem>>[vector<16xi32>, vector<16xi32>], vector<16xf32>,
    %get3A_838 = arith.constant 2 : i32
    %get3A_839 = arith.index_cast %get3A_838 : i32 to index
    %get3A_840 = arith.constant 160 : index
    %get3A_841 = tpu.vector_load %arg19[%get3A_839, %get3A_840] {strides = array<i32>} : memref<5x512xf32, #tpu.memory_space<vmem>>, vector<16xf32>,
    %iota3A_842 = tpu.iota {dimensions = array<i32: 0>} : vector<16xi32>
    %add3A_843 = arith.constant 160 : i32
    %add3A_844 = vector.broadcast %add3A_843 : i32 to vector<16xi32>
    %add3A_845 = arith.addi %iota3A_842, %add3A_844 : vector<16xi32>
    tpu.vector_store_idx %arg20[%add3A_845, %broadcast_in_dim3A_757], %get3A_841 : memref<512x5xf32, #tpu.memory_space<vmem>>[vector<16xi32>, vector<16xi32>], vector<16xf32>,
    %get3A_846 = arith.constant 2 : i32
    %get3A_847 = arith.index_cast %get3A_846 : i32 to index
    %get3A_848 = arith.constant 176 : index
    %get3A_849 = tpu.vector_load %arg19[%get3A_847, %get3A_848] {strides = array<i32>} : memref<5x512xf32, #tpu.memory_space<vmem>>, vector<16xf32>,
    %iota3A_850 = tpu.iota {dimensions = array<i32: 0>} : vector<16xi32>
    %add3A_851 = arith.constant 176 : i32
    %add3A_852 = vector.broadcast %add3A_851 : i32 to vector<16xi32>
    %add3A_853 = arith.addi %iota3A_850, %add3A_852 : vector<16xi32>
    tpu.vector_store_idx %arg20[%add3A_853, %broadcast_in_dim3A_757], %get3A_849 : memref<512x5xf32, #tpu.memory_space<vmem>>[vector<16xi32>, vector<16xi32>], vector<16xf32>,
    %get3A_854 = arith.constant 2 : i32
    %get3A_855 = arith.index_cast %get3A_854 : i32 to index
    %get3A_856 = arith.constant 192 : index
    %get3A_857 = tpu.vector_load %arg19[%get3A_855, %get3A_856] {strides = array<i32>} : memref<5x512xf32, #tpu.memory_space<vmem>>, vector<16xf32>,
    %iota3A_858 = tpu.iota {dimensions = array<i32: 0>} : vector<16xi32>
    %add3A_859 = arith.constant 192 : i32
    %add3A_860 = vector.broadcast %add3A_859 : i32 to vector<16xi32>
    %add3A_861 = arith.addi %iota3A_858, %add3A_860 : vector<16xi32>
    tpu.vector_store_idx %arg20[%add3A_861, %broadcast_in_dim3A_757], %get3A_857 : memref<512x5xf32, #tpu.memory_space<vmem>>[vector<16xi32>, vector<16xi32>], vector<16xf32>,
    %get3A_862 = arith.constant 2 : i32
    %get3A_863 = arith.index_cast %get3A_862 : i32 to index
    %get3A_864 = arith.constant 208 : index
    %get3A_865 = tpu.vector_load %arg19[%get3A_863, %get3A_864] {strides = array<i32>} : memref<5x512xf32, #tpu.memory_space<vmem>>, vector<16xf32>,
    %iota3A_866 = tpu.iota {dimensions = array<i32: 0>} : vector<16xi32>
    %add3A_867 = arith.constant 208 : i32
    %add3A_868 = vector.broadcast %add3A_867 : i32 to vector<16xi32>
    %add3A_869 = arith.addi %iota3A_866, %add3A_868 : vector<16xi32>
    tpu.vector_store_idx %arg20[%add3A_869, %broadcast_in_dim3A_757], %get3A_865 : memref<512x5xf32, #tpu.memory_space<vmem>>[vector<16xi32>, vector<16xi32>], vector<16xf32>,
    %get3A_870 = arith.constant 2 : i32
    %get3A_871 = arith.index_cast %get3A_870 : i32 to index
    %get3A_872 = arith.constant 224 : index
    %get3A_873 = tpu.vector_load %arg19[%get3A_871, %get3A_872] {strides = array<i32>} : memref<5x512xf32, #tpu.memory_space<vmem>>, vector<16xf32>,
    %iota3A_874 = tpu.iota {dimensions = array<i32: 0>} : vector<16xi32>
    %add3A_875 = arith.constant 224 : i32
    %add3A_876 = vector.broadcast %add3A_875 : i32 to vector<16xi32>
    %add3A_877 = arith.addi %iota3A_874, %add3A_876 : vector<16xi32>
    tpu.vector_store_idx %arg20[%add3A_877, %broadcast_in_dim3A_757], %get3A_873 : memref<512x5xf32, #tpu.memory_space<vmem>>[vector<16xi32>, vector<16xi32>], vector<16xf32>,
    %get3A_878 = arith.constant 2 : i32
    %get3A_879 = arith.index_cast %get3A_878 : i32 to index
    %get3A_880 = arith.constant 240 : index
    %get3A_881 = tpu.vector_load %arg19[%get3A_879, %get3A_880] {strides = array<i32>} : memref<5x512xf32, #tpu.memory_space<vmem>>, vector<16xf32>,
    %iota3A_882 = tpu.iota {dimensions = array<i32: 0>} : vector<16xi32>
    %add3A_883 = arith.constant 240 : i32
    %add3A_884 = vector.broadcast %add3A_883 : i32 to vector<16xi32>
    %add3A_885 = arith.addi %iota3A_882, %add3A_884 : vector<16xi32>
    tpu.vector_store_idx %arg20[%add3A_885, %broadcast_in_dim3A_757], %get3A_881 : memref<512x5xf32, #tpu.memory_space<vmem>>[vector<16xi32>, vector<16xi32>], vector<16xf32>,
    %get3A_886 = arith.constant 2 : i32
    %get3A_887 = arith.index_cast %get3A_886 : i32 to index
    %get3A_888 = arith.constant 256 : index
    %get3A_889 = tpu.vector_load %arg19[%get3A_887, %get3A_888] {strides = array<i32>} : memref<5x512xf32, #tpu.memory_space<vmem>>, vector<16xf32>,
    %iota3A_890 = tpu.iota {dimensions = array<i32: 0>} : vector<16xi32>
    %add3A_891 = arith.constant 256 : i32
    %add3A_892 = vector.broadcast %add3A_891 : i32 to vector<16xi32>
    %add3A_893 = arith.addi %iota3A_890, %add3A_892 : vector<16xi32>
    tpu.vector_store_idx %arg20[%add3A_893, %broadcast_in_dim3A_757], %get3A_889 : memref<512x5xf32, #tpu.memory_space<vmem>>[vector<16xi32>, vector<16xi32>], vector<16xf32>,
    %get3A_894 = arith.constant 2 : i32
    %get3A_895 = arith.index_cast %get3A_894 : i32 to index
    %get3A_896 = arith.constant 272 : index
    %get3A_897 = tpu.vector_load %arg19[%get3A_895, %get3A_896] {strides = array<i32>} : memref<5x512xf32, #tpu.memory_space<vmem>>, vector<16xf32>,
    %iota3A_898 = tpu.iota {dimensions = array<i32: 0>} : vector<16xi32>
    %add3A_899 = arith.constant 272 : i32
    %add3A_900 = vector.broadcast %add3A_899 : i32 to vector<16xi32>
    %add3A_901 = arith.addi %iota3A_898, %add3A_900 : vector<16xi32>
    tpu.vector_store_idx %arg20[%add3A_901, %broadcast_in_dim3A_757], %get3A_897 : memref<512x5xf32, #tpu.memory_space<vmem>>[vector<16xi32>, vector<16xi32>], vector<16xf32>,
    %get3A_902 = arith.constant 2 : i32
    %get3A_903 = arith.index_cast %get3A_902 : i32 to index
    %get3A_904 = arith.constant 288 : index
    %get3A_905 = tpu.vector_load %arg19[%get3A_903, %get3A_904] {strides = array<i32>} : memref<5x512xf32, #tpu.memory_space<vmem>>, vector<16xf32>,
    %iota3A_906 = tpu.iota {dimensions = array<i32: 0>} : vector<16xi32>
    %add3A_907 = arith.constant 288 : i32
    %add3A_908 = vector.broadcast %add3A_907 : i32 to vector<16xi32>
    %add3A_909 = arith.addi %iota3A_906, %add3A_908 : vector<16xi32>
    tpu.vector_store_idx %arg20[%add3A_909, %broadcast_in_dim3A_757], %get3A_905 : memref<512x5xf32, #tpu.memory_space<vmem>>[vector<16xi32>, vector<16xi32>], vector<16xf32>,
    %get3A_910 = arith.constant 2 : i32
    %get3A_911 = arith.index_cast %get3A_910 : i32 to index
    %get3A_912 = arith.constant 304 : index
    %get3A_913 = tpu.vector_load %arg19[%get3A_911, %get3A_912] {strides = array<i32>} : memref<5x512xf32, #tpu.memory_space<vmem>>, vector<16xf32>,
    %iota3A_914 = tpu.iota {dimensions = array<i32: 0>} : vector<16xi32>
    %add3A_915 = arith.constant 304 : i32
    %add3A_916 = vector.broadcast %add3A_915 : i32 to vector<16xi32>
    %add3A_917 = arith.addi %iota3A_914, %add3A_916 : vector<16xi32>
    tpu.vector_store_idx %arg20[%add3A_917, %broadcast_in_dim3A_757], %get3A_913 : memref<512x5xf32, #tpu.memory_space<vmem>>[vector<16xi32>, vector<16xi32>], vector<16xf32>,
    %get3A_918 = arith.constant 2 : i32
    %get3A_919 = arith.index_cast %get3A_918 : i32 to index
    %get3A_920 = arith.constant 320 : index
    %get3A_921 = tpu.vector_load %arg19[%get3A_919, %get3A_920] {strides = array<i32>} : memref<5x512xf32, #tpu.memory_space<vmem>>, vector<16xf32>,
    %iota3A_922 = tpu.iota {dimensions = array<i32: 0>} : vector<16xi32>
    %add3A_923 = arith.constant 320 : i32
    %add3A_924 = vector.broadcast %add3A_923 : i32 to vector<16xi32>
    %add3A_925 = arith.addi %iota3A_922, %add3A_924 : vector<16xi32>
    tpu.vector_store_idx %arg20[%add3A_925, %broadcast_in_dim3A_757], %get3A_921 : memref<512x5xf32, #tpu.memory_space<vmem>>[vector<16xi32>, vector<16xi32>], vector<16xf32>,
    %get3A_926 = arith.constant 2 : i32
    %get3A_927 = arith.index_cast %get3A_926 : i32 to index
    %get3A_928 = arith.constant 336 : index
    %get3A_929 = tpu.vector_load %arg19[%get3A_927, %get3A_928] {strides = array<i32>} : memref<5x512xf32, #tpu.memory_space<vmem>>, vector<16xf32>,
    %iota3A_930 = tpu.iota {dimensions = array<i32: 0>} : vector<16xi32>
    %add3A_931 = arith.constant 336 : i32
    %add3A_932 = vector.broadcast %add3A_931 : i32 to vector<16xi32>
    %add3A_933 = arith.addi %iota3A_930, %add3A_932 : vector<16xi32>
    tpu.vector_store_idx %arg20[%add3A_933, %broadcast_in_dim3A_757], %get3A_929 : memref<512x5xf32, #tpu.memory_space<vmem>>[vector<16xi32>, vector<16xi32>], vector<16xf32>,
    %get3A_934 = arith.constant 2 : i32
    %get3A_935 = arith.index_cast %get3A_934 : i32 to index
    %get3A_936 = arith.constant 352 : index
    %get3A_937 = tpu.vector_load %arg19[%get3A_935, %get3A_936] {strides = array<i32>} : memref<5x512xf32, #tpu.memory_space<vmem>>, vector<16xf32>,
    %iota3A_938 = tpu.iota {dimensions = array<i32: 0>} : vector<16xi32>
    %add3A_939 = arith.constant 352 : i32
    %add3A_940 = vector.broadcast %add3A_939 : i32 to vector<16xi32>
    %add3A_941 = arith.addi %iota3A_938, %add3A_940 : vector<16xi32>
    tpu.vector_store_idx %arg20[%add3A_941, %broadcast_in_dim3A_757], %get3A_937 : memref<512x5xf32, #tpu.memory_space<vmem>>[vector<16xi32>, vector<16xi32>], vector<16xf32>,
    %get3A_942 = arith.constant 2 : i32
    %get3A_943 = arith.index_cast %get3A_942 : i32 to index
    %get3A_944 = arith.constant 368 : index
    %get3A_945 = tpu.vector_load %arg19[%get3A_943, %get3A_944] {strides = array<i32>} : memref<5x512xf32, #tpu.memory_space<vmem>>, vector<16xf32>,
    %iota3A_946 = tpu.iota {dimensions = array<i32: 0>} : vector<16xi32>
    %add3A_947 = arith.constant 368 : i32
    %add3A_948 = vector.broadcast %add3A_947 : i32 to vector<16xi32>
    %add3A_949 = arith.addi %iota3A_946, %add3A_948 : vector<16xi32>
    tpu.vector_store_idx %arg20[%add3A_949, %broadcast_in_dim3A_757], %get3A_945 : memref<512x5xf32, #tpu.memory_space<vmem>>[vector<16xi32>, vector<16xi32>], vector<16xf32>,
    %get3A_950 = arith.constant 2 : i32
    %get3A_951 = arith.index_cast %get3A_950 : i32 to index
    %get3A_952 = arith.constant 384 : index
    %get3A_953 = tpu.vector_load %arg19[%get3A_951, %get3A_952] {strides = array<i32>} : memref<5x512xf32, #tpu.memory_space<vmem>>, vector<16xf32>,
    %iota3A_954 = tpu.iota {dimensions = array<i32: 0>} : vector<16xi32>
    %add3A_955 = arith.constant 384 : i32
    %add3A_956 = vector.broadcast %add3A_955 : i32 to vector<16xi32>
    %add3A_957 = arith.addi %iota3A_954, %add3A_956 : vector<16xi32>
    tpu.vector_store_idx %arg20[%add3A_957, %broadcast_in_dim3A_757], %get3A_953 : memref<512x5xf32, #tpu.memory_space<vmem>>[vector<16xi32>, vector<16xi32>], vector<16xf32>,
    %get3A_958 = arith.constant 2 : i32
    %get3A_959 = arith.index_cast %get3A_958 : i32 to index
    %get3A_960 = arith.constant 400 : index
    %get3A_961 = tpu.vector_load %arg19[%get3A_959, %get3A_960] {strides = array<i32>} : memref<5x512xf32, #tpu.memory_space<vmem>>, vector<16xf32>,
    %iota3A_962 = tpu.iota {dimensions = array<i32: 0>} : vector<16xi32>
    %add3A_963 = arith.constant 400 : i32
    %add3A_964 = vector.broadcast %add3A_963 : i32 to vector<16xi32>
    %add3A_965 = arith.addi %iota3A_962, %add3A_964 : vector<16xi32>
    tpu.vector_store_idx %arg20[%add3A_965, %broadcast_in_dim3A_757], %get3A_961 : memref<512x5xf32, #tpu.memory_space<vmem>>[vector<16xi32>, vector<16xi32>], vector<16xf32>,
    %get3A_966 = arith.constant 2 : i32
    %get3A_967 = arith.index_cast %get3A_966 : i32 to index
    %get3A_968 = arith.constant 416 : index
    %get3A_969 = tpu.vector_load %arg19[%get3A_967, %get3A_968] {strides = array<i32>} : memref<5x512xf32, #tpu.memory_space<vmem>>, vector<16xf32>,
    %iota3A_970 = tpu.iota {dimensions = array<i32: 0>} : vector<16xi32>
    %add3A_971 = arith.constant 416 : i32
    %add3A_972 = vector.broadcast %add3A_971 : i32 to vector<16xi32>
    %add3A_973 = arith.addi %iota3A_970, %add3A_972 : vector<16xi32>
    tpu.vector_store_idx %arg20[%add3A_973, %broadcast_in_dim3A_757], %get3A_969 : memref<512x5xf32, #tpu.memory_space<vmem>>[vector<16xi32>, vector<16xi32>], vector<16xf32>,
    %get3A_974 = arith.constant 2 : i32
    %get3A_975 = arith.index_cast %get3A_974 : i32 to index
    %get3A_976 = arith.constant 432 : index
    %get3A_977 = tpu.vector_load %arg19[%get3A_975, %get3A_976] {strides = array<i32>} : memref<5x512xf32, #tpu.memory_space<vmem>>, vector<16xf32>,
    %iota3A_978 = tpu.iota {dimensions = array<i32: 0>} : vector<16xi32>
    %add3A_979 = arith.constant 432 : i32
    %add3A_980 = vector.broadcast %add3A_979 : i32 to vector<16xi32>
    %add3A_981 = arith.addi %iota3A_978, %add3A_980 : vector<16xi32>
    tpu.vector_store_idx %arg20[%add3A_981, %broadcast_in_dim3A_757], %get3A_977 : memref<512x5xf32, #tpu.memory_space<vmem>>[vector<16xi32>, vector<16xi32>], vector<16xf32>,
    %get3A_982 = arith.constant 2 : i32
    %get3A_983 = arith.index_cast %get3A_982 : i32 to index
    %get3A_984 = arith.constant 448 : index
    %get3A_985 = tpu.vector_load %arg19[%get3A_983, %get3A_984] {strides = array<i32>} : memref<5x512xf32, #tpu.memory_space<vmem>>, vector<16xf32>,
    %iota3A_986 = tpu.iota {dimensions = array<i32: 0>} : vector<16xi32>
    %add3A_987 = arith.constant 448 : i32
    %add3A_988 = vector.broadcast %add3A_987 : i32 to vector<16xi32>
    %add3A_989 = arith.addi %iota3A_986, %add3A_988 : vector<16xi32>
    tpu.vector_store_idx %arg20[%add3A_989, %broadcast_in_dim3A_757], %get3A_985 : memref<512x5xf32, #tpu.memory_space<vmem>>[vector<16xi32>, vector<16xi32>], vector<16xf32>,
    %get3A_990 = arith.constant 2 : i32
    %get3A_991 = arith.index_cast %get3A_990 : i32 to index
    %get3A_992 = arith.constant 464 : index
    %get3A_993 = tpu.vector_load %arg19[%get3A_991, %get3A_992] {strides = array<i32>} : memref<5x512xf32, #tpu.memory_space<vmem>>, vector<16xf32>,
    %iota3A_994 = tpu.iota {dimensions = array<i32: 0>} : vector<16xi32>
    %add3A_995 = arith.constant 464 : i32
    %add3A_996 = vector.broadcast %add3A_995 : i32 to vector<16xi32>
    %add3A_997 = arith.addi %iota3A_994, %add3A_996 : vector<16xi32>
    tpu.vector_store_idx %arg20[%add3A_997, %broadcast_in_dim3A_757], %get3A_993 : memref<512x5xf32, #tpu.memory_space<vmem>>[vector<16xi32>, vector<16xi32>], vector<16xf32>,
    %get3A_998 = arith.constant 2 : i32
    %get3A_999 = arith.index_cast %get3A_998 : i32 to index
    %get3A_1000 = arith.constant 480 : index
    %get3A_1001 = tpu.vector_load %arg19[%get3A_999, %get3A_1000] {strides = array<i32>} : memref<5x512xf32, #tpu.memory_space<vmem>>, vector<16xf32>,
    %iota3A_1002 = tpu.iota {dimensions = array<i32: 0>} : vector<16xi32>
    %add3A_1003 = arith.constant 480 : i32
    %add3A_1004 = vector.broadcast %add3A_1003 : i32 to vector<16xi32>
    %add3A_1005 = arith.addi %iota3A_1002, %add3A_1004 : vector<16xi32>
    tpu.vector_store_idx %arg20[%add3A_1005, %broadcast_in_dim3A_757], %get3A_1001 : memref<512x5xf32, #tpu.memory_space<vmem>>[vector<16xi32>, vector<16xi32>], vector<16xf32>,
    %get3A_1006 = arith.constant 2 : i32
    %get3A_1007 = arith.index_cast %get3A_1006 : i32 to index
    %get3A_1008 = arith.constant 496 : index
    %get3A_1009 = tpu.vector_load %arg19[%get3A_1007, %get3A_1008] {strides = array<i32>} : memref<5x512xf32, #tpu.memory_space<vmem>>, vector<16xf32>,
    %iota3A_1010 = tpu.iota {dimensions = array<i32: 0>} : vector<16xi32>
    %add3A_1011 = arith.constant 496 : i32
    %add3A_1012 = vector.broadcast %add3A_1011 : i32 to vector<16xi32>
    %add3A_1013 = arith.addi %iota3A_1010, %add3A_1012 : vector<16xi32>
    tpu.vector_store_idx %arg20[%add3A_1013, %broadcast_in_dim3A_757], %get3A_1009 : memref<512x5xf32, #tpu.memory_space<vmem>>[vector<16xi32>, vector<16xi32>], vector<16xf32>,
    %broadcast_in_dim3A_1014 = arith.constant 3 : i32
    %broadcast_in_dim3A_1015 = vector.broadcast %broadcast_in_dim3A_1014 : i32 to vector<16xi32>
    %get3A_1016 = arith.constant 3 : i32
    %get3A_1017 = arith.index_cast %get3A_1016 : i32 to index
    %get3A_1018 = arith.constant 0 : index
    %get3A_1019 = tpu.vector_load %arg19[%get3A_1017, %get3A_1018] {strides = array<i32>} : memref<5x512xf32, #tpu.memory_space<vmem>>, vector<16xf32>,
    %iota3A_1020 = tpu.iota {dimensions = array<i32: 0>} : vector<16xi32>
    %add3A_1021 = arith.constant 0 : i32
    %add3A_1022 = vector.broadcast %add3A_1021 : i32 to vector<16xi32>
    %add3A_1023 = arith.addi %iota3A_1020, %add3A_1022 : vector<16xi32>
    tpu.vector_store_idx %arg20[%add3A_1023, %broadcast_in_dim3A_1015], %get3A_1019 : memref<512x5xf32, #tpu.memory_space<vmem>>[vector<16xi32>, vector<16xi32>], vector<16xf32>,
    %get3A_1024 = arith.constant 3 : i32
    %get3A_1025 = arith.index_cast %get3A_1024 : i32 to index
    %get3A_1026 = arith.constant 16 : index
    %get3A_1027 = tpu.vector_load %arg19[%get3A_1025, %get3A_1026] {strides = array<i32>} : memref<5x512xf32, #tpu.memory_space<vmem>>, vector<16xf32>,
    %iota3A_1028 = tpu.iota {dimensions = array<i32: 0>} : vector<16xi32>
    %add3A_1029 = arith.constant 16 : i32
    %add3A_1030 = vector.broadcast %add3A_1029 : i32 to vector<16xi32>
    %add3A_1031 = arith.addi %iota3A_1028, %add3A_1030 : vector<16xi32>
    tpu.vector_store_idx %arg20[%add3A_1031, %broadcast_in_dim3A_1015], %get3A_1027 : memref<512x5xf32, #tpu.memory_space<vmem>>[vector<16xi32>, vector<16xi32>], vector<16xf32>,
    %get3A_1032 = arith.constant 3 : i32
    %get3A_1033 = arith.index_cast %get3A_1032 : i32 to index
    %get3A_1034 = arith.constant 32 : index
    %get3A_1035 = tpu.vector_load %arg19[%get3A_1033, %get3A_1034] {strides = array<i32>} : memref<5x512xf32, #tpu.memory_space<vmem>>, vector<16xf32>,
    %iota3A_1036 = tpu.iota {dimensions = array<i32: 0>} : vector<16xi32>
    %add3A_1037 = arith.constant 32 : i32
    %add3A_1038 = vector.broadcast %add3A_1037 : i32 to vector<16xi32>
    %add3A_1039 = arith.addi %iota3A_1036, %add3A_1038 : vector<16xi32>
    tpu.vector_store_idx %arg20[%add3A_1039, %broadcast_in_dim3A_1015], %get3A_1035 : memref<512x5xf32, #tpu.memory_space<vmem>>[vector<16xi32>, vector<16xi32>], vector<16xf32>,
    %get3A_1040 = arith.constant 3 : i32
    %get3A_1041 = arith.index_cast %get3A_1040 : i32 to index
    %get3A_1042 = arith.constant 48 : index
    %get3A_1043 = tpu.vector_load %arg19[%get3A_1041, %get3A_1042] {strides = array<i32>} : memref<5x512xf32, #tpu.memory_space<vmem>>, vector<16xf32>,
    %iota3A_1044 = tpu.iota {dimensions = array<i32: 0>} : vector<16xi32>
    %add3A_1045 = arith.constant 48 : i32
    %add3A_1046 = vector.broadcast %add3A_1045 : i32 to vector<16xi32>
    %add3A_1047 = arith.addi %iota3A_1044, %add3A_1046 : vector<16xi32>
    tpu.vector_store_idx %arg20[%add3A_1047, %broadcast_in_dim3A_1015], %get3A_1043 : memref<512x5xf32, #tpu.memory_space<vmem>>[vector<16xi32>, vector<16xi32>], vector<16xf32>,
    %get3A_1048 = arith.constant 3 : i32
    %get3A_1049 = arith.index_cast %get3A_1048 : i32 to index
    %get3A_1050 = arith.constant 64 : index
    %get3A_1051 = tpu.vector_load %arg19[%get3A_1049, %get3A_1050] {strides = array<i32>} : memref<5x512xf32, #tpu.memory_space<vmem>>, vector<16xf32>,
    %iota3A_1052 = tpu.iota {dimensions = array<i32: 0>} : vector<16xi32>
    %add3A_1053 = arith.constant 64 : i32
    %add3A_1054 = vector.broadcast %add3A_1053 : i32 to vector<16xi32>
    %add3A_1055 = arith.addi %iota3A_1052, %add3A_1054 : vector<16xi32>
    tpu.vector_store_idx %arg20[%add3A_1055, %broadcast_in_dim3A_1015], %get3A_1051 : memref<512x5xf32, #tpu.memory_space<vmem>>[vector<16xi32>, vector<16xi32>], vector<16xf32>,
    %get3A_1056 = arith.constant 3 : i32
    %get3A_1057 = arith.index_cast %get3A_1056 : i32 to index
    %get3A_1058 = arith.constant 80 : index
    %get3A_1059 = tpu.vector_load %arg19[%get3A_1057, %get3A_1058] {strides = array<i32>} : memref<5x512xf32, #tpu.memory_space<vmem>>, vector<16xf32>,
    %iota3A_1060 = tpu.iota {dimensions = array<i32: 0>} : vector<16xi32>
    %add3A_1061 = arith.constant 80 : i32
    %add3A_1062 = vector.broadcast %add3A_1061 : i32 to vector<16xi32>
    %add3A_1063 = arith.addi %iota3A_1060, %add3A_1062 : vector<16xi32>
    tpu.vector_store_idx %arg20[%add3A_1063, %broadcast_in_dim3A_1015], %get3A_1059 : memref<512x5xf32, #tpu.memory_space<vmem>>[vector<16xi32>, vector<16xi32>], vector<16xf32>,
    %get3A_1064 = arith.constant 3 : i32
    %get3A_1065 = arith.index_cast %get3A_1064 : i32 to index
    %get3A_1066 = arith.constant 96 : index
    %get3A_1067 = tpu.vector_load %arg19[%get3A_1065, %get3A_1066] {strides = array<i32>} : memref<5x512xf32, #tpu.memory_space<vmem>>, vector<16xf32>,
    %iota3A_1068 = tpu.iota {dimensions = array<i32: 0>} : vector<16xi32>
    %add3A_1069 = arith.constant 96 : i32
    %add3A_1070 = vector.broadcast %add3A_1069 : i32 to vector<16xi32>
    %add3A_1071 = arith.addi %iota3A_1068, %add3A_1070 : vector<16xi32>
    tpu.vector_store_idx %arg20[%add3A_1071, %broadcast_in_dim3A_1015], %get3A_1067 : memref<512x5xf32, #tpu.memory_space<vmem>>[vector<16xi32>, vector<16xi32>], vector<16xf32>,
    %get3A_1072 = arith.constant 3 : i32
    %get3A_1073 = arith.index_cast %get3A_1072 : i32 to index
    %get3A_1074 = arith.constant 112 : index
    %get3A_1075 = tpu.vector_load %arg19[%get3A_1073, %get3A_1074] {strides = array<i32>} : memref<5x512xf32, #tpu.memory_space<vmem>>, vector<16xf32>,
    %iota3A_1076 = tpu.iota {dimensions = array<i32: 0>} : vector<16xi32>
    %add3A_1077 = arith.constant 112 : i32
    %add3A_1078 = vector.broadcast %add3A_1077 : i32 to vector<16xi32>
    %add3A_1079 = arith.addi %iota3A_1076, %add3A_1078 : vector<16xi32>
    tpu.vector_store_idx %arg20[%add3A_1079, %broadcast_in_dim3A_1015], %get3A_1075 : memref<512x5xf32, #tpu.memory_space<vmem>>[vector<16xi32>, vector<16xi32>], vector<16xf32>,
    %get3A_1080 = arith.constant 3 : i32
    %get3A_1081 = arith.index_cast %get3A_1080 : i32 to index
    %get3A_1082 = arith.constant 128 : index
    %get3A_1083 = tpu.vector_load %arg19[%get3A_1081, %get3A_1082] {strides = array<i32>} : memref<5x512xf32, #tpu.memory_space<vmem>>, vector<16xf32>,
    %iota3A_1084 = tpu.iota {dimensions = array<i32: 0>} : vector<16xi32>
    %add3A_1085 = arith.constant 128 : i32
    %add3A_1086 = vector.broadcast %add3A_1085 : i32 to vector<16xi32>
    %add3A_1087 = arith.addi %iota3A_1084, %add3A_1086 : vector<16xi32>
    tpu.vector_store_idx %arg20[%add3A_1087, %broadcast_in_dim3A_1015], %get3A_1083 : memref<512x5xf32, #tpu.memory_space<vmem>>[vector<16xi32>, vector<16xi32>], vector<16xf32>,
    %get3A_1088 = arith.constant 3 : i32
    %get3A_1089 = arith.index_cast %get3A_1088 : i32 to index
    %get3A_1090 = arith.constant 144 : index
    %get3A_1091 = tpu.vector_load %arg19[%get3A_1089, %get3A_1090] {strides = array<i32>} : memref<5x512xf32, #tpu.memory_space<vmem>>, vector<16xf32>,
    %iota3A_1092 = tpu.iota {dimensions = array<i32: 0>} : vector<16xi32>
    %add3A_1093 = arith.constant 144 : i32
    %add3A_1094 = vector.broadcast %add3A_1093 : i32 to vector<16xi32>
    %add3A_1095 = arith.addi %iota3A_1092, %add3A_1094 : vector<16xi32>
    tpu.vector_store_idx %arg20[%add3A_1095, %broadcast_in_dim3A_1015], %get3A_1091 : memref<512x5xf32, #tpu.memory_space<vmem>>[vector<16xi32>, vector<16xi32>], vector<16xf32>,
    %get3A_1096 = arith.constant 3 : i32
    %get3A_1097 = arith.index_cast %get3A_1096 : i32 to index
    %get3A_1098 = arith.constant 160 : index
    %get3A_1099 = tpu.vector_load %arg19[%get3A_1097, %get3A_1098] {strides = array<i32>} : memref<5x512xf32, #tpu.memory_space<vmem>>, vector<16xf32>,
    %iota3A_1100 = tpu.iota {dimensions = array<i32: 0>} : vector<16xi32>
    %add3A_1101 = arith.constant 160 : i32
    %add3A_1102 = vector.broadcast %add3A_1101 : i32 to vector<16xi32>
    %add3A_1103 = arith.addi %iota3A_1100, %add3A_1102 : vector<16xi32>
    tpu.vector_store_idx %arg20[%add3A_1103, %broadcast_in_dim3A_1015], %get3A_1099 : memref<512x5xf32, #tpu.memory_space<vmem>>[vector<16xi32>, vector<16xi32>], vector<16xf32>,
    %get3A_1104 = arith.constant 3 : i32
    %get3A_1105 = arith.index_cast %get3A_1104 : i32 to index
    %get3A_1106 = arith.constant 176 : index
    %get3A_1107 = tpu.vector_load %arg19[%get3A_1105, %get3A_1106] {strides = array<i32>} : memref<5x512xf32, #tpu.memory_space<vmem>>, vector<16xf32>,
    %iota3A_1108 = tpu.iota {dimensions = array<i32: 0>} : vector<16xi32>
    %add3A_1109 = arith.constant 176 : i32
    %add3A_1110 = vector.broadcast %add3A_1109 : i32 to vector<16xi32>
    %add3A_1111 = arith.addi %iota3A_1108, %add3A_1110 : vector<16xi32>
    tpu.vector_store_idx %arg20[%add3A_1111, %broadcast_in_dim3A_1015], %get3A_1107 : memref<512x5xf32, #tpu.memory_space<vmem>>[vector<16xi32>, vector<16xi32>], vector<16xf32>,
    %get3A_1112 = arith.constant 3 : i32
    %get3A_1113 = arith.index_cast %get3A_1112 : i32 to index
    %get3A_1114 = arith.constant 192 : index
    %get3A_1115 = tpu.vector_load %arg19[%get3A_1113, %get3A_1114] {strides = array<i32>} : memref<5x512xf32, #tpu.memory_space<vmem>>, vector<16xf32>,
    %iota3A_1116 = tpu.iota {dimensions = array<i32: 0>} : vector<16xi32>
    %add3A_1117 = arith.constant 192 : i32
    %add3A_1118 = vector.broadcast %add3A_1117 : i32 to vector<16xi32>
    %add3A_1119 = arith.addi %iota3A_1116, %add3A_1118 : vector<16xi32>
    tpu.vector_store_idx %arg20[%add3A_1119, %broadcast_in_dim3A_1015], %get3A_1115 : memref<512x5xf32, #tpu.memory_space<vmem>>[vector<16xi32>, vector<16xi32>], vector<16xf32>,
    %get3A_1120 = arith.constant 3 : i32
    %get3A_1121 = arith.index_cast %get3A_1120 : i32 to index
    %get3A_1122 = arith.constant 208 : index
    %get3A_1123 = tpu.vector_load %arg19[%get3A_1121, %get3A_1122] {strides = array<i32>} : memref<5x512xf32, #tpu.memory_space<vmem>>, vector<16xf32>,
    %iota3A_1124 = tpu.iota {dimensions = array<i32: 0>} : vector<16xi32>
    %add3A_1125 = arith.constant 208 : i32
    %add3A_1126 = vector.broadcast %add3A_1125 : i32 to vector<16xi32>
    %add3A_1127 = arith.addi %iota3A_1124, %add3A_1126 : vector<16xi32>
    tpu.vector_store_idx %arg20[%add3A_1127, %broadcast_in_dim3A_1015], %get3A_1123 : memref<512x5xf32, #tpu.memory_space<vmem>>[vector<16xi32>, vector<16xi32>], vector<16xf32>,
    %get3A_1128 = arith.constant 3 : i32
    %get3A_1129 = arith.index_cast %get3A_1128 : i32 to index
    %get3A_1130 = arith.constant 224 : index
    %get3A_1131 = tpu.vector_load %arg19[%get3A_1129, %get3A_1130] {strides = array<i32>} : memref<5x512xf32, #tpu.memory_space<vmem>>, vector<16xf32>,
    %iota3A_1132 = tpu.iota {dimensions = array<i32: 0>} : vector<16xi32>
    %add3A_1133 = arith.constant 224 : i32
    %add3A_1134 = vector.broadcast %add3A_1133 : i32 to vector<16xi32>
    %add3A_1135 = arith.addi %iota3A_1132, %add3A_1134 : vector<16xi32>
    tpu.vector_store_idx %arg20[%add3A_1135, %broadcast_in_dim3A_1015], %get3A_1131 : memref<512x5xf32, #tpu.memory_space<vmem>>[vector<16xi32>, vector<16xi32>], vector<16xf32>,
    %get3A_1136 = arith.constant 3 : i32
    %get3A_1137 = arith.index_cast %get3A_1136 : i32 to index
    %get3A_1138 = arith.constant 240 : index
    %get3A_1139 = tpu.vector_load %arg19[%get3A_1137, %get3A_1138] {strides = array<i32>} : memref<5x512xf32, #tpu.memory_space<vmem>>, vector<16xf32>,
    %iota3A_1140 = tpu.iota {dimensions = array<i32: 0>} : vector<16xi32>
    %add3A_1141 = arith.constant 240 : i32
    %add3A_1142 = vector.broadcast %add3A_1141 : i32 to vector<16xi32>
    %add3A_1143 = arith.addi %iota3A_1140, %add3A_1142 : vector<16xi32>
    tpu.vector_store_idx %arg20[%add3A_1143, %broadcast_in_dim3A_1015], %get3A_1139 : memref<512x5xf32, #tpu.memory_space<vmem>>[vector<16xi32>, vector<16xi32>], vector<16xf32>,
    %get3A_1144 = arith.constant 3 : i32
    %get3A_1145 = arith.index_cast %get3A_1144 : i32 to index
    %get3A_1146 = arith.constant 256 : index
    %get3A_1147 = tpu.vector_load %arg19[%get3A_1145, %get3A_1146] {strides = array<i32>} : memref<5x512xf32, #tpu.memory_space<vmem>>, vector<16xf32>,
    %iota3A_1148 = tpu.iota {dimensions = array<i32: 0>} : vector<16xi32>
    %add3A_1149 = arith.constant 256 : i32
    %add3A_1150 = vector.broadcast %add3A_1149 : i32 to vector<16xi32>
    %add3A_1151 = arith.addi %iota3A_1148, %add3A_1150 : vector<16xi32>
    tpu.vector_store_idx %arg20[%add3A_1151, %broadcast_in_dim3A_1015], %get3A_1147 : memref<512x5xf32, #tpu.memory_space<vmem>>[vector<16xi32>, vector<16xi32>], vector<16xf32>,
    %get3A_1152 = arith.constant 3 : i32
    %get3A_1153 = arith.index_cast %get3A_1152 : i32 to index
    %get3A_1154 = arith.constant 272 : index
    %get3A_1155 = tpu.vector_load %arg19[%get3A_1153, %get3A_1154] {strides = array<i32>} : memref<5x512xf32, #tpu.memory_space<vmem>>, vector<16xf32>,
    %iota3A_1156 = tpu.iota {dimensions = array<i32: 0>} : vector<16xi32>
    %add3A_1157 = arith.constant 272 : i32
    %add3A_1158 = vector.broadcast %add3A_1157 : i32 to vector<16xi32>
    %add3A_1159 = arith.addi %iota3A_1156, %add3A_1158 : vector<16xi32>
    tpu.vector_store_idx %arg20[%add3A_1159, %broadcast_in_dim3A_1015], %get3A_1155 : memref<512x5xf32, #tpu.memory_space<vmem>>[vector<16xi32>, vector<16xi32>], vector<16xf32>,
    %get3A_1160 = arith.constant 3 : i32
    %get3A_1161 = arith.index_cast %get3A_1160 : i32 to index
    %get3A_1162 = arith.constant 288 : index
    %get3A_1163 = tpu.vector_load %arg19[%get3A_1161, %get3A_1162] {strides = array<i32>} : memref<5x512xf32, #tpu.memory_space<vmem>>, vector<16xf32>,
    %iota3A_1164 = tpu.iota {dimensions = array<i32: 0>} : vector<16xi32>
    %add3A_1165 = arith.constant 288 : i32
    %add3A_1166 = vector.broadcast %add3A_1165 : i32 to vector<16xi32>
    %add3A_1167 = arith.addi %iota3A_1164, %add3A_1166 : vector<16xi32>
    tpu.vector_store_idx %arg20[%add3A_1167, %broadcast_in_dim3A_1015], %get3A_1163 : memref<512x5xf32, #tpu.memory_space<vmem>>[vector<16xi32>, vector<16xi32>], vector<16xf32>,
    %get3A_1168 = arith.constant 3 : i32
    %get3A_1169 = arith.index_cast %get3A_1168 : i32 to index
    %get3A_1170 = arith.constant 304 : index
    %get3A_1171 = tpu.vector_load %arg19[%get3A_1169, %get3A_1170] {strides = array<i32>} : memref<5x512xf32, #tpu.memory_space<vmem>>, vector<16xf32>,
    %iota3A_1172 = tpu.iota {dimensions = array<i32: 0>} : vector<16xi32>
    %add3A_1173 = arith.constant 304 : i32
    %add3A_1174 = vector.broadcast %add3A_1173 : i32 to vector<16xi32>
    %add3A_1175 = arith.addi %iota3A_1172, %add3A_1174 : vector<16xi32>
    tpu.vector_store_idx %arg20[%add3A_1175, %broadcast_in_dim3A_1015], %get3A_1171 : memref<512x5xf32, #tpu.memory_space<vmem>>[vector<16xi32>, vector<16xi32>], vector<16xf32>,
    %get3A_1176 = arith.constant 3 : i32
    %get3A_1177 = arith.index_cast %get3A_1176 : i32 to index
    %get3A_1178 = arith.constant 320 : index
    %get3A_1179 = tpu.vector_load %arg19[%get3A_1177, %get3A_1178] {strides = array<i32>} : memref<5x512xf32, #tpu.memory_space<vmem>>, vector<16xf32>,
    %iota3A_1180 = tpu.iota {dimensions = array<i32: 0>} : vector<16xi32>
    %add3A_1181 = arith.constant 320 : i32
    %add3A_1182 = vector.broadcast %add3A_1181 : i32 to vector<16xi32>
    %add3A_1183 = arith.addi %iota3A_1180, %add3A_1182 : vector<16xi32>
    tpu.vector_store_idx %arg20[%add3A_1183, %broadcast_in_dim3A_1015], %get3A_1179 : memref<512x5xf32, #tpu.memory_space<vmem>>[vector<16xi32>, vector<16xi32>], vector<16xf32>,
    %get3A_1184 = arith.constant 3 : i32
    %get3A_1185 = arith.index_cast %get3A_1184 : i32 to index
    %get3A_1186 = arith.constant 336 : index
    %get3A_1187 = tpu.vector_load %arg19[%get3A_1185, %get3A_1186] {strides = array<i32>} : memref<5x512xf32, #tpu.memory_space<vmem>>, vector<16xf32>,
    %iota3A_1188 = tpu.iota {dimensions = array<i32: 0>} : vector<16xi32>
    %add3A_1189 = arith.constant 336 : i32
    %add3A_1190 = vector.broadcast %add3A_1189 : i32 to vector<16xi32>
    %add3A_1191 = arith.addi %iota3A_1188, %add3A_1190 : vector<16xi32>
    tpu.vector_store_idx %arg20[%add3A_1191, %broadcast_in_dim3A_1015], %get3A_1187 : memref<512x5xf32, #tpu.memory_space<vmem>>[vector<16xi32>, vector<16xi32>], vector<16xf32>,
    %get3A_1192 = arith.constant 3 : i32
    %get3A_1193 = arith.index_cast %get3A_1192 : i32 to index
    %get3A_1194 = arith.constant 352 : index
    %get3A_1195 = tpu.vector_load %arg19[%get3A_1193, %get3A_1194] {strides = array<i32>} : memref<5x512xf32, #tpu.memory_space<vmem>>, vector<16xf32>,
    %iota3A_1196 = tpu.iota {dimensions = array<i32: 0>} : vector<16xi32>
    %add3A_1197 = arith.constant 352 : i32
    %add3A_1198 = vector.broadcast %add3A_1197 : i32 to vector<16xi32>
    %add3A_1199 = arith.addi %iota3A_1196, %add3A_1198 : vector<16xi32>
    tpu.vector_store_idx %arg20[%add3A_1199, %broadcast_in_dim3A_1015], %get3A_1195 : memref<512x5xf32, #tpu.memory_space<vmem>>[vector<16xi32>, vector<16xi32>], vector<16xf32>,
    %get3A_1200 = arith.constant 3 : i32
    %get3A_1201 = arith.index_cast %get3A_1200 : i32 to index
    %get3A_1202 = arith.constant 368 : index
    %get3A_1203 = tpu.vector_load %arg19[%get3A_1201, %get3A_1202] {strides = array<i32>} : memref<5x512xf32, #tpu.memory_space<vmem>>, vector<16xf32>,
    %iota3A_1204 = tpu.iota {dimensions = array<i32: 0>} : vector<16xi32>
    %add3A_1205 = arith.constant 368 : i32
    %add3A_1206 = vector.broadcast %add3A_1205 : i32 to vector<16xi32>
    %add3A_1207 = arith.addi %iota3A_1204, %add3A_1206 : vector<16xi32>
    tpu.vector_store_idx %arg20[%add3A_1207, %broadcast_in_dim3A_1015], %get3A_1203 : memref<512x5xf32, #tpu.memory_space<vmem>>[vector<16xi32>, vector<16xi32>], vector<16xf32>,
    %get3A_1208 = arith.constant 3 : i32
    %get3A_1209 = arith.index_cast %get3A_1208 : i32 to index
    %get3A_1210 = arith.constant 384 : index
    %get3A_1211 = tpu.vector_load %arg19[%get3A_1209, %get3A_1210] {strides = array<i32>} : memref<5x512xf32, #tpu.memory_space<vmem>>, vector<16xf32>,
    %iota3A_1212 = tpu.iota {dimensions = array<i32: 0>} : vector<16xi32>
    %add3A_1213 = arith.constant 384 : i32
    %add3A_1214 = vector.broadcast %add3A_1213 : i32 to vector<16xi32>
    %add3A_1215 = arith.addi %iota3A_1212, %add3A_1214 : vector<16xi32>
    tpu.vector_store_idx %arg20[%add3A_1215, %broadcast_in_dim3A_1015], %get3A_1211 : memref<512x5xf32, #tpu.memory_space<vmem>>[vector<16xi32>, vector<16xi32>], vector<16xf32>,
    %get3A_1216 = arith.constant 3 : i32
    %get3A_1217 = arith.index_cast %get3A_1216 : i32 to index
    %get3A_1218 = arith.constant 400 : index
    %get3A_1219 = tpu.vector_load %arg19[%get3A_1217, %get3A_1218] {strides = array<i32>} : memref<5x512xf32, #tpu.memory_space<vmem>>, vector<16xf32>,
    %iota3A_1220 = tpu.iota {dimensions = array<i32: 0>} : vector<16xi32>
    %add3A_1221 = arith.constant 400 : i32
    %add3A_1222 = vector.broadcast %add3A_1221 : i32 to vector<16xi32>
    %add3A_1223 = arith.addi %iota3A_1220, %add3A_1222 : vector<16xi32>
    tpu.vector_store_idx %arg20[%add3A_1223, %broadcast_in_dim3A_1015], %get3A_1219 : memref<512x5xf32, #tpu.memory_space<vmem>>[vector<16xi32>, vector<16xi32>], vector<16xf32>,
    %get3A_1224 = arith.constant 3 : i32
    %get3A_1225 = arith.index_cast %get3A_1224 : i32 to index
    %get3A_1226 = arith.constant 416 : index
    %get3A_1227 = tpu.vector_load %arg19[%get3A_1225, %get3A_1226] {strides = array<i32>} : memref<5x512xf32, #tpu.memory_space<vmem>>, vector<16xf32>,
    %iota3A_1228 = tpu.iota {dimensions = array<i32: 0>} : vector<16xi32>
    %add3A_1229 = arith.constant 416 : i32
    %add3A_1230 = vector.broadcast %add3A_1229 : i32 to vector<16xi32>
    %add3A_1231 = arith.addi %iota3A_1228, %add3A_1230 : vector<16xi32>
    tpu.vector_store_idx %arg20[%add3A_1231, %broadcast_in_dim3A_1015], %get3A_1227 : memref<512x5xf32, #tpu.memory_space<vmem>>[vector<16xi32>, vector<16xi32>], vector<16xf32>,
    %get3A_1232 = arith.constant 3 : i32
    %get3A_1233 = arith.index_cast %get3A_1232 : i32 to index
    %get3A_1234 = arith.constant 432 : index
    %get3A_1235 = tpu.vector_load %arg19[%get3A_1233, %get3A_1234] {strides = array<i32>} : memref<5x512xf32, #tpu.memory_space<vmem>>, vector<16xf32>,
    %iota3A_1236 = tpu.iota {dimensions = array<i32: 0>} : vector<16xi32>
    %add3A_1237 = arith.constant 432 : i32
    %add3A_1238 = vector.broadcast %add3A_1237 : i32 to vector<16xi32>
    %add3A_1239 = arith.addi %iota3A_1236, %add3A_1238 : vector<16xi32>
    tpu.vector_store_idx %arg20[%add3A_1239, %broadcast_in_dim3A_1015], %get3A_1235 : memref<512x5xf32, #tpu.memory_space<vmem>>[vector<16xi32>, vector<16xi32>], vector<16xf32>,
    %get3A_1240 = arith.constant 3 : i32
    %get3A_1241 = arith.index_cast %get3A_1240 : i32 to index
    %get3A_1242 = arith.constant 448 : index
    %get3A_1243 = tpu.vector_load %arg19[%get3A_1241, %get3A_1242] {strides = array<i32>} : memref<5x512xf32, #tpu.memory_space<vmem>>, vector<16xf32>,
    %iota3A_1244 = tpu.iota {dimensions = array<i32: 0>} : vector<16xi32>
    %add3A_1245 = arith.constant 448 : i32
    %add3A_1246 = vector.broadcast %add3A_1245 : i32 to vector<16xi32>
    %add3A_1247 = arith.addi %iota3A_1244, %add3A_1246 : vector<16xi32>
    tpu.vector_store_idx %arg20[%add3A_1247, %broadcast_in_dim3A_1015], %get3A_1243 : memref<512x5xf32, #tpu.memory_space<vmem>>[vector<16xi32>, vector<16xi32>], vector<16xf32>,
    %get3A_1248 = arith.constant 3 : i32
    %get3A_1249 = arith.index_cast %get3A_1248 : i32 to index
    %get3A_1250 = arith.constant 464 : index
    %get3A_1251 = tpu.vector_load %arg19[%get3A_1249, %get3A_1250] {strides = array<i32>} : memref<5x512xf32, #tpu.memory_space<vmem>>, vector<16xf32>,
    %iota3A_1252 = tpu.iota {dimensions = array<i32: 0>} : vector<16xi32>
    %add3A_1253 = arith.constant 464 : i32
    %add3A_1254 = vector.broadcast %add3A_1253 : i32 to vector<16xi32>
    %add3A_1255 = arith.addi %iota3A_1252, %add3A_1254 : vector<16xi32>
    tpu.vector_store_idx %arg20[%add3A_1255, %broadcast_in_dim3A_1015], %get3A_1251 : memref<512x5xf32, #tpu.memory_space<vmem>>[vector<16xi32>, vector<16xi32>], vector<16xf32>,
    %get3A_1256 = arith.constant 3 : i32
    %get3A_1257 = arith.index_cast %get3A_1256 : i32 to index
    %get3A_1258 = arith.constant 480 : index
    %get3A_1259 = tpu.vector_load %arg19[%get3A_1257, %get3A_1258] {strides = array<i32>} : memref<5x512xf32, #tpu.memory_space<vmem>>, vector<16xf32>,
    %iota3A_1260 = tpu.iota {dimensions = array<i32: 0>} : vector<16xi32>
    %add3A_1261 = arith.constant 480 : i32
    %add3A_1262 = vector.broadcast %add3A_1261 : i32 to vector<16xi32>
    %add3A_1263 = arith.addi %iota3A_1260, %add3A_1262 : vector<16xi32>
    tpu.vector_store_idx %arg20[%add3A_1263, %broadcast_in_dim3A_1015], %get3A_1259 : memref<512x5xf32, #tpu.memory_space<vmem>>[vector<16xi32>, vector<16xi32>], vector<16xf32>,
    %get3A_1264 = arith.constant 3 : i32
    %get3A_1265 = arith.index_cast %get3A_1264 : i32 to index
    %get3A_1266 = arith.constant 496 : index
    %get3A_1267 = tpu.vector_load %arg19[%get3A_1265, %get3A_1266] {strides = array<i32>} : memref<5x512xf32, #tpu.memory_space<vmem>>, vector<16xf32>,
    %iota3A_1268 = tpu.iota {dimensions = array<i32: 0>} : vector<16xi32>
    %add3A_1269 = arith.constant 496 : i32
    %add3A_1270 = vector.broadcast %add3A_1269 : i32 to vector<16xi32>
    %add3A_1271 = arith.addi %iota3A_1268, %add3A_1270 : vector<16xi32>
    tpu.vector_store_idx %arg20[%add3A_1271, %broadcast_in_dim3A_1015], %get3A_1267 : memref<512x5xf32, #tpu.memory_space<vmem>>[vector<16xi32>, vector<16xi32>], vector<16xf32>,
    %broadcast_in_dim3A_1272 = arith.constant 4 : i32
    %broadcast_in_dim3A_1273 = vector.broadcast %broadcast_in_dim3A_1272 : i32 to vector<16xi32>
    %get3A_1274 = arith.constant 4 : i32
    %get3A_1275 = arith.index_cast %get3A_1274 : i32 to index
    %get3A_1276 = arith.constant 0 : index
    %get3A_1277 = tpu.vector_load %arg19[%get3A_1275, %get3A_1276] {strides = array<i32>} : memref<5x512xf32, #tpu.memory_space<vmem>>, vector<16xf32>,
    %iota3A_1278 = tpu.iota {dimensions = array<i32: 0>} : vector<16xi32>
    %add3A_1279 = arith.constant 0 : i32
    %add3A_1280 = vector.broadcast %add3A_1279 : i32 to vector<16xi32>
    %add3A_1281 = arith.addi %iota3A_1278, %add3A_1280 : vector<16xi32>
    tpu.vector_store_idx %arg20[%add3A_1281, %broadcast_in_dim3A_1273], %get3A_1277 : memref<512x5xf32, #tpu.memory_space<vmem>>[vector<16xi32>, vector<16xi32>], vector<16xf32>,
    %get3A_1282 = arith.constant 4 : i32
    %get3A_1283 = arith.index_cast %get3A_1282 : i32 to index
    %get3A_1284 = arith.constant 16 : index
    %get3A_1285 = tpu.vector_load %arg19[%get3A_1283, %get3A_1284] {strides = array<i32>} : memref<5x512xf32, #tpu.memory_space<vmem>>, vector<16xf32>,
    %iota3A_1286 = tpu.iota {dimensions = array<i32: 0>} : vector<16xi32>
    %add3A_1287 = arith.constant 16 : i32
    %add3A_1288 = vector.broadcast %add3A_1287 : i32 to vector<16xi32>
    %add3A_1289 = arith.addi %iota3A_1286, %add3A_1288 : vector<16xi32>
    tpu.vector_store_idx %arg20[%add3A_1289, %broadcast_in_dim3A_1273], %get3A_1285 : memref<512x5xf32, #tpu.memory_space<vmem>>[vector<16xi32>, vector<16xi32>], vector<16xf32>,
    %get3A_1290 = arith.constant 4 : i32
    %get3A_1291 = arith.index_cast %get3A_1290 : i32 to index
    %get3A_1292 = arith.constant 32 : index
    %get3A_1293 = tpu.vector_load %arg19[%get3A_1291, %get3A_1292] {strides = array<i32>} : memref<5x512xf32, #tpu.memory_space<vmem>>, vector<16xf32>,
    %iota3A_1294 = tpu.iota {dimensions = array<i32: 0>} : vector<16xi32>
    %add3A_1295 = arith.constant 32 : i32
    %add3A_1296 = vector.broadcast %add3A_1295 : i32 to vector<16xi32>
    %add3A_1297 = arith.addi %iota3A_1294, %add3A_1296 : vector<16xi32>
    tpu.vector_store_idx %arg20[%add3A_1297, %broadcast_in_dim3A_1273], %get3A_1293 : memref<512x5xf32, #tpu.memory_space<vmem>>[vector<16xi32>, vector<16xi32>], vector<16xf32>,
    %get3A_1298 = arith.constant 4 : i32
    %get3A_1299 = arith.index_cast %get3A_1298 : i32 to index
    %get3A_1300 = arith.constant 48 : index
    %get3A_1301 = tpu.vector_load %arg19[%get3A_1299, %get3A_1300] {strides = array<i32>} : memref<5x512xf32, #tpu.memory_space<vmem>>, vector<16xf32>,
    %iota3A_1302 = tpu.iota {dimensions = array<i32: 0>} : vector<16xi32>
    %add3A_1303 = arith.constant 48 : i32
    %add3A_1304 = vector.broadcast %add3A_1303 : i32 to vector<16xi32>
    %add3A_1305 = arith.addi %iota3A_1302, %add3A_1304 : vector<16xi32>
    tpu.vector_store_idx %arg20[%add3A_1305, %broadcast_in_dim3A_1273], %get3A_1301 : memref<512x5xf32, #tpu.memory_space<vmem>>[vector<16xi32>, vector<16xi32>], vector<16xf32>,
    %get3A_1306 = arith.constant 4 : i32
    %get3A_1307 = arith.index_cast %get3A_1306 : i32 to index
    %get3A_1308 = arith.constant 64 : index
    %get3A_1309 = tpu.vector_load %arg19[%get3A_1307, %get3A_1308] {strides = array<i32>} : memref<5x512xf32, #tpu.memory_space<vmem>>, vector<16xf32>,
    %iota3A_1310 = tpu.iota {dimensions = array<i32: 0>} : vector<16xi32>
    %add3A_1311 = arith.constant 64 : i32
    %add3A_1312 = vector.broadcast %add3A_1311 : i32 to vector<16xi32>
    %add3A_1313 = arith.addi %iota3A_1310, %add3A_1312 : vector<16xi32>
    tpu.vector_store_idx %arg20[%add3A_1313, %broadcast_in_dim3A_1273], %get3A_1309 : memref<512x5xf32, #tpu.memory_space<vmem>>[vector<16xi32>, vector<16xi32>], vector<16xf32>,
    %get3A_1314 = arith.constant 4 : i32
    %get3A_1315 = arith.index_cast %get3A_1314 : i32 to index
    %get3A_1316 = arith.constant 80 : index
    %get3A_1317 = tpu.vector_load %arg19[%get3A_1315, %get3A_1316] {strides = array<i32>} : memref<5x512xf32, #tpu.memory_space<vmem>>, vector<16xf32>,
    %iota3A_1318 = tpu.iota {dimensions = array<i32: 0>} : vector<16xi32>
    %add3A_1319 = arith.constant 80 : i32
    %add3A_1320 = vector.broadcast %add3A_1319 : i32 to vector<16xi32>
    %add3A_1321 = arith.addi %iota3A_1318, %add3A_1320 : vector<16xi32>
    tpu.vector_store_idx %arg20[%add3A_1321, %broadcast_in_dim3A_1273], %get3A_1317 : memref<512x5xf32, #tpu.memory_space<vmem>>[vector<16xi32>, vector<16xi32>], vector<16xf32>,
    %get3A_1322 = arith.constant 4 : i32
    %get3A_1323 = arith.index_cast %get3A_1322 : i32 to index
    %get3A_1324 = arith.constant 96 : index
    %get3A_1325 = tpu.vector_load %arg19[%get3A_1323, %get3A_1324] {strides = array<i32>} : memref<5x512xf32, #tpu.memory_space<vmem>>, vector<16xf32>,
    %iota3A_1326 = tpu.iota {dimensions = array<i32: 0>} : vector<16xi32>
    %add3A_1327 = arith.constant 96 : i32
    %add3A_1328 = vector.broadcast %add3A_1327 : i32 to vector<16xi32>
    %add3A_1329 = arith.addi %iota3A_1326, %add3A_1328 : vector<16xi32>
    tpu.vector_store_idx %arg20[%add3A_1329, %broadcast_in_dim3A_1273], %get3A_1325 : memref<512x5xf32, #tpu.memory_space<vmem>>[vector<16xi32>, vector<16xi32>], vector<16xf32>,
    %get3A_1330 = arith.constant 4 : i32
    %get3A_1331 = arith.index_cast %get3A_1330 : i32 to index
    %get3A_1332 = arith.constant 112 : index
    %get3A_1333 = tpu.vector_load %arg19[%get3A_1331, %get3A_1332] {strides = array<i32>} : memref<5x512xf32, #tpu.memory_space<vmem>>, vector<16xf32>,
    %iota3A_1334 = tpu.iota {dimensions = array<i32: 0>} : vector<16xi32>
    %add3A_1335 = arith.constant 112 : i32
    %add3A_1336 = vector.broadcast %add3A_1335 : i32 to vector<16xi32>
    %add3A_1337 = arith.addi %iota3A_1334, %add3A_1336 : vector<16xi32>
    tpu.vector_store_idx %arg20[%add3A_1337, %broadcast_in_dim3A_1273], %get3A_1333 : memref<512x5xf32, #tpu.memory_space<vmem>>[vector<16xi32>, vector<16xi32>], vector<16xf32>,
    %get3A_1338 = arith.constant 4 : i32
    %get3A_1339 = arith.index_cast %get3A_1338 : i32 to index
    %get3A_1340 = arith.constant 128 : index
    %get3A_1341 = tpu.vector_load %arg19[%get3A_1339, %get3A_1340] {strides = array<i32>} : memref<5x512xf32, #tpu.memory_space<vmem>>, vector<16xf32>,
    %iota3A_1342 = tpu.iota {dimensions = array<i32: 0>} : vector<16xi32>
    %add3A_1343 = arith.constant 128 : i32
    %add3A_1344 = vector.broadcast %add3A_1343 : i32 to vector<16xi32>
    %add3A_1345 = arith.addi %iota3A_1342, %add3A_1344 : vector<16xi32>
    tpu.vector_store_idx %arg20[%add3A_1345, %broadcast_in_dim3A_1273], %get3A_1341 : memref<512x5xf32, #tpu.memory_space<vmem>>[vector<16xi32>, vector<16xi32>], vector<16xf32>,
    %get3A_1346 = arith.constant 4 : i32
    %get3A_1347 = arith.index_cast %get3A_1346 : i32 to index
    %get3A_1348 = arith.constant 144 : index
    %get3A_1349 = tpu.vector_load %arg19[%get3A_1347, %get3A_1348] {strides = array<i32>} : memref<5x512xf32, #tpu.memory_space<vmem>>, vector<16xf32>,
    %iota3A_1350 = tpu.iota {dimensions = array<i32: 0>} : vector<16xi32>
    %add3A_1351 = arith.constant 144 : i32
    %add3A_1352 = vector.broadcast %add3A_1351 : i32 to vector<16xi32>
    %add3A_1353 = arith.addi %iota3A_1350, %add3A_1352 : vector<16xi32>
    tpu.vector_store_idx %arg20[%add3A_1353, %broadcast_in_dim3A_1273], %get3A_1349 : memref<512x5xf32, #tpu.memory_space<vmem>>[vector<16xi32>, vector<16xi32>], vector<16xf32>,
    %get3A_1354 = arith.constant 4 : i32
    %get3A_1355 = arith.index_cast %get3A_1354 : i32 to index
    %get3A_1356 = arith.constant 160 : index
    %get3A_1357 = tpu.vector_load %arg19[%get3A_1355, %get3A_1356] {strides = array<i32>} : memref<5x512xf32, #tpu.memory_space<vmem>>, vector<16xf32>,
    %iota3A_1358 = tpu.iota {dimensions = array<i32: 0>} : vector<16xi32>
    %add3A_1359 = arith.constant 160 : i32
    %add3A_1360 = vector.broadcast %add3A_1359 : i32 to vector<16xi32>
    %add3A_1361 = arith.addi %iota3A_1358, %add3A_1360 : vector<16xi32>
    tpu.vector_store_idx %arg20[%add3A_1361, %broadcast_in_dim3A_1273], %get3A_1357 : memref<512x5xf32, #tpu.memory_space<vmem>>[vector<16xi32>, vector<16xi32>], vector<16xf32>,
    %get3A_1362 = arith.constant 4 : i32
    %get3A_1363 = arith.index_cast %get3A_1362 : i32 to index
    %get3A_1364 = arith.constant 176 : index
    %get3A_1365 = tpu.vector_load %arg19[%get3A_1363, %get3A_1364] {strides = array<i32>} : memref<5x512xf32, #tpu.memory_space<vmem>>, vector<16xf32>,
    %iota3A_1366 = tpu.iota {dimensions = array<i32: 0>} : vector<16xi32>
    %add3A_1367 = arith.constant 176 : i32
    %add3A_1368 = vector.broadcast %add3A_1367 : i32 to vector<16xi32>
    %add3A_1369 = arith.addi %iota3A_1366, %add3A_1368 : vector<16xi32>
    tpu.vector_store_idx %arg20[%add3A_1369, %broadcast_in_dim3A_1273], %get3A_1365 : memref<512x5xf32, #tpu.memory_space<vmem>>[vector<16xi32>, vector<16xi32>], vector<16xf32>,
    %get3A_1370 = arith.constant 4 : i32
    %get3A_1371 = arith.index_cast %get3A_1370 : i32 to index
    %get3A_1372 = arith.constant 192 : index
    %get3A_1373 = tpu.vector_load %arg19[%get3A_1371, %get3A_1372] {strides = array<i32>} : memref<5x512xf32, #tpu.memory_space<vmem>>, vector<16xf32>,
    %iota3A_1374 = tpu.iota {dimensions = array<i32: 0>} : vector<16xi32>
    %add3A_1375 = arith.constant 192 : i32
    %add3A_1376 = vector.broadcast %add3A_1375 : i32 to vector<16xi32>
    %add3A_1377 = arith.addi %iota3A_1374, %add3A_1376 : vector<16xi32>
    tpu.vector_store_idx %arg20[%add3A_1377, %broadcast_in_dim3A_1273], %get3A_1373 : memref<512x5xf32, #tpu.memory_space<vmem>>[vector<16xi32>, vector<16xi32>], vector<16xf32>,
    %get3A_1378 = arith.constant 4 : i32
    %get3A_1379 = arith.index_cast %get3A_1378 : i32 to index
    %get3A_1380 = arith.constant 208 : index
    %get3A_1381 = tpu.vector_load %arg19[%get3A_1379, %get3A_1380] {strides = array<i32>} : memref<5x512xf32, #tpu.memory_space<vmem>>, vector<16xf32>,
    %iota3A_1382 = tpu.iota {dimensions = array<i32: 0>} : vector<16xi32>
    %add3A_1383 = arith.constant 208 : i32
    %add3A_1384 = vector.broadcast %add3A_1383 : i32 to vector<16xi32>
    %add3A_1385 = arith.addi %iota3A_1382, %add3A_1384 : vector<16xi32>
    tpu.vector_store_idx %arg20[%add3A_1385, %broadcast_in_dim3A_1273], %get3A_1381 : memref<512x5xf32, #tpu.memory_space<vmem>>[vector<16xi32>, vector<16xi32>], vector<16xf32>,
    %get3A_1386 = arith.constant 4 : i32
    %get3A_1387 = arith.index_cast %get3A_1386 : i32 to index
    %get3A_1388 = arith.constant 224 : index
    %get3A_1389 = tpu.vector_load %arg19[%get3A_1387, %get3A_1388] {strides = array<i32>} : memref<5x512xf32, #tpu.memory_space<vmem>>, vector<16xf32>,
    %iota3A_1390 = tpu.iota {dimensions = array<i32: 0>} : vector<16xi32>
    %add3A_1391 = arith.constant 224 : i32
    %add3A_1392 = vector.broadcast %add3A_1391 : i32 to vector<16xi32>
    %add3A_1393 = arith.addi %iota3A_1390, %add3A_1392 : vector<16xi32>
    tpu.vector_store_idx %arg20[%add3A_1393, %broadcast_in_dim3A_1273], %get3A_1389 : memref<512x5xf32, #tpu.memory_space<vmem>>[vector<16xi32>, vector<16xi32>], vector<16xf32>,
    %get3A_1394 = arith.constant 4 : i32
    %get3A_1395 = arith.index_cast %get3A_1394 : i32 to index
    %get3A_1396 = arith.constant 240 : index
    %get3A_1397 = tpu.vector_load %arg19[%get3A_1395, %get3A_1396] {strides = array<i32>} : memref<5x512xf32, #tpu.memory_space<vmem>>, vector<16xf32>,
    %iota3A_1398 = tpu.iota {dimensions = array<i32: 0>} : vector<16xi32>
    %add3A_1399 = arith.constant 240 : i32
    %add3A_1400 = vector.broadcast %add3A_1399 : i32 to vector<16xi32>
    %add3A_1401 = arith.addi %iota3A_1398, %add3A_1400 : vector<16xi32>
    tpu.vector_store_idx %arg20[%add3A_1401, %broadcast_in_dim3A_1273], %get3A_1397 : memref<512x5xf32, #tpu.memory_space<vmem>>[vector<16xi32>, vector<16xi32>], vector<16xf32>,
    %get3A_1402 = arith.constant 4 : i32
    %get3A_1403 = arith.index_cast %get3A_1402 : i32 to index
    %get3A_1404 = arith.constant 256 : index
    %get3A_1405 = tpu.vector_load %arg19[%get3A_1403, %get3A_1404] {strides = array<i32>} : memref<5x512xf32, #tpu.memory_space<vmem>>, vector<16xf32>,
    %iota3A_1406 = tpu.iota {dimensions = array<i32: 0>} : vector<16xi32>
    %add3A_1407 = arith.constant 256 : i32
    %add3A_1408 = vector.broadcast %add3A_1407 : i32 to vector<16xi32>
    %add3A_1409 = arith.addi %iota3A_1406, %add3A_1408 : vector<16xi32>
    tpu.vector_store_idx %arg20[%add3A_1409, %broadcast_in_dim3A_1273], %get3A_1405 : memref<512x5xf32, #tpu.memory_space<vmem>>[vector<16xi32>, vector<16xi32>], vector<16xf32>,
    %get3A_1410 = arith.constant 4 : i32
    %get3A_1411 = arith.index_cast %get3A_1410 : i32 to index
    %get3A_1412 = arith.constant 272 : index
    %get3A_1413 = tpu.vector_load %arg19[%get3A_1411, %get3A_1412] {strides = array<i32>} : memref<5x512xf32, #tpu.memory_space<vmem>>, vector<16xf32>,
    %iota3A_1414 = tpu.iota {dimensions = array<i32: 0>} : vector<16xi32>
    %add3A_1415 = arith.constant 272 : i32
    %add3A_1416 = vector.broadcast %add3A_1415 : i32 to vector<16xi32>
    %add3A_1417 = arith.addi %iota3A_1414, %add3A_1416 : vector<16xi32>
    tpu.vector_store_idx %arg20[%add3A_1417, %broadcast_in_dim3A_1273], %get3A_1413 : memref<512x5xf32, #tpu.memory_space<vmem>>[vector<16xi32>, vector<16xi32>], vector<16xf32>,
    %get3A_1418 = arith.constant 4 : i32
    %get3A_1419 = arith.index_cast %get3A_1418 : i32 to index
    %get3A_1420 = arith.constant 288 : index
    %get3A_1421 = tpu.vector_load %arg19[%get3A_1419, %get3A_1420] {strides = array<i32>} : memref<5x512xf32, #tpu.memory_space<vmem>>, vector<16xf32>,
    %iota3A_1422 = tpu.iota {dimensions = array<i32: 0>} : vector<16xi32>
    %add3A_1423 = arith.constant 288 : i32
    %add3A_1424 = vector.broadcast %add3A_1423 : i32 to vector<16xi32>
    %add3A_1425 = arith.addi %iota3A_1422, %add3A_1424 : vector<16xi32>
    tpu.vector_store_idx %arg20[%add3A_1425, %broadcast_in_dim3A_1273], %get3A_1421 : memref<512x5xf32, #tpu.memory_space<vmem>>[vector<16xi32>, vector<16xi32>], vector<16xf32>,
    %get3A_1426 = arith.constant 4 : i32
    %get3A_1427 = arith.index_cast %get3A_1426 : i32 to index
    %get3A_1428 = arith.constant 304 : index
    %get3A_1429 = tpu.vector_load %arg19[%get3A_1427, %get3A_1428] {strides = array<i32>} : memref<5x512xf32, #tpu.memory_space<vmem>>, vector<16xf32>,
    %iota3A_1430 = tpu.iota {dimensions = array<i32: 0>} : vector<16xi32>
    %add3A_1431 = arith.constant 304 : i32
    %add3A_1432 = vector.broadcast %add3A_1431 : i32 to vector<16xi32>
    %add3A_1433 = arith.addi %iota3A_1430, %add3A_1432 : vector<16xi32>
    tpu.vector_store_idx %arg20[%add3A_1433, %broadcast_in_dim3A_1273], %get3A_1429 : memref<512x5xf32, #tpu.memory_space<vmem>>[vector<16xi32>, vector<16xi32>], vector<16xf32>,
    %get3A_1434 = arith.constant 4 : i32
    %get3A_1435 = arith.index_cast %get3A_1434 : i32 to index
    %get3A_1436 = arith.constant 320 : index
    %get3A_1437 = tpu.vector_load %arg19[%get3A_1435, %get3A_1436] {strides = array<i32>} : memref<5x512xf32, #tpu.memory_space<vmem>>, vector<16xf32>,
    %iota3A_1438 = tpu.iota {dimensions = array<i32: 0>} : vector<16xi32>
    %add3A_1439 = arith.constant 320 : i32
    %add3A_1440 = vector.broadcast %add3A_1439 : i32 to vector<16xi32>
    %add3A_1441 = arith.addi %iota3A_1438, %add3A_1440 : vector<16xi32>
    tpu.vector_store_idx %arg20[%add3A_1441, %broadcast_in_dim3A_1273], %get3A_1437 : memref<512x5xf32, #tpu.memory_space<vmem>>[vector<16xi32>, vector<16xi32>], vector<16xf32>,
    %get3A_1442 = arith.constant 4 : i32
    %get3A_1443 = arith.index_cast %get3A_1442 : i32 to index
    %get3A_1444 = arith.constant 336 : index
    %get3A_1445 = tpu.vector_load %arg19[%get3A_1443, %get3A_1444] {strides = array<i32>} : memref<5x512xf32, #tpu.memory_space<vmem>>, vector<16xf32>,
    %iota3A_1446 = tpu.iota {dimensions = array<i32: 0>} : vector<16xi32>
    %add3A_1447 = arith.constant 336 : i32
    %add3A_1448 = vector.broadcast %add3A_1447 : i32 to vector<16xi32>
    %add3A_1449 = arith.addi %iota3A_1446, %add3A_1448 : vector<16xi32>
    tpu.vector_store_idx %arg20[%add3A_1449, %broadcast_in_dim3A_1273], %get3A_1445 : memref<512x5xf32, #tpu.memory_space<vmem>>[vector<16xi32>, vector<16xi32>], vector<16xf32>,
    %get3A_1450 = arith.constant 4 : i32
    %get3A_1451 = arith.index_cast %get3A_1450 : i32 to index
    %get3A_1452 = arith.constant 352 : index
    %get3A_1453 = tpu.vector_load %arg19[%get3A_1451, %get3A_1452] {strides = array<i32>} : memref<5x512xf32, #tpu.memory_space<vmem>>, vector<16xf32>,
    %iota3A_1454 = tpu.iota {dimensions = array<i32: 0>} : vector<16xi32>
    %add3A_1455 = arith.constant 352 : i32
    %add3A_1456 = vector.broadcast %add3A_1455 : i32 to vector<16xi32>
    %add3A_1457 = arith.addi %iota3A_1454, %add3A_1456 : vector<16xi32>
    tpu.vector_store_idx %arg20[%add3A_1457, %broadcast_in_dim3A_1273], %get3A_1453 : memref<512x5xf32, #tpu.memory_space<vmem>>[vector<16xi32>, vector<16xi32>], vector<16xf32>,
    %get3A_1458 = arith.constant 4 : i32
    %get3A_1459 = arith.index_cast %get3A_1458 : i32 to index
    %get3A_1460 = arith.constant 368 : index
    %get3A_1461 = tpu.vector_load %arg19[%get3A_1459, %get3A_1460] {strides = array<i32>} : memref<5x512xf32, #tpu.memory_space<vmem>>, vector<16xf32>,
    %iota3A_1462 = tpu.iota {dimensions = array<i32: 0>} : vector<16xi32>
    %add3A_1463 = arith.constant 368 : i32
    %add3A_1464 = vector.broadcast %add3A_1463 : i32 to vector<16xi32>
    %add3A_1465 = arith.addi %iota3A_1462, %add3A_1464 : vector<16xi32>
    tpu.vector_store_idx %arg20[%add3A_1465, %broadcast_in_dim3A_1273], %get3A_1461 : memref<512x5xf32, #tpu.memory_space<vmem>>[vector<16xi32>, vector<16xi32>], vector<16xf32>,
    %get3A_1466 = arith.constant 4 : i32
    %get3A_1467 = arith.index_cast %get3A_1466 : i32 to index
    %get3A_1468 = arith.constant 384 : index
    %get3A_1469 = tpu.vector_load %arg19[%get3A_1467, %get3A_1468] {strides = array<i32>} : memref<5x512xf32, #tpu.memory_space<vmem>>, vector<16xf32>,
    %iota3A_1470 = tpu.iota {dimensions = array<i32: 0>} : vector<16xi32>
    %add3A_1471 = arith.constant 384 : i32
    %add3A_1472 = vector.broadcast %add3A_1471 : i32 to vector<16xi32>
    %add3A_1473 = arith.addi %iota3A_1470, %add3A_1472 : vector<16xi32>
    tpu.vector_store_idx %arg20[%add3A_1473, %broadcast_in_dim3A_1273], %get3A_1469 : memref<512x5xf32, #tpu.memory_space<vmem>>[vector<16xi32>, vector<16xi32>], vector<16xf32>,
    %get3A_1474 = arith.constant 4 : i32
    %get3A_1475 = arith.index_cast %get3A_1474 : i32 to index
    %get3A_1476 = arith.constant 400 : index
    %get3A_1477 = tpu.vector_load %arg19[%get3A_1475, %get3A_1476] {strides = array<i32>} : memref<5x512xf32, #tpu.memory_space<vmem>>, vector<16xf32>,
    %iota3A_1478 = tpu.iota {dimensions = array<i32: 0>} : vector<16xi32>
    %add3A_1479 = arith.constant 400 : i32
    %add3A_1480 = vector.broadcast %add3A_1479 : i32 to vector<16xi32>
    %add3A_1481 = arith.addi %iota3A_1478, %add3A_1480 : vector<16xi32>
    tpu.vector_store_idx %arg20[%add3A_1481, %broadcast_in_dim3A_1273], %get3A_1477 : memref<512x5xf32, #tpu.memory_space<vmem>>[vector<16xi32>, vector<16xi32>], vector<16xf32>,
    %get3A_1482 = arith.constant 4 : i32
    %get3A_1483 = arith.index_cast %get3A_1482 : i32 to index
    %get3A_1484 = arith.constant 416 : index
    %get3A_1485 = tpu.vector_load %arg19[%get3A_1483, %get3A_1484] {strides = array<i32>} : memref<5x512xf32, #tpu.memory_space<vmem>>, vector<16xf32>,
    %iota3A_1486 = tpu.iota {dimensions = array<i32: 0>} : vector<16xi32>
    %add3A_1487 = arith.constant 416 : i32
    %add3A_1488 = vector.broadcast %add3A_1487 : i32 to vector<16xi32>
    %add3A_1489 = arith.addi %iota3A_1486, %add3A_1488 : vector<16xi32>
    tpu.vector_store_idx %arg20[%add3A_1489, %broadcast_in_dim3A_1273], %get3A_1485 : memref<512x5xf32, #tpu.memory_space<vmem>>[vector<16xi32>, vector<16xi32>], vector<16xf32>,
    %get3A_1490 = arith.constant 4 : i32
    %get3A_1491 = arith.index_cast %get3A_1490 : i32 to index
    %get3A_1492 = arith.constant 432 : index
    %get3A_1493 = tpu.vector_load %arg19[%get3A_1491, %get3A_1492] {strides = array<i32>} : memref<5x512xf32, #tpu.memory_space<vmem>>, vector<16xf32>,
    %iota3A_1494 = tpu.iota {dimensions = array<i32: 0>} : vector<16xi32>
    %add3A_1495 = arith.constant 432 : i32
    %add3A_1496 = vector.broadcast %add3A_1495 : i32 to vector<16xi32>
    %add3A_1497 = arith.addi %iota3A_1494, %add3A_1496 : vector<16xi32>
    tpu.vector_store_idx %arg20[%add3A_1497, %broadcast_in_dim3A_1273], %get3A_1493 : memref<512x5xf32, #tpu.memory_space<vmem>>[vector<16xi32>, vector<16xi32>], vector<16xf32>,
    %get3A_1498 = arith.constant 4 : i32
    %get3A_1499 = arith.index_cast %get3A_1498 : i32 to index
    %get3A_1500 = arith.constant 448 : index
    %get3A_1501 = tpu.vector_load %arg19[%get3A_1499, %get3A_1500] {strides = array<i32>} : memref<5x512xf32, #tpu.memory_space<vmem>>, vector<16xf32>,
    %iota3A_1502 = tpu.iota {dimensions = array<i32: 0>} : vector<16xi32>
    %add3A_1503 = arith.constant 448 : i32
    %add3A_1504 = vector.broadcast %add3A_1503 : i32 to vector<16xi32>
    %add3A_1505 = arith.addi %iota3A_1502, %add3A_1504 : vector<16xi32>
    tpu.vector_store_idx %arg20[%add3A_1505, %broadcast_in_dim3A_1273], %get3A_1501 : memref<512x5xf32, #tpu.memory_space<vmem>>[vector<16xi32>, vector<16xi32>], vector<16xf32>,
    %get3A_1506 = arith.constant 4 : i32
    %get3A_1507 = arith.index_cast %get3A_1506 : i32 to index
    %get3A_1508 = arith.constant 464 : index
    %get3A_1509 = tpu.vector_load %arg19[%get3A_1507, %get3A_1508] {strides = array<i32>} : memref<5x512xf32, #tpu.memory_space<vmem>>, vector<16xf32>,
    %iota3A_1510 = tpu.iota {dimensions = array<i32: 0>} : vector<16xi32>
    %add3A_1511 = arith.constant 464 : i32
    %add3A_1512 = vector.broadcast %add3A_1511 : i32 to vector<16xi32>
    %add3A_1513 = arith.addi %iota3A_1510, %add3A_1512 : vector<16xi32>
    tpu.vector_store_idx %arg20[%add3A_1513, %broadcast_in_dim3A_1273], %get3A_1509 : memref<512x5xf32, #tpu.memory_space<vmem>>[vector<16xi32>, vector<16xi32>], vector<16xf32>,
    %get3A_1514 = arith.constant 4 : i32
    %get3A_1515 = arith.index_cast %get3A_1514 : i32 to index
    %get3A_1516 = arith.constant 480 : index
    %get3A_1517 = tpu.vector_load %arg19[%get3A_1515, %get3A_1516] {strides = array<i32>} : memref<5x512xf32, #tpu.memory_space<vmem>>, vector<16xf32>,
    %iota3A_1518 = tpu.iota {dimensions = array<i32: 0>} : vector<16xi32>
    %add3A_1519 = arith.constant 480 : i32
    %add3A_1520 = vector.broadcast %add3A_1519 : i32 to vector<16xi32>
    %add3A_1521 = arith.addi %iota3A_1518, %add3A_1520 : vector<16xi32>
    tpu.vector_store_idx %arg20[%add3A_1521, %broadcast_in_dim3A_1273], %get3A_1517 : memref<512x5xf32, #tpu.memory_space<vmem>>[vector<16xi32>, vector<16xi32>], vector<16xf32>,
    %get3A_1522 = arith.constant 4 : i32
    %get3A_1523 = arith.index_cast %get3A_1522 : i32 to index
    %get3A_1524 = arith.constant 496 : index
    %get3A_1525 = tpu.vector_load %arg19[%get3A_1523, %get3A_1524] {strides = array<i32>} : memref<5x512xf32, #tpu.memory_space<vmem>>, vector<16xf32>,
    %iota3A_1526 = tpu.iota {dimensions = array<i32: 0>} : vector<16xi32>
    %add3A_1527 = arith.constant 496 : i32
    %add3A_1528 = vector.broadcast %add3A_1527 : i32 to vector<16xi32>
    %add3A_1529 = arith.addi %iota3A_1526, %add3A_1528 : vector<16xi32>
    tpu.vector_store_idx %arg20[%add3A_1529, %broadcast_in_dim3A_1273], %get3A_1525 : memref<512x5xf32, #tpu.memory_space<vmem>>[vector<16xi32>, vector<16xi32>], vector<16xf32>,
    %dma_wait3A_1530 = arith.constant 0 : i32
    %dma_wait3A_1531 = arith.constant 0 : i32
    %dma_wait3A_1532 = arith.constant 0 : i32
    %dma_wait3A_1533 = tpu.memref_slice %arg17[%dma_wait3A_1531, %dma_wait3A_1532] : memref<512x64xf32, #tpu.memory_space<vmem>> -> memref<128x64xf32, #tpu.memory_space<vmem>>
    %dma_wait3A_1534 = arith.constant 0 : i32
    %dma_wait3A_1535 = tpu.memref_slice %arg16[%dma_wait3A_1530, %dma_wait3A_1534] : memref<4x512xi32, #tpu.memory_space<vmem>> -> memref<1x128xi32, #tpu.memory_space<vmem>>
    %dma_wait3A_1536 = tpu.memref_squeeze %dma_wait3A_1535 : memref<1x128xi32, #tpu.memory_space<vmem>> -> memref<128xi32, #tpu.memory_space<vmem>>
    %dma_wait3A_1537 = arith.constant 0 : i32
    %dma_wait3A_1538 = arith.constant 0 : i32
    %dma_wait3A_1539 = tpu.memref_slice %arg11[%dma_wait3A_1537, %dma_wait3A_1538] : memref<100000x64xf32, #tpu.memory_space<hbm>> -> memref<100000x64xf32, #tpu.memory_space<hbm>>
    tpu.wait_indirect_dma semaphore(%arg22 : memref<!tpu.dma_semaphore, #tpu.memory_space<semaphore_mem>>) src(%dma_wait3A_1539 : memref<100000x64xf32, #tpu.memory_space<hbm>>) dst(%dma_wait3A_1533 : memref<128x64xf32, #tpu.memory_space<vmem>>)
    %dma_wait3A_1540 = arith.constant 0 : i32
    %dma_wait3A_1541 = arith.constant 128 : i32
    %dma_wait3A_1542 = arith.constant 0 : i32
    %dma_wait3A_1543 = tpu.memref_slice %arg17[%dma_wait3A_1541, %dma_wait3A_1542] : memref<512x64xf32, #tpu.memory_space<vmem>> -> memref<128x64xf32, #tpu.memory_space<vmem>>
    %dma_wait3A_1544 = arith.constant 128 : i32
    %dma_wait3A_1545 = tpu.memref_slice %arg16[%dma_wait3A_1540, %dma_wait3A_1544] : memref<4x512xi32, #tpu.memory_space<vmem>> -> memref<1x128xi32, #tpu.memory_space<vmem>>
    %dma_wait3A_1546 = tpu.memref_squeeze %dma_wait3A_1545 : memref<1x128xi32, #tpu.memory_space<vmem>> -> memref<128xi32, #tpu.memory_space<vmem>>
    %dma_wait3A_1547 = arith.constant 0 : i32
    %dma_wait3A_1548 = arith.constant 0 : i32
    %dma_wait3A_1549 = tpu.memref_slice %arg11[%dma_wait3A_1547, %dma_wait3A_1548] : memref<100000x64xf32, #tpu.memory_space<hbm>> -> memref<100000x64xf32, #tpu.memory_space<hbm>>
    tpu.wait_indirect_dma semaphore(%arg22 : memref<!tpu.dma_semaphore, #tpu.memory_space<semaphore_mem>>) src(%dma_wait3A_1549 : memref<100000x64xf32, #tpu.memory_space<hbm>>) dst(%dma_wait3A_1543 : memref<128x64xf32, #tpu.memory_space<vmem>>)
    %dma_wait3A_1550 = arith.constant 0 : i32
    %dma_wait3A_1551 = arith.constant 256 : i32
    %dma_wait3A_1552 = arith.constant 0 : i32
    %dma_wait3A_1553 = tpu.memref_slice %arg17[%dma_wait3A_1551, %dma_wait3A_1552] : memref<512x64xf32, #tpu.memory_space<vmem>> -> memref<128x64xf32, #tpu.memory_space<vmem>>
    %dma_wait3A_1554 = arith.constant 256 : i32
    %dma_wait3A_1555 = tpu.memref_slice %arg16[%dma_wait3A_1550, %dma_wait3A_1554] : memref<4x512xi32, #tpu.memory_space<vmem>> -> memref<1x128xi32, #tpu.memory_space<vmem>>
    %dma_wait3A_1556 = tpu.memref_squeeze %dma_wait3A_1555 : memref<1x128xi32, #tpu.memory_space<vmem>> -> memref<128xi32, #tpu.memory_space<vmem>>
    %dma_wait3A_1557 = arith.constant 0 : i32
    %dma_wait3A_1558 = arith.constant 0 : i32
    %dma_wait3A_1559 = tpu.memref_slice %arg11[%dma_wait3A_1557, %dma_wait3A_1558] : memref<100000x64xf32, #tpu.memory_space<hbm>> -> memref<100000x64xf32, #tpu.memory_space<hbm>>
    tpu.wait_indirect_dma semaphore(%arg22 : memref<!tpu.dma_semaphore, #tpu.memory_space<semaphore_mem>>) src(%dma_wait3A_1559 : memref<100000x64xf32, #tpu.memory_space<hbm>>) dst(%dma_wait3A_1553 : memref<128x64xf32, #tpu.memory_space<vmem>>)
    %dma_wait3A_1560 = arith.constant 0 : i32
    %dma_wait3A_1561 = arith.constant 384 : i32
    %dma_wait3A_1562 = arith.constant 0 : i32
    %dma_wait3A_1563 = tpu.memref_slice %arg17[%dma_wait3A_1561, %dma_wait3A_1562] : memref<512x64xf32, #tpu.memory_space<vmem>> -> memref<128x64xf32, #tpu.memory_space<vmem>>
    %dma_wait3A_1564 = arith.constant 384 : i32
    %dma_wait3A_1565 = tpu.memref_slice %arg16[%dma_wait3A_1560, %dma_wait3A_1564] : memref<4x512xi32, #tpu.memory_space<vmem>> -> memref<1x128xi32, #tpu.memory_space<vmem>>
    %dma_wait3A_1566 = tpu.memref_squeeze %dma_wait3A_1565 : memref<1x128xi32, #tpu.memory_space<vmem>> -> memref<128xi32, #tpu.memory_space<vmem>>
    %dma_wait3A_1567 = arith.constant 0 : i32
    %dma_wait3A_1568 = arith.constant 0 : i32
    %dma_wait3A_1569 = tpu.memref_slice %arg11[%dma_wait3A_1567, %dma_wait3A_1568] : memref<100000x64xf32, #tpu.memory_space<hbm>> -> memref<100000x64xf32, #tpu.memory_space<hbm>>
    tpu.wait_indirect_dma semaphore(%arg22 : memref<!tpu.dma_semaphore, #tpu.memory_space<semaphore_mem>>) src(%dma_wait3A_1569 : memref<100000x64xf32, #tpu.memory_space<hbm>>) dst(%dma_wait3A_1563 : memref<128x64xf32, #tpu.memory_space<vmem>>)
    %dma_start3A_1570 = arith.constant 0 : i32
    %dma_start3A_1571 = tpu.memref_slice %arg15[%mul3A_2, %dma_start3A_1570] : memref<16384x261xf32, #tpu.memory_space<hbm>> -> memref<512x64xf32, #tpu.memory_space<hbm>>
    %dma_start3A_1572 = arith.constant 0 : i32
    %dma_start3A_1573 = tpu.memref_slice %arg15[%mul3A_2, %dma_start3A_1572] : memref<16384x261xf32, #tpu.memory_space<hbm>> -> memref<512x64xf32, #tpu.memory_space<hbm>>
    tpu.enqueue_dma source(%arg17 : memref<512x64xf32, #tpu.memory_space<vmem>>) target(%dma_start3A_1573 : memref<512x64xf32, #tpu.memory_space<hbm>>) target_semaphore(%arg23 : memref<!tpu.dma_semaphore, #tpu.memory_space<semaphore_mem>>)
    %dma_wait3A_1574 = arith.constant 0 : i32
    %dma_wait3A_1575 = tpu.memref_slice %arg15[%mul3A_2, %dma_wait3A_1574] : memref<16384x261xf32, #tpu.memory_space<hbm>> -> memref<512x64xf32, #tpu.memory_space<hbm>>
    %dma_wait3A_1576 = arith.constant 0 : i32
    %dma_wait3A_1577 = tpu.memref_slice %arg15[%mul3A_2, %dma_wait3A_1576] : memref<16384x261xf32, #tpu.memory_space<hbm>> -> memref<512x64xf32, #tpu.memory_space<hbm>>
    tpu.wait_dma2 semaphore(%arg23 : memref<!tpu.dma_semaphore, #tpu.memory_space<semaphore_mem>>) src(%arg17 : memref<512x64xf32, #tpu.memory_space<vmem>>) dst(%dma_wait3A_1577 : memref<512x64xf32, #tpu.memory_space<hbm>>)
    %dma_start3A_1578 = arith.constant 2 : i32
    %dma_start3A_1579 = arith.constant 0 : i32
    %dma_start3A_1580 = arith.constant 0 : i32
    %dma_start3A_1581 = tpu.memref_slice %arg17[%dma_start3A_1579, %dma_start3A_1580] : memref<512x64xf32, #tpu.memory_space<vmem>> -> memref<128x64xf32, #tpu.memory_space<vmem>>
    %dma_start3A_1582 = arith.constant 0 : i32
    %dma_start3A_1583 = tpu.memref_slice %arg16[%dma_start3A_1578, %dma_start3A_1582] : memref<4x512xi32, #tpu.memory_space<vmem>> -> memref<1x128xi32, #tpu.memory_space<vmem>>
    %dma_start3A_1584 = tpu.memref_squeeze %dma_start3A_1583 : memref<1x128xi32, #tpu.memory_space<vmem>> -> memref<128xi32, #tpu.memory_space<vmem>>
    %dma_start3A_1585 = arith.constant 0 : i32
    %dma_start3A_1586 = arith.constant 0 : i32
    %dma_start3A_1587 = tpu.memref_slice %arg13[%dma_start3A_1585, %dma_start3A_1586] : memref<1000x64xf32, #tpu.memory_space<hbm>> -> memref<1000x64xf32, #tpu.memory_space<hbm>>
    tpu.enqueue_indirect_dma source(%dma_start3A_1587 : memref<1000x64xf32, #tpu.memory_space<hbm>>) target(%dma_start3A_1581 : memref<128x64xf32, #tpu.memory_space<vmem>>) offsets(%dma_start3A_1584 : memref<128xi32, #tpu.memory_space<vmem>>) semaphore(%arg22 : memref<!tpu.dma_semaphore, #tpu.memory_space<semaphore_mem>>)
    %dma_start3A_1588 = arith.constant 2 : i32
    %dma_start3A_1589 = arith.constant 128 : i32
    %dma_start3A_1590 = arith.constant 0 : i32
    %dma_start3A_1591 = tpu.memref_slice %arg17[%dma_start3A_1589, %dma_start3A_1590] : memref<512x64xf32, #tpu.memory_space<vmem>> -> memref<128x64xf32, #tpu.memory_space<vmem>>
    %dma_start3A_1592 = arith.constant 128 : i32
    %dma_start3A_1593 = tpu.memref_slice %arg16[%dma_start3A_1588, %dma_start3A_1592] : memref<4x512xi32, #tpu.memory_space<vmem>> -> memref<1x128xi32, #tpu.memory_space<vmem>>
    %dma_start3A_1594 = tpu.memref_squeeze %dma_start3A_1593 : memref<1x128xi32, #tpu.memory_space<vmem>> -> memref<128xi32, #tpu.memory_space<vmem>>
    %dma_start3A_1595 = arith.constant 0 : i32
    %dma_start3A_1596 = arith.constant 0 : i32
    %dma_start3A_1597 = tpu.memref_slice %arg13[%dma_start3A_1595, %dma_start3A_1596] : memref<1000x64xf32, #tpu.memory_space<hbm>> -> memref<1000x64xf32, #tpu.memory_space<hbm>>
    tpu.enqueue_indirect_dma source(%dma_start3A_1597 : memref<1000x64xf32, #tpu.memory_space<hbm>>) target(%dma_start3A_1591 : memref<128x64xf32, #tpu.memory_space<vmem>>) offsets(%dma_start3A_1594 : memref<128xi32, #tpu.memory_space<vmem>>) semaphore(%arg22 : memref<!tpu.dma_semaphore, #tpu.memory_space<semaphore_mem>>)
    %dma_start3A_1598 = arith.constant 2 : i32
    %dma_start3A_1599 = arith.constant 256 : i32
    %dma_start3A_1600 = arith.constant 0 : i32
    %dma_start3A_1601 = tpu.memref_slice %arg17[%dma_start3A_1599, %dma_start3A_1600] : memref<512x64xf32, #tpu.memory_space<vmem>> -> memref<128x64xf32, #tpu.memory_space<vmem>>
    %dma_start3A_1602 = arith.constant 256 : i32
    %dma_start3A_1603 = tpu.memref_slice %arg16[%dma_start3A_1598, %dma_start3A_1602] : memref<4x512xi32, #tpu.memory_space<vmem>> -> memref<1x128xi32, #tpu.memory_space<vmem>>
    %dma_start3A_1604 = tpu.memref_squeeze %dma_start3A_1603 : memref<1x128xi32, #tpu.memory_space<vmem>> -> memref<128xi32, #tpu.memory_space<vmem>>
    %dma_start3A_1605 = arith.constant 0 : i32
    %dma_start3A_1606 = arith.constant 0 : i32
    %dma_start3A_1607 = tpu.memref_slice %arg13[%dma_start3A_1605, %dma_start3A_1606] : memref<1000x64xf32, #tpu.memory_space<hbm>> -> memref<1000x64xf32, #tpu.memory_space<hbm>>
    tpu.enqueue_indirect_dma source(%dma_start3A_1607 : memref<1000x64xf32, #tpu.memory_space<hbm>>) target(%dma_start3A_1601 : memref<128x64xf32, #tpu.memory_space<vmem>>) offsets(%dma_start3A_1604 : memref<128xi32, #tpu.memory_space<vmem>>) semaphore(%arg22 : memref<!tpu.dma_semaphore, #tpu.memory_space<semaphore_mem>>)
    %dma_start3A_1608 = arith.constant 2 : i32
    %dma_start3A_1609 = arith.constant 384 : i32
    %dma_start3A_1610 = arith.constant 0 : i32
    %dma_start3A_1611 = tpu.memref_slice %arg17[%dma_start3A_1609, %dma_start3A_1610] : memref<512x64xf32, #tpu.memory_space<vmem>> -> memref<128x64xf32, #tpu.memory_space<vmem>>
    %dma_start3A_1612 = arith.constant 384 : i32
    %dma_start3A_1613 = tpu.memref_slice %arg16[%dma_start3A_1608, %dma_start3A_1612] : memref<4x512xi32, #tpu.memory_space<vmem>> -> memref<1x128xi32, #tpu.memory_space<vmem>>
    %dma_start3A_1614 = tpu.memref_squeeze %dma_start3A_1613 : memref<1x128xi32, #tpu.memory_space<vmem>> -> memref<128xi32, #tpu.memory_space<vmem>>
    %dma_start3A_1615 = arith.constant 0 : i32
    %dma_start3A_1616 = arith.constant 0 : i32
    %dma_start3A_1617 = tpu.memref_slice %arg13[%dma_start3A_1615, %dma_start3A_1616] : memref<1000x64xf32, #tpu.memory_space<hbm>> -> memref<1000x64xf32, #tpu.memory_space<hbm>>
    tpu.enqueue_indirect_dma source(%dma_start3A_1617 : memref<1000x64xf32, #tpu.memory_space<hbm>>) target(%dma_start3A_1611 : memref<128x64xf32, #tpu.memory_space<vmem>>) offsets(%dma_start3A_1614 : memref<128xi32, #tpu.memory_space<vmem>>) semaphore(%arg22 : memref<!tpu.dma_semaphore, #tpu.memory_space<semaphore_mem>>)
    %dma_wait3A_1618 = arith.constant 1 : i32
    %dma_wait3A_1619 = arith.constant 0 : i32
    %dma_wait3A_1620 = arith.constant 0 : i32
    %dma_wait3A_1621 = tpu.memref_slice %arg18[%dma_wait3A_1619, %dma_wait3A_1620] : memref<512x64xf32, #tpu.memory_space<vmem>> -> memref<128x64xf32, #tpu.memory_space<vmem>>
    %dma_wait3A_1622 = arith.constant 0 : i32
    %dma_wait3A_1623 = tpu.memref_slice %arg16[%dma_wait3A_1618, %dma_wait3A_1622] : memref<4x512xi32, #tpu.memory_space<vmem>> -> memref<1x128xi32, #tpu.memory_space<vmem>>
    %dma_wait3A_1624 = tpu.memref_squeeze %dma_wait3A_1623 : memref<1x128xi32, #tpu.memory_space<vmem>> -> memref<128xi32, #tpu.memory_space<vmem>>
    %dma_wait3A_1625 = arith.constant 0 : i32
    %dma_wait3A_1626 = arith.constant 0 : i32
    %dma_wait3A_1627 = tpu.memref_slice %arg12[%dma_wait3A_1625, %dma_wait3A_1626] : memref<1000x64xf32, #tpu.memory_space<hbm>> -> memref<1000x64xf32, #tpu.memory_space<hbm>>
    tpu.wait_indirect_dma semaphore(%arg22 : memref<!tpu.dma_semaphore, #tpu.memory_space<semaphore_mem>>) src(%dma_wait3A_1627 : memref<1000x64xf32, #tpu.memory_space<hbm>>) dst(%dma_wait3A_1621 : memref<128x64xf32, #tpu.memory_space<vmem>>)
    %dma_wait3A_1628 = arith.constant 1 : i32
    %dma_wait3A_1629 = arith.constant 128 : i32
    %dma_wait3A_1630 = arith.constant 0 : i32
    %dma_wait3A_1631 = tpu.memref_slice %arg18[%dma_wait3A_1629, %dma_wait3A_1630] : memref<512x64xf32, #tpu.memory_space<vmem>> -> memref<128x64xf32, #tpu.memory_space<vmem>>
    %dma_wait3A_1632 = arith.constant 128 : i32
    %dma_wait3A_1633 = tpu.memref_slice %arg16[%dma_wait3A_1628, %dma_wait3A_1632] : memref<4x512xi32, #tpu.memory_space<vmem>> -> memref<1x128xi32, #tpu.memory_space<vmem>>
    %dma_wait3A_1634 = tpu.memref_squeeze %dma_wait3A_1633 : memref<1x128xi32, #tpu.memory_space<vmem>> -> memref<128xi32, #tpu.memory_space<vmem>>
    %dma_wait3A_1635 = arith.constant 0 : i32
    %dma_wait3A_1636 = arith.constant 0 : i32
    %dma_wait3A_1637 = tpu.memref_slice %arg12[%dma_wait3A_1635, %dma_wait3A_1636] : memref<1000x64xf32, #tpu.memory_space<hbm>> -> memref<1000x64xf32, #tpu.memory_space<hbm>>
    tpu.wait_indirect_dma semaphore(%arg22 : memref<!tpu.dma_semaphore, #tpu.memory_space<semaphore_mem>>) src(%dma_wait3A_1637 : memref<1000x64xf32, #tpu.memory_space<hbm>>) dst(%dma_wait3A_1631 : memref<128x64xf32, #tpu.memory_space<vmem>>)
    %dma_wait3A_1638 = arith.constant 1 : i32
    %dma_wait3A_1639 = arith.constant 256 : i32
    %dma_wait3A_1640 = arith.constant 0 : i32
    %dma_wait3A_1641 = tpu.memref_slice %arg18[%dma_wait3A_1639, %dma_wait3A_1640] : memref<512x64xf32, #tpu.memory_space<vmem>> -> memref<128x64xf32, #tpu.memory_space<vmem>>
    %dma_wait3A_1642 = arith.constant 256 : i32
    %dma_wait3A_1643 = tpu.memref_slice %arg16[%dma_wait3A_1638, %dma_wait3A_1642] : memref<4x512xi32, #tpu.memory_space<vmem>> -> memref<1x128xi32, #tpu.memory_space<vmem>>
    %dma_wait3A_1644 = tpu.memref_squeeze %dma_wait3A_1643 : memref<1x128xi32, #tpu.memory_space<vmem>> -> memref<128xi32, #tpu.memory_space<vmem>>
    %dma_wait3A_1645 = arith.constant 0 : i32
    %dma_wait3A_1646 = arith.constant 0 : i32
    %dma_wait3A_1647 = tpu.memref_slice %arg12[%dma_wait3A_1645, %dma_wait3A_1646] : memref<1000x64xf32, #tpu.memory_space<hbm>> -> memref<1000x64xf32, #tpu.memory_space<hbm>>
    tpu.wait_indirect_dma semaphore(%arg22 : memref<!tpu.dma_semaphore, #tpu.memory_space<semaphore_mem>>) src(%dma_wait3A_1647 : memref<1000x64xf32, #tpu.memory_space<hbm>>) dst(%dma_wait3A_1641 : memref<128x64xf32, #tpu.memory_space<vmem>>)
    %dma_wait3A_1648 = arith.constant 1 : i32
    %dma_wait3A_1649 = arith.constant 384 : i32
    %dma_wait3A_1650 = arith.constant 0 : i32
    %dma_wait3A_1651 = tpu.memref_slice %arg18[%dma_wait3A_1649, %dma_wait3A_1650] : memref<512x64xf32, #tpu.memory_space<vmem>> -> memref<128x64xf32, #tpu.memory_space<vmem>>
    %dma_wait3A_1652 = arith.constant 384 : i32
    %dma_wait3A_1653 = tpu.memref_slice %arg16[%dma_wait3A_1648, %dma_wait3A_1652] : memref<4x512xi32, #tpu.memory_space<vmem>> -> memref<1x128xi32, #tpu.memory_space<vmem>>
    %dma_wait3A_1654 = tpu.memref_squeeze %dma_wait3A_1653 : memref<1x128xi32, #tpu.memory_space<vmem>> -> memref<128xi32, #tpu.memory_space<vmem>>
    %dma_wait3A_1655 = arith.constant 0 : i32
    %dma_wait3A_1656 = arith.constant 0 : i32
    %dma_wait3A_1657 = tpu.memref_slice %arg12[%dma_wait3A_1655, %dma_wait3A_1656] : memref<1000x64xf32, #tpu.memory_space<hbm>> -> memref<1000x64xf32, #tpu.memory_space<hbm>>
    tpu.wait_indirect_dma semaphore(%arg22 : memref<!tpu.dma_semaphore, #tpu.memory_space<semaphore_mem>>) src(%dma_wait3A_1657 : memref<1000x64xf32, #tpu.memory_space<hbm>>) dst(%dma_wait3A_1651 : memref<128x64xf32, #tpu.memory_space<vmem>>)
    %dma_start3A_1658 = arith.constant 64 : i32
    %dma_start3A_1659 = tpu.memref_slice %arg15[%mul3A_2, %dma_start3A_1658] : memref<16384x261xf32, #tpu.memory_space<hbm>> -> memref<512x64xf32, #tpu.memory_space<hbm>>
    %dma_start3A_1660 = arith.constant 64 : i32
    %dma_start3A_1661 = tpu.memref_slice %arg15[%mul3A_2, %dma_start3A_1660] : memref<16384x261xf32, #tpu.memory_space<hbm>> -> memref<512x64xf32, #tpu.memory_space<hbm>>
    tpu.enqueue_dma source(%arg18 : memref<512x64xf32, #tpu.memory_space<vmem>>) target(%dma_start3A_1661 : memref<512x64xf32, #tpu.memory_space<hbm>>) target_semaphore(%arg23 : memref<!tpu.dma_semaphore, #tpu.memory_space<semaphore_mem>>)
    %dma_wait3A_1662 = arith.constant 64 : i32
    %dma_wait3A_1663 = tpu.memref_slice %arg15[%mul3A_2, %dma_wait3A_1662] : memref<16384x261xf32, #tpu.memory_space<hbm>> -> memref<512x64xf32, #tpu.memory_space<hbm>>
    %dma_wait3A_1664 = arith.constant 64 : i32
    %dma_wait3A_1665 = tpu.memref_slice %arg15[%mul3A_2, %dma_wait3A_1664] : memref<16384x261xf32, #tpu.memory_space<hbm>> -> memref<512x64xf32, #tpu.memory_space<hbm>>
    tpu.wait_dma2 semaphore(%arg23 : memref<!tpu.dma_semaphore, #tpu.memory_space<semaphore_mem>>) src(%arg18 : memref<512x64xf32, #tpu.memory_space<vmem>>) dst(%dma_wait3A_1665 : memref<512x64xf32, #tpu.memory_space<hbm>>)
    %dma_start3A_1666 = arith.constant 3 : i32
    %dma_start3A_1667 = arith.constant 0 : i32
    %dma_start3A_1668 = arith.constant 0 : i32
    %dma_start3A_1669 = tpu.memref_slice %arg18[%dma_start3A_1667, %dma_start3A_1668] : memref<512x64xf32, #tpu.memory_space<vmem>> -> memref<128x64xf32, #tpu.memory_space<vmem>>
    %dma_start3A_1670 = arith.constant 0 : i32
    %dma_start3A_1671 = tpu.memref_slice %arg16[%dma_start3A_1666, %dma_start3A_1670] : memref<4x512xi32, #tpu.memory_space<vmem>> -> memref<1x128xi32, #tpu.memory_space<vmem>>
    %dma_start3A_1672 = tpu.memref_squeeze %dma_start3A_1671 : memref<1x128xi32, #tpu.memory_space<vmem>> -> memref<128xi32, #tpu.memory_space<vmem>>
    %dma_start3A_1673 = arith.constant 0 : i32
    %dma_start3A_1674 = arith.constant 0 : i32
    %dma_start3A_1675 = tpu.memref_slice %arg14[%dma_start3A_1673, %dma_start3A_1674] : memref<1000x64xf32, #tpu.memory_space<hbm>> -> memref<1000x64xf32, #tpu.memory_space<hbm>>
    tpu.enqueue_indirect_dma source(%dma_start3A_1675 : memref<1000x64xf32, #tpu.memory_space<hbm>>) target(%dma_start3A_1669 : memref<128x64xf32, #tpu.memory_space<vmem>>) offsets(%dma_start3A_1672 : memref<128xi32, #tpu.memory_space<vmem>>) semaphore(%arg22 : memref<!tpu.dma_semaphore, #tpu.memory_space<semaphore_mem>>)
    %dma_start3A_1676 = arith.constant 3 : i32
    %dma_start3A_1677 = arith.constant 128 : i32
    %dma_start3A_1678 = arith.constant 0 : i32
    %dma_start3A_1679 = tpu.memref_slice %arg18[%dma_start3A_1677, %dma_start3A_1678] : memref<512x64xf32, #tpu.memory_space<vmem>> -> memref<128x64xf32, #tpu.memory_space<vmem>>
    %dma_start3A_1680 = arith.constant 128 : i32
    %dma_start3A_1681 = tpu.memref_slice %arg16[%dma_start3A_1676, %dma_start3A_1680] : memref<4x512xi32, #tpu.memory_space<vmem>> -> memref<1x128xi32, #tpu.memory_space<vmem>>
    %dma_start3A_1682 = tpu.memref_squeeze %dma_start3A_1681 : memref<1x128xi32, #tpu.memory_space<vmem>> -> memref<128xi32, #tpu.memory_space<vmem>>
    %dma_start3A_1683 = arith.constant 0 : i32
    %dma_start3A_1684 = arith.constant 0 : i32
    %dma_start3A_1685 = tpu.memref_slice %arg14[%dma_start3A_1683, %dma_start3A_1684] : memref<1000x64xf32, #tpu.memory_space<hbm>> -> memref<1000x64xf32, #tpu.memory_space<hbm>>
    tpu.enqueue_indirect_dma source(%dma_start3A_1685 : memref<1000x64xf32, #tpu.memory_space<hbm>>) target(%dma_start3A_1679 : memref<128x64xf32, #tpu.memory_space<vmem>>) offsets(%dma_start3A_1682 : memref<128xi32, #tpu.memory_space<vmem>>) semaphore(%arg22 : memref<!tpu.dma_semaphore, #tpu.memory_space<semaphore_mem>>)
    %dma_start3A_1686 = arith.constant 3 : i32
    %dma_start3A_1687 = arith.constant 256 : i32
    %dma_start3A_1688 = arith.constant 0 : i32
    %dma_start3A_1689 = tpu.memref_slice %arg18[%dma_start3A_1687, %dma_start3A_1688] : memref<512x64xf32, #tpu.memory_space<vmem>> -> memref<128x64xf32, #tpu.memory_space<vmem>>
    %dma_start3A_1690 = arith.constant 256 : i32
    %dma_start3A_1691 = tpu.memref_slice %arg16[%dma_start3A_1686, %dma_start3A_1690] : memref<4x512xi32, #tpu.memory_space<vmem>> -> memref<1x128xi32, #tpu.memory_space<vmem>>
    %dma_start3A_1692 = tpu.memref_squeeze %dma_start3A_1691 : memref<1x128xi32, #tpu.memory_space<vmem>> -> memref<128xi32, #tpu.memory_space<vmem>>
    %dma_start3A_1693 = arith.constant 0 : i32
    %dma_start3A_1694 = arith.constant 0 : i32
    %dma_start3A_1695 = tpu.memref_slice %arg14[%dma_start3A_1693, %dma_start3A_1694] : memref<1000x64xf32, #tpu.memory_space<hbm>> -> memref<1000x64xf32, #tpu.memory_space<hbm>>
    tpu.enqueue_indirect_dma source(%dma_start3A_1695 : memref<1000x64xf32, #tpu.memory_space<hbm>>) target(%dma_start3A_1689 : memref<128x64xf32, #tpu.memory_space<vmem>>) offsets(%dma_start3A_1692 : memref<128xi32, #tpu.memory_space<vmem>>) semaphore(%arg22 : memref<!tpu.dma_semaphore, #tpu.memory_space<semaphore_mem>>)
    %dma_start3A_1696 = arith.constant 3 : i32
    %dma_start3A_1697 = arith.constant 384 : i32
    %dma_start3A_1698 = arith.constant 0 : i32
    %dma_start3A_1699 = tpu.memref_slice %arg18[%dma_start3A_1697, %dma_start3A_1698] : memref<512x64xf32, #tpu.memory_space<vmem>> -> memref<128x64xf32, #tpu.memory_space<vmem>>
    %dma_start3A_1700 = arith.constant 384 : i32
    %dma_start3A_1701 = tpu.memref_slice %arg16[%dma_start3A_1696, %dma_start3A_1700] : memref<4x512xi32, #tpu.memory_space<vmem>> -> memref<1x128xi32, #tpu.memory_space<vmem>>
    %dma_start3A_1702 = tpu.memref_squeeze %dma_start3A_1701 : memref<1x128xi32, #tpu.memory_space<vmem>> -> memref<128xi32, #tpu.memory_space<vmem>>
    %dma_start3A_1703 = arith.constant 0 : i32
    %dma_start3A_1704 = arith.constant 0 : i32
    %dma_start3A_1705 = tpu.memref_slice %arg14[%dma_start3A_1703, %dma_start3A_1704] : memref<1000x64xf32, #tpu.memory_space<hbm>> -> memref<1000x64xf32, #tpu.memory_space<hbm>>
    tpu.enqueue_indirect_dma source(%dma_start3A_1705 : memref<1000x64xf32, #tpu.memory_space<hbm>>) target(%dma_start3A_1699 : memref<128x64xf32, #tpu.memory_space<vmem>>) offsets(%dma_start3A_1702 : memref<128xi32, #tpu.memory_space<vmem>>) semaphore(%arg22 : memref<!tpu.dma_semaphore, #tpu.memory_space<semaphore_mem>>)
    %dma_wait3A_1706 = arith.constant 2 : i32
    %dma_wait3A_1707 = arith.constant 0 : i32
    %dma_wait3A_1708 = arith.constant 0 : i32
    %dma_wait3A_1709 = tpu.memref_slice %arg17[%dma_wait3A_1707, %dma_wait3A_1708] : memref<512x64xf32, #tpu.memory_space<vmem>> -> memref<128x64xf32, #tpu.memory_space<vmem>>
    %dma_wait3A_1710 = arith.constant 0 : i32
    %dma_wait3A_1711 = tpu.memref_slice %arg16[%dma_wait3A_1706, %dma_wait3A_1710] : memref<4x512xi32, #tpu.memory_space<vmem>> -> memref<1x128xi32, #tpu.memory_space<vmem>>
    %dma_wait3A_1712 = tpu.memref_squeeze %dma_wait3A_1711 : memref<1x128xi32, #tpu.memory_space<vmem>> -> memref<128xi32, #tpu.memory_space<vmem>>
    %dma_wait3A_1713 = arith.constant 0 : i32
    %dma_wait3A_1714 = arith.constant 0 : i32
    %dma_wait3A_1715 = tpu.memref_slice %arg13[%dma_wait3A_1713, %dma_wait3A_1714] : memref<1000x64xf32, #tpu.memory_space<hbm>> -> memref<1000x64xf32, #tpu.memory_space<hbm>>
    tpu.wait_indirect_dma semaphore(%arg22 : memref<!tpu.dma_semaphore, #tpu.memory_space<semaphore_mem>>) src(%dma_wait3A_1715 : memref<1000x64xf32, #tpu.memory_space<hbm>>) dst(%dma_wait3A_1709 : memref<128x64xf32, #tpu.memory_space<vmem>>)
    %dma_wait3A_1716 = arith.constant 2 : i32
    %dma_wait3A_1717 = arith.constant 128 : i32
    %dma_wait3A_1718 = arith.constant 0 : i32
    %dma_wait3A_1719 = tpu.memref_slice %arg17[%dma_wait3A_1717, %dma_wait3A_1718] : memref<512x64xf32, #tpu.memory_space<vmem>> -> memref<128x64xf32, #tpu.memory_space<vmem>>
    %dma_wait3A_1720 = arith.constant 128 : i32
    %dma_wait3A_1721 = tpu.memref_slice %arg16[%dma_wait3A_1716, %dma_wait3A_1720] : memref<4x512xi32, #tpu.memory_space<vmem>> -> memref<1x128xi32, #tpu.memory_space<vmem>>
    %dma_wait3A_1722 = tpu.memref_squeeze %dma_wait3A_1721 : memref<1x128xi32, #tpu.memory_space<vmem>> -> memref<128xi32, #tpu.memory_space<vmem>>
    %dma_wait3A_1723 = arith.constant 0 : i32
    %dma_wait3A_1724 = arith.constant 0 : i32
    %dma_wait3A_1725 = tpu.memref_slice %arg13[%dma_wait3A_1723, %dma_wait3A_1724] : memref<1000x64xf32, #tpu.memory_space<hbm>> -> memref<1000x64xf32, #tpu.memory_space<hbm>>
    tpu.wait_indirect_dma semaphore(%arg22 : memref<!tpu.dma_semaphore, #tpu.memory_space<semaphore_mem>>) src(%dma_wait3A_1725 : memref<1000x64xf32, #tpu.memory_space<hbm>>) dst(%dma_wait3A_1719 : memref<128x64xf32, #tpu.memory_space<vmem>>)
    %dma_wait3A_1726 = arith.constant 2 : i32
    %dma_wait3A_1727 = arith.constant 256 : i32
    %dma_wait3A_1728 = arith.constant 0 : i32
    %dma_wait3A_1729 = tpu.memref_slice %arg17[%dma_wait3A_1727, %dma_wait3A_1728] : memref<512x64xf32, #tpu.memory_space<vmem>> -> memref<128x64xf32, #tpu.memory_space<vmem>>
    %dma_wait3A_1730 = arith.constant 256 : i32
    %dma_wait3A_1731 = tpu.memref_slice %arg16[%dma_wait3A_1726, %dma_wait3A_1730] : memref<4x512xi32, #tpu.memory_space<vmem>> -> memref<1x128xi32, #tpu.memory_space<vmem>>
    %dma_wait3A_1732 = tpu.memref_squeeze %dma_wait3A_1731 : memref<1x128xi32, #tpu.memory_space<vmem>> -> memref<128xi32, #tpu.memory_space<vmem>>
    %dma_wait3A_1733 = arith.constant 0 : i32
    %dma_wait3A_1734 = arith.constant 0 : i32
    %dma_wait3A_1735 = tpu.memref_slice %arg13[%dma_wait3A_1733, %dma_wait3A_1734] : memref<1000x64xf32, #tpu.memory_space<hbm>> -> memref<1000x64xf32, #tpu.memory_space<hbm>>
    tpu.wait_indirect_dma semaphore(%arg22 : memref<!tpu.dma_semaphore, #tpu.memory_space<semaphore_mem>>) src(%dma_wait3A_1735 : memref<1000x64xf32, #tpu.memory_space<hbm>>) dst(%dma_wait3A_1729 : memref<128x64xf32, #tpu.memory_space<vmem>>)
    %dma_wait3A_1736 = arith.constant 2 : i32
    %dma_wait3A_1737 = arith.constant 384 : i32
    %dma_wait3A_1738 = arith.constant 0 : i32
    %dma_wait3A_1739 = tpu.memref_slice %arg17[%dma_wait3A_1737, %dma_wait3A_1738] : memref<512x64xf32, #tpu.memory_space<vmem>> -> memref<128x64xf32, #tpu.memory_space<vmem>>
    %dma_wait3A_1740 = arith.constant 384 : i32
    %dma_wait3A_1741 = tpu.memref_slice %arg16[%dma_wait3A_1736, %dma_wait3A_1740] : memref<4x512xi32, #tpu.memory_space<vmem>> -> memref<1x128xi32, #tpu.memory_space<vmem>>
    %dma_wait3A_1742 = tpu.memref_squeeze %dma_wait3A_1741 : memref<1x128xi32, #tpu.memory_space<vmem>> -> memref<128xi32, #tpu.memory_space<vmem>>
    %dma_wait3A_1743 = arith.constant 0 : i32
    %dma_wait3A_1744 = arith.constant 0 : i32
    %dma_wait3A_1745 = tpu.memref_slice %arg13[%dma_wait3A_1743, %dma_wait3A_1744] : memref<1000x64xf32, #tpu.memory_space<hbm>> -> memref<1000x64xf32, #tpu.memory_space<hbm>>
    tpu.wait_indirect_dma semaphore(%arg22 : memref<!tpu.dma_semaphore, #tpu.memory_space<semaphore_mem>>) src(%dma_wait3A_1745 : memref<1000x64xf32, #tpu.memory_space<hbm>>) dst(%dma_wait3A_1739 : memref<128x64xf32, #tpu.memory_space<vmem>>)
    %dma_start3A_1746 = arith.constant 128 : i32
    %dma_start3A_1747 = tpu.memref_slice %arg15[%mul3A_2, %dma_start3A_1746] : memref<16384x261xf32, #tpu.memory_space<hbm>> -> memref<512x64xf32, #tpu.memory_space<hbm>>
    %dma_start3A_1748 = arith.constant 128 : i32
    %dma_start3A_1749 = tpu.memref_slice %arg15[%mul3A_2, %dma_start3A_1748] : memref<16384x261xf32, #tpu.memory_space<hbm>> -> memref<512x64xf32, #tpu.memory_space<hbm>>
    tpu.enqueue_dma source(%arg17 : memref<512x64xf32, #tpu.memory_space<vmem>>) target(%dma_start3A_1749 : memref<512x64xf32, #tpu.memory_space<hbm>>) target_semaphore(%arg23 : memref<!tpu.dma_semaphore, #tpu.memory_space<semaphore_mem>>)
    %dma_wait3A_1750 = arith.constant 3 : i32
    %dma_wait3A_1751 = arith.constant 0 : i32
    %dma_wait3A_1752 = arith.constant 0 : i32
    %dma_wait3A_1753 = tpu.memref_slice %arg18[%dma_wait3A_1751, %dma_wait3A_1752] : memref<512x64xf32, #tpu.memory_space<vmem>> -> memref<128x64xf32, #tpu.memory_space<vmem>>
    %dma_wait3A_1754 = arith.constant 0 : i32
    %dma_wait3A_1755 = tpu.memref_slice %arg16[%dma_wait3A_1750, %dma_wait3A_1754] : memref<4x512xi32, #tpu.memory_space<vmem>> -> memref<1x128xi32, #tpu.memory_space<vmem>>
    %dma_wait3A_1756 = tpu.memref_squeeze %dma_wait3A_1755 : memref<1x128xi32, #tpu.memory_space<vmem>> -> memref<128xi32, #tpu.memory_space<vmem>>
    %dma_wait3A_1757 = arith.constant 0 : i32
    %dma_wait3A_1758 = arith.constant 0 : i32
    %dma_wait3A_1759 = tpu.memref_slice %arg14[%dma_wait3A_1757, %dma_wait3A_1758] : memref<1000x64xf32, #tpu.memory_space<hbm>> -> memref<1000x64xf32, #tpu.memory_space<hbm>>
    tpu.wait_indirect_dma semaphore(%arg22 : memref<!tpu.dma_semaphore, #tpu.memory_space<semaphore_mem>>) src(%dma_wait3A_1759 : memref<1000x64xf32, #tpu.memory_space<hbm>>) dst(%dma_wait3A_1753 : memref<128x64xf32, #tpu.memory_space<vmem>>)
    %dma_wait3A_1760 = arith.constant 3 : i32
    %dma_wait3A_1761 = arith.constant 128 : i32
    %dma_wait3A_1762 = arith.constant 0 : i32
    %dma_wait3A_1763 = tpu.memref_slice %arg18[%dma_wait3A_1761, %dma_wait3A_1762] : memref<512x64xf32, #tpu.memory_space<vmem>> -> memref<128x64xf32, #tpu.memory_space<vmem>>
    %dma_wait3A_1764 = arith.constant 128 : i32
    %dma_wait3A_1765 = tpu.memref_slice %arg16[%dma_wait3A_1760, %dma_wait3A_1764] : memref<4x512xi32, #tpu.memory_space<vmem>> -> memref<1x128xi32, #tpu.memory_space<vmem>>
    %dma_wait3A_1766 = tpu.memref_squeeze %dma_wait3A_1765 : memref<1x128xi32, #tpu.memory_space<vmem>> -> memref<128xi32, #tpu.memory_space<vmem>>
    %dma_wait3A_1767 = arith.constant 0 : i32
    %dma_wait3A_1768 = arith.constant 0 : i32
    %dma_wait3A_1769 = tpu.memref_slice %arg14[%dma_wait3A_1767, %dma_wait3A_1768] : memref<1000x64xf32, #tpu.memory_space<hbm>> -> memref<1000x64xf32, #tpu.memory_space<hbm>>
    tpu.wait_indirect_dma semaphore(%arg22 : memref<!tpu.dma_semaphore, #tpu.memory_space<semaphore_mem>>) src(%dma_wait3A_1769 : memref<1000x64xf32, #tpu.memory_space<hbm>>) dst(%dma_wait3A_1763 : memref<128x64xf32, #tpu.memory_space<vmem>>)
    %dma_wait3A_1770 = arith.constant 3 : i32
    %dma_wait3A_1771 = arith.constant 256 : i32
    %dma_wait3A_1772 = arith.constant 0 : i32
    %dma_wait3A_1773 = tpu.memref_slice %arg18[%dma_wait3A_1771, %dma_wait3A_1772] : memref<512x64xf32, #tpu.memory_space<vmem>> -> memref<128x64xf32, #tpu.memory_space<vmem>>
    %dma_wait3A_1774 = arith.constant 256 : i32
    %dma_wait3A_1775 = tpu.memref_slice %arg16[%dma_wait3A_1770, %dma_wait3A_1774] : memref<4x512xi32, #tpu.memory_space<vmem>> -> memref<1x128xi32, #tpu.memory_space<vmem>>
    %dma_wait3A_1776 = tpu.memref_squeeze %dma_wait3A_1775 : memref<1x128xi32, #tpu.memory_space<vmem>> -> memref<128xi32, #tpu.memory_space<vmem>>
    %dma_wait3A_1777 = arith.constant 0 : i32
    %dma_wait3A_1778 = arith.constant 0 : i32
    %dma_wait3A_1779 = tpu.memref_slice %arg14[%dma_wait3A_1777, %dma_wait3A_1778] : memref<1000x64xf32, #tpu.memory_space<hbm>> -> memref<1000x64xf32, #tpu.memory_space<hbm>>
    tpu.wait_indirect_dma semaphore(%arg22 : memref<!tpu.dma_semaphore, #tpu.memory_space<semaphore_mem>>) src(%dma_wait3A_1779 : memref<1000x64xf32, #tpu.memory_space<hbm>>) dst(%dma_wait3A_1773 : memref<128x64xf32, #tpu.memory_space<vmem>>)
    %dma_wait3A_1780 = arith.constant 3 : i32
    %dma_wait3A_1781 = arith.constant 384 : i32
    %dma_wait3A_1782 = arith.constant 0 : i32
    %dma_wait3A_1783 = tpu.memref_slice %arg18[%dma_wait3A_1781, %dma_wait3A_1782] : memref<512x64xf32, #tpu.memory_space<vmem>> -> memref<128x64xf32, #tpu.memory_space<vmem>>
    %dma_wait3A_1784 = arith.constant 384 : i32
    %dma_wait3A_1785 = tpu.memref_slice %arg16[%dma_wait3A_1780, %dma_wait3A_1784] : memref<4x512xi32, #tpu.memory_space<vmem>> -> memref<1x128xi32, #tpu.memory_space<vmem>>
    %dma_wait3A_1786 = tpu.memref_squeeze %dma_wait3A_1785 : memref<1x128xi32, #tpu.memory_space<vmem>> -> memref<128xi32, #tpu.memory_space<vmem>>
    %dma_wait3A_1787 = arith.constant 0 : i32
    %dma_wait3A_1788 = arith.constant 0 : i32
    %dma_wait3A_1789 = tpu.memref_slice %arg14[%dma_wait3A_1787, %dma_wait3A_1788] : memref<1000x64xf32, #tpu.memory_space<hbm>> -> memref<1000x64xf32, #tpu.memory_space<hbm>>
    tpu.wait_indirect_dma semaphore(%arg22 : memref<!tpu.dma_semaphore, #tpu.memory_space<semaphore_mem>>) src(%dma_wait3A_1789 : memref<1000x64xf32, #tpu.memory_space<hbm>>) dst(%dma_wait3A_1783 : memref<128x64xf32, #tpu.memory_space<vmem>>)
    %dma_start3A_1790 = arith.constant 192 : i32
    %dma_start3A_1791 = tpu.memref_slice %arg15[%mul3A_2, %dma_start3A_1790] : memref<16384x261xf32, #tpu.memory_space<hbm>> -> memref<512x64xf32, #tpu.memory_space<hbm>>
    %dma_start3A_1792 = arith.constant 192 : i32
    %dma_start3A_1793 = tpu.memref_slice %arg15[%mul3A_2, %dma_start3A_1792] : memref<16384x261xf32, #tpu.memory_space<hbm>> -> memref<512x64xf32, #tpu.memory_space<hbm>>
    tpu.enqueue_dma source(%arg18 : memref<512x64xf32, #tpu.memory_space<vmem>>) target(%dma_start3A_1793 : memref<512x64xf32, #tpu.memory_space<hbm>>) target_semaphore(%arg23 : memref<!tpu.dma_semaphore, #tpu.memory_space<semaphore_mem>>)
    "tpu.region"() ({
      %run_scoped3A = tpu.sem_alloc : memref<!tpu.dma_semaphore, #tpu.memory_space<semaphore_mem>>
      %dma_start3A_1802 = arith.constant 256 : i32
      %dma_start3A_1803 = tpu.memref_slice %arg15[%mul3A_2, %dma_start3A_1802] : memref<16384x261xf32, #tpu.memory_space<hbm>> -> memref<512x5xf32, #tpu.memory_space<hbm>>
      %dma_start3A_1804 = arith.constant 256 : i32
      %dma_start3A_1805 = tpu.memref_slice %arg15[%mul3A_2, %dma_start3A_1804] : memref<16384x261xf32, #tpu.memory_space<hbm>> -> memref<512x5xf32, #tpu.memory_space<hbm>>
      tpu.enqueue_dma source(%arg20 : memref<512x5xf32, #tpu.memory_space<vmem>>) target(%dma_start3A_1805 : memref<512x5xf32, #tpu.memory_space<hbm>>) target_semaphore(%run_scoped3A : memref<!tpu.dma_semaphore, #tpu.memory_space<semaphore_mem>>)
      %dma_wait3A_1806 = arith.constant 256 : i32
      %dma_wait3A_1807 = tpu.memref_slice %arg15[%mul3A_2, %dma_wait3A_1806] : memref<16384x261xf32, #tpu.memory_space<hbm>> -> memref<512x5xf32, #tpu.memory_space<hbm>>
      %dma_wait3A_1808 = arith.constant 256 : i32
      %dma_wait3A_1809 = tpu.memref_slice %arg15[%mul3A_2, %dma_wait3A_1808] : memref<16384x261xf32, #tpu.memory_space<hbm>> -> memref<512x5xf32, #tpu.memory_space<hbm>>
      tpu.wait_dma2 semaphore(%run_scoped3A : memref<!tpu.dma_semaphore, #tpu.memory_space<semaphore_mem>>) src(%arg20 : memref<512x5xf32, #tpu.memory_space<vmem>>) dst(%dma_wait3A_1809 : memref<512x5xf32, #tpu.memory_space<hbm>>)
      tpu.yield
    }) : () -> ()
    %dma_wait3A_1794 = arith.constant 128 : i32
    %dma_wait3A_1795 = tpu.memref_slice %arg15[%mul3A_2, %dma_wait3A_1794] : memref<16384x261xf32, #tpu.memory_space<hbm>> -> memref<512x64xf32, #tpu.memory_space<hbm>>
    %dma_wait3A_1796 = arith.constant 128 : i32
    %dma_wait3A_1797 = tpu.memref_slice %arg15[%mul3A_2, %dma_wait3A_1796] : memref<16384x261xf32, #tpu.memory_space<hbm>> -> memref<512x64xf32, #tpu.memory_space<hbm>>
    tpu.wait_dma2 semaphore(%arg23 : memref<!tpu.dma_semaphore, #tpu.memory_space<semaphore_mem>>) src(%arg17 : memref<512x64xf32, #tpu.memory_space<vmem>>) dst(%dma_wait3A_1797 : memref<512x64xf32, #tpu.memory_space<hbm>>)
    %dma_wait3A_1798 = arith.constant 192 : i32
    %dma_wait3A_1799 = tpu.memref_slice %arg15[%mul3A_2, %dma_wait3A_1798] : memref<16384x261xf32, #tpu.memory_space<hbm>> -> memref<512x64xf32, #tpu.memory_space<hbm>>
    %dma_wait3A_1800 = arith.constant 192 : i32
    %dma_wait3A_1801 = tpu.memref_slice %arg15[%mul3A_2, %dma_wait3A_1800] : memref<16384x261xf32, #tpu.memory_space<hbm>> -> memref<512x64xf32, #tpu.memory_space<hbm>>
    tpu.wait_dma2 semaphore(%arg23 : memref<!tpu.dma_semaphore, #tpu.memory_space<semaphore_mem>>) src(%arg18 : memref<512x64xf32, #tpu.memory_space<vmem>>) dst(%dma_wait3A_1801 : memref<512x64xf32, #tpu.memory_space<hbm>>)
    return
  }
}

#map = affine_map<(d0, d1) -> (0, 0)>
module attributes {stable_mosaic.version = 14 : i64} {
  func.func @_t_body(%arg0: i32, %arg1: i32, %arg2: memref<64x100000xf32, #tpu.memory_space<hbm>>, %arg3: memref<50000x128xf32, #tpu.memory_space<hbm>>, %arg4: memref<4x64x128xf32, #tpu.memory_space<vmem>>, %arg5: memref<64x32xf32, #tpu.memory_space<vmem>>, %arg6: memref<256x128xf32, #tpu.memory_space<vmem>>, %arg7: memref<!tpu.dma_semaphore, #tpu.memory_space<semaphore_mem>>) attributes {dimension_semantics = [#tpu.dimension_semantics<core_parallel>, #tpu.dimension_semantics<subcore_parallel>], iteration_bounds = array<i64: 2, 16>, scalar_prefetch = 0 : i64, scratch_operands = 4 : i64, tpu.core_type = #tpu.core_type<sc_vector_subcore>, window_params = [{transform_indices = #map}, {transform_indices = #map}]} {
    %mul3A = arith.constant 2 : i32
    %mul3A_0 = arith.muli %arg1, %mul3A : i32
    %add3A = arith.addi %mul3A_0, %arg0 : i32
    %lt3A = arith.constant 14 : i32
    %lt3A_1 = arith.cmpi slt, %add3A, %lt3A : i32
    %jit3A = arith.constant 25 : i32
    %jit3A_2 = arith.constant 24 : i32
    %select_n3A = arith.select %lt3A_1, %jit3A, %jit3A_2 : i32
    %eq3A = arith.constant 31 : i32
    %eq3A_3 = arith.cmpi eq, %add3A, %eq3A : i32
    %jit3A_4 = arith.constant 1 : i32
    %jit3A_5 = arith.constant 0 : i32
    %select_n3A_6 = arith.select %eq3A_3, %jit3A_4, %jit3A_5 : i32
    %sub3A = arith.subi %select_n3A, %select_n3A_6 : i32
    %mul3A_7 = arith.constant 24 : i32
    %mul3A_8 = arith.muli %add3A, %mul3A_7 : i32
    %min3A = arith.constant 14 : i32
    %min3A_9 = arith.minsi %add3A, %min3A : i32
    %add3A_10 = arith.addi %mul3A_8, %min3A_9 : i32
    %iota3A = tpu.iota {dimensions = array<i32: 0>} : vector<16xi32>
    %add3A_11 = arith.constant 0 : i32
    %add3A_12 = vector.broadcast %add3A_11 : i32 to vector<16xi32>
    %add3A_13 = arith.addi %iota3A, %add3A_12 : vector<16xi32>
    %add3A_14 = arith.constant 16 : i32
    %add3A_15 = vector.broadcast %add3A_14 : i32 to vector<16xi32>
    %add3A_16 = arith.addi %iota3A, %add3A_15 : vector<16xi32>
    %add3A_17 = arith.constant 32 : i32
    %add3A_18 = vector.broadcast %add3A_17 : i32 to vector<16xi32>
    %add3A_19 = arith.addi %iota3A, %add3A_18 : vector<16xi32>
    %add3A_20 = arith.constant 48 : i32
    %add3A_21 = vector.broadcast %add3A_20 : i32 to vector<16xi32>
    %add3A_22 = arith.addi %iota3A, %add3A_21 : vector<16xi32>
    %add3A_23 = arith.constant 4 : i32
    %add3A_24 = arith.addi %sub3A, %add3A_23 : i32
    %sub3A_25 = arith.constant 1 : i32
    %sub3A_26 = arith.subi %add3A_24, %sub3A_25 : i32
    %div3A = arith.constant 4 : i32
    %div3A_27 = arith.divsi %sub3A_26, %div3A : i32
    %while3A = arith.constant 0 : i32
    %while3A_28 = arith.constant 0 : i32
    %while3A_29 = arith.subi %div3A_27, %while3A : i32
    %while3A_30 = arith.addi %while3A, %while3A_29 : i32
    %while3A_31 = arith.constant 1 : i32
    %while3A_32 = arith.divsi %while3A_29, %while3A_31 : i32
    %while3A_33 = arith.muli %while3A_32, %while3A_31 : i32
    %while3A_34 = arith.addi %while3A, %while3A_33 : i32
    %while3A_35 = arith.constant 1 : i32
    %while3A_36 = scf.for %while3A_42 = %while3A to %while3A_34 step %while3A_35 iter_args(%while3A_43 = %while3A_28) -> (i32)  : i32 {
      %mul3A_44 = arith.constant 4 : i32
      %mul3A_45 = arith.muli %while3A_42, %mul3A_44 : i32
      %sub3A_46 = arith.constant 4 : i32
      %sub3A_47 = arith.subi %sub3A, %sub3A_46 : i32
      %min3A_48 = arith.minsi %mul3A_45, %sub3A_47 : i32
      %add3A_49 = arith.addi %add3A_10, %min3A_48 : i32
      %add3A_50 = arith.constant 0 : i32
      %add3A_51 = arith.addi %add3A_49, %add3A_50 : i32
      %mul3A_52 = arith.constant 128 : i32
      %mul3A_53 = arith.muli %add3A_51, %mul3A_52 : i32
      %multiple_of3A = tpu.assume_multiple %mul3A_53, 128 : i32
      %dma_start3A = arith.constant 0 : i32
      %dma_start3A_54 = arith.constant 0 : i32
      %dma_start3A_55 = arith.constant 0 : i32
      %dma_start3A_56 = tpu.memref_slice %arg4[%dma_start3A, %dma_start3A_54, %dma_start3A_55] : memref<4x64x128xf32, #tpu.memory_space<vmem>> -> memref<1x64x128xf32, #tpu.memory_space<vmem>>
      %dma_start3A_57 = tpu.memref_squeeze %dma_start3A_56 : memref<1x64x128xf32, #tpu.memory_space<vmem>> -> memref<64x128xf32, #tpu.memory_space<vmem>>
      %dma_start3A_58 = arith.constant 0 : i32
      %dma_start3A_59 = tpu.memref_slice %arg2[%dma_start3A_58, %multiple_of3A] : memref<64x100000xf32, #tpu.memory_space<hbm>> -> memref<64x128xf32, #tpu.memory_space<hbm>>
      %dma_start3A_60 = arith.constant 0 : i32
      %dma_start3A_61 = arith.constant 0 : i32
      %dma_start3A_62 = tpu.memref_slice %arg4[%dma_start3A, %dma_start3A_60, %dma_start3A_61] : memref<4x64x128xf32, #tpu.memory_space<vmem>> -> memref<1x64x128xf32, #tpu.memory_space<vmem>>
      %dma_start3A_63 = tpu.memref_squeeze %dma_start3A_62 : memref<1x64x128xf32, #tpu.memory_space<vmem>> -> memref<64x128xf32, #tpu.memory_space<vmem>>
      %dma_start3A_64 = arith.constant 0 : i32
      %dma_start3A_65 = tpu.memref_slice %arg2[%dma_start3A_64, %multiple_of3A] : memref<64x100000xf32, #tpu.memory_space<hbm>> -> memref<64x128xf32, #tpu.memory_space<hbm>>
      tpu.enqueue_dma source(%dma_start3A_65 : memref<64x128xf32, #tpu.memory_space<hbm>>) target(%dma_start3A_63 : memref<64x128xf32, #tpu.memory_space<vmem>>) target_semaphore(%arg7 : memref<!tpu.dma_semaphore, #tpu.memory_space<semaphore_mem>>)
      %add3A_66 = arith.constant 1 : i32
      %add3A_67 = arith.addi %add3A_49, %add3A_66 : i32
      %mul3A_68 = arith.constant 128 : i32
      %mul3A_69 = arith.muli %add3A_67, %mul3A_68 : i32
      %multiple_of3A_70 = tpu.assume_multiple %mul3A_69, 128 : i32
      %dma_start3A_71 = arith.constant 1 : i32
      %dma_start3A_72 = arith.constant 0 : i32
      %dma_start3A_73 = arith.constant 0 : i32
      %dma_start3A_74 = tpu.memref_slice %arg4[%dma_start3A_71, %dma_start3A_72, %dma_start3A_73] : memref<4x64x128xf32, #tpu.memory_space<vmem>> -> memref<1x64x128xf32, #tpu.memory_space<vmem>>
      %dma_start3A_75 = tpu.memref_squeeze %dma_start3A_74 : memref<1x64x128xf32, #tpu.memory_space<vmem>> -> memref<64x128xf32, #tpu.memory_space<vmem>>
      %dma_start3A_76 = arith.constant 0 : i32
      %dma_start3A_77 = tpu.memref_slice %arg2[%dma_start3A_76, %multiple_of3A_70] : memref<64x100000xf32, #tpu.memory_space<hbm>> -> memref<64x128xf32, #tpu.memory_space<hbm>>
      %dma_start3A_78 = arith.constant 0 : i32
      %dma_start3A_79 = arith.constant 0 : i32
      %dma_start3A_80 = tpu.memref_slice %arg4[%dma_start3A_71, %dma_start3A_78, %dma_start3A_79] : memref<4x64x128xf32, #tpu.memory_space<vmem>> -> memref<1x64x128xf32, #tpu.memory_space<vmem>>
      %dma_start3A_81 = tpu.memref_squeeze %dma_start3A_80 : memref<1x64x128xf32, #tpu.memory_space<vmem>> -> memref<64x128xf32, #tpu.memory_space<vmem>>
      %dma_start3A_82 = arith.constant 0 : i32
      %dma_start3A_83 = tpu.memref_slice %arg2[%dma_start3A_82, %multiple_of3A_70] : memref<64x100000xf32, #tpu.memory_space<hbm>> -> memref<64x128xf32, #tpu.memory_space<hbm>>
      tpu.enqueue_dma source(%dma_start3A_83 : memref<64x128xf32, #tpu.memory_space<hbm>>) target(%dma_start3A_81 : memref<64x128xf32, #tpu.memory_space<vmem>>) target_semaphore(%arg7 : memref<!tpu.dma_semaphore, #tpu.memory_space<semaphore_mem>>)
      %add3A_84 = arith.constant 2 : i32
      %add3A_85 = arith.addi %add3A_49, %add3A_84 : i32
      %mul3A_86 = arith.constant 128 : i32
      %mul3A_87 = arith.muli %add3A_85, %mul3A_86 : i32
      %multiple_of3A_88 = tpu.assume_multiple %mul3A_87, 128 : i32
      %dma_start3A_89 = arith.constant 2 : i32
      %dma_start3A_90 = arith.constant 0 : i32
      %dma_start3A_91 = arith.constant 0 : i32
      %dma_start3A_92 = tpu.memref_slice %arg4[%dma_start3A_89, %dma_start3A_90, %dma_start3A_91] : memref<4x64x128xf32, #tpu.memory_space<vmem>> -> memref<1x64x128xf32, #tpu.memory_space<vmem>>
      %dma_start3A_93 = tpu.memref_squeeze %dma_start3A_92 : memref<1x64x128xf32, #tpu.memory_space<vmem>> -> memref<64x128xf32, #tpu.memory_space<vmem>>
      %dma_start3A_94 = arith.constant 0 : i32
      %dma_start3A_95 = tpu.memref_slice %arg2[%dma_start3A_94, %multiple_of3A_88] : memref<64x100000xf32, #tpu.memory_space<hbm>> -> memref<64x128xf32, #tpu.memory_space<hbm>>
      %dma_start3A_96 = arith.constant 0 : i32
      %dma_start3A_97 = arith.constant 0 : i32
      %dma_start3A_98 = tpu.memref_slice %arg4[%dma_start3A_89, %dma_start3A_96, %dma_start3A_97] : memref<4x64x128xf32, #tpu.memory_space<vmem>> -> memref<1x64x128xf32, #tpu.memory_space<vmem>>
      %dma_start3A_99 = tpu.memref_squeeze %dma_start3A_98 : memref<1x64x128xf32, #tpu.memory_space<vmem>> -> memref<64x128xf32, #tpu.memory_space<vmem>>
      %dma_start3A_100 = arith.constant 0 : i32
      %dma_start3A_101 = tpu.memref_slice %arg2[%dma_start3A_100, %multiple_of3A_88] : memref<64x100000xf32, #tpu.memory_space<hbm>> -> memref<64x128xf32, #tpu.memory_space<hbm>>
      tpu.enqueue_dma source(%dma_start3A_101 : memref<64x128xf32, #tpu.memory_space<hbm>>) target(%dma_start3A_99 : memref<64x128xf32, #tpu.memory_space<vmem>>) target_semaphore(%arg7 : memref<!tpu.dma_semaphore, #tpu.memory_space<semaphore_mem>>)
      %add3A_102 = arith.constant 3 : i32
      %add3A_103 = arith.addi %add3A_49, %add3A_102 : i32
      %mul3A_104 = arith.constant 128 : i32
      %mul3A_105 = arith.muli %add3A_103, %mul3A_104 : i32
      %multiple_of3A_106 = tpu.assume_multiple %mul3A_105, 128 : i32
      %dma_start3A_107 = arith.constant 3 : i32
      %dma_start3A_108 = arith.constant 0 : i32
      %dma_start3A_109 = arith.constant 0 : i32
      %dma_start3A_110 = tpu.memref_slice %arg4[%dma_start3A_107, %dma_start3A_108, %dma_start3A_109] : memref<4x64x128xf32, #tpu.memory_space<vmem>> -> memref<1x64x128xf32, #tpu.memory_space<vmem>>
      %dma_start3A_111 = tpu.memref_squeeze %dma_start3A_110 : memref<1x64x128xf32, #tpu.memory_space<vmem>> -> memref<64x128xf32, #tpu.memory_space<vmem>>
      %dma_start3A_112 = arith.constant 0 : i32
      %dma_start3A_113 = tpu.memref_slice %arg2[%dma_start3A_112, %multiple_of3A_106] : memref<64x100000xf32, #tpu.memory_space<hbm>> -> memref<64x128xf32, #tpu.memory_space<hbm>>
      %dma_start3A_114 = arith.constant 0 : i32
      %dma_start3A_115 = arith.constant 0 : i32
      %dma_start3A_116 = tpu.memref_slice %arg4[%dma_start3A_107, %dma_start3A_114, %dma_start3A_115] : memref<4x64x128xf32, #tpu.memory_space<vmem>> -> memref<1x64x128xf32, #tpu.memory_space<vmem>>
      %dma_start3A_117 = tpu.memref_squeeze %dma_start3A_116 : memref<1x64x128xf32, #tpu.memory_space<vmem>> -> memref<64x128xf32, #tpu.memory_space<vmem>>
      %dma_start3A_118 = arith.constant 0 : i32
      %dma_start3A_119 = tpu.memref_slice %arg2[%dma_start3A_118, %multiple_of3A_106] : memref<64x100000xf32, #tpu.memory_space<hbm>> -> memref<64x128xf32, #tpu.memory_space<hbm>>
      tpu.enqueue_dma source(%dma_start3A_119 : memref<64x128xf32, #tpu.memory_space<hbm>>) target(%dma_start3A_117 : memref<64x128xf32, #tpu.memory_space<vmem>>) target_semaphore(%arg7 : memref<!tpu.dma_semaphore, #tpu.memory_space<semaphore_mem>>)
      %dma_wait3A = arith.constant 0 : i32
      %dma_wait3A_120 = arith.constant 0 : i32
      %dma_wait3A_121 = arith.constant 0 : i32
      %dma_wait3A_122 = tpu.memref_slice %arg4[%dma_wait3A, %dma_wait3A_120, %dma_wait3A_121] : memref<4x64x128xf32, #tpu.memory_space<vmem>> -> memref<1x64x128xf32, #tpu.memory_space<vmem>>
      %dma_wait3A_123 = tpu.memref_squeeze %dma_wait3A_122 : memref<1x64x128xf32, #tpu.memory_space<vmem>> -> memref<64x128xf32, #tpu.memory_space<vmem>>
      %dma_wait3A_124 = arith.constant 0 : i32
      %dma_wait3A_125 = tpu.memref_slice %arg2[%dma_wait3A_124, %multiple_of3A] : memref<64x100000xf32, #tpu.memory_space<hbm>> -> memref<64x128xf32, #tpu.memory_space<hbm>>
      %dma_wait3A_126 = arith.constant 0 : i32
      %dma_wait3A_127 = arith.constant 0 : i32
      %dma_wait3A_128 = tpu.memref_slice %arg4[%dma_wait3A, %dma_wait3A_126, %dma_wait3A_127] : memref<4x64x128xf32, #tpu.memory_space<vmem>> -> memref<1x64x128xf32, #tpu.memory_space<vmem>>
      %dma_wait3A_129 = tpu.memref_squeeze %dma_wait3A_128 : memref<1x64x128xf32, #tpu.memory_space<vmem>> -> memref<64x128xf32, #tpu.memory_space<vmem>>
      %dma_wait3A_130 = arith.constant 0 : i32
      %dma_wait3A_131 = tpu.memref_slice %arg2[%dma_wait3A_130, %multiple_of3A] : memref<64x100000xf32, #tpu.memory_space<hbm>> -> memref<64x128xf32, #tpu.memory_space<hbm>>
      tpu.wait_dma2 semaphore(%arg7 : memref<!tpu.dma_semaphore, #tpu.memory_space<semaphore_mem>>) src(%dma_wait3A_131 : memref<64x128xf32, #tpu.memory_space<hbm>>) dst(%dma_wait3A_129 : memref<64x128xf32, #tpu.memory_space<vmem>>)
      %dma_wait3A_132 = arith.constant 1 : i32
      %dma_wait3A_133 = arith.constant 0 : i32
      %dma_wait3A_134 = arith.constant 0 : i32
      %dma_wait3A_135 = tpu.memref_slice %arg4[%dma_wait3A_132, %dma_wait3A_133, %dma_wait3A_134] : memref<4x64x128xf32, #tpu.memory_space<vmem>> -> memref<1x64x128xf32, #tpu.memory_space<vmem>>
      %dma_wait3A_136 = tpu.memref_squeeze %dma_wait3A_135 : memref<1x64x128xf32, #tpu.memory_space<vmem>> -> memref<64x128xf32, #tpu.memory_space<vmem>>
      %dma_wait3A_137 = arith.constant 0 : i32
      %dma_wait3A_138 = tpu.memref_slice %arg2[%dma_wait3A_137, %multiple_of3A_70] : memref<64x100000xf32, #tpu.memory_space<hbm>> -> memref<64x128xf32, #tpu.memory_space<hbm>>
      %dma_wait3A_139 = arith.constant 0 : i32
      %dma_wait3A_140 = arith.constant 0 : i32
      %dma_wait3A_141 = tpu.memref_slice %arg4[%dma_wait3A_132, %dma_wait3A_139, %dma_wait3A_140] : memref<4x64x128xf32, #tpu.memory_space<vmem>> -> memref<1x64x128xf32, #tpu.memory_space<vmem>>
      %dma_wait3A_142 = tpu.memref_squeeze %dma_wait3A_141 : memref<1x64x128xf32, #tpu.memory_space<vmem>> -> memref<64x128xf32, #tpu.memory_space<vmem>>
      %dma_wait3A_143 = arith.constant 0 : i32
      %dma_wait3A_144 = tpu.memref_slice %arg2[%dma_wait3A_143, %multiple_of3A_70] : memref<64x100000xf32, #tpu.memory_space<hbm>> -> memref<64x128xf32, #tpu.memory_space<hbm>>
      tpu.wait_dma2 semaphore(%arg7 : memref<!tpu.dma_semaphore, #tpu.memory_space<semaphore_mem>>) src(%dma_wait3A_144 : memref<64x128xf32, #tpu.memory_space<hbm>>) dst(%dma_wait3A_142 : memref<64x128xf32, #tpu.memory_space<vmem>>)
      %dma_wait3A_145 = arith.constant 2 : i32
      %dma_wait3A_146 = arith.constant 0 : i32
      %dma_wait3A_147 = arith.constant 0 : i32
      %dma_wait3A_148 = tpu.memref_slice %arg4[%dma_wait3A_145, %dma_wait3A_146, %dma_wait3A_147] : memref<4x64x128xf32, #tpu.memory_space<vmem>> -> memref<1x64x128xf32, #tpu.memory_space<vmem>>
      %dma_wait3A_149 = tpu.memref_squeeze %dma_wait3A_148 : memref<1x64x128xf32, #tpu.memory_space<vmem>> -> memref<64x128xf32, #tpu.memory_space<vmem>>
      %dma_wait3A_150 = arith.constant 0 : i32
      %dma_wait3A_151 = tpu.memref_slice %arg2[%dma_wait3A_150, %multiple_of3A_88] : memref<64x100000xf32, #tpu.memory_space<hbm>> -> memref<64x128xf32, #tpu.memory_space<hbm>>
      %dma_wait3A_152 = arith.constant 0 : i32
      %dma_wait3A_153 = arith.constant 0 : i32
      %dma_wait3A_154 = tpu.memref_slice %arg4[%dma_wait3A_145, %dma_wait3A_152, %dma_wait3A_153] : memref<4x64x128xf32, #tpu.memory_space<vmem>> -> memref<1x64x128xf32, #tpu.memory_space<vmem>>
      %dma_wait3A_155 = tpu.memref_squeeze %dma_wait3A_154 : memref<1x64x128xf32, #tpu.memory_space<vmem>> -> memref<64x128xf32, #tpu.memory_space<vmem>>
      %dma_wait3A_156 = arith.constant 0 : i32
      %dma_wait3A_157 = tpu.memref_slice %arg2[%dma_wait3A_156, %multiple_of3A_88] : memref<64x100000xf32, #tpu.memory_space<hbm>> -> memref<64x128xf32, #tpu.memory_space<hbm>>
      tpu.wait_dma2 semaphore(%arg7 : memref<!tpu.dma_semaphore, #tpu.memory_space<semaphore_mem>>) src(%dma_wait3A_157 : memref<64x128xf32, #tpu.memory_space<hbm>>) dst(%dma_wait3A_155 : memref<64x128xf32, #tpu.memory_space<vmem>>)
      %dma_wait3A_158 = arith.constant 3 : i32
      %dma_wait3A_159 = arith.constant 0 : i32
      %dma_wait3A_160 = arith.constant 0 : i32
      %dma_wait3A_161 = tpu.memref_slice %arg4[%dma_wait3A_158, %dma_wait3A_159, %dma_wait3A_160] : memref<4x64x128xf32, #tpu.memory_space<vmem>> -> memref<1x64x128xf32, #tpu.memory_space<vmem>>
      %dma_wait3A_162 = tpu.memref_squeeze %dma_wait3A_161 : memref<1x64x128xf32, #tpu.memory_space<vmem>> -> memref<64x128xf32, #tpu.memory_space<vmem>>
      %dma_wait3A_163 = arith.constant 0 : i32
      %dma_wait3A_164 = tpu.memref_slice %arg2[%dma_wait3A_163, %multiple_of3A_106] : memref<64x100000xf32, #tpu.memory_space<hbm>> -> memref<64x128xf32, #tpu.memory_space<hbm>>
      %dma_wait3A_165 = arith.constant 0 : i32
      %dma_wait3A_166 = arith.constant 0 : i32
      %dma_wait3A_167 = tpu.memref_slice %arg4[%dma_wait3A_158, %dma_wait3A_165, %dma_wait3A_166] : memref<4x64x128xf32, #tpu.memory_space<vmem>> -> memref<1x64x128xf32, #tpu.memory_space<vmem>>
      %dma_wait3A_168 = tpu.memref_squeeze %dma_wait3A_167 : memref<1x64x128xf32, #tpu.memory_space<vmem>> -> memref<64x128xf32, #tpu.memory_space<vmem>>
      %dma_wait3A_169 = arith.constant 0 : i32
      %dma_wait3A_170 = tpu.memref_slice %arg2[%dma_wait3A_169, %multiple_of3A_106] : memref<64x100000xf32, #tpu.memory_space<hbm>> -> memref<64x128xf32, #tpu.memory_space<hbm>>
      tpu.wait_dma2 semaphore(%arg7 : memref<!tpu.dma_semaphore, #tpu.memory_space<semaphore_mem>>) src(%dma_wait3A_170 : memref<64x128xf32, #tpu.memory_space<hbm>>) dst(%dma_wait3A_168 : memref<64x128xf32, #tpu.memory_space<vmem>>)
      %parallel_loop3A = arith.constant 0 : i32
      %parallel_loop3A_171 = arith.constant 128 : i32
      %parallel_loop3A_172 = arith.constant 1 : i32
      %parallel_loop3A_173 = arith.constant 0 : i32
      scf.for %parallel_loop3A_190 = %parallel_loop3A to %parallel_loop3A_171 step %parallel_loop3A_172  : i32 {
        %parallel_loop3A_191 = arith.constant 15 : i32
        %parallel_loop3A_192 = arith.andi %parallel_loop3A_190, %parallel_loop3A_191 : i32
        %parallel_loop3A_193 = arith.subi %parallel_loop3A_190, %parallel_loop3A_192 : i32
        %parallel_loop3A_194 = vector.broadcast %parallel_loop3A_192 : i32 to vector<16xi32>
        %parallel_loop3A_195 = arith.addi %iota3A, %parallel_loop3A_194 : vector<16xi32>
        %parallel_loop3A_196 = arith.constant 15 : i32
        %parallel_loop3A_197 = vector.broadcast %parallel_loop3A_196 : i32 to vector<16xi32>
        %parallel_loop3A_198 = arith.andi %parallel_loop3A_195, %parallel_loop3A_197 : vector<16xi32>
        %parallel_loop3A_199 = vector.broadcast %parallel_loop3A_193 : i32 to vector<16xi32>
        %parallel_loop3A_200 = arith.addi %parallel_loop3A_199, %parallel_loop3A_198 : vector<16xi32>
        %parallel_loop3A_201 = arith.constant 1 : i32
        %parallel_loop3A_202 = vector.broadcast %parallel_loop3A_201 : i32 to vector<16xi32>
        %parallel_loop3A_203 = arith.shrui %parallel_loop3A_200, %parallel_loop3A_202 : vector<16xi32>
        %parallel_loop3A_204 = arith.constant 0 : i32
        %parallel_loop3A_205 = vector.broadcast %parallel_loop3A_204 : i32 to vector<16xi32>
        %parallel_loop3A_206 = arith.addi %parallel_loop3A_203, %parallel_loop3A_205 : vector<16xi32>
        %parallel_loop3A_207 = arith.constant 1 : i32
        %parallel_loop3A_208 = vector.broadcast %parallel_loop3A_207 : i32 to vector<16xi32>
        %parallel_loop3A_209 = arith.andi %parallel_loop3A_200, %parallel_loop3A_208 : vector<16xi32>
        %parallel_loop3A_210 = arith.constant 6 : i32
        %parallel_loop3A_211 = vector.broadcast %parallel_loop3A_210 : i32 to vector<16xi32>
        %parallel_loop3A_212 = arith.shli %parallel_loop3A_209, %parallel_loop3A_211 : vector<16xi32>
        %parallel_loop3A_213 = arith.constant 0 : i32
        %parallel_loop3A_214 = arith.constant 0 : i32
        %parallel_loop3A_215 = tpu.memref_slice %arg4[%parallel_loop3A_173, %parallel_loop3A_213, %parallel_loop3A_214] : memref<4x64x128xf32, #tpu.memory_space<vmem>> -> memref<1x64x128xf32, #tpu.memory_space<vmem>>
        %parallel_loop3A_216 = tpu.memref_squeeze %parallel_loop3A_215 : memref<1x64x128xf32, #tpu.memory_space<vmem>> -> memref<64x128xf32, #tpu.memory_space<vmem>>
        %parallel_loop3A_217 = tpu.vector_load_idx %parallel_loop3A_216[%add3A_13, %parallel_loop3A_200] : memref<64x128xf32, #tpu.memory_space<vmem>>[vector<16xi32>, vector<16xi32>], vector<16xf32>,
        %parallel_loop3A_218 = arith.addi %parallel_loop3A_212, %add3A_13 : vector<16xi32>
        tpu.vector_store_idx %arg6[%parallel_loop3A_206, %parallel_loop3A_218], %parallel_loop3A_217 : memref<256x128xf32, #tpu.memory_space<vmem>>[vector<16xi32>, vector<16xi32>], vector<16xf32>,
        %parallel_loop3A_219 = arith.constant 0 : i32
        %parallel_loop3A_220 = arith.constant 0 : i32
        %parallel_loop3A_221 = tpu.memref_slice %arg4[%parallel_loop3A_173, %parallel_loop3A_219, %parallel_loop3A_220] : memref<4x64x128xf32, #tpu.memory_space<vmem>> -> memref<1x64x128xf32, #tpu.memory_space<vmem>>
        %parallel_loop3A_222 = tpu.memref_squeeze %parallel_loop3A_221 : memref<1x64x128xf32, #tpu.memory_space<vmem>> -> memref<64x128xf32, #tpu.memory_space<vmem>>
        %parallel_loop3A_223 = tpu.vector_load_idx %parallel_loop3A_222[%add3A_16, %parallel_loop3A_200] : memref<64x128xf32, #tpu.memory_space<vmem>>[vector<16xi32>, vector<16xi32>], vector<16xf32>,
        %parallel_loop3A_224 = arith.addi %parallel_loop3A_212, %add3A_16 : vector<16xi32>
        tpu.vector_store_idx %arg6[%parallel_loop3A_206, %parallel_loop3A_224], %parallel_loop3A_223 : memref<256x128xf32, #tpu.memory_space<vmem>>[vector<16xi32>, vector<16xi32>], vector<16xf32>,
        %parallel_loop3A_225 = arith.constant 0 : i32
        %parallel_loop3A_226 = arith.constant 0 : i32
        %parallel_loop3A_227 = tpu.memref_slice %arg4[%parallel_loop3A_173, %parallel_loop3A_225, %parallel_loop3A_226] : memref<4x64x128xf32, #tpu.memory_space<vmem>> -> memref<1x64x128xf32, #tpu.memory_space<vmem>>
        %parallel_loop3A_228 = tpu.memref_squeeze %parallel_loop3A_227 : memref<1x64x128xf32, #tpu.memory_space<vmem>> -> memref<64x128xf32, #tpu.memory_space<vmem>>
        %parallel_loop3A_229 = tpu.vector_load_idx %parallel_loop3A_228[%add3A_19, %parallel_loop3A_200] : memref<64x128xf32, #tpu.memory_space<vmem>>[vector<16xi32>, vector<16xi32>], vector<16xf32>,
        %parallel_loop3A_230 = arith.addi %parallel_loop3A_212, %add3A_19 : vector<16xi32>
        tpu.vector_store_idx %arg6[%parallel_loop3A_206, %parallel_loop3A_230], %parallel_loop3A_229 : memref<256x128xf32, #tpu.memory_space<vmem>>[vector<16xi32>, vector<16xi32>], vector<16xf32>,
        %parallel_loop3A_231 = arith.constant 0 : i32
        %parallel_loop3A_232 = arith.constant 0 : i32
        %parallel_loop3A_233 = tpu.memref_slice %arg4[%parallel_loop3A_173, %parallel_loop3A_231, %parallel_loop3A_232] : memref<4x64x128xf32, #tpu.memory_space<vmem>> -> memref<1x64x128xf32, #tpu.memory_space<vmem>>
        %parallel_loop3A_234 = tpu.memref_squeeze %parallel_loop3A_233 : memref<1x64x128xf32, #tpu.memory_space<vmem>> -> memref<64x128xf32, #tpu.memory_space<vmem>>
        %parallel_loop3A_235 = tpu.vector_load_idx %parallel_loop3A_234[%add3A_22, %parallel_loop3A_200] : memref<64x128xf32, #tpu.memory_space<vmem>>[vector<16xi32>, vector<16xi32>], vector<16xf32>,
        %parallel_loop3A_236 = arith.addi %parallel_loop3A_212, %add3A_22 : vector<16xi32>
        tpu.vector_store_idx %arg6[%parallel_loop3A_206, %parallel_loop3A_236], %parallel_loop3A_235 : memref<256x128xf32, #tpu.memory_space<vmem>>[vector<16xi32>, vector<16xi32>], vector<16xf32>,
      } {sc.loop_unroll_factor = 4 : i64, sc.parallel_access}
      %parallel_loop3A_174 = arith.constant 0 : i32
      %parallel_loop3A_175 = arith.constant 128 : i32
      %parallel_loop3A_176 = arith.constant 1 : i32
      %parallel_loop3A_177 = arith.constant 1 : i32
      scf.for %parallel_loop3A_190 = %parallel_loop3A_174 to %parallel_loop3A_175 step %parallel_loop3A_176  : i32 {
        %parallel_loop3A_191 = arith.constant 15 : i32
        %parallel_loop3A_192 = arith.andi %parallel_loop3A_190, %parallel_loop3A_191 : i32
        %parallel_loop3A_193 = arith.subi %parallel_loop3A_190, %parallel_loop3A_192 : i32
        %parallel_loop3A_194 = vector.broadcast %parallel_loop3A_192 : i32 to vector<16xi32>
        %parallel_loop3A_195 = arith.addi %iota3A, %parallel_loop3A_194 : vector<16xi32>
        %parallel_loop3A_196 = arith.constant 15 : i32
        %parallel_loop3A_197 = vector.broadcast %parallel_loop3A_196 : i32 to vector<16xi32>
        %parallel_loop3A_198 = arith.andi %parallel_loop3A_195, %parallel_loop3A_197 : vector<16xi32>
        %parallel_loop3A_199 = vector.broadcast %parallel_loop3A_193 : i32 to vector<16xi32>
        %parallel_loop3A_200 = arith.addi %parallel_loop3A_199, %parallel_loop3A_198 : vector<16xi32>
        %parallel_loop3A_201 = arith.constant 1 : i32
        %parallel_loop3A_202 = vector.broadcast %parallel_loop3A_201 : i32 to vector<16xi32>
        %parallel_loop3A_203 = arith.shrui %parallel_loop3A_200, %parallel_loop3A_202 : vector<16xi32>
        %parallel_loop3A_204 = arith.constant 64 : i32
        %parallel_loop3A_205 = vector.broadcast %parallel_loop3A_204 : i32 to vector<16xi32>
        %parallel_loop3A_206 = arith.addi %parallel_loop3A_203, %parallel_loop3A_205 : vector<16xi32>
        %parallel_loop3A_207 = arith.constant 1 : i32
        %parallel_loop3A_208 = vector.broadcast %parallel_loop3A_207 : i32 to vector<16xi32>
        %parallel_loop3A_209 = arith.andi %parallel_loop3A_200, %parallel_loop3A_208 : vector<16xi32>
        %parallel_loop3A_210 = arith.constant 6 : i32
        %parallel_loop3A_211 = vector.broadcast %parallel_loop3A_210 : i32 to vector<16xi32>
        %parallel_loop3A_212 = arith.shli %parallel_loop3A_209, %parallel_loop3A_211 : vector<16xi32>
        %parallel_loop3A_213 = arith.constant 0 : i32
        %parallel_loop3A_214 = arith.constant 0 : i32
        %parallel_loop3A_215 = tpu.memref_slice %arg4[%parallel_loop3A_177, %parallel_loop3A_213, %parallel_loop3A_214] : memref<4x64x128xf32, #tpu.memory_space<vmem>> -> memref<1x64x128xf32, #tpu.memory_space<vmem>>
        %parallel_loop3A_216 = tpu.memref_squeeze %parallel_loop3A_215 : memref<1x64x128xf32, #tpu.memory_space<vmem>> -> memref<64x128xf32, #tpu.memory_space<vmem>>
        %parallel_loop3A_217 = tpu.vector_load_idx %parallel_loop3A_216[%add3A_13, %parallel_loop3A_200] : memref<64x128xf32, #tpu.memory_space<vmem>>[vector<16xi32>, vector<16xi32>], vector<16xf32>,
        %parallel_loop3A_218 = arith.addi %parallel_loop3A_212, %add3A_13 : vector<16xi32>
        tpu.vector_store_idx %arg6[%parallel_loop3A_206, %parallel_loop3A_218], %parallel_loop3A_217 : memref<256x128xf32, #tpu.memory_space<vmem>>[vector<16xi32>, vector<16xi32>], vector<16xf32>,
        %parallel_loop3A_219 = arith.constant 0 : i32
        %parallel_loop3A_220 = arith.constant 0 : i32
        %parallel_loop3A_221 = tpu.memref_slice %arg4[%parallel_loop3A_177, %parallel_loop3A_219, %parallel_loop3A_220] : memref<4x64x128xf32, #tpu.memory_space<vmem>> -> memref<1x64x128xf32, #tpu.memory_space<vmem>>
        %parallel_loop3A_222 = tpu.memref_squeeze %parallel_loop3A_221 : memref<1x64x128xf32, #tpu.memory_space<vmem>> -> memref<64x128xf32, #tpu.memory_space<vmem>>
        %parallel_loop3A_223 = tpu.vector_load_idx %parallel_loop3A_222[%add3A_16, %parallel_loop3A_200] : memref<64x128xf32, #tpu.memory_space<vmem>>[vector<16xi32>, vector<16xi32>], vector<16xf32>,
        %parallel_loop3A_224 = arith.addi %parallel_loop3A_212, %add3A_16 : vector<16xi32>
        tpu.vector_store_idx %arg6[%parallel_loop3A_206, %parallel_loop3A_224], %parallel_loop3A_223 : memref<256x128xf32, #tpu.memory_space<vmem>>[vector<16xi32>, vector<16xi32>], vector<16xf32>,
        %parallel_loop3A_225 = arith.constant 0 : i32
        %parallel_loop3A_226 = arith.constant 0 : i32
        %parallel_loop3A_227 = tpu.memref_slice %arg4[%parallel_loop3A_177, %parallel_loop3A_225, %parallel_loop3A_226] : memref<4x64x128xf32, #tpu.memory_space<vmem>> -> memref<1x64x128xf32, #tpu.memory_space<vmem>>
        %parallel_loop3A_228 = tpu.memref_squeeze %parallel_loop3A_227 : memref<1x64x128xf32, #tpu.memory_space<vmem>> -> memref<64x128xf32, #tpu.memory_space<vmem>>
        %parallel_loop3A_229 = tpu.vector_load_idx %parallel_loop3A_228[%add3A_19, %parallel_loop3A_200] : memref<64x128xf32, #tpu.memory_space<vmem>>[vector<16xi32>, vector<16xi32>], vector<16xf32>,
        %parallel_loop3A_230 = arith.addi %parallel_loop3A_212, %add3A_19 : vector<16xi32>
        tpu.vector_store_idx %arg6[%parallel_loop3A_206, %parallel_loop3A_230], %parallel_loop3A_229 : memref<256x128xf32, #tpu.memory_space<vmem>>[vector<16xi32>, vector<16xi32>], vector<16xf32>,
        %parallel_loop3A_231 = arith.constant 0 : i32
        %parallel_loop3A_232 = arith.constant 0 : i32
        %parallel_loop3A_233 = tpu.memref_slice %arg4[%parallel_loop3A_177, %parallel_loop3A_231, %parallel_loop3A_232] : memref<4x64x128xf32, #tpu.memory_space<vmem>> -> memref<1x64x128xf32, #tpu.memory_space<vmem>>
        %parallel_loop3A_234 = tpu.memref_squeeze %parallel_loop3A_233 : memref<1x64x128xf32, #tpu.memory_space<vmem>> -> memref<64x128xf32, #tpu.memory_space<vmem>>
        %parallel_loop3A_235 = tpu.vector_load_idx %parallel_loop3A_234[%add3A_22, %parallel_loop3A_200] : memref<64x128xf32, #tpu.memory_space<vmem>>[vector<16xi32>, vector<16xi32>], vector<16xf32>,
        %parallel_loop3A_236 = arith.addi %parallel_loop3A_212, %add3A_22 : vector<16xi32>
        tpu.vector_store_idx %arg6[%parallel_loop3A_206, %parallel_loop3A_236], %parallel_loop3A_235 : memref<256x128xf32, #tpu.memory_space<vmem>>[vector<16xi32>, vector<16xi32>], vector<16xf32>,
      } {sc.loop_unroll_factor = 4 : i64, sc.parallel_access}
      %parallel_loop3A_178 = arith.constant 0 : i32
      %parallel_loop3A_179 = arith.constant 128 : i32
      %parallel_loop3A_180 = arith.constant 1 : i32
      %parallel_loop3A_181 = arith.constant 2 : i32
      scf.for %parallel_loop3A_190 = %parallel_loop3A_178 to %parallel_loop3A_179 step %parallel_loop3A_180  : i32 {
        %parallel_loop3A_191 = arith.constant 15 : i32
        %parallel_loop3A_192 = arith.andi %parallel_loop3A_190, %parallel_loop3A_191 : i32
        %parallel_loop3A_193 = arith.subi %parallel_loop3A_190, %parallel_loop3A_192 : i32
        %parallel_loop3A_194 = vector.broadcast %parallel_loop3A_192 : i32 to vector<16xi32>
        %parallel_loop3A_195 = arith.addi %iota3A, %parallel_loop3A_194 : vector<16xi32>
        %parallel_loop3A_196 = arith.constant 15 : i32
        %parallel_loop3A_197 = vector.broadcast %parallel_loop3A_196 : i32 to vector<16xi32>
        %parallel_loop3A_198 = arith.andi %parallel_loop3A_195, %parallel_loop3A_197 : vector<16xi32>
        %parallel_loop3A_199 = vector.broadcast %parallel_loop3A_193 : i32 to vector<16xi32>
        %parallel_loop3A_200 = arith.addi %parallel_loop3A_199, %parallel_loop3A_198 : vector<16xi32>
        %parallel_loop3A_201 = arith.constant 1 : i32
        %parallel_loop3A_202 = vector.broadcast %parallel_loop3A_201 : i32 to vector<16xi32>
        %parallel_loop3A_203 = arith.shrui %parallel_loop3A_200, %parallel_loop3A_202 : vector<16xi32>
        %parallel_loop3A_204 = arith.constant 128 : i32
        %parallel_loop3A_205 = vector.broadcast %parallel_loop3A_204 : i32 to vector<16xi32>
        %parallel_loop3A_206 = arith.addi %parallel_loop3A_203, %parallel_loop3A_205 : vector<16xi32>
        %parallel_loop3A_207 = arith.constant 1 : i32
        %parallel_loop3A_208 = vector.broadcast %parallel_loop3A_207 : i32 to vector<16xi32>
        %parallel_loop3A_209 = arith.andi %parallel_loop3A_200, %parallel_loop3A_208 : vector<16xi32>
        %parallel_loop3A_210 = arith.constant 6 : i32
        %parallel_loop3A_211 = vector.broadcast %parallel_loop3A_210 : i32 to vector<16xi32>
        %parallel_loop3A_212 = arith.shli %parallel_loop3A_209, %parallel_loop3A_211 : vector<16xi32>
        %parallel_loop3A_213 = arith.constant 0 : i32
        %parallel_loop3A_214 = arith.constant 0 : i32
        %parallel_loop3A_215 = tpu.memref_slice %arg4[%parallel_loop3A_181, %parallel_loop3A_213, %parallel_loop3A_214] : memref<4x64x128xf32, #tpu.memory_space<vmem>> -> memref<1x64x128xf32, #tpu.memory_space<vmem>>
        %parallel_loop3A_216 = tpu.memref_squeeze %parallel_loop3A_215 : memref<1x64x128xf32, #tpu.memory_space<vmem>> -> memref<64x128xf32, #tpu.memory_space<vmem>>
        %parallel_loop3A_217 = tpu.vector_load_idx %parallel_loop3A_216[%add3A_13, %parallel_loop3A_200] : memref<64x128xf32, #tpu.memory_space<vmem>>[vector<16xi32>, vector<16xi32>], vector<16xf32>,
        %parallel_loop3A_218 = arith.addi %parallel_loop3A_212, %add3A_13 : vector<16xi32>
        tpu.vector_store_idx %arg6[%parallel_loop3A_206, %parallel_loop3A_218], %parallel_loop3A_217 : memref<256x128xf32, #tpu.memory_space<vmem>>[vector<16xi32>, vector<16xi32>], vector<16xf32>,
        %parallel_loop3A_219 = arith.constant 0 : i32
        %parallel_loop3A_220 = arith.constant 0 : i32
        %parallel_loop3A_221 = tpu.memref_slice %arg4[%parallel_loop3A_181, %parallel_loop3A_219, %parallel_loop3A_220] : memref<4x64x128xf32, #tpu.memory_space<vmem>> -> memref<1x64x128xf32, #tpu.memory_space<vmem>>
        %parallel_loop3A_222 = tpu.memref_squeeze %parallel_loop3A_221 : memref<1x64x128xf32, #tpu.memory_space<vmem>> -> memref<64x128xf32, #tpu.memory_space<vmem>>
        %parallel_loop3A_223 = tpu.vector_load_idx %parallel_loop3A_222[%add3A_16, %parallel_loop3A_200] : memref<64x128xf32, #tpu.memory_space<vmem>>[vector<16xi32>, vector<16xi32>], vector<16xf32>,
        %parallel_loop3A_224 = arith.addi %parallel_loop3A_212, %add3A_16 : vector<16xi32>
        tpu.vector_store_idx %arg6[%parallel_loop3A_206, %parallel_loop3A_224], %parallel_loop3A_223 : memref<256x128xf32, #tpu.memory_space<vmem>>[vector<16xi32>, vector<16xi32>], vector<16xf32>,
        %parallel_loop3A_225 = arith.constant 0 : i32
        %parallel_loop3A_226 = arith.constant 0 : i32
        %parallel_loop3A_227 = tpu.memref_slice %arg4[%parallel_loop3A_181, %parallel_loop3A_225, %parallel_loop3A_226] : memref<4x64x128xf32, #tpu.memory_space<vmem>> -> memref<1x64x128xf32, #tpu.memory_space<vmem>>
        %parallel_loop3A_228 = tpu.memref_squeeze %parallel_loop3A_227 : memref<1x64x128xf32, #tpu.memory_space<vmem>> -> memref<64x128xf32, #tpu.memory_space<vmem>>
        %parallel_loop3A_229 = tpu.vector_load_idx %parallel_loop3A_228[%add3A_19, %parallel_loop3A_200] : memref<64x128xf32, #tpu.memory_space<vmem>>[vector<16xi32>, vector<16xi32>], vector<16xf32>,
        %parallel_loop3A_230 = arith.addi %parallel_loop3A_212, %add3A_19 : vector<16xi32>
        tpu.vector_store_idx %arg6[%parallel_loop3A_206, %parallel_loop3A_230], %parallel_loop3A_229 : memref<256x128xf32, #tpu.memory_space<vmem>>[vector<16xi32>, vector<16xi32>], vector<16xf32>,
        %parallel_loop3A_231 = arith.constant 0 : i32
        %parallel_loop3A_232 = arith.constant 0 : i32
        %parallel_loop3A_233 = tpu.memref_slice %arg4[%parallel_loop3A_181, %parallel_loop3A_231, %parallel_loop3A_232] : memref<4x64x128xf32, #tpu.memory_space<vmem>> -> memref<1x64x128xf32, #tpu.memory_space<vmem>>
        %parallel_loop3A_234 = tpu.memref_squeeze %parallel_loop3A_233 : memref<1x64x128xf32, #tpu.memory_space<vmem>> -> memref<64x128xf32, #tpu.memory_space<vmem>>
        %parallel_loop3A_235 = tpu.vector_load_idx %parallel_loop3A_234[%add3A_22, %parallel_loop3A_200] : memref<64x128xf32, #tpu.memory_space<vmem>>[vector<16xi32>, vector<16xi32>], vector<16xf32>,
        %parallel_loop3A_236 = arith.addi %parallel_loop3A_212, %add3A_22 : vector<16xi32>
        tpu.vector_store_idx %arg6[%parallel_loop3A_206, %parallel_loop3A_236], %parallel_loop3A_235 : memref<256x128xf32, #tpu.memory_space<vmem>>[vector<16xi32>, vector<16xi32>], vector<16xf32>,
      } {sc.loop_unroll_factor = 4 : i64, sc.parallel_access}
      %parallel_loop3A_182 = arith.constant 0 : i32
      %parallel_loop3A_183 = arith.constant 128 : i32
      %parallel_loop3A_184 = arith.constant 1 : i32
      %parallel_loop3A_185 = arith.constant 3 : i32
      scf.for %parallel_loop3A_190 = %parallel_loop3A_182 to %parallel_loop3A_183 step %parallel_loop3A_184  : i32 {
        %parallel_loop3A_191 = arith.constant 15 : i32
        %parallel_loop3A_192 = arith.andi %parallel_loop3A_190, %parallel_loop3A_191 : i32
        %parallel_loop3A_193 = arith.subi %parallel_loop3A_190, %parallel_loop3A_192 : i32
        %parallel_loop3A_194 = vector.broadcast %parallel_loop3A_192 : i32 to vector<16xi32>
        %parallel_loop3A_195 = arith.addi %iota3A, %parallel_loop3A_194 : vector<16xi32>
        %parallel_loop3A_196 = arith.constant 15 : i32
        %parallel_loop3A_197 = vector.broadcast %parallel_loop3A_196 : i32 to vector<16xi32>
        %parallel_loop3A_198 = arith.andi %parallel_loop3A_195, %parallel_loop3A_197 : vector<16xi32>
        %parallel_loop3A_199 = vector.broadcast %parallel_loop3A_193 : i32 to vector<16xi32>
        %parallel_loop3A_200 = arith.addi %parallel_loop3A_199, %parallel_loop3A_198 : vector<16xi32>
        %parallel_loop3A_201 = arith.constant 1 : i32
        %parallel_loop3A_202 = vector.broadcast %parallel_loop3A_201 : i32 to vector<16xi32>
        %parallel_loop3A_203 = arith.shrui %parallel_loop3A_200, %parallel_loop3A_202 : vector<16xi32>
        %parallel_loop3A_204 = arith.constant 192 : i32
        %parallel_loop3A_205 = vector.broadcast %parallel_loop3A_204 : i32 to vector<16xi32>
        %parallel_loop3A_206 = arith.addi %parallel_loop3A_203, %parallel_loop3A_205 : vector<16xi32>
        %parallel_loop3A_207 = arith.constant 1 : i32
        %parallel_loop3A_208 = vector.broadcast %parallel_loop3A_207 : i32 to vector<16xi32>
        %parallel_loop3A_209 = arith.andi %parallel_loop3A_200, %parallel_loop3A_208 : vector<16xi32>
        %parallel_loop3A_210 = arith.constant 6 : i32
        %parallel_loop3A_211 = vector.broadcast %parallel_loop3A_210 : i32 to vector<16xi32>
        %parallel_loop3A_212 = arith.shli %parallel_loop3A_209, %parallel_loop3A_211 : vector<16xi32>
        %parallel_loop3A_213 = arith.constant 0 : i32
        %parallel_loop3A_214 = arith.constant 0 : i32
        %parallel_loop3A_215 = tpu.memref_slice %arg4[%parallel_loop3A_185, %parallel_loop3A_213, %parallel_loop3A_214] : memref<4x64x128xf32, #tpu.memory_space<vmem>> -> memref<1x64x128xf32, #tpu.memory_space<vmem>>
        %parallel_loop3A_216 = tpu.memref_squeeze %parallel_loop3A_215 : memref<1x64x128xf32, #tpu.memory_space<vmem>> -> memref<64x128xf32, #tpu.memory_space<vmem>>
        %parallel_loop3A_217 = tpu.vector_load_idx %parallel_loop3A_216[%add3A_13, %parallel_loop3A_200] : memref<64x128xf32, #tpu.memory_space<vmem>>[vector<16xi32>, vector<16xi32>], vector<16xf32>,
        %parallel_loop3A_218 = arith.addi %parallel_loop3A_212, %add3A_13 : vector<16xi32>
        tpu.vector_store_idx %arg6[%parallel_loop3A_206, %parallel_loop3A_218], %parallel_loop3A_217 : memref<256x128xf32, #tpu.memory_space<vmem>>[vector<16xi32>, vector<16xi32>], vector<16xf32>,
        %parallel_loop3A_219 = arith.constant 0 : i32
        %parallel_loop3A_220 = arith.constant 0 : i32
        %parallel_loop3A_221 = tpu.memref_slice %arg4[%parallel_loop3A_185, %parallel_loop3A_219, %parallel_loop3A_220] : memref<4x64x128xf32, #tpu.memory_space<vmem>> -> memref<1x64x128xf32, #tpu.memory_space<vmem>>
        %parallel_loop3A_222 = tpu.memref_squeeze %parallel_loop3A_221 : memref<1x64x128xf32, #tpu.memory_space<vmem>> -> memref<64x128xf32, #tpu.memory_space<vmem>>
        %parallel_loop3A_223 = tpu.vector_load_idx %parallel_loop3A_222[%add3A_16, %parallel_loop3A_200] : memref<64x128xf32, #tpu.memory_space<vmem>>[vector<16xi32>, vector<16xi32>], vector<16xf32>,
        %parallel_loop3A_224 = arith.addi %parallel_loop3A_212, %add3A_16 : vector<16xi32>
        tpu.vector_store_idx %arg6[%parallel_loop3A_206, %parallel_loop3A_224], %parallel_loop3A_223 : memref<256x128xf32, #tpu.memory_space<vmem>>[vector<16xi32>, vector<16xi32>], vector<16xf32>,
        %parallel_loop3A_225 = arith.constant 0 : i32
        %parallel_loop3A_226 = arith.constant 0 : i32
        %parallel_loop3A_227 = tpu.memref_slice %arg4[%parallel_loop3A_185, %parallel_loop3A_225, %parallel_loop3A_226] : memref<4x64x128xf32, #tpu.memory_space<vmem>> -> memref<1x64x128xf32, #tpu.memory_space<vmem>>
        %parallel_loop3A_228 = tpu.memref_squeeze %parallel_loop3A_227 : memref<1x64x128xf32, #tpu.memory_space<vmem>> -> memref<64x128xf32, #tpu.memory_space<vmem>>
        %parallel_loop3A_229 = tpu.vector_load_idx %parallel_loop3A_228[%add3A_19, %parallel_loop3A_200] : memref<64x128xf32, #tpu.memory_space<vmem>>[vector<16xi32>, vector<16xi32>], vector<16xf32>,
        %parallel_loop3A_230 = arith.addi %parallel_loop3A_212, %add3A_19 : vector<16xi32>
        tpu.vector_store_idx %arg6[%parallel_loop3A_206, %parallel_loop3A_230], %parallel_loop3A_229 : memref<256x128xf32, #tpu.memory_space<vmem>>[vector<16xi32>, vector<16xi32>], vector<16xf32>,
        %parallel_loop3A_231 = arith.constant 0 : i32
        %parallel_loop3A_232 = arith.constant 0 : i32
        %parallel_loop3A_233 = tpu.memref_slice %arg4[%parallel_loop3A_185, %parallel_loop3A_231, %parallel_loop3A_232] : memref<4x64x128xf32, #tpu.memory_space<vmem>> -> memref<1x64x128xf32, #tpu.memory_space<vmem>>
        %parallel_loop3A_234 = tpu.memref_squeeze %parallel_loop3A_233 : memref<1x64x128xf32, #tpu.memory_space<vmem>> -> memref<64x128xf32, #tpu.memory_space<vmem>>
        %parallel_loop3A_235 = tpu.vector_load_idx %parallel_loop3A_234[%add3A_22, %parallel_loop3A_200] : memref<64x128xf32, #tpu.memory_space<vmem>>[vector<16xi32>, vector<16xi32>], vector<16xf32>,
        %parallel_loop3A_236 = arith.addi %parallel_loop3A_212, %add3A_22 : vector<16xi32>
        tpu.vector_store_idx %arg6[%parallel_loop3A_206, %parallel_loop3A_236], %parallel_loop3A_235 : memref<256x128xf32, #tpu.memory_space<vmem>>[vector<16xi32>, vector<16xi32>], vector<16xf32>,
      } {sc.loop_unroll_factor = 4 : i64, sc.parallel_access}
      %mul3A_186 = arith.constant 64 : i32
      %mul3A_187 = arith.muli %add3A_49, %mul3A_186 : i32
      %multiple_of3A_188 = tpu.assume_multiple %mul3A_187, 64 : i32
      "tpu.region"() ({
        %run_scoped3A = tpu.sem_alloc : memref<!tpu.dma_semaphore, #tpu.memory_space<semaphore_mem>>
        %dma_start3A_190 = arith.constant 0 : i32
        %dma_start3A_191 = tpu.memref_slice %arg3[%multiple_of3A_188, %dma_start3A_190] : memref<50000x128xf32, #tpu.memory_space<hbm>> -> memref<256x128xf32, #tpu.memory_space<hbm>>
        %dma_start3A_192 = arith.constant 0 : i32
        %dma_start3A_193 = tpu.memref_slice %arg3[%multiple_of3A_188, %dma_start3A_192] : memref<50000x128xf32, #tpu.memory_space<hbm>> -> memref<256x128xf32, #tpu.memory_space<hbm>>
        tpu.enqueue_dma source(%arg6 : memref<256x128xf32, #tpu.memory_space<vmem>>) target(%dma_start3A_193 : memref<256x128xf32, #tpu.memory_space<hbm>>) target_semaphore(%run_scoped3A : memref<!tpu.dma_semaphore, #tpu.memory_space<semaphore_mem>>)
        %dma_wait3A_194 = arith.constant 0 : i32
        %dma_wait3A_195 = tpu.memref_slice %arg3[%multiple_of3A_188, %dma_wait3A_194] : memref<50000x128xf32, #tpu.memory_space<hbm>> -> memref<256x128xf32, #tpu.memory_space<hbm>>
        %dma_wait3A_196 = arith.constant 0 : i32
        %dma_wait3A_197 = tpu.memref_slice %arg3[%multiple_of3A_188, %dma_wait3A_196] : memref<50000x128xf32, #tpu.memory_space<hbm>> -> memref<256x128xf32, #tpu.memory_space<hbm>>
        tpu.wait_dma2 semaphore(%run_scoped3A : memref<!tpu.dma_semaphore, #tpu.memory_space<semaphore_mem>>) src(%arg6 : memref<256x128xf32, #tpu.memory_space<vmem>>) dst(%dma_wait3A_197 : memref<256x128xf32, #tpu.memory_space<hbm>>)
        tpu.yield
      }) : () -> ()
      %while3A_189 = arith.constant 0 : i32
      scf.yield %while3A_189 : i32
    }
    %while3A_37 = arith.constant 1 : i32
    %while3A_38 = scf.for %while3A_42 = %while3A_34 to %while3A_30 step %while3A_37 iter_args(%while3A_43 = %while3A_36) -> (i32)  : i32 {
      %mul3A_44 = arith.constant 4 : i32
      %mul3A_45 = arith.muli %while3A_42, %mul3A_44 : i32
      %sub3A_46 = arith.constant 4 : i32
      %sub3A_47 = arith.subi %sub3A, %sub3A_46 : i32
      %min3A_48 = arith.minsi %mul3A_45, %sub3A_47 : i32
      %add3A_49 = arith.addi %add3A_10, %min3A_48 : i32
      %add3A_50 = arith.constant 0 : i32
      %add3A_51 = arith.addi %add3A_49, %add3A_50 : i32
      %mul3A_52 = arith.constant 128 : i32
      %mul3A_53 = arith.muli %add3A_51, %mul3A_52 : i32
      %multiple_of3A = tpu.assume_multiple %mul3A_53, 128 : i32
      %dma_start3A = arith.constant 0 : i32
      %dma_start3A_54 = arith.constant 0 : i32
      %dma_start3A_55 = arith.constant 0 : i32
      %dma_start3A_56 = tpu.memref_slice %arg4[%dma_start3A, %dma_start3A_54, %dma_start3A_55] : memref<4x64x128xf32, #tpu.memory_space<vmem>> -> memref<1x64x128xf32, #tpu.memory_space<vmem>>
      %dma_start3A_57 = tpu.memref_squeeze %dma_start3A_56 : memref<1x64x128xf32, #tpu.memory_space<vmem>> -> memref<64x128xf32, #tpu.memory_space<vmem>>
      %dma_start3A_58 = arith.constant 0 : i32
      %dma_start3A_59 = tpu.memref_slice %arg2[%dma_start3A_58, %multiple_of3A] : memref<64x100000xf32, #tpu.memory_space<hbm>> -> memref<64x128xf32, #tpu.memory_space<hbm>>
      %dma_start3A_60 = arith.constant 0 : i32
      %dma_start3A_61 = arith.constant 0 : i32
      %dma_start3A_62 = tpu.memref_slice %arg4[%dma_start3A, %dma_start3A_60, %dma_start3A_61] : memref<4x64x128xf32, #tpu.memory_space<vmem>> -> memref<1x64x128xf32, #tpu.memory_space<vmem>>
      %dma_start3A_63 = tpu.memref_squeeze %dma_start3A_62 : memref<1x64x128xf32, #tpu.memory_space<vmem>> -> memref<64x128xf32, #tpu.memory_space<vmem>>
      %dma_start3A_64 = arith.constant 0 : i32
      %dma_start3A_65 = tpu.memref_slice %arg2[%dma_start3A_64, %multiple_of3A] : memref<64x100000xf32, #tpu.memory_space<hbm>> -> memref<64x128xf32, #tpu.memory_space<hbm>>
      tpu.enqueue_dma source(%dma_start3A_65 : memref<64x128xf32, #tpu.memory_space<hbm>>) target(%dma_start3A_63 : memref<64x128xf32, #tpu.memory_space<vmem>>) target_semaphore(%arg7 : memref<!tpu.dma_semaphore, #tpu.memory_space<semaphore_mem>>)
      %add3A_66 = arith.constant 1 : i32
      %add3A_67 = arith.addi %add3A_49, %add3A_66 : i32
      %mul3A_68 = arith.constant 128 : i32
      %mul3A_69 = arith.muli %add3A_67, %mul3A_68 : i32
      %multiple_of3A_70 = tpu.assume_multiple %mul3A_69, 128 : i32
      %dma_start3A_71 = arith.constant 1 : i32
      %dma_start3A_72 = arith.constant 0 : i32
      %dma_start3A_73 = arith.constant 0 : i32
      %dma_start3A_74 = tpu.memref_slice %arg4[%dma_start3A_71, %dma_start3A_72, %dma_start3A_73] : memref<4x64x128xf32, #tpu.memory_space<vmem>> -> memref<1x64x128xf32, #tpu.memory_space<vmem>>
      %dma_start3A_75 = tpu.memref_squeeze %dma_start3A_74 : memref<1x64x128xf32, #tpu.memory_space<vmem>> -> memref<64x128xf32, #tpu.memory_space<vmem>>
      %dma_start3A_76 = arith.constant 0 : i32
      %dma_start3A_77 = tpu.memref_slice %arg2[%dma_start3A_76, %multiple_of3A_70] : memref<64x100000xf32, #tpu.memory_space<hbm>> -> memref<64x128xf32, #tpu.memory_space<hbm>>
      %dma_start3A_78 = arith.constant 0 : i32
      %dma_start3A_79 = arith.constant 0 : i32
      %dma_start3A_80 = tpu.memref_slice %arg4[%dma_start3A_71, %dma_start3A_78, %dma_start3A_79] : memref<4x64x128xf32, #tpu.memory_space<vmem>> -> memref<1x64x128xf32, #tpu.memory_space<vmem>>
      %dma_start3A_81 = tpu.memref_squeeze %dma_start3A_80 : memref<1x64x128xf32, #tpu.memory_space<vmem>> -> memref<64x128xf32, #tpu.memory_space<vmem>>
      %dma_start3A_82 = arith.constant 0 : i32
      %dma_start3A_83 = tpu.memref_slice %arg2[%dma_start3A_82, %multiple_of3A_70] : memref<64x100000xf32, #tpu.memory_space<hbm>> -> memref<64x128xf32, #tpu.memory_space<hbm>>
      tpu.enqueue_dma source(%dma_start3A_83 : memref<64x128xf32, #tpu.memory_space<hbm>>) target(%dma_start3A_81 : memref<64x128xf32, #tpu.memory_space<vmem>>) target_semaphore(%arg7 : memref<!tpu.dma_semaphore, #tpu.memory_space<semaphore_mem>>)
      %add3A_84 = arith.constant 2 : i32
      %add3A_85 = arith.addi %add3A_49, %add3A_84 : i32
      %mul3A_86 = arith.constant 128 : i32
      %mul3A_87 = arith.muli %add3A_85, %mul3A_86 : i32
      %multiple_of3A_88 = tpu.assume_multiple %mul3A_87, 128 : i32
      %dma_start3A_89 = arith.constant 2 : i32
      %dma_start3A_90 = arith.constant 0 : i32
      %dma_start3A_91 = arith.constant 0 : i32
      %dma_start3A_92 = tpu.memref_slice %arg4[%dma_start3A_89, %dma_start3A_90, %dma_start3A_91] : memref<4x64x128xf32, #tpu.memory_space<vmem>> -> memref<1x64x128xf32, #tpu.memory_space<vmem>>
      %dma_start3A_93 = tpu.memref_squeeze %dma_start3A_92 : memref<1x64x128xf32, #tpu.memory_space<vmem>> -> memref<64x128xf32, #tpu.memory_space<vmem>>
      %dma_start3A_94 = arith.constant 0 : i32
      %dma_start3A_95 = tpu.memref_slice %arg2[%dma_start3A_94, %multiple_of3A_88] : memref<64x100000xf32, #tpu.memory_space<hbm>> -> memref<64x128xf32, #tpu.memory_space<hbm>>
      %dma_start3A_96 = arith.constant 0 : i32
      %dma_start3A_97 = arith.constant 0 : i32
      %dma_start3A_98 = tpu.memref_slice %arg4[%dma_start3A_89, %dma_start3A_96, %dma_start3A_97] : memref<4x64x128xf32, #tpu.memory_space<vmem>> -> memref<1x64x128xf32, #tpu.memory_space<vmem>>
      %dma_start3A_99 = tpu.memref_squeeze %dma_start3A_98 : memref<1x64x128xf32, #tpu.memory_space<vmem>> -> memref<64x128xf32, #tpu.memory_space<vmem>>
      %dma_start3A_100 = arith.constant 0 : i32
      %dma_start3A_101 = tpu.memref_slice %arg2[%dma_start3A_100, %multiple_of3A_88] : memref<64x100000xf32, #tpu.memory_space<hbm>> -> memref<64x128xf32, #tpu.memory_space<hbm>>
      tpu.enqueue_dma source(%dma_start3A_101 : memref<64x128xf32, #tpu.memory_space<hbm>>) target(%dma_start3A_99 : memref<64x128xf32, #tpu.memory_space<vmem>>) target_semaphore(%arg7 : memref<!tpu.dma_semaphore, #tpu.memory_space<semaphore_mem>>)
      %add3A_102 = arith.constant 3 : i32
      %add3A_103 = arith.addi %add3A_49, %add3A_102 : i32
      %mul3A_104 = arith.constant 128 : i32
      %mul3A_105 = arith.muli %add3A_103, %mul3A_104 : i32
      %multiple_of3A_106 = tpu.assume_multiple %mul3A_105, 128 : i32
      %dma_start3A_107 = arith.constant 3 : i32
      %dma_start3A_108 = arith.constant 0 : i32
      %dma_start3A_109 = arith.constant 0 : i32
      %dma_start3A_110 = tpu.memref_slice %arg4[%dma_start3A_107, %dma_start3A_108, %dma_start3A_109] : memref<4x64x128xf32, #tpu.memory_space<vmem>> -> memref<1x64x128xf32, #tpu.memory_space<vmem>>
      %dma_start3A_111 = tpu.memref_squeeze %dma_start3A_110 : memref<1x64x128xf32, #tpu.memory_space<vmem>> -> memref<64x128xf32, #tpu.memory_space<vmem>>
      %dma_start3A_112 = arith.constant 0 : i32
      %dma_start3A_113 = tpu.memref_slice %arg2[%dma_start3A_112, %multiple_of3A_106] : memref<64x100000xf32, #tpu.memory_space<hbm>> -> memref<64x128xf32, #tpu.memory_space<hbm>>
      %dma_start3A_114 = arith.constant 0 : i32
      %dma_start3A_115 = arith.constant 0 : i32
      %dma_start3A_116 = tpu.memref_slice %arg4[%dma_start3A_107, %dma_start3A_114, %dma_start3A_115] : memref<4x64x128xf32, #tpu.memory_space<vmem>> -> memref<1x64x128xf32, #tpu.memory_space<vmem>>
      %dma_start3A_117 = tpu.memref_squeeze %dma_start3A_116 : memref<1x64x128xf32, #tpu.memory_space<vmem>> -> memref<64x128xf32, #tpu.memory_space<vmem>>
      %dma_start3A_118 = arith.constant 0 : i32
      %dma_start3A_119 = tpu.memref_slice %arg2[%dma_start3A_118, %multiple_of3A_106] : memref<64x100000xf32, #tpu.memory_space<hbm>> -> memref<64x128xf32, #tpu.memory_space<hbm>>
      tpu.enqueue_dma source(%dma_start3A_119 : memref<64x128xf32, #tpu.memory_space<hbm>>) target(%dma_start3A_117 : memref<64x128xf32, #tpu.memory_space<vmem>>) target_semaphore(%arg7 : memref<!tpu.dma_semaphore, #tpu.memory_space<semaphore_mem>>)
      %dma_wait3A = arith.constant 0 : i32
      %dma_wait3A_120 = arith.constant 0 : i32
      %dma_wait3A_121 = arith.constant 0 : i32
      %dma_wait3A_122 = tpu.memref_slice %arg4[%dma_wait3A, %dma_wait3A_120, %dma_wait3A_121] : memref<4x64x128xf32, #tpu.memory_space<vmem>> -> memref<1x64x128xf32, #tpu.memory_space<vmem>>
      %dma_wait3A_123 = tpu.memref_squeeze %dma_wait3A_122 : memref<1x64x128xf32, #tpu.memory_space<vmem>> -> memref<64x128xf32, #tpu.memory_space<vmem>>
      %dma_wait3A_124 = arith.constant 0 : i32
      %dma_wait3A_125 = tpu.memref_slice %arg2[%dma_wait3A_124, %multiple_of3A] : memref<64x100000xf32, #tpu.memory_space<hbm>> -> memref<64x128xf32, #tpu.memory_space<hbm>>
      %dma_wait3A_126 = arith.constant 0 : i32
      %dma_wait3A_127 = arith.constant 0 : i32
      %dma_wait3A_128 = tpu.memref_slice %arg4[%dma_wait3A, %dma_wait3A_126, %dma_wait3A_127] : memref<4x64x128xf32, #tpu.memory_space<vmem>> -> memref<1x64x128xf32, #tpu.memory_space<vmem>>
      %dma_wait3A_129 = tpu.memref_squeeze %dma_wait3A_128 : memref<1x64x128xf32, #tpu.memory_space<vmem>> -> memref<64x128xf32, #tpu.memory_space<vmem>>
      %dma_wait3A_130 = arith.constant 0 : i32
      %dma_wait3A_131 = tpu.memref_slice %arg2[%dma_wait3A_130, %multiple_of3A] : memref<64x100000xf32, #tpu.memory_space<hbm>> -> memref<64x128xf32, #tpu.memory_space<hbm>>
      tpu.wait_dma2 semaphore(%arg7 : memref<!tpu.dma_semaphore, #tpu.memory_space<semaphore_mem>>) src(%dma_wait3A_131 : memref<64x128xf32, #tpu.memory_space<hbm>>) dst(%dma_wait3A_129 : memref<64x128xf32, #tpu.memory_space<vmem>>)
      %dma_wait3A_132 = arith.constant 1 : i32
      %dma_wait3A_133 = arith.constant 0 : i32
      %dma_wait3A_134 = arith.constant 0 : i32
      %dma_wait3A_135 = tpu.memref_slice %arg4[%dma_wait3A_132, %dma_wait3A_133, %dma_wait3A_134] : memref<4x64x128xf32, #tpu.memory_space<vmem>> -> memref<1x64x128xf32, #tpu.memory_space<vmem>>
      %dma_wait3A_136 = tpu.memref_squeeze %dma_wait3A_135 : memref<1x64x128xf32, #tpu.memory_space<vmem>> -> memref<64x128xf32, #tpu.memory_space<vmem>>
      %dma_wait3A_137 = arith.constant 0 : i32
      %dma_wait3A_138 = tpu.memref_slice %arg2[%dma_wait3A_137, %multiple_of3A_70] : memref<64x100000xf32, #tpu.memory_space<hbm>> -> memref<64x128xf32, #tpu.memory_space<hbm>>
      %dma_wait3A_139 = arith.constant 0 : i32
      %dma_wait3A_140 = arith.constant 0 : i32
      %dma_wait3A_141 = tpu.memref_slice %arg4[%dma_wait3A_132, %dma_wait3A_139, %dma_wait3A_140] : memref<4x64x128xf32, #tpu.memory_space<vmem>> -> memref<1x64x128xf32, #tpu.memory_space<vmem>>
      %dma_wait3A_142 = tpu.memref_squeeze %dma_wait3A_141 : memref<1x64x128xf32, #tpu.memory_space<vmem>> -> memref<64x128xf32, #tpu.memory_space<vmem>>
      %dma_wait3A_143 = arith.constant 0 : i32
      %dma_wait3A_144 = tpu.memref_slice %arg2[%dma_wait3A_143, %multiple_of3A_70] : memref<64x100000xf32, #tpu.memory_space<hbm>> -> memref<64x128xf32, #tpu.memory_space<hbm>>
      tpu.wait_dma2 semaphore(%arg7 : memref<!tpu.dma_semaphore, #tpu.memory_space<semaphore_mem>>) src(%dma_wait3A_144 : memref<64x128xf32, #tpu.memory_space<hbm>>) dst(%dma_wait3A_142 : memref<64x128xf32, #tpu.memory_space<vmem>>)
      %dma_wait3A_145 = arith.constant 2 : i32
      %dma_wait3A_146 = arith.constant 0 : i32
      %dma_wait3A_147 = arith.constant 0 : i32
      %dma_wait3A_148 = tpu.memref_slice %arg4[%dma_wait3A_145, %dma_wait3A_146, %dma_wait3A_147] : memref<4x64x128xf32, #tpu.memory_space<vmem>> -> memref<1x64x128xf32, #tpu.memory_space<vmem>>
      %dma_wait3A_149 = tpu.memref_squeeze %dma_wait3A_148 : memref<1x64x128xf32, #tpu.memory_space<vmem>> -> memref<64x128xf32, #tpu.memory_space<vmem>>
      %dma_wait3A_150 = arith.constant 0 : i32
      %dma_wait3A_151 = tpu.memref_slice %arg2[%dma_wait3A_150, %multiple_of3A_88] : memref<64x100000xf32, #tpu.memory_space<hbm>> -> memref<64x128xf32, #tpu.memory_space<hbm>>
      %dma_wait3A_152 = arith.constant 0 : i32
      %dma_wait3A_153 = arith.constant 0 : i32
      %dma_wait3A_154 = tpu.memref_slice %arg4[%dma_wait3A_145, %dma_wait3A_152, %dma_wait3A_153] : memref<4x64x128xf32, #tpu.memory_space<vmem>> -> memref<1x64x128xf32, #tpu.memory_space<vmem>>
      %dma_wait3A_155 = tpu.memref_squeeze %dma_wait3A_154 : memref<1x64x128xf32, #tpu.memory_space<vmem>> -> memref<64x128xf32, #tpu.memory_space<vmem>>
      %dma_wait3A_156 = arith.constant 0 : i32
      %dma_wait3A_157 = tpu.memref_slice %arg2[%dma_wait3A_156, %multiple_of3A_88] : memref<64x100000xf32, #tpu.memory_space<hbm>> -> memref<64x128xf32, #tpu.memory_space<hbm>>
      tpu.wait_dma2 semaphore(%arg7 : memref<!tpu.dma_semaphore, #tpu.memory_space<semaphore_mem>>) src(%dma_wait3A_157 : memref<64x128xf32, #tpu.memory_space<hbm>>) dst(%dma_wait3A_155 : memref<64x128xf32, #tpu.memory_space<vmem>>)
      %dma_wait3A_158 = arith.constant 3 : i32
      %dma_wait3A_159 = arith.constant 0 : i32
      %dma_wait3A_160 = arith.constant 0 : i32
      %dma_wait3A_161 = tpu.memref_slice %arg4[%dma_wait3A_158, %dma_wait3A_159, %dma_wait3A_160] : memref<4x64x128xf32, #tpu.memory_space<vmem>> -> memref<1x64x128xf32, #tpu.memory_space<vmem>>
      %dma_wait3A_162 = tpu.memref_squeeze %dma_wait3A_161 : memref<1x64x128xf32, #tpu.memory_space<vmem>> -> memref<64x128xf32, #tpu.memory_space<vmem>>
      %dma_wait3A_163 = arith.constant 0 : i32
      %dma_wait3A_164 = tpu.memref_slice %arg2[%dma_wait3A_163, %multiple_of3A_106] : memref<64x100000xf32, #tpu.memory_space<hbm>> -> memref<64x128xf32, #tpu.memory_space<hbm>>
      %dma_wait3A_165 = arith.constant 0 : i32
      %dma_wait3A_166 = arith.constant 0 : i32
      %dma_wait3A_167 = tpu.memref_slice %arg4[%dma_wait3A_158, %dma_wait3A_165, %dma_wait3A_166] : memref<4x64x128xf32, #tpu.memory_space<vmem>> -> memref<1x64x128xf32, #tpu.memory_space<vmem>>
      %dma_wait3A_168 = tpu.memref_squeeze %dma_wait3A_167 : memref<1x64x128xf32, #tpu.memory_space<vmem>> -> memref<64x128xf32, #tpu.memory_space<vmem>>
      %dma_wait3A_169 = arith.constant 0 : i32
      %dma_wait3A_170 = tpu.memref_slice %arg2[%dma_wait3A_169, %multiple_of3A_106] : memref<64x100000xf32, #tpu.memory_space<hbm>> -> memref<64x128xf32, #tpu.memory_space<hbm>>
      tpu.wait_dma2 semaphore(%arg7 : memref<!tpu.dma_semaphore, #tpu.memory_space<semaphore_mem>>) src(%dma_wait3A_170 : memref<64x128xf32, #tpu.memory_space<hbm>>) dst(%dma_wait3A_168 : memref<64x128xf32, #tpu.memory_space<vmem>>)
      %parallel_loop3A = arith.constant 0 : i32
      %parallel_loop3A_171 = arith.constant 128 : i32
      %parallel_loop3A_172 = arith.constant 1 : i32
      %parallel_loop3A_173 = arith.constant 0 : i32
      scf.for %parallel_loop3A_190 = %parallel_loop3A to %parallel_loop3A_171 step %parallel_loop3A_172  : i32 {
        %parallel_loop3A_191 = arith.constant 15 : i32
        %parallel_loop3A_192 = arith.andi %parallel_loop3A_190, %parallel_loop3A_191 : i32
        %parallel_loop3A_193 = arith.subi %parallel_loop3A_190, %parallel_loop3A_192 : i32
        %parallel_loop3A_194 = vector.broadcast %parallel_loop3A_192 : i32 to vector<16xi32>
        %parallel_loop3A_195 = arith.addi %iota3A, %parallel_loop3A_194 : vector<16xi32>
        %parallel_loop3A_196 = arith.constant 15 : i32
        %parallel_loop3A_197 = vector.broadcast %parallel_loop3A_196 : i32 to vector<16xi32>
        %parallel_loop3A_198 = arith.andi %parallel_loop3A_195, %parallel_loop3A_197 : vector<16xi32>
        %parallel_loop3A_199 = vector.broadcast %parallel_loop3A_193 : i32 to vector<16xi32>
        %parallel_loop3A_200 = arith.addi %parallel_loop3A_199, %parallel_loop3A_198 : vector<16xi32>
        %parallel_loop3A_201 = arith.constant 1 : i32
        %parallel_loop3A_202 = vector.broadcast %parallel_loop3A_201 : i32 to vector<16xi32>
        %parallel_loop3A_203 = arith.shrui %parallel_loop3A_200, %parallel_loop3A_202 : vector<16xi32>
        %parallel_loop3A_204 = arith.constant 0 : i32
        %parallel_loop3A_205 = vector.broadcast %parallel_loop3A_204 : i32 to vector<16xi32>
        %parallel_loop3A_206 = arith.addi %parallel_loop3A_203, %parallel_loop3A_205 : vector<16xi32>
        %parallel_loop3A_207 = arith.constant 1 : i32
        %parallel_loop3A_208 = vector.broadcast %parallel_loop3A_207 : i32 to vector<16xi32>
        %parallel_loop3A_209 = arith.andi %parallel_loop3A_200, %parallel_loop3A_208 : vector<16xi32>
        %parallel_loop3A_210 = arith.constant 6 : i32
        %parallel_loop3A_211 = vector.broadcast %parallel_loop3A_210 : i32 to vector<16xi32>
        %parallel_loop3A_212 = arith.shli %parallel_loop3A_209, %parallel_loop3A_211 : vector<16xi32>
        %parallel_loop3A_213 = arith.constant 0 : i32
        %parallel_loop3A_214 = arith.constant 0 : i32
        %parallel_loop3A_215 = tpu.memref_slice %arg4[%parallel_loop3A_173, %parallel_loop3A_213, %parallel_loop3A_214] : memref<4x64x128xf32, #tpu.memory_space<vmem>> -> memref<1x64x128xf32, #tpu.memory_space<vmem>>
        %parallel_loop3A_216 = tpu.memref_squeeze %parallel_loop3A_215 : memref<1x64x128xf32, #tpu.memory_space<vmem>> -> memref<64x128xf32, #tpu.memory_space<vmem>>
        %parallel_loop3A_217 = tpu.vector_load_idx %parallel_loop3A_216[%add3A_13, %parallel_loop3A_200] : memref<64x128xf32, #tpu.memory_space<vmem>>[vector<16xi32>, vector<16xi32>], vector<16xf32>,
        %parallel_loop3A_218 = arith.addi %parallel_loop3A_212, %add3A_13 : vector<16xi32>
        tpu.vector_store_idx %arg6[%parallel_loop3A_206, %parallel_loop3A_218], %parallel_loop3A_217 : memref<256x128xf32, #tpu.memory_space<vmem>>[vector<16xi32>, vector<16xi32>], vector<16xf32>,
        %parallel_loop3A_219 = arith.constant 0 : i32
        %parallel_loop3A_220 = arith.constant 0 : i32
        %parallel_loop3A_221 = tpu.memref_slice %arg4[%parallel_loop3A_173, %parallel_loop3A_219, %parallel_loop3A_220] : memref<4x64x128xf32, #tpu.memory_space<vmem>> -> memref<1x64x128xf32, #tpu.memory_space<vmem>>
        %parallel_loop3A_222 = tpu.memref_squeeze %parallel_loop3A_221 : memref<1x64x128xf32, #tpu.memory_space<vmem>> -> memref<64x128xf32, #tpu.memory_space<vmem>>
        %parallel_loop3A_223 = tpu.vector_load_idx %parallel_loop3A_222[%add3A_16, %parallel_loop3A_200] : memref<64x128xf32, #tpu.memory_space<vmem>>[vector<16xi32>, vector<16xi32>], vector<16xf32>,
        %parallel_loop3A_224 = arith.addi %parallel_loop3A_212, %add3A_16 : vector<16xi32>
        tpu.vector_store_idx %arg6[%parallel_loop3A_206, %parallel_loop3A_224], %parallel_loop3A_223 : memref<256x128xf32, #tpu.memory_space<vmem>>[vector<16xi32>, vector<16xi32>], vector<16xf32>,
        %parallel_loop3A_225 = arith.constant 0 : i32
        %parallel_loop3A_226 = arith.constant 0 : i32
        %parallel_loop3A_227 = tpu.memref_slice %arg4[%parallel_loop3A_173, %parallel_loop3A_225, %parallel_loop3A_226] : memref<4x64x128xf32, #tpu.memory_space<vmem>> -> memref<1x64x128xf32, #tpu.memory_space<vmem>>
        %parallel_loop3A_228 = tpu.memref_squeeze %parallel_loop3A_227 : memref<1x64x128xf32, #tpu.memory_space<vmem>> -> memref<64x128xf32, #tpu.memory_space<vmem>>
        %parallel_loop3A_229 = tpu.vector_load_idx %parallel_loop3A_228[%add3A_19, %parallel_loop3A_200] : memref<64x128xf32, #tpu.memory_space<vmem>>[vector<16xi32>, vector<16xi32>], vector<16xf32>,
        %parallel_loop3A_230 = arith.addi %parallel_loop3A_212, %add3A_19 : vector<16xi32>
        tpu.vector_store_idx %arg6[%parallel_loop3A_206, %parallel_loop3A_230], %parallel_loop3A_229 : memref<256x128xf32, #tpu.memory_space<vmem>>[vector<16xi32>, vector<16xi32>], vector<16xf32>,
        %parallel_loop3A_231 = arith.constant 0 : i32
        %parallel_loop3A_232 = arith.constant 0 : i32
        %parallel_loop3A_233 = tpu.memref_slice %arg4[%parallel_loop3A_173, %parallel_loop3A_231, %parallel_loop3A_232] : memref<4x64x128xf32, #tpu.memory_space<vmem>> -> memref<1x64x128xf32, #tpu.memory_space<vmem>>
        %parallel_loop3A_234 = tpu.memref_squeeze %parallel_loop3A_233 : memref<1x64x128xf32, #tpu.memory_space<vmem>> -> memref<64x128xf32, #tpu.memory_space<vmem>>
        %parallel_loop3A_235 = tpu.vector_load_idx %parallel_loop3A_234[%add3A_22, %parallel_loop3A_200] : memref<64x128xf32, #tpu.memory_space<vmem>>[vector<16xi32>, vector<16xi32>], vector<16xf32>,
        %parallel_loop3A_236 = arith.addi %parallel_loop3A_212, %add3A_22 : vector<16xi32>
        tpu.vector_store_idx %arg6[%parallel_loop3A_206, %parallel_loop3A_236], %parallel_loop3A_235 : memref<256x128xf32, #tpu.memory_space<vmem>>[vector<16xi32>, vector<16xi32>], vector<16xf32>,
      } {sc.loop_unroll_factor = 4 : i64, sc.parallel_access}
      %parallel_loop3A_174 = arith.constant 0 : i32
      %parallel_loop3A_175 = arith.constant 128 : i32
      %parallel_loop3A_176 = arith.constant 1 : i32
      %parallel_loop3A_177 = arith.constant 1 : i32
      scf.for %parallel_loop3A_190 = %parallel_loop3A_174 to %parallel_loop3A_175 step %parallel_loop3A_176  : i32 {
        %parallel_loop3A_191 = arith.constant 15 : i32
        %parallel_loop3A_192 = arith.andi %parallel_loop3A_190, %parallel_loop3A_191 : i32
        %parallel_loop3A_193 = arith.subi %parallel_loop3A_190, %parallel_loop3A_192 : i32
        %parallel_loop3A_194 = vector.broadcast %parallel_loop3A_192 : i32 to vector<16xi32>
        %parallel_loop3A_195 = arith.addi %iota3A, %parallel_loop3A_194 : vector<16xi32>
        %parallel_loop3A_196 = arith.constant 15 : i32
        %parallel_loop3A_197 = vector.broadcast %parallel_loop3A_196 : i32 to vector<16xi32>
        %parallel_loop3A_198 = arith.andi %parallel_loop3A_195, %parallel_loop3A_197 : vector<16xi32>
        %parallel_loop3A_199 = vector.broadcast %parallel_loop3A_193 : i32 to vector<16xi32>
        %parallel_loop3A_200 = arith.addi %parallel_loop3A_199, %parallel_loop3A_198 : vector<16xi32>
        %parallel_loop3A_201 = arith.constant 1 : i32
        %parallel_loop3A_202 = vector.broadcast %parallel_loop3A_201 : i32 to vector<16xi32>
        %parallel_loop3A_203 = arith.shrui %parallel_loop3A_200, %parallel_loop3A_202 : vector<16xi32>
        %parallel_loop3A_204 = arith.constant 64 : i32
        %parallel_loop3A_205 = vector.broadcast %parallel_loop3A_204 : i32 to vector<16xi32>
        %parallel_loop3A_206 = arith.addi %parallel_loop3A_203, %parallel_loop3A_205 : vector<16xi32>
        %parallel_loop3A_207 = arith.constant 1 : i32
        %parallel_loop3A_208 = vector.broadcast %parallel_loop3A_207 : i32 to vector<16xi32>
        %parallel_loop3A_209 = arith.andi %parallel_loop3A_200, %parallel_loop3A_208 : vector<16xi32>
        %parallel_loop3A_210 = arith.constant 6 : i32
        %parallel_loop3A_211 = vector.broadcast %parallel_loop3A_210 : i32 to vector<16xi32>
        %parallel_loop3A_212 = arith.shli %parallel_loop3A_209, %parallel_loop3A_211 : vector<16xi32>
        %parallel_loop3A_213 = arith.constant 0 : i32
        %parallel_loop3A_214 = arith.constant 0 : i32
        %parallel_loop3A_215 = tpu.memref_slice %arg4[%parallel_loop3A_177, %parallel_loop3A_213, %parallel_loop3A_214] : memref<4x64x128xf32, #tpu.memory_space<vmem>> -> memref<1x64x128xf32, #tpu.memory_space<vmem>>
        %parallel_loop3A_216 = tpu.memref_squeeze %parallel_loop3A_215 : memref<1x64x128xf32, #tpu.memory_space<vmem>> -> memref<64x128xf32, #tpu.memory_space<vmem>>
        %parallel_loop3A_217 = tpu.vector_load_idx %parallel_loop3A_216[%add3A_13, %parallel_loop3A_200] : memref<64x128xf32, #tpu.memory_space<vmem>>[vector<16xi32>, vector<16xi32>], vector<16xf32>,
        %parallel_loop3A_218 = arith.addi %parallel_loop3A_212, %add3A_13 : vector<16xi32>
        tpu.vector_store_idx %arg6[%parallel_loop3A_206, %parallel_loop3A_218], %parallel_loop3A_217 : memref<256x128xf32, #tpu.memory_space<vmem>>[vector<16xi32>, vector<16xi32>], vector<16xf32>,
        %parallel_loop3A_219 = arith.constant 0 : i32
        %parallel_loop3A_220 = arith.constant 0 : i32
        %parallel_loop3A_221 = tpu.memref_slice %arg4[%parallel_loop3A_177, %parallel_loop3A_219, %parallel_loop3A_220] : memref<4x64x128xf32, #tpu.memory_space<vmem>> -> memref<1x64x128xf32, #tpu.memory_space<vmem>>
        %parallel_loop3A_222 = tpu.memref_squeeze %parallel_loop3A_221 : memref<1x64x128xf32, #tpu.memory_space<vmem>> -> memref<64x128xf32, #tpu.memory_space<vmem>>
        %parallel_loop3A_223 = tpu.vector_load_idx %parallel_loop3A_222[%add3A_16, %parallel_loop3A_200] : memref<64x128xf32, #tpu.memory_space<vmem>>[vector<16xi32>, vector<16xi32>], vector<16xf32>,
        %parallel_loop3A_224 = arith.addi %parallel_loop3A_212, %add3A_16 : vector<16xi32>
        tpu.vector_store_idx %arg6[%parallel_loop3A_206, %parallel_loop3A_224], %parallel_loop3A_223 : memref<256x128xf32, #tpu.memory_space<vmem>>[vector<16xi32>, vector<16xi32>], vector<16xf32>,
        %parallel_loop3A_225 = arith.constant 0 : i32
        %parallel_loop3A_226 = arith.constant 0 : i32
        %parallel_loop3A_227 = tpu.memref_slice %arg4[%parallel_loop3A_177, %parallel_loop3A_225, %parallel_loop3A_226] : memref<4x64x128xf32, #tpu.memory_space<vmem>> -> memref<1x64x128xf32, #tpu.memory_space<vmem>>
        %parallel_loop3A_228 = tpu.memref_squeeze %parallel_loop3A_227 : memref<1x64x128xf32, #tpu.memory_space<vmem>> -> memref<64x128xf32, #tpu.memory_space<vmem>>
        %parallel_loop3A_229 = tpu.vector_load_idx %parallel_loop3A_228[%add3A_19, %parallel_loop3A_200] : memref<64x128xf32, #tpu.memory_space<vmem>>[vector<16xi32>, vector<16xi32>], vector<16xf32>,
        %parallel_loop3A_230 = arith.addi %parallel_loop3A_212, %add3A_19 : vector<16xi32>
        tpu.vector_store_idx %arg6[%parallel_loop3A_206, %parallel_loop3A_230], %parallel_loop3A_229 : memref<256x128xf32, #tpu.memory_space<vmem>>[vector<16xi32>, vector<16xi32>], vector<16xf32>,
        %parallel_loop3A_231 = arith.constant 0 : i32
        %parallel_loop3A_232 = arith.constant 0 : i32
        %parallel_loop3A_233 = tpu.memref_slice %arg4[%parallel_loop3A_177, %parallel_loop3A_231, %parallel_loop3A_232] : memref<4x64x128xf32, #tpu.memory_space<vmem>> -> memref<1x64x128xf32, #tpu.memory_space<vmem>>
        %parallel_loop3A_234 = tpu.memref_squeeze %parallel_loop3A_233 : memref<1x64x128xf32, #tpu.memory_space<vmem>> -> memref<64x128xf32, #tpu.memory_space<vmem>>
        %parallel_loop3A_235 = tpu.vector_load_idx %parallel_loop3A_234[%add3A_22, %parallel_loop3A_200] : memref<64x128xf32, #tpu.memory_space<vmem>>[vector<16xi32>, vector<16xi32>], vector<16xf32>,
        %parallel_loop3A_236 = arith.addi %parallel_loop3A_212, %add3A_22 : vector<16xi32>
        tpu.vector_store_idx %arg6[%parallel_loop3A_206, %parallel_loop3A_236], %parallel_loop3A_235 : memref<256x128xf32, #tpu.memory_space<vmem>>[vector<16xi32>, vector<16xi32>], vector<16xf32>,
      } {sc.loop_unroll_factor = 4 : i64, sc.parallel_access}
      %parallel_loop3A_178 = arith.constant 0 : i32
      %parallel_loop3A_179 = arith.constant 128 : i32
      %parallel_loop3A_180 = arith.constant 1 : i32
      %parallel_loop3A_181 = arith.constant 2 : i32
      scf.for %parallel_loop3A_190 = %parallel_loop3A_178 to %parallel_loop3A_179 step %parallel_loop3A_180  : i32 {
        %parallel_loop3A_191 = arith.constant 15 : i32
        %parallel_loop3A_192 = arith.andi %parallel_loop3A_190, %parallel_loop3A_191 : i32
        %parallel_loop3A_193 = arith.subi %parallel_loop3A_190, %parallel_loop3A_192 : i32
        %parallel_loop3A_194 = vector.broadcast %parallel_loop3A_192 : i32 to vector<16xi32>
        %parallel_loop3A_195 = arith.addi %iota3A, %parallel_loop3A_194 : vector<16xi32>
        %parallel_loop3A_196 = arith.constant 15 : i32
        %parallel_loop3A_197 = vector.broadcast %parallel_loop3A_196 : i32 to vector<16xi32>
        %parallel_loop3A_198 = arith.andi %parallel_loop3A_195, %parallel_loop3A_197 : vector<16xi32>
        %parallel_loop3A_199 = vector.broadcast %parallel_loop3A_193 : i32 to vector<16xi32>
        %parallel_loop3A_200 = arith.addi %parallel_loop3A_199, %parallel_loop3A_198 : vector<16xi32>
        %parallel_loop3A_201 = arith.constant 1 : i32
        %parallel_loop3A_202 = vector.broadcast %parallel_loop3A_201 : i32 to vector<16xi32>
        %parallel_loop3A_203 = arith.shrui %parallel_loop3A_200, %parallel_loop3A_202 : vector<16xi32>
        %parallel_loop3A_204 = arith.constant 128 : i32
        %parallel_loop3A_205 = vector.broadcast %parallel_loop3A_204 : i32 to vector<16xi32>
        %parallel_loop3A_206 = arith.addi %parallel_loop3A_203, %parallel_loop3A_205 : vector<16xi32>
        %parallel_loop3A_207 = arith.constant 1 : i32
        %parallel_loop3A_208 = vector.broadcast %parallel_loop3A_207 : i32 to vector<16xi32>
        %parallel_loop3A_209 = arith.andi %parallel_loop3A_200, %parallel_loop3A_208 : vector<16xi32>
        %parallel_loop3A_210 = arith.constant 6 : i32
        %parallel_loop3A_211 = vector.broadcast %parallel_loop3A_210 : i32 to vector<16xi32>
        %parallel_loop3A_212 = arith.shli %parallel_loop3A_209, %parallel_loop3A_211 : vector<16xi32>
        %parallel_loop3A_213 = arith.constant 0 : i32
        %parallel_loop3A_214 = arith.constant 0 : i32
        %parallel_loop3A_215 = tpu.memref_slice %arg4[%parallel_loop3A_181, %parallel_loop3A_213, %parallel_loop3A_214] : memref<4x64x128xf32, #tpu.memory_space<vmem>> -> memref<1x64x128xf32, #tpu.memory_space<vmem>>
        %parallel_loop3A_216 = tpu.memref_squeeze %parallel_loop3A_215 : memref<1x64x128xf32, #tpu.memory_space<vmem>> -> memref<64x128xf32, #tpu.memory_space<vmem>>
        %parallel_loop3A_217 = tpu.vector_load_idx %parallel_loop3A_216[%add3A_13, %parallel_loop3A_200] : memref<64x128xf32, #tpu.memory_space<vmem>>[vector<16xi32>, vector<16xi32>], vector<16xf32>,
        %parallel_loop3A_218 = arith.addi %parallel_loop3A_212, %add3A_13 : vector<16xi32>
        tpu.vector_store_idx %arg6[%parallel_loop3A_206, %parallel_loop3A_218], %parallel_loop3A_217 : memref<256x128xf32, #tpu.memory_space<vmem>>[vector<16xi32>, vector<16xi32>], vector<16xf32>,
        %parallel_loop3A_219 = arith.constant 0 : i32
        %parallel_loop3A_220 = arith.constant 0 : i32
        %parallel_loop3A_221 = tpu.memref_slice %arg4[%parallel_loop3A_181, %parallel_loop3A_219, %parallel_loop3A_220] : memref<4x64x128xf32, #tpu.memory_space<vmem>> -> memref<1x64x128xf32, #tpu.memory_space<vmem>>
        %parallel_loop3A_222 = tpu.memref_squeeze %parallel_loop3A_221 : memref<1x64x128xf32, #tpu.memory_space<vmem>> -> memref<64x128xf32, #tpu.memory_space<vmem>>
        %parallel_loop3A_223 = tpu.vector_load_idx %parallel_loop3A_222[%add3A_16, %parallel_loop3A_200] : memref<64x128xf32, #tpu.memory_space<vmem>>[vector<16xi32>, vector<16xi32>], vector<16xf32>,
        %parallel_loop3A_224 = arith.addi %parallel_loop3A_212, %add3A_16 : vector<16xi32>
        tpu.vector_store_idx %arg6[%parallel_loop3A_206, %parallel_loop3A_224], %parallel_loop3A_223 : memref<256x128xf32, #tpu.memory_space<vmem>>[vector<16xi32>, vector<16xi32>], vector<16xf32>,
        %parallel_loop3A_225 = arith.constant 0 : i32
        %parallel_loop3A_226 = arith.constant 0 : i32
        %parallel_loop3A_227 = tpu.memref_slice %arg4[%parallel_loop3A_181, %parallel_loop3A_225, %parallel_loop3A_226] : memref<4x64x128xf32, #tpu.memory_space<vmem>> -> memref<1x64x128xf32, #tpu.memory_space<vmem>>
        %parallel_loop3A_228 = tpu.memref_squeeze %parallel_loop3A_227 : memref<1x64x128xf32, #tpu.memory_space<vmem>> -> memref<64x128xf32, #tpu.memory_space<vmem>>
        %parallel_loop3A_229 = tpu.vector_load_idx %parallel_loop3A_228[%add3A_19, %parallel_loop3A_200] : memref<64x128xf32, #tpu.memory_space<vmem>>[vector<16xi32>, vector<16xi32>], vector<16xf32>,
        %parallel_loop3A_230 = arith.addi %parallel_loop3A_212, %add3A_19 : vector<16xi32>
        tpu.vector_store_idx %arg6[%parallel_loop3A_206, %parallel_loop3A_230], %parallel_loop3A_229 : memref<256x128xf32, #tpu.memory_space<vmem>>[vector<16xi32>, vector<16xi32>], vector<16xf32>,
        %parallel_loop3A_231 = arith.constant 0 : i32
        %parallel_loop3A_232 = arith.constant 0 : i32
        %parallel_loop3A_233 = tpu.memref_slice %arg4[%parallel_loop3A_181, %parallel_loop3A_231, %parallel_loop3A_232] : memref<4x64x128xf32, #tpu.memory_space<vmem>> -> memref<1x64x128xf32, #tpu.memory_space<vmem>>
        %parallel_loop3A_234 = tpu.memref_squeeze %parallel_loop3A_233 : memref<1x64x128xf32, #tpu.memory_space<vmem>> -> memref<64x128xf32, #tpu.memory_space<vmem>>
        %parallel_loop3A_235 = tpu.vector_load_idx %parallel_loop3A_234[%add3A_22, %parallel_loop3A_200] : memref<64x128xf32, #tpu.memory_space<vmem>>[vector<16xi32>, vector<16xi32>], vector<16xf32>,
        %parallel_loop3A_236 = arith.addi %parallel_loop3A_212, %add3A_22 : vector<16xi32>
        tpu.vector_store_idx %arg6[%parallel_loop3A_206, %parallel_loop3A_236], %parallel_loop3A_235 : memref<256x128xf32, #tpu.memory_space<vmem>>[vector<16xi32>, vector<16xi32>], vector<16xf32>,
      } {sc.loop_unroll_factor = 4 : i64, sc.parallel_access}
      %parallel_loop3A_182 = arith.constant 0 : i32
      %parallel_loop3A_183 = arith.constant 128 : i32
      %parallel_loop3A_184 = arith.constant 1 : i32
      %parallel_loop3A_185 = arith.constant 3 : i32
      scf.for %parallel_loop3A_190 = %parallel_loop3A_182 to %parallel_loop3A_183 step %parallel_loop3A_184  : i32 {
        %parallel_loop3A_191 = arith.constant 15 : i32
        %parallel_loop3A_192 = arith.andi %parallel_loop3A_190, %parallel_loop3A_191 : i32
        %parallel_loop3A_193 = arith.subi %parallel_loop3A_190, %parallel_loop3A_192 : i32
        %parallel_loop3A_194 = vector.broadcast %parallel_loop3A_192 : i32 to vector<16xi32>
        %parallel_loop3A_195 = arith.addi %iota3A, %parallel_loop3A_194 : vector<16xi32>
        %parallel_loop3A_196 = arith.constant 15 : i32
        %parallel_loop3A_197 = vector.broadcast %parallel_loop3A_196 : i32 to vector<16xi32>
        %parallel_loop3A_198 = arith.andi %parallel_loop3A_195, %parallel_loop3A_197 : vector<16xi32>
        %parallel_loop3A_199 = vector.broadcast %parallel_loop3A_193 : i32 to vector<16xi32>
        %parallel_loop3A_200 = arith.addi %parallel_loop3A_199, %parallel_loop3A_198 : vector<16xi32>
        %parallel_loop3A_201 = arith.constant 1 : i32
        %parallel_loop3A_202 = vector.broadcast %parallel_loop3A_201 : i32 to vector<16xi32>
        %parallel_loop3A_203 = arith.shrui %parallel_loop3A_200, %parallel_loop3A_202 : vector<16xi32>
        %parallel_loop3A_204 = arith.constant 192 : i32
        %parallel_loop3A_205 = vector.broadcast %parallel_loop3A_204 : i32 to vector<16xi32>
        %parallel_loop3A_206 = arith.addi %parallel_loop3A_203, %parallel_loop3A_205 : vector<16xi32>
        %parallel_loop3A_207 = arith.constant 1 : i32
        %parallel_loop3A_208 = vector.broadcast %parallel_loop3A_207 : i32 to vector<16xi32>
        %parallel_loop3A_209 = arith.andi %parallel_loop3A_200, %parallel_loop3A_208 : vector<16xi32>
        %parallel_loop3A_210 = arith.constant 6 : i32
        %parallel_loop3A_211 = vector.broadcast %parallel_loop3A_210 : i32 to vector<16xi32>
        %parallel_loop3A_212 = arith.shli %parallel_loop3A_209, %parallel_loop3A_211 : vector<16xi32>
        %parallel_loop3A_213 = arith.constant 0 : i32
        %parallel_loop3A_214 = arith.constant 0 : i32
        %parallel_loop3A_215 = tpu.memref_slice %arg4[%parallel_loop3A_185, %parallel_loop3A_213, %parallel_loop3A_214] : memref<4x64x128xf32, #tpu.memory_space<vmem>> -> memref<1x64x128xf32, #tpu.memory_space<vmem>>
        %parallel_loop3A_216 = tpu.memref_squeeze %parallel_loop3A_215 : memref<1x64x128xf32, #tpu.memory_space<vmem>> -> memref<64x128xf32, #tpu.memory_space<vmem>>
        %parallel_loop3A_217 = tpu.vector_load_idx %parallel_loop3A_216[%add3A_13, %parallel_loop3A_200] : memref<64x128xf32, #tpu.memory_space<vmem>>[vector<16xi32>, vector<16xi32>], vector<16xf32>,
        %parallel_loop3A_218 = arith.addi %parallel_loop3A_212, %add3A_13 : vector<16xi32>
        tpu.vector_store_idx %arg6[%parallel_loop3A_206, %parallel_loop3A_218], %parallel_loop3A_217 : memref<256x128xf32, #tpu.memory_space<vmem>>[vector<16xi32>, vector<16xi32>], vector<16xf32>,
        %parallel_loop3A_219 = arith.constant 0 : i32
        %parallel_loop3A_220 = arith.constant 0 : i32
        %parallel_loop3A_221 = tpu.memref_slice %arg4[%parallel_loop3A_185, %parallel_loop3A_219, %parallel_loop3A_220] : memref<4x64x128xf32, #tpu.memory_space<vmem>> -> memref<1x64x128xf32, #tpu.memory_space<vmem>>
        %parallel_loop3A_222 = tpu.memref_squeeze %parallel_loop3A_221 : memref<1x64x128xf32, #tpu.memory_space<vmem>> -> memref<64x128xf32, #tpu.memory_space<vmem>>
        %parallel_loop3A_223 = tpu.vector_load_idx %parallel_loop3A_222[%add3A_16, %parallel_loop3A_200] : memref<64x128xf32, #tpu.memory_space<vmem>>[vector<16xi32>, vector<16xi32>], vector<16xf32>,
        %parallel_loop3A_224 = arith.addi %parallel_loop3A_212, %add3A_16 : vector<16xi32>
        tpu.vector_store_idx %arg6[%parallel_loop3A_206, %parallel_loop3A_224], %parallel_loop3A_223 : memref<256x128xf32, #tpu.memory_space<vmem>>[vector<16xi32>, vector<16xi32>], vector<16xf32>,
        %parallel_loop3A_225 = arith.constant 0 : i32
        %parallel_loop3A_226 = arith.constant 0 : i32
        %parallel_loop3A_227 = tpu.memref_slice %arg4[%parallel_loop3A_185, %parallel_loop3A_225, %parallel_loop3A_226] : memref<4x64x128xf32, #tpu.memory_space<vmem>> -> memref<1x64x128xf32, #tpu.memory_space<vmem>>
        %parallel_loop3A_228 = tpu.memref_squeeze %parallel_loop3A_227 : memref<1x64x128xf32, #tpu.memory_space<vmem>> -> memref<64x128xf32, #tpu.memory_space<vmem>>
        %parallel_loop3A_229 = tpu.vector_load_idx %parallel_loop3A_228[%add3A_19, %parallel_loop3A_200] : memref<64x128xf32, #tpu.memory_space<vmem>>[vector<16xi32>, vector<16xi32>], vector<16xf32>,
        %parallel_loop3A_230 = arith.addi %parallel_loop3A_212, %add3A_19 : vector<16xi32>
        tpu.vector_store_idx %arg6[%parallel_loop3A_206, %parallel_loop3A_230], %parallel_loop3A_229 : memref<256x128xf32, #tpu.memory_space<vmem>>[vector<16xi32>, vector<16xi32>], vector<16xf32>,
        %parallel_loop3A_231 = arith.constant 0 : i32
        %parallel_loop3A_232 = arith.constant 0 : i32
        %parallel_loop3A_233 = tpu.memref_slice %arg4[%parallel_loop3A_185, %parallel_loop3A_231, %parallel_loop3A_232] : memref<4x64x128xf32, #tpu.memory_space<vmem>> -> memref<1x64x128xf32, #tpu.memory_space<vmem>>
        %parallel_loop3A_234 = tpu.memref_squeeze %parallel_loop3A_233 : memref<1x64x128xf32, #tpu.memory_space<vmem>> -> memref<64x128xf32, #tpu.memory_space<vmem>>
        %parallel_loop3A_235 = tpu.vector_load_idx %parallel_loop3A_234[%add3A_22, %parallel_loop3A_200] : memref<64x128xf32, #tpu.memory_space<vmem>>[vector<16xi32>, vector<16xi32>], vector<16xf32>,
        %parallel_loop3A_236 = arith.addi %parallel_loop3A_212, %add3A_22 : vector<16xi32>
        tpu.vector_store_idx %arg6[%parallel_loop3A_206, %parallel_loop3A_236], %parallel_loop3A_235 : memref<256x128xf32, #tpu.memory_space<vmem>>[vector<16xi32>, vector<16xi32>], vector<16xf32>,
      } {sc.loop_unroll_factor = 4 : i64, sc.parallel_access}
      %mul3A_186 = arith.constant 64 : i32
      %mul3A_187 = arith.muli %add3A_49, %mul3A_186 : i32
      %multiple_of3A_188 = tpu.assume_multiple %mul3A_187, 64 : i32
      "tpu.region"() ({
        %run_scoped3A = tpu.sem_alloc : memref<!tpu.dma_semaphore, #tpu.memory_space<semaphore_mem>>
        %dma_start3A_190 = arith.constant 0 : i32
        %dma_start3A_191 = tpu.memref_slice %arg3[%multiple_of3A_188, %dma_start3A_190] : memref<50000x128xf32, #tpu.memory_space<hbm>> -> memref<256x128xf32, #tpu.memory_space<hbm>>
        %dma_start3A_192 = arith.constant 0 : i32
        %dma_start3A_193 = tpu.memref_slice %arg3[%multiple_of3A_188, %dma_start3A_192] : memref<50000x128xf32, #tpu.memory_space<hbm>> -> memref<256x128xf32, #tpu.memory_space<hbm>>
        tpu.enqueue_dma source(%arg6 : memref<256x128xf32, #tpu.memory_space<vmem>>) target(%dma_start3A_193 : memref<256x128xf32, #tpu.memory_space<hbm>>) target_semaphore(%run_scoped3A : memref<!tpu.dma_semaphore, #tpu.memory_space<semaphore_mem>>)
        %dma_wait3A_194 = arith.constant 0 : i32
        %dma_wait3A_195 = tpu.memref_slice %arg3[%multiple_of3A_188, %dma_wait3A_194] : memref<50000x128xf32, #tpu.memory_space<hbm>> -> memref<256x128xf32, #tpu.memory_space<hbm>>
        %dma_wait3A_196 = arith.constant 0 : i32
        %dma_wait3A_197 = tpu.memref_slice %arg3[%multiple_of3A_188, %dma_wait3A_196] : memref<50000x128xf32, #tpu.memory_space<hbm>> -> memref<256x128xf32, #tpu.memory_space<hbm>>
        tpu.wait_dma2 semaphore(%run_scoped3A : memref<!tpu.dma_semaphore, #tpu.memory_space<semaphore_mem>>) src(%arg6 : memref<256x128xf32, #tpu.memory_space<vmem>>) dst(%dma_wait3A_197 : memref<256x128xf32, #tpu.memory_space<hbm>>)
        tpu.yield
      }) : () -> ()
      %while3A_189 = arith.constant 0 : i32
      scf.yield %while3A_189 : i32
    }
    %eq3A_39 = arith.constant 31 : i32
    %eq3A_40 = arith.cmpi eq, %add3A, %eq3A_39 : i32
    %convert_element_type3A = arith.extui %eq3A_40 : i1 to i32
    %cond3A = arith.constant 0 : i32
    %cond3A_41 = arith.cmpi ne, %convert_element_type3A, %cond3A : i32
    scf.if %cond3A_41 {
      "tpu.region"() ({
        %run_scoped3A = tpu.sem_alloc : memref<!tpu.dma_semaphore, #tpu.memory_space<semaphore_mem>>
        %dma_start3A = arith.constant 0 : i32
        %dma_start3A_44 = arith.constant 99968 : i32
        %dma_start3A_45 = tpu.memref_slice %arg2[%dma_start3A, %dma_start3A_44] : memref<64x100000xf32, #tpu.memory_space<hbm>> -> memref<64x32xf32, #tpu.memory_space<hbm>>
        %dma_start3A_46 = arith.constant 0 : i32
        %dma_start3A_47 = arith.constant 99968 : i32
        %dma_start3A_48 = tpu.memref_slice %arg2[%dma_start3A_46, %dma_start3A_47] : memref<64x100000xf32, #tpu.memory_space<hbm>> -> memref<64x32xf32, #tpu.memory_space<hbm>>
        tpu.enqueue_dma source(%dma_start3A_48 : memref<64x32xf32, #tpu.memory_space<hbm>>) target(%arg5 : memref<64x32xf32, #tpu.memory_space<vmem>>) target_semaphore(%run_scoped3A : memref<!tpu.dma_semaphore, #tpu.memory_space<semaphore_mem>>)
        %dma_wait3A = arith.constant 0 : i32
        %dma_wait3A_49 = arith.constant 99968 : i32
        %dma_wait3A_50 = tpu.memref_slice %arg2[%dma_wait3A, %dma_wait3A_49] : memref<64x100000xf32, #tpu.memory_space<hbm>> -> memref<64x32xf32, #tpu.memory_space<hbm>>
        %dma_wait3A_51 = arith.constant 0 : i32
        %dma_wait3A_52 = arith.constant 99968 : i32
        %dma_wait3A_53 = tpu.memref_slice %arg2[%dma_wait3A_51, %dma_wait3A_52] : memref<64x100000xf32, #tpu.memory_space<hbm>> -> memref<64x32xf32, #tpu.memory_space<hbm>>
        tpu.wait_dma2 semaphore(%run_scoped3A : memref<!tpu.dma_semaphore, #tpu.memory_space<semaphore_mem>>) src(%dma_wait3A_53 : memref<64x32xf32, #tpu.memory_space<hbm>>) dst(%arg5 : memref<64x32xf32, #tpu.memory_space<vmem>>)
        tpu.yield
      }) : () -> ()
      %parallel_loop3A = arith.constant 0 : i32
      %parallel_loop3A_42 = arith.constant 32 : i32
      %parallel_loop3A_43 = arith.constant 1 : i32
      scf.for %parallel_loop3A_44 = %parallel_loop3A to %parallel_loop3A_42 step %parallel_loop3A_43  : i32 {
        %parallel_loop3A_45 = arith.constant 15 : i32
        %parallel_loop3A_46 = arith.andi %parallel_loop3A_44, %parallel_loop3A_45 : i32
        %parallel_loop3A_47 = arith.subi %parallel_loop3A_44, %parallel_loop3A_46 : i32
        %parallel_loop3A_48 = vector.broadcast %parallel_loop3A_46 : i32 to vector<16xi32>
        %parallel_loop3A_49 = arith.addi %iota3A, %parallel_loop3A_48 : vector<16xi32>
        %parallel_loop3A_50 = arith.constant 15 : i32
        %parallel_loop3A_51 = vector.broadcast %parallel_loop3A_50 : i32 to vector<16xi32>
        %parallel_loop3A_52 = arith.andi %parallel_loop3A_49, %parallel_loop3A_51 : vector<16xi32>
        %parallel_loop3A_53 = vector.broadcast %parallel_loop3A_47 : i32 to vector<16xi32>
        %parallel_loop3A_54 = arith.addi %parallel_loop3A_53, %parallel_loop3A_52 : vector<16xi32>
        %parallel_loop3A_55 = arith.constant 1 : i32
        %parallel_loop3A_56 = vector.broadcast %parallel_loop3A_55 : i32 to vector<16xi32>
        %parallel_loop3A_57 = arith.shrui %parallel_loop3A_54, %parallel_loop3A_56 : vector<16xi32>
        %parallel_loop3A_58 = arith.constant 0 : i32
        %parallel_loop3A_59 = vector.broadcast %parallel_loop3A_58 : i32 to vector<16xi32>
        %parallel_loop3A_60 = arith.addi %parallel_loop3A_57, %parallel_loop3A_59 : vector<16xi32>
        %parallel_loop3A_61 = arith.constant 1 : i32
        %parallel_loop3A_62 = vector.broadcast %parallel_loop3A_61 : i32 to vector<16xi32>
        %parallel_loop3A_63 = arith.andi %parallel_loop3A_54, %parallel_loop3A_62 : vector<16xi32>
        %parallel_loop3A_64 = arith.constant 6 : i32
        %parallel_loop3A_65 = vector.broadcast %parallel_loop3A_64 : i32 to vector<16xi32>
        %parallel_loop3A_66 = arith.shli %parallel_loop3A_63, %parallel_loop3A_65 : vector<16xi32>
        %parallel_loop3A_67 = tpu.vector_load_idx %arg5[%add3A_13, %parallel_loop3A_54] : memref<64x32xf32, #tpu.memory_space<vmem>>[vector<16xi32>, vector<16xi32>], vector<16xf32>,
        %parallel_loop3A_68 = arith.addi %parallel_loop3A_66, %add3A_13 : vector<16xi32>
        tpu.vector_store_idx %arg6[%parallel_loop3A_60, %parallel_loop3A_68], %parallel_loop3A_67 : memref<256x128xf32, #tpu.memory_space<vmem>>[vector<16xi32>, vector<16xi32>], vector<16xf32>,
        %parallel_loop3A_69 = tpu.vector_load_idx %arg5[%add3A_16, %parallel_loop3A_54] : memref<64x32xf32, #tpu.memory_space<vmem>>[vector<16xi32>, vector<16xi32>], vector<16xf32>,
        %parallel_loop3A_70 = arith.addi %parallel_loop3A_66, %add3A_16 : vector<16xi32>
        tpu.vector_store_idx %arg6[%parallel_loop3A_60, %parallel_loop3A_70], %parallel_loop3A_69 : memref<256x128xf32, #tpu.memory_space<vmem>>[vector<16xi32>, vector<16xi32>], vector<16xf32>,
        %parallel_loop3A_71 = tpu.vector_load_idx %arg5[%add3A_19, %parallel_loop3A_54] : memref<64x32xf32, #tpu.memory_space<vmem>>[vector<16xi32>, vector<16xi32>], vector<16xf32>,
        %parallel_loop3A_72 = arith.addi %parallel_loop3A_66, %add3A_19 : vector<16xi32>
        tpu.vector_store_idx %arg6[%parallel_loop3A_60, %parallel_loop3A_72], %parallel_loop3A_71 : memref<256x128xf32, #tpu.memory_space<vmem>>[vector<16xi32>, vector<16xi32>], vector<16xf32>,
        %parallel_loop3A_73 = tpu.vector_load_idx %arg5[%add3A_22, %parallel_loop3A_54] : memref<64x32xf32, #tpu.memory_space<vmem>>[vector<16xi32>, vector<16xi32>], vector<16xf32>,
        %parallel_loop3A_74 = arith.addi %parallel_loop3A_66, %add3A_22 : vector<16xi32>
        tpu.vector_store_idx %arg6[%parallel_loop3A_60, %parallel_loop3A_74], %parallel_loop3A_73 : memref<256x128xf32, #tpu.memory_space<vmem>>[vector<16xi32>, vector<16xi32>], vector<16xf32>,
      } {sc.loop_unroll_factor = 4 : i64, sc.parallel_access}
      "tpu.region"() ({
        %run_scoped3A = tpu.sem_alloc : memref<!tpu.dma_semaphore, #tpu.memory_space<semaphore_mem>>
        %dma_start3A = arith.constant 0 : i32
        %dma_start3A_44 = arith.constant 0 : i32
        %dma_start3A_45 = tpu.memref_slice %arg6[%dma_start3A, %dma_start3A_44] : memref<256x128xf32, #tpu.memory_space<vmem>> -> memref<16x128xf32, #tpu.memory_space<vmem>>
        %dma_start3A_46 = arith.constant 49984 : i32
        %dma_start3A_47 = arith.constant 0 : i32
        %dma_start3A_48 = tpu.memref_slice %arg3[%dma_start3A_46, %dma_start3A_47] : memref<50000x128xf32, #tpu.memory_space<hbm>> -> memref<16x128xf32, #tpu.memory_space<hbm>>
        %dma_start3A_49 = arith.constant 49984 : i32
        %dma_start3A_50 = arith.constant 0 : i32
        %dma_start3A_51 = tpu.memref_slice %arg3[%dma_start3A_49, %dma_start3A_50] : memref<50000x128xf32, #tpu.memory_space<hbm>> -> memref<16x128xf32, #tpu.memory_space<hbm>>
        %dma_start3A_52 = arith.constant 0 : i32
        %dma_start3A_53 = arith.constant 0 : i32
        %dma_start3A_54 = tpu.memref_slice %arg6[%dma_start3A_52, %dma_start3A_53] : memref<256x128xf32, #tpu.memory_space<vmem>> -> memref<16x128xf32, #tpu.memory_space<vmem>>
        tpu.enqueue_dma source(%dma_start3A_54 : memref<16x128xf32, #tpu.memory_space<vmem>>) target(%dma_start3A_51 : memref<16x128xf32, #tpu.memory_space<hbm>>) target_semaphore(%run_scoped3A : memref<!tpu.dma_semaphore, #tpu.memory_space<semaphore_mem>>)
        %dma_wait3A = arith.constant 0 : i32
        %dma_wait3A_55 = arith.constant 0 : i32
        %dma_wait3A_56 = tpu.memref_slice %arg6[%dma_wait3A, %dma_wait3A_55] : memref<256x128xf32, #tpu.memory_space<vmem>> -> memref<16x128xf32, #tpu.memory_space<vmem>>
        %dma_wait3A_57 = arith.constant 49984 : i32
        %dma_wait3A_58 = arith.constant 0 : i32
        %dma_wait3A_59 = tpu.memref_slice %arg3[%dma_wait3A_57, %dma_wait3A_58] : memref<50000x128xf32, #tpu.memory_space<hbm>> -> memref<16x128xf32, #tpu.memory_space<hbm>>
        %dma_wait3A_60 = arith.constant 49984 : i32
        %dma_wait3A_61 = arith.constant 0 : i32
        %dma_wait3A_62 = tpu.memref_slice %arg3[%dma_wait3A_60, %dma_wait3A_61] : memref<50000x128xf32, #tpu.memory_space<hbm>> -> memref<16x128xf32, #tpu.memory_space<hbm>>
        %dma_wait3A_63 = arith.constant 0 : i32
        %dma_wait3A_64 = arith.constant 0 : i32
        %dma_wait3A_65 = tpu.memref_slice %arg6[%dma_wait3A_63, %dma_wait3A_64] : memref<256x128xf32, #tpu.memory_space<vmem>> -> memref<16x128xf32, #tpu.memory_space<vmem>>
        tpu.wait_dma2 semaphore(%run_scoped3A : memref<!tpu.dma_semaphore, #tpu.memory_space<semaphore_mem>>) src(%dma_wait3A_65 : memref<16x128xf32, #tpu.memory_space<vmem>>) dst(%dma_wait3A_62 : memref<16x128xf32, #tpu.memory_space<hbm>>)
        tpu.yield
      }) : () -> ()
    } else {
    }
    return
  }
}

</mosaic_0001>

<sc_bundles>
// kernel: kernel.4.cloned.1.call-start
scs
__scs_entry_jumppad:
0x0: {  	(pc) =	sbr.rel $0x88, $3  }
0x1: {  	(tag) =	ssettag $0x0;
	lr =	simm.s32 $0x1  }
0x2: {  	[smem:$0x3F94] =	sst lr;
	_ =	strace $0xD0000000  }
0x3: {  	_ = 	snop  }
0x4: {  	_ = 	snop  }
0x5: {  	_ = 	snop  }
0x6: {  	_ = 	snop  }
0x7: {  	_ = 	snop  }
__scs_overlays_trampoline_lowered:
0x8: {  	[smem:$0x3FA3] =	sst s0  }
0x9: {  	[smem:$0x3FA4] =	sst s1  }
0xa: {  	[smem:$0x3FA5] =	sst s2  }
0xb: {  	[smem:$0x3FA6] =	sst s3  }
0xc: {  	[smem:$0x3FA7] =	sst s4  }
0xd: {  	[smem:$0x3FA8] =	sst s5  }
0xe: {  	[smem:$0x3FA9] =	sst s6  }
0xf: {  	[smem:$0x3FAA] =	sst s7  }
0x10: {  	[smem:$0x3FAB] =	sst s8  }
0x11: {  	[smem:$0x3FAC] =	sst s9;
	s0 =	simm.s32 @!p0 $0x0  }
0x12: {  	s1 =	sld [smem:$0x3F92];
	s0 =	simm.s32 @p0 $0x1  }
0x13: {  	[smem:$0x3FAD] =	sst s0;
	s0 =	simm.s32 @!p1 $0x0  }
0x14: {  	s2 =	sld [smem:$0x3F91];
	s0 =	simm.s32 @p1 $0x1  }
0x15: {  	[smem:$0x3FAE] =	sst s0;
	s0 =	simm.s32 @!p2 $0x0  }
0x16: {  	s3 =	sld [smem:$0x3FDB];
	s0 =	simm.s32 @p2 $0x1  }
0x17: {  	s4 =	simm.s32 $0x1BF5;
	[smem:$0x3FB0] =	sst s0  }
0x18: {  	s0 =	sld [smem:$0x3F93];
	_ =	swait.ge [sflag:s4], $0x0  }
0x19: {  	s7 =	sld [smem:$0x3F94]  }
0x1a: {  	s8 =	sadd.s32 $0xFFFFE003, lr  }
0x1b: {  	s9 =	sadd.s32 $0xFFFFFEF7, lr;
	s5 =	simm.s32 $0xFFFFFFFF;
	p2 =	slt.u32 s8, $0xFFFFF086  }
0x1c: {  	p1 =	slt.u32 s9, $0xF7A;
	s5 =	simm.s32 @!p2 $0x0  }
0x1d: {  	s5 =	simm.s32 @p1 $0x1;
	p0 =	seq.s32 s7, s2  }
0x1e: {  	s7 =	smul.u32 @!p0 $0xF7A, s2;
	p2 =	seq.s32 @!p0 s5, $0x0  }
0x1f: {  	s9 =	smul.u32 $0xF7A, s1;
	s8 =	simm.s32 @!p0 $0x1BF5;
	p2 =	por !p2, p0  }
0x20: {  	[sflag:s8] =	ssyncset.s32 @!p0 $0xFFFFF086;
	s6 =	sadd.s32 @!p0 s3, s7;
	s7 =	simm.s32 @!p0 $0x108  }
0x21: {  	s3 =	sadd.s32 s3, s9;
	s6 =	sadd.s32 @!p0 $0x88, s6;
	s7 =	simm.s32 @p2 $0x1082  }
0x22: {  	[simem:s7], [sflag:s8] =	dma.local @!p0 [hbm:s6], $0xF7A  }
0x23: {  	s9 =	sor.u32 $0xD0000000, s2;
	s6 =	simm.s32 $0x108;
	_ =	swait.ge @!p0 [sflag:s8], $0x0  }
0x24: {  	s3 =	sadd.s32 $0x88, s3;
	s6 =	simm.s32 @!p1 $0x1082;
	[sflag:s4] =	ssyncset.s32 $0xFFFFF086  }
0x25: {  	[simem:s6], [sflag:s4] =	dma.local [hbm:s3], $0xF7A  }
0x26: {  	[smem:$0x3F94] =	sst s1;
	(tag) =	ssettag s2;
	_ =	strace s9  }
0x27: {  	s1 =	sld [smem:$0x3FA4]  }
0x28: {  	s2 =	sld [smem:$0x3FA5]  }
0x29: {  	s4 =	sld [smem:$0x3FA7]  }
0x2a: {  	p0 =	seq.s32 s5, $0x0;
	s5 =	sld [smem:$0x3FA8]  }
0x2b: {  	s6 =	sld [smem:$0x3FA9]  }
0x2c: {  	s7 =	sld [smem:$0x3FAA]  }
0x2d: {  	s3 =	simm.s32 $0x108;
	s8 =	sld [smem:$0x3FAB]  }
0x2e: {  	s3 =	simm.s32 @!p0 $0x1082;
	s9 =	sld [smem:$0x3FAC]  }
0x2f: {  	lr =	sadd.s32 s0, s3;
	s0 =	sld [smem:$0x3FA3]  }
0x30: {  	s3 =	sld [smem:$0x3FA6]  }
0x31: {  	[smem:$0x3FAF] =	sst s10  }
0x32: {  	s10 =	sld [smem:$0x3FAD];
	_ =	sdelay $0x3  }
0x33: {  	p0 =	seq.s32 s10, $0x1;
	s10 =	sld [smem:$0x3FAF];
	_ =	sdelay $0x3  }
0x34: {  	[smem:$0x3FAF] =	sst s10  }
0x35: {  	s10 =	sld [smem:$0x3FAE];
	_ =	sdelay $0x3  }
0x36: {  	p1 =	seq.s32 s10, $0x1;
	s10 =	sld [smem:$0x3FAF];
	_ =	sdelay $0x3  }
0x37: {  	[smem:$0x3FAF] =	sst s10  }
0x38: {  	s10 =	sld [smem:$0x3FB0]  }
0x39: {  	_ = 	snop;
	(pc) =	sbr.ind lr, $3  }
0x3a: {  	_ = 	snop  }
0x3b: {  	_ = 	snop  }
0x3c: {  	p2 =	seq.s32 s10, $0x1;
	s10 =	sld [smem:$0x3FAF]  }
0x3d: {  	_ =	shalt  }
0x3e: {  	_ =	shalt  }
0x3f: {  	_ =	shalt  }
0x40: {  	_ =	shalt  }
0x41: {  	_ =	shalt  }
0x42: {  	_ =	shalt  }
0x43: {  	_ =	shalt  }
0x44: {  	_ =	shalt  }
0x45: {  	_ =	shalt  }
0x46: {  	_ =	shalt  }
0x47: {  	_ =	shalt  }
0x48: {  	_ =	shalt  }
0x49: {  	_ =	shalt  }
0x4a: {  	_ =	shalt  }
0x4b: {  	_ =	shalt  }
0x4c: {  	_ =	shalt  }
0x4d: {  	_ =	shalt  }
0x4e: {  	_ =	shalt  }
0x4f: {  	_ =	shalt  }
0x50: {  	_ =	shalt  }
0x51: {  	_ =	shalt  }
0x52: {  	_ =	shalt  }
0x53: {  	_ =	shalt  }
0x54: {  	_ =	shalt  }
0x55: {  	_ =	shalt  }
0x56: {  	_ =	shalt  }
0x57: {  	_ =	shalt  }
0x58: {  	_ =	shalt  }
0x59: {  	_ =	shalt  }
0x5a: {  	_ =	shalt  }
0x5b: {  	_ =	shalt  }
0x5c: {  	_ =	shalt  }
0x5d: {  	_ =	shalt  }
0x5e: {  	_ =	shalt  }
0x5f: {  	_ =	shalt  }
0x60: {  	_ =	shalt  }
0x61: {  	_ =	shalt  }
0x62: {  	_ =	shalt  }
0x63: {  	_ =	shalt  }
0x64: {  	_ =	shalt  }
0x65: {  	_ =	shalt  }
0x66: {  	_ =	shalt  }
0x67: {  	_ =	shalt  }
0x68: {  	_ =	shalt  }
0x69: {  	_ =	shalt  }
0x6a: {  	_ =	shalt  }
0x6b: {  	_ =	shalt  }
0x6c: {  	_ =	shalt  }
0x6d: {  	_ =	shalt  }
0x6e: {  	_ =	shalt  }
0x6f: {  	_ =	shalt  }
0x70: {  	_ =	shalt  }
0x71: {  	_ =	shalt  }
0x72: {  	_ =	shalt  }
0x73: {  	_ =	shalt  }
0x74: {  	_ =	shalt  }
0x75: {  	_ =	shalt  }
0x76: {  	_ =	shalt  }
0x77: {  	_ =	shalt  }
0x78: {  	_ =	shalt  }
0x79: {  	_ =	shalt  }
0x7a: {  	_ =	shalt  }
0x7b: {  	_ =	shalt  }
0x7c: {  	_ =	shalt  }
0x7d: {  	_ =	shalt  }
0x7e: {  	_ =	shalt  }
0x7f: {  	_ =	shalt  }
0x80: {  	_ =	shalt  }
0x81: {  	_ =	shalt  }
0x82: {  	_ =	shalt  }
0x83: {  	_ =	shalt  }
0x84: {  	_ =	shalt  }
0x85: {  	_ =	shalt  }
0x86: {  	_ =	shalt  }
0x87: {  	_ =	shalt  }
.Lfunc_end0:
.L_simem_size_0:
called_computation_lowered:
.L_overlay_start_0:
0x88: {  	s2 =	sld [smem:$0x3FD9]  }
0x89: {  	s3 =	sld [smem:$0x3FFE];
	_ =	sdelay $0x1  }
0x8a: {  	s1 =	srdreg.scid  }
0x8b: {  	s0 =	sand.u32 $0x1, s1  }
0x8c: {  	s17 =	sshll.u32 s0, $0xA;
	s2 =	sadd.s32 s3, s2  }
0x8d: {  	s2 =	sadd.s32 s2, s17  }
0x8e: {  	[smem:$0x3FBB] =	sst s2  }
0x8f: {  	_ = 	snop  }
0x90: {  	s2 =	sld [smem:$0x3FC0];
	(tm) =	ssettm $0x1  }
0x91: {  	s18 =	sld [smem:$0x3FFB];
	_ =	sdelay $0x3  }
0x92: {  	_ =	strace s18  }
0x93: {  	s3 =	sld [smem:$0x3FFC];
	_ =	sdelay $0x3  }
0x94: {  	_ =	strace s3  }
0x95: {  	s3 =	sld [smem:$0x3FFD];
	_ =	sdelay $0x3  }
0x96: {  	_ =	strace s3  }
0x97: {  	_ =	strace $0x8FFFFFFF  }
0x98: {  	s19 =	sld [smem:$0x3FDB];
	_ =	sdelay $0x1  }
0x99: {  	s4 =	simm.s32 $_scs_section_size  }
0x9a: {  	s5 =	simm.s32 $_size__tile_overlayer_lowered;
	s6 =	simm.s32 $_tile_overlayer_lowered  }
0x9b: {  	s22 =	simm.s32 $0x1BFF;
	s21 =	sshll.u32 s6, $0x1;
	s3 =	sadd.s32 s4, s19  }
0x9c: {  	s7 =	simm.s32 $0x0;
	s20 =	sshll.u32 s5, $0x1;
	s5 =	sadd.s32 s21, s3  }
0x9d: {  	[timem:s7], [sflag:s22] =	dma.local [hbm:s5], s20  }
0x9e: {  	_ =	swait.ge [sflag:s22], s20  }
0x9f: {  	s4 =	ssub.s32 $0x0, s20;
	[sflag:s22] =	ssyncset.done $0x0  }
0xa0: {  	[sflag:s22] =	ssyncadd.s32 s4;
	_ =	sdelay $0x1  }
0xa1: {  	s23 =	simm.s32 $0x1B8B  }
0xa2: {  	_ =	swait.ge [sflag:s23], $0x1  }
0xa3: {  	[sflag:s23] =	ssyncset.done $0x0  }
0xa4: {  	s25 =	simm.s32 $0x1B8E;
	s24 =	sld [smem:$0x3FFE];
	[sflag:s23] =	ssyncadd.s32 $0xFFFFFFFF  }
0xa5: {  	s26 =	simm.s32 $execute0_lowered;
	[smem:$0x3FD2] =	sst s25  }
0xa6: {  	s5 =	sshll.u32 s26, $0x1;
	_ =	strace $0x80000046;
	[dreg:$0x1] =	wrdreg $0xFFFFFFFF  }
0xa7: {  	s28 =	simm.s32 $_size_execute0_lowered;
	s3 =	sadd.s32 s3, s5;
	[dreg:$0x0] =	wrdreg $0x0  }
0xa8: {  	s5 =	sshll.u32 s28, $0x1;
	[dreg:$0x2] =	wrdreg s3  }
0xa9: {  	[dreg:$0x3] =	wrdreg s5  }
0xaa: {  	[dreg:$0x4] =	wrdreg $0xC0  }
0xab: {  	_ =	task [dreg:s7], $0x5FFFF  }
0xac: {  	[dreg:$0x1] =	wrdreg $0xFFFFFFFF  }
0xad: {  	[dreg:$0x0] =	wrdreg $0x60  }
0xae: {  	[dreg:$0x2] =	wrdreg s2  }
0xaf: {  	[dreg:$0x3] =	wrdreg s24  }
0xb0: {  	[dreg:$0x4] =	wrdreg $0x9  }
0xb1: {  	_ =	task.clear_ibuf [dreg:s7], $0x5FFFF;
	_ =	strace $0x90000046  }
0xb2: {  	s29 =	simm.s32 $0x9;
	_ =	strace $0x80000048  }
0xb3: {  	_ =	swait.ge [sflag:s29], $0x1  }
0xb4: {  	[sflag:s29] =	ssyncadd.s32 $0xFFFFFFFF  }
0xb5: {  	_ =	strace $0x90000048  }
0xb6: {  	_ =	sfence  }
0xb7: {  	s30 =	sld [smem:$0x0];
	_ =	sdelay $0x2  }
0xb8: {  	s31 =	sshll.u32 s1, $0xD;
	s1 =	sshrl.u32 s1, $0x2  }
0xb9: {  	s3 =	sand.u32 $0x4000, s31;
	s1 =	sadd.s32 s1, s30  }
0xba: {  	s0 =	sor.u32 s3, s0;
	s1 =	sshll.u32 s1, $0x11  }
0xbb: {  	s0 =	sor.u32 s1, s0  }
0xbc: {  	s0 =	sadd.s32 $0x8F2B, s0  }
0xbd: {  	[sflag:s0] =	ssyncadd.remote.s32 $0x1  }
0xbe: {  	_ =	sfence.sel $0xFFFF  }
0xbf: {  	[dreg:$0x0] =	wrdreg $0xFFFFFFFF;
	(pc) =	sbr.abs _section_cstart, $3  }
0xc0: {  	[dreg:$0x1] =	wrdreg $0xFFFFFFFF  }
0xc1: {  	_ =	task.clear_ibuf [dreg:s7], $0x2FFFF;
	_ =	strace $0x9FFFFFFF  }
0xc2: {  	(tm) =	ssettm $0x7FFFFFFF  }
0xc3: {  	_ =	shalt  }
tec
execute0_lowered:
.L_overlay_start_1:
0x0: {  	(tag) =	ssettag $0x1  }
0x1: {  	v2 =	vimm.s32 $0x4B0A4908;
	v3 =	vimm.s32 $0x4F0E4D0C;
	v4 =	vimm.s32 $0x43024100  }
0x2: {  	v5 =	vimm.s32 $0x47064504;
	vm0 =	vcmask $0x1F10;
	v6 =	vimm.s32 $0x5F1E5D1C  }
0x3: {  	v7 =	vimm.s32 $0x57165514;
	v8 =	vimm.s32 $0x6B2A6928;
	v10 =	vimm.s32 $0x63226120  }
0x4: {  	v11 =	vimm.s32 $0x67266524;
	vm14 =	vcmask $0x300;
	vm13 =	vcmask $0x704  }
0x5: {  	vm12 =	vcmask $0xB08;
	vm11 =	vcmask $0xF0C;
	vm10 =	vcmask $0x1310  }
0x6: {  	vm9 =	vcmask $0x1714;
	vm8 =	vcmask $0x1B18;
	vm7 =	vcmask $0x1F1C  }
0x7: {  	vm6 =	vcmask $0x2320;
	vm5 =	vcmask $0x2724;
	vm3 =	vcmask $0x2B28  }
0x8: {  	vm15 =	vcmask $0x2F2C;
	v2 =	vunpack.c.0.s8.s32 v2;
	v3 =	vunpack.c.0.s8.s32 v3  }
0x9: {  	v4 =	vunpack.c.0.s8.s32 v4;
	v5 =	vunpack.c.0.s8.s32 v5;
	v6 =	vunpack.c.0.s8.s32 v6  }
0xa: {  	v7 =	vunpack.c.0.s8.s32 v7;
	v2 =	vsel vm0, v3, v2;
	v3 =	vimm.s32 $0x5B1A5918  }
0xb: {  	v4 =	vsel vm0, v5, v4;
	v5 =	vunpack.c.0.s8.s32 v3;
	v3 =	vimm.s32 $0x53125110  }
0xc: {  	v8 =	vunpack.c.0.s8.s32 v8;
	v9 =	vunpack.c.0.s8.s32 v3;
	v3 =	vimm.s32 $0x6F2E6D2C  }
0xd: {  	v10 =	vunpack.c.0.s8.s32 v10;
	v11 =	vunpack.c.0.s8.s32 v11;
	v12 =	vunpack.c.0.s8.s32 v3  }
0xe: {  	v23 =	vcombine.low v4, v2;
	v2 =	vsel vm0, v6, v5;
	v4 =	vsel vm0, v7, v9  }
0xf: {  	v7 =	vsel vm0, v11, v10;
	v9 =	vimm.s32 $0x77367534;
	v6 =	vsel vm0, v12, v8  }
0x10: {  	v15 =	vcombine.low v4, v2;
	v2 =	vimm.s32 $0x7B3A7938;
	v4 =	vimm.s32 $0x7F3E7D3C  }
0x11: {  	v8 =	vimm.s32 $0x204F;
	v20 =	vcombine.low v7, v6;
	v2 =	vunpack.c.0.s8.s32 v2  }
0x12: {  	v4 =	vunpack.c.0.s8.s32 v4;
	v6 =	vimm.s32 $0x73327130;
	v8 =	vsel vm14, $0x2000, v8  }
0x13: {  	v9 =	vunpack.c.0.s8.s32 v9;
	v6 =	vunpack.c.0.s8.s32 v6;
	v8 =	vsel vm13, $0x2041, v8  }
0x14: {  	vm1 =	vcmask $0x3330;
	v2 =	vsel vm0, v4, v2;
	v4 =	vsel vm12, $0x2002, v8  }
0x15: {  	vm2 =	vcmask $0x3734;
	v6 =	vsel vm0, v9, v6;
	v4 =	vsel vm11, $0x2043, v4  }
0x16: {  	v14 =	vcombine.low v6, v2;
	v2 =	vsel vm10, $0x2004, v4;
	v4 =	vimm.s32 $0x205F  }
0x17: {  	vm4 =	vcmask $0x3B38;
	v2 =	vsel vm9, $0x2045, v2;
	v4 =	vsel vm14, $0x2010, v4  }
0x18: {  	v6 =	vimm.s32 $0x206F;
	v2 =	vsel vm8, $0x2006, v2;
	v4 =	vsel vm13, $0x2051, v4  }
0x19: {  	v6 =	vsel vm14, $0x2020, v6;
	v2 =	vsel vm7, $0x2047, v2;
	v4 =	vsel vm12, $0x2012, v4  }
0x1a: {  	v6 =	vsel vm13, $0x2061, v6;
	v2 =	vsel vm6, $0x2008, v2;
	v4 =	vsel vm11, $0x2053, v4  }
0x1b: {  	v6 =	vsel vm12, $0x2022, v6;
	v2 =	vsel vm5, $0x2049, v2;
	v4 =	vsel vm10, $0x2014, v4  }
0x1c: {  	v6 =	vsel vm11, $0x2063, v6;
	v2 =	vsel vm3, $0x200A, v2;
	v4 =	vsel vm9, $0x2055, v4  }
0x1d: {  	v6 =	vsel vm10, $0x2024, v6;
	v2 =	vsel vm15, $0x204B, v2;
	v4 =	vsel vm8, $0x2016, v4  }
0x1e: {  	v6 =	vsel vm9, $0x2065, v6;
	v2 =	vsel vm1, $0x200C, v2;
	v4 =	vsel vm7, $0x2057, v4  }
0x1f: {  	v6 =	vsel vm8, $0x2026, v6;
	v2 =	vsel vm2, $0x204D, v2;
	v4 =	vsel vm6, $0x2018, v4  }
0x20: {  	v16 =	vsel vm4, $0x200E, v2;
	v2 =	vsel vm5, $0x2059, v4;
	v4 =	vsel vm7, $0x2067, v6  }
0x21: {  	v6 =	vimm.s32 $0x207F;
	v2 =	vsel vm3, $0x201A, v2;
	v4 =	vsel vm6, $0x2028, v4  }
0x22: {  	v6 =	vsel vm14, $0x2030, v6;
	v2 =	vsel vm15, $0x205B, v2;
	v4 =	vsel vm5, $0x2069, v4  }
0x23: {  	v6 =	vsel vm13, $0x2071, v6;
	v2 =	vsel vm1, $0x201C, v2;
	v4 =	vsel vm3, $0x202A, v4  }
0x24: {  	v6 =	vsel vm12, $0x2032, v6;
	v2 =	vsel vm2, $0x205D, v2;
	v4 =	vsel vm15, $0x206B, v4  }
0x25: {  	v21 =	vsel vm4, $0x201E, v2;
	v2 =	vsel vm1, $0x202C, v4;
	v4 =	vsel vm11, $0x2073, v6  }
0x26: {  	v6 =	vimm.s32 $0x404F;
	v2 =	vsel vm2, $0x206D, v2;
	v4 =	vsel vm10, $0x2034, v4  }
0x27: {  	v22 =	vsel vm4, $0x202E, v2;
	v2 =	vsel vm9, $0x2075, v4;
	v4 =	vsel vm14, $0x4000, v6  }
0x28: {  	v2 =	vsel vm8, $0x2036, v2;
	v4 =	vsel vm13, $0x4041, v4  }
0x29: {  	v6 =	vimm.s32 $0x405F;
	v2 =	vsel vm7, $0x2077, v2;
	v4 =	vsel vm12, $0x4002, v4  }
0x2a: {  	v6 =	vsel vm14, $0x4010, v6;
	v2 =	vsel vm6, $0x2038, v2;
	v4 =	vsel vm11, $0x4043, v4  }
0x2b: {  	v6 =	vsel vm13, $0x4051, v6;
	v2 =	vsel vm5, $0x2079, v2;
	v4 =	vsel vm10, $0x4004, v4  }
0x2c: {  	v6 =	vsel vm12, $0x4012, v6;
	v2 =	vsel vm3, $0x203A, v2;
	v4 =	vsel vm9, $0x4045, v4  }
0x2d: {  	v6 =	vsel vm11, $0x4053, v6;
	v2 =	vsel vm15, $0x207B, v2;
	v4 =	vsel vm8, $0x4006, v4  }
0x2e: {  	v6 =	vsel vm10, $0x4014, v6;
	v2 =	vsel vm1, $0x203C, v2;
	v4 =	vsel vm7, $0x4047, v4  }
0x2f: {  	v6 =	vsel vm9, $0x4055, v6;
	v2 =	vsel vm2, $0x207D, v2;
	v4 =	vsel vm6, $0x4008, v4  }
0x30: {  	v6 =	vsel vm8, $0x4016, v6;
	v60 =	vsel vm4, $0x203E, v2;
	v2 =	vsel vm5, $0x4049, v4  }
0x31: {  	v4 =	vsel vm7, $0x4057, v6;
	v2 =	vsel vm3, $0x400A, v2  }
0x32: {  	v4 =	vsel vm6, $0x4018, v4;
	v2 =	vsel vm15, $0x404B, v2  }
0x33: {  	v4 =	vsel vm5, $0x4059, v4;
	v2 =	vsel vm1, $0x400C, v2  }
0x34: {  	v4 =	vsel vm3, $0x401A, v4;
	v2 =	vsel vm2, $0x404D, v2  }
0x35: {  	v4 =	vsel vm15, $0x405B, v4;
	v2 =	vsel vm4, $0x400E, v2  }
0x36: {  	v0 =	vlaneseq.u32;
	[tilespmem:$0x1FE50] =	vst v2;
	v2 =	vsel vm1, $0x401C, v4  }
0x37: {  	v6 =	vor.u32 $0x2030, v0;
	v4 =	vimm.s32 $0x406F;
	v2 =	vsel vm2, $0x405D, v2  }
0x38: {  	[tilespmem:$0x1FE40] =	vst v6;
	v4 =	vsel vm14, $0x4020, v4;
	v2 =	vsel vm4, $0x401E, v2  }
0x39: {  	v6 =	vimm.s32 $0x407F;
	[tilespmem:$0x1FE60] =	vst v2;
	v2 =	vsel vm13, $0x4061, v4  }
0x3a: {  	v4 =	vsel vm14, $0x4030, v6;
	v2 =	vsel vm12, $0x4022, v2  }
0x3b: {  	v4 =	vsel vm13, $0x4071, v4;
	v2 =	vsel vm11, $0x4063, v2  }
0x3c: {  	v6 =	vimm.s32 $0x604F;
	v4 =	vsel vm12, $0x4032, v4;
	v2 =	vsel vm10, $0x4024, v2  }
0x3d: {  	v6 =	vsel vm14, $0x6000, v6;
	v4 =	vsel vm11, $0x4073, v4;
	v2 =	vsel vm9, $0x4065, v2  }
0x3e: {  	v6 =	vsel vm13, $0x6041, v6;
	v4 =	vsel vm10, $0x4034, v4;
	v2 =	vsel vm8, $0x4026, v2  }
0x3f: {  	v6 =	vsel vm12, $0x6002, v6;
	v4 =	vsel vm9, $0x4075, v4;
	v2 =	vsel vm7, $0x4067, v2  }
0x40: {  	v6 =	vsel vm11, $0x6043, v6;
	v4 =	vsel vm8, $0x4036, v4;
	v2 =	vsel vm6, $0x4028, v2  }
0x41: {  	v6 =	vsel vm10, $0x6004, v6;
	v4 =	vsel vm7, $0x4077, v4;
	v2 =	vsel vm5, $0x4069, v2  }
0x42: {  	v6 =	vsel vm9, $0x6045, v6;
	v4 =	vsel vm6, $0x4038, v4;
	v2 =	vsel vm3, $0x402A, v2  }
0x43: {  	v6 =	vsel vm8, $0x6006, v6;
	v4 =	vsel vm5, $0x4079, v4;
	v2 =	vsel vm15, $0x406B, v2  }
0x44: {  	v6 =	vsel vm7, $0x6047, v6;
	v4 =	vsel vm3, $0x403A, v4;
	v2 =	vsel vm1, $0x402C, v2  }
0x45: {  	v6 =	vsel vm6, $0x6008, v6;
	v4 =	vsel vm15, $0x407B, v4;
	v2 =	vsel vm2, $0x406D, v2  }
0x46: {  	v6 =	vsel vm5, $0x6049, v6;
	v4 =	vsel vm1, $0x403C, v4;
	v2 =	vsel vm4, $0x402E, v2  }
0x47: {  	v6 =	vsel vm3, $0x600A, v6;
	[tilespmem:$0x1FE70] =	vst v2;
	v2 =	vsel vm2, $0x407D, v4  }
0x48: {  	v4 =	vsel vm15, $0x604B, v6;
	v24 =	vsel vm4, $0x403E, v2;
	v2 =	vor.u32 $0x4000, v0  }
0x49: {  	s0 =	rddreg [dreg:$0x0];
	[tilespmem:$0x1FE80] =	vst v2;
	v2 =	vsel vm1, $0x600C, v4;
	v4 =	vor.u32 $0x4010, v0  }
0x4a: {  	s10 =	rddreg [dreg:$0x1];
	s2 =	simm.s32 $0x0;
	[tilespmem:$0x1FE90] =	vst v4;
	v4 =	vor.u32 $0x4030, v0  }
0x4b: {  	v1 =	vmul.u32 $0x80, v0;
	v61 =	vor.u32 $0x2000, v0;
	[smem:$0x7FF] =	sst s2;
	[tilespmem:$0x1FEA0] =	vst v4  }
0x4c: {  	s1 =	rddreg [dreg:$0x2];
	v62 =	vor.u32 $0x2010, v0;
	v63 =	vor.u32 $0x2020, v0;
	v31 =	vor.u32 $0x4020, v0;
	_ =	strace $0x80000047;
	[tilespmem:$0x1FEB0] =	vst v23  }
0x4d: {  	v44 =	vor.u32 $0x6000, v0;
	v47 =	vor.u32 $0x6010, v0;
	v2 =	vsel vm2, $0x604D, v2;
	[tilespmem:$0x1FEC0] =	vst v15  }
0x4e: {  	v59 =	vor.u32 $0x6020, v0;
	v28 =	vsel vm4, $0x600E, v2;
	v2 =	vimm.s32 $0x605F;
	[tilespmem:$0x1FED0] =	vst v20  }
0x4f: {  	v29 =	vor.u32 $0x6030, v0;
	v4 =	vimm.s32 $0x606F;
	v2 =	vsel vm14, $0x6010, v2;
	[tilespmem:$0x1FEE0] =	vst v14  }
0x50: {  	v6 =	vimm.s32 $0x607F;
	v4 =	vsel vm14, $0x6020, v4;
	[tilespmem:$0x1FEF0] =	vst v16;
	v2 =	vsel vm13, $0x6051, v2  }
0x51: {  	v6 =	vsel vm14, $0x6030, v6;
	[tilespmem:$0x1FF00] =	vst v21;
	v4 =	vsel vm13, $0x6061, v4;
	v2 =	vsel vm12, $0x6012, v2  }
0x52: {  	v6 =	vsel vm13, $0x6071, v6;
	[tilespmem:$0x1FF10] =	vst v22;
	v4 =	vsel vm12, $0x6022, v4;
	v2 =	vsel vm11, $0x6053, v2  }
0x53: {  	v6 =	vsel vm12, $0x6032, v6;
	[tilespmem:$0x1FF20] =	vst v60;
	v4 =	vsel vm11, $0x6063, v4;
	v2 =	vsel vm10, $0x6014, v2  }
0x54: {  	s12 =	simm.s32 $0x400;
	v6 =	vsel vm11, $0x6073, v6;
	[tilespmem:$0x1FF30] =	vst v61;
	v4 =	vsel vm10, $0x6024, v4;
	v2 =	vsel vm9, $0x6055, v2  }
0x55: {  	s4 =	srdreg.scid;
	s13 =	simm.s32 $0xC3800;
	s14 =	simm.s32 $0x2000;
	v6 =	vsel vm10, $0x6034, v6;
	[tilespmem:$0x1FF40] =	vst v62;
	v4 =	vsel vm9, $0x6065, v4;
	v2 =	vsel vm8, $0x6016, v2  }
0x56: {  	s3 =	stileid.u32;
	s15 =	simm.s32 $0x4000;
	s16 =	simm.s32 $0x6000;
	[tilespmem:$0x1FF50] =	vst v63;
	v6 =	vsel vm9, $0x6075, v6;
	v4 =	vsel vm8, $0x6026, v4;
	v2 =	vsel vm7, $0x6057, v2  }
0x57: {  	s17 =	simm.s32 $0xA000;
	s18 =	simm.s32 $0x2;
	s20 =	simm.s32 $0x0;
	[tilespmem:$0x1FF60] =	vst v24;
	v6 =	vsel vm8, $0x6036, v6;
	v4 =	vsel vm7, $0x6067, v4;
	v2 =	vsel vm6, $0x6018, v2  }
0x58: {  	s5 =	sand.u32 $0x1, s4;
	s4 =	sadd.s32 $0xE00, s10;
	s7 =	sshll.u32 s3, $0x1;
	[tilespmem:$0x1FF70] =	vst v28;
	v6 =	vsel vm7, $0x6077, v6;
	v4 =	vsel vm6, $0x6028, v4;
	v2 =	vsel vm5, $0x6059, v2  }
0x59: {  	p0 =	slt.u32 s3, $0x7;
	s10 =	sadd.s32 $0xC4200, s10;
	s6 =	ssub.s32 $0x2, s5;
	[tilespmem:$0x1FFB0] =	vst v44;
	v6 =	vsel vm6, $0x6038, v6;
	v4 =	vsel vm5, $0x6069, v4;
	v2 =	vsel vm3, $0x601A, v2  }
0x5a: {  	s19 =	sor.u32 s5, s7;
	s5 =	simm.s32 $0x19;
	s7 =	simm.s32 $0x1;
	[tilespmem:$0x1FFC0] =	vst v47;
	v6 =	vsel vm5, $0x6079, v6;
	v4 =	vsel vm3, $0x602A, v4;
	v2 =	vsel vm15, $0x605B, v2  }
0x5b: {  	s5 =	simm.s32 @!p0 $0x18;
	p0 =	seq.s32 s19, $0x1F;
	s9 =	smul.u32 $0x18, s19;
	[tilespmem:$0x1FFD0] =	vst v59;
	v6 =	vsel vm3, $0x603A, v6;
	v4 =	vsel vm15, $0x606B, v4;
	v2 =	vsel vm1, $0x601C, v2  }
.Ltmp0:
0x5c: {  	s8 =	sshrl.u32 s6, $0x1;
	s31 =	smin.u32 s19, $0xE;
	[tilespmem:$0x1FFE0] =	vst v29;
	v6 =	vsel vm15, $0x607B, v6;
	v4 =	vsel vm1, $0x602C, v4;
	v2 =	vsel vm2, $0x605D, v2;
	(pc) =	sbr.rel .LBB2_1-.Ltmp0, $4  }
0x5d: {  	s7 =	simm.s32 @!p0 $0x0;
	s11 =	ssub.s32 s6, s8;
	p0 =	sne.s32 s19, $0x1F;
	[tilespmem:$0x1FFF0] =	vst v31;
	v6 =	vsel vm1, $0x603C, v6;
	v32 =	vsel vm4, $0x601E, v2;
	v2 =	vsel vm2, $0x606D, v4  }
0x5e: {  	s19 =	simm.s32 $0x8000;
	s30 =	ssub.s32 s5, s7;
	s5 =	simm.s32 $0x1;
	v3 =	vor.u32 $0x800, v1;
	v4 =	vsel vm2, $0x607D, v6;
	v42 =	vsel vm4, $0x602E, v2;
	[tilespmem:$0x1FF80] =	vst v32  }
0x5f: {  	s6 =	sadd.s32 s31, s9;
	s9 =	sadd.s32 $0x18680, s0;
	v5 =	vor.u32 $0x1000, v1;
	s7 =	sadd.s32 $0x3, s30;
	v10 =	vor.u32 $0x20, v0;
	v43 =	vsel vm4, $0x603E, v4;
	[tilespmem:$0x1FF90] =	vst v42  }
0x60: {  	s11 =	smax.u32 s11, $0x1;
	s8 =	sadd.s32 $0xFFFFFFFC, s30;
	v11 =	vor.u32 $0x30, v0;
	s7 =	sshrl.u32 s7, $0x2;
	v7 =	vor.u32 $0x1800, v1;
	v9 =	vor.u32 $0x10, v0;
	[tilespmem:$0x1FFA0] =	vst v43  }
.LBB2_23:
0x61: {  	s20 =	sadd.s32 $0x1, s20  }
0x62: {  	p1 =	sne.s32 s20, s11  }
.Ltmp1:
0x63: {  	_ = 	snop;
	(pc) =	sbr.rel @!p1 .LBB2_24-.Ltmp1, $1  }
0x64: {  	_ =	sdelay $0x3  }
.LBB2_1:
0x65: {  	s21 =	simm.s32 $0x0  }
.LBB2_2:
0x66: {  	s22 =	sshll.u32 s21, $0x2  }
0x67: {  	s23 =	smov.u32 s8;
	p1 =	slt.s32 s22, s8  }
0x68: {  	s23 =	smov.u32 @p1 s22  }
0x69: {  	s22 =	sadd.s32 s23, s6  }
0x6a: {  	s23 =	sshll.u32 s22, $0x7  }
0x6b: {  	s22 =	sshll.u32 s22, $0xA;
	s23 =	sand.u32 $0x1FFFFF80, s23  }
0x6c: {  	s28 =	sadd.s32 $0x400, s22;
	s23 =	sadd.s32 s0, s23  }
0x6d: {  	[tilespmem:s2], [sflag:$0x1] =	stream.strided.gather [hbm4b:s23+s12], $0x2000, s13, s12, $0x38;
	[tilespmem:$0x12000] =	vst v63  }
0x6e: {  	s23 =	sshrl.u32 s28, $0x3  }
0x6f: {  	s29 =	sadd.s32 $0x800, s22;
	s23 =	sadd.s32 s0, s23  }
0x70: {  	[tilespmem:s14], [sflag:$0x1] =	stream.strided.gather [hbm4b:s23+s12], $0x2000, s13, s12, $0x38;
	[tilespmem:$0x12000] =	vst v63  }
0x71: {  	s23 =	sshrl.u32 s29, $0x3  }
0x72: {  	s30 =	sadd.s32 $0xC00, s22;
	s23 =	sadd.s32 s0, s23  }
0x73: {  	[tilespmem:s15], [sflag:$0x1] =	stream.strided.gather [hbm4b:s23+s12], $0x2000, s13, s12, $0x38;
	[tilespmem:$0x12000] =	vst v63  }
0x74: {  	s23 =	sshrl.u32 s30, $0x3  }
0x75: {  	s23 =	sadd.s32 s0, s23  }
0x76: {  	[tilespmem:s16], [sflag:$0x1] =	stream.strided.gather [hbm4b:s23+s12], $0x2000, s13, s12, $0x38;
	[tilespmem:$0x12000] =	vst v63  }
0x77: {  	s31 =	simm.s32 $0x0;
	_ =	swait.ge [sflag:s5], $0x2000  }
0x78: {  	s24 =	sand.u32 $0xC, s31;
	[sflag:s5] =	ssyncset.done $0x0  }
0x79: {  	s25 =	sor.u32 $0x1, s24;
	[sflag:s5] =	ssyncadd.s32 $0xFFFFE000  }
0x7a: {  	v2 =	vadd.s32 s24, v0;
	s26 =	sor.u32 $0x2, s24;
	s24 =	sor.u32 $0x3, s24;
	_ =	swait.ge [sflag:s5], $0x2000  }
0x7b: {  	v8 =	vadd.s32 s24, v0;
	[sflag:s5] =	ssyncset.done $0x0  }
0x7c: {  	v13 =	vand.u32 $0xF, v8;
	s23 =	sand.u32 $0x70, s31;
	[sflag:s5] =	ssyncadd.s32 $0xFFFFE000  }
0x7d: {  	v4 =	vadd.s32 s25, v0;
	v13 =	vor.u32 s23, v13;
	_ =	swait.ge [sflag:s5], $0x2000  }
0x7e: {  	v6 =	vadd.s32 s26, v0;
	v12 =	vand.u32 $0xF, v4;
	v19 =	vor.u32 v1, v13;
	[sflag:s5] =	ssyncset.done $0x0  }
0x7f: {  	v6 =	vand.u32 $0xF, v6;
	v12 =	vor.u32 s23, v12;
	[sflag:s5] =	ssyncadd.s32 $0xFFFFE000  }
0x80: {  	v8 =	vshll.u32 v8, $0x6;
	v24 =	vor.u32 v1, v12;
	v18 =	vshll.u32 v13, $0x6;
	_ =	swait.ge [sflag:s5], $0x2000  }
0x81: {  	v4 =	vshll.u32 v4, $0x6;
	v8 =	vand.u32 $0x40, v8;
	v18 =	vand.u32 $0x1F80, v18;
	[sflag:s5] =	ssyncset.done $0x0  }
0x82: {  	v4 =	vand.u32 $0x40, v4;
	v17 =	vshll.u32 v12, $0x6;
	v39 =	vor.u32 v8, v18;
	[tilespmem:$0x1FD80] =	vst v19;
	[sflag:s5] =	ssyncadd.s32 $0xFFFFE000  }
0x83: {  	v6 =	vor.u32 s23, v6;
	v17 =	vand.u32 $0x1F80, v17;
	v18 =	vld.idx.msk [tilespmem:v19+s2+$0x0], $0xffff;
	v19 =	vor.u32 v0, v39  }
0x84: {  	v2 =	vand.u32 $0xF, v2;
	v8 =	vshll.u32 v6, $0x6;
	v35 =	vor.u32 v4, v17;
	[tilespmem:$0x1FD90] =	vst v24  }
0x85: {  	v31 =	vor.u32 v1, v6;
	v48 =	vand.u32 $0x1F80, v8;
	v8 =	vor.u32 v0, v35;
	v17 =	vld.idx.msk [tilespmem:v24+s2+$0x0], $0xffff  }
0x86: {  	v2 =	vor.u32 s23, v2  }
0x87: {  	v34 =	vor.u32 v1, v2;
	v37 =	vor.u32 v3, v13  }
0x88: {  	v36 =	vor.u32 v3, v12;
	v30 =	vor.u32 v3, v6;
	[tilespmem:v19+s17+$0x0] =	vst.idx.msk $0xffff, v18  }
0x89: {  	v42 =	vor.u32 v3, v2;
	v29 =	vor.u32 v5, v2;
	v4 =	vshll.u32 v2, $0x6;
	[tilespmem:$0x1FDA0] =	vst v31  }
0x8a: {  	s23 =	simm.s32 $0x4;
	v43 =	vand.u32 $0x1F80, v4;
	v4 =	vor.u32 v23, v48;
	v18 =	vld.idx.msk [tilespmem:v31+s2+$0x0], $0xffff;
	[tilespmem:v8+s17+$0x0] =	vst.idx.msk $0xffff, v17  }
0x8b: {  	v41 =	vor.u32 v5, v12;
	v40 =	vor.u32 v5, v13;
	v44 =	vor.u32 v7, v12;
	s28 =	sand.u32 $0xC, s23;
	[tilespmem:$0x1FDB0] =	vst v37  }
0x8c: {  	v38 =	vor.u32 v7, v2;
	v45 =	vor.u32 v7, v13;
	s24 =	sor.u32 $0x3, s28;
	v17 =	vor.u32 v9, v39;
	v8 =	vld.idx.msk [tilespmem:v37+s2+$0x0], $0xffff  }
0x8d: {  	v49 =	vadd.s32 s24, v0;
	v26 =	vor.u32 v9, v35;
	v58 =	vor.u32 v11, v35;
	[tilespmem:$0x1FDC0] =	vst v34  }
0x8e: {  	v51 =	vor.u32 v10, v39;
	v53 =	vshll.u32 v49, $0x6;
	v25 =	vor.u32 v23, v43;
	v12 =	vld.idx.msk [tilespmem:v34+s2+$0x0], $0xffff;
	[tilespmem:$0x1FDD0] =	vst v36  }
0x8f: {  	v27 =	vor.u32 v15, v43;
	v33 =	vor.u32 v15, v48;
	v2 =	vld.idx.msk [tilespmem:v36+s2+$0x0], $0xffff;
	[tilespmem:v4+s17+$0x0] =	vst.idx.msk $0xffff, v18  }
0x90: {  	v60 =	vor.u32 v20, v48;
	v59 =	vor.u32 v20, v43;
	v57 =	vor.u32 v14, v48;
	[tilespmem:$0x1FDE0] =	vst v30  }
0x91: {  	v56 =	vor.u32 v14, v43;
	v24 =	vor.u32 v5, v6;
	v50 =	vld.idx.msk [tilespmem:v30+s2+$0x0], $0xffff;
	[tilespmem:v17+s17+$0x0] =	vst.idx.msk $0xffff, v8  }
0x92: {  	s29 =	sor.u32 $0x1, s28;
	s30 =	sor.u32 $0x2, s28;
	v19 =	vor.u32 v10, v35;
	v37 =	vor.u32 v7, v6;
	v6 =	vadd.s32 s28, v0;
	[tilespmem:$0x1FDF0] =	vst v40  }
0x93: {  	v6 =	vand.u32 $0xF, v6;
	v4 =	vadd.s32 s29, v0;
	v18 =	vadd.s32 s30, v0;
	v40 =	vld.idx.msk [tilespmem:v40+s2+$0x0], $0xffff;
	[tilespmem:v25+s17+$0x0] =	vst.idx.msk $0xffff, v12  }
0x94: {  	s31 =	sand.u32 $0x70, s23;
	v18 =	vand.u32 $0xF, v18;
	v8 =	vand.u32 $0xF, v4;
	v17 =	vand.u32 $0xF, v49;
	[tilespmem:v26+s17+$0x0] =	vst.idx.msk $0xffff, v2  }
0x95: {  	v63 =	vor.u32 s31, v18;
	v4 =	vshll.u32 v4, $0x6;
	v61 =	vor.u32 s31, v17;
	v13 =	vld.idx.msk [tilespmem:v42+s2+$0x0], $0xffff;
	[tilespmem:$0x1FE00] =	vst v41  }
0x96: {  	v17 =	vor.u32 s31, v6;
	v12 =	vor.u32 s31, v8;
	v8 =	vor.u32 v1, v61;
	[tilespmem:v33+s17+$0x0] =	vst.idx.msk $0xffff, v50  }
0x97: {  	v55 =	vshll.u32 v63, $0x6;
	v4 =	vand.u32 $0x40, v4;
	v2 =	vor.u32 v1, v17;
	v52 =	vld.idx.msk [tilespmem:v41+s2+$0x0], $0xffff;
	[tilespmem:$0x1FE10] =	vst v24  }
0x98: {  	v26 =	vor.u32 v1, v63;
	v54 =	vshll.u32 v61, $0x6;
	v47 =	vor.u32 v3, v17;
	[tilespmem:v51+s17+$0x0] =	vst.idx.msk $0xffff, v40  }
0x99: {  	v6 =	vor.u32 v1, v12;
	v34 =	vand.u32 $0x1F80, v54;
	v33 =	vand.u32 $0x40, v53;
	v18 =	vld.idx.msk [tilespmem:v24+s2+$0x0], $0xffff;
	[tilespmem:$0x1FE20] =	vst v45  }
0x9a: {  	v31 =	vmovc v35;
	v25 =	vshll.u32 v12, $0x6;
	v62 =	vor.u32 v33, v34;
	v33 =	vor.u32 v11, v39;
	v35 =	vld.idx.msk [tilespmem:v45+s2+$0x0], $0xffff  }
0x9b: {  	v46 =	vor.u32 v3, v12;
	v25 =	vand.u32 $0x1F80, v25;
	v40 =	vor.u32 v0, v62;
	v8 =	vld.idx.msk [tilespmem:v8+s2+$0x0], $0xffff  }
0x9c: {  	v41 =	vor.u32 v4, v25;
	v25 =	vor.u32 v3, v61;
	v34 =	vand.u32 $0x1F80, v55;
	[tilespmem:v27+s17+$0x0] =	vst.idx.msk $0xffff, v13  }
0x9d: {  	v13 =	vshll.u32 v17, $0x6;
	[tilespmem:v19+s17+$0x0] =	vst.idx.msk $0xffff, v52;
	v19 =	vor.u32 v23, v34;
	v36 =	vld.idx.msk [tilespmem:v26+s2+$0x0], $0xffff  }
0x9e: {  	v30 =	vmovc v42;
	v50 =	vor.u32 v5, v61;
	v45 =	vld.idx.msk [tilespmem:v6+s2+$0x0], $0xffff;
	v27 =	vand.u32 $0x1F80, v13;
	v13 =	vor.u32 v0, v41  }
0x9f: {  	v42 =	vor.u32 v9, v41;
	v54 =	vld.idx.msk [tilespmem:v2+s2+$0x0], $0xffff;
	v51 =	vor.u32 v23, v27;
	[tilespmem:v33+s17+$0x0] =	vst.idx.msk $0xffff, v35  }
0xa0: {  	v52 =	vor.u32 v3, v63;
	v2 =	vor.u32 v5, v17;
	[tilespmem:v40+s17+$0x0] =	vst.idx.msk $0xffff, v8  }
0xa1: {  	v6 =	vor.u32 v5, v63;
	v26 =	vld.idx.msk [tilespmem:v29+s2+$0x0], $0xffff;
	v4 =	vor.u32 v15, v27;
	[tilespmem:$0x1FE30] =	vst v44  }
0xa2: {  	v35 =	vor.u32 v15, v34;
	v33 =	vld.idx.msk [tilespmem:v44+s2+$0x0], $0xffff;
	[tilespmem:v19+s17+$0x0] =	vst.idx.msk $0xffff, v36;
	v19 =	vmov v37  }
0xa3: {  	v24 =	vmov v39;
	v49 =	vld.idx.msk [tilespmem:v25+s2+$0x0], $0xffff;
	[tilespmem:v13+s17+$0x0] =	vst.idx.msk $0xffff, v45;
	v13 =	vor.u32 v9, v62;
	v36 =	vmov v38  }
0xa4: {  	v40 =	vor.u32 v10, v41;
	v44 =	vor.u32 v5, v12;
	[tilespmem:v51+s17+$0x0] =	vst.idx.msk $0xffff, v54;
	v8 =	vld.idx.msk [tilespmem:v46+s2+$0x0], $0xffff  }
0xa5: {  	v45 =	vor.u32 v20, v27;
	v25 =	vor.u32 v7, v12;
	v46 =	vor.u32 v20, v34;
	v12 =	vld.idx.msk [tilespmem:v52+s2+$0x0], $0xffff  }
.LBB2_3:
0xa6: {  	s23 =	sadd.s32 $0x4, s23;
	v47 =	vld.idx.msk [tilespmem:v47+s2+$0x0], $0xffff;
	v17 =	vor.u32 v7, v17;
	v51 =	vor.u32 v7, v63;
	[tilespmem:v60+s17+$0x0] =	vst.idx.msk $0xffff, v18  }
0xa7: {  	v41 =	vor.u32 v11, v41;
	v34 =	vor.u32 v14, v34;
	s24 =	sand.u32 $0xC, s23;
	p1 =	slt.u32 s23, $0x7C;
	[tilespmem:v59+s17+$0x0] =	vst.idx.msk $0xffff, v26;
	v52 =	vld.idx.msk [tilespmem:v19+s2+$0x0], $0xffff  }
0xa8: {  	v27 =	vor.u32 v14, v27;
	v18 =	vadd.s32 s24, v0;
	s25 =	sor.u32 $0x1, s24;
	s26 =	sor.u32 $0x2, s24;
	s24 =	sor.u32 $0x3, s24;
	[tilespmem:v13+s17+$0x0] =	vst.idx.msk $0xffff, v49;
	v13 =	vld.idx.msk [tilespmem:v36+s2+$0x0], $0xffff;
	v36 =	vmov v17  }
0xa9: {  	v60 =	vmovc v46;
	v19 =	vmovc v51;
	v49 =	vadd.s32 s25, v0;
	v17 =	vadd.s32 s26, v0;
	v54 =	vadd.s32 s24, v0;
	v50 =	vld.idx.msk [tilespmem:v50+s2+$0x0], $0xffff  }
0xaa: {  	v59 =	vmovc v45;
	s24 =	sand.u32 $0x70, s23;
	v26 =	vand.u32 $0xF, v49;
	v46 =	vand.u32 $0xF, v54;
	[tilespmem:v42+s17+$0x0] =	vst.idx.msk $0xffff, v8;
	v8 =	vor.u32 v10, v62  }
0xab: {  	v42 =	vand.u32 $0xF, v17;
	v44 =	vld.idx.msk [tilespmem:v44+s2+$0x0], $0xffff;
	[tilespmem:v35+s17+$0x0] =	vst.idx.msk $0xffff, v12;
	v12 =	vor.u32 v7, v61;
	v61 =	vor.u32 s24, v46  }
0xac: {  	v17 =	vand.u32 $0xF, v18;
	v51 =	vor.u32 s24, v26;
	v35 =	vor.u32 v1, v61;
	[tilespmem:v4+s17+$0x0] =	vst.idx.msk $0xffff, v47;
	v18 =	vld.idx.msk [tilespmem:v6+s2+$0x0], $0xffff  }
0xad: {  	v17 =	vor.u32 s24, v17;
	v63 =	vor.u32 s24, v42;
	v4 =	vor.u32 v1, v51;
	v26 =	vld.idx.msk [tilespmem:v2+s2+$0x0], $0xffff;
	[tilespmem:v58+s17+$0x0] =	vst.idx.msk $0xffff, v33  }
0xae: {  	v6 =	vshll.u32 v51, $0x6;
	v2 =	vor.u32 v1, v17;
	v33 =	vor.u32 v1, v63;
	[tilespmem:v57+s17+$0x0] =	vst.idx.msk $0xffff, v52  }
0xaf: {  	v45 =	vshll.u32 v54, $0x6;
	v42 =	vshll.u32 v49, $0x6;
	v46 =	vshll.u32 v61, $0x6;
	v58 =	vmovc v41;
	v57 =	vmovc v34;
	[tilespmem:v8+s17+$0x0] =	vst.idx.msk $0xffff, v50  }
0xb0: {  	v6 =	vand.u32 $0x1F80, v6;
	v34 =	vand.u32 $0x1F80, v46;
	v8 =	vand.u32 $0x40, v45;
	v12 =	vld.idx.msk [tilespmem:v12+s2+$0x0], $0xffff;
	[tilespmem:v56+s17+$0x0] =	vst.idx.msk $0xffff, v13;
	v56 =	vmovc v27  }
0xb1: {  	v13 =	vshll.u32 v63, $0x6;
	v45 =	vld.idx.msk [tilespmem:v35+s2+$0x0], $0xffff;
	v35 =	vor.u32 v11, v62;
	v62 =	vor.u32 v8, v34  }
0xb2: {  	v27 =	vand.u32 $0x40, v42;
	v8 =	vshll.u32 v17, $0x6;
	v46 =	vld.idx.msk [tilespmem:v4+s2+$0x0], $0xffff;
	v49 =	vor.u32 v0, v62;
	[tilespmem:v40+s17+$0x0] =	vst.idx.msk $0xffff, v44  }
0xb3: {  	v41 =	vor.u32 v27, v6;
	v34 =	vand.u32 $0x1F80, v13;
	v13 =	vor.u32 v3, v61;
	v50 =	vld.idx.msk [tilespmem:v33+s2+$0x0], $0xffff  }
0xb4: {  	v27 =	vand.u32 $0x1F80, v8;
	v8 =	vor.u32 v0, v41;
	v54 =	vor.u32 v23, v34;
	v52 =	vld.idx.msk [tilespmem:v2+s2+$0x0], $0xffff  }
0xb5: {  	v53 =	vor.u32 v3, v51;
	v39 =	vor.u32 v3, v63;
	v55 =	vor.u32 v23, v27;
	v33 =	vld.idx.msk [tilespmem:v25+s2+$0x0], $0xffff  }
0xb6: {  	v47 =	vor.u32 v3, v17;
	v42 =	vor.u32 v9, v41;
	[tilespmem:v35+s17+$0x0] =	vst.idx.msk $0xffff, v12  }
.Ltmp2:
0xb7: {  	v4 =	vor.u32 v15, v27;
	v35 =	vor.u32 v15, v34;
	[tilespmem:v49+s17+$0x0] =	vst.idx.msk $0xffff, v45;
	(pc) =	sbr.rel @p1 .LBB2_3-.Ltmp2, $4  }
0xb8: {  	v6 =	vor.u32 v5, v63;
	v44 =	vor.u32 v5, v51;
	v2 =	vor.u32 v5, v17;
	v49 =	vld.idx.msk [tilespmem:v13+s2+$0x0], $0xffff  }
0xb9: {  	v40 =	vor.u32 v10, v41;
	v13 =	vor.u32 v9, v62;
	[tilespmem:v8+s17+$0x0] =	vst.idx.msk $0xffff, v46  }
0xba: {  	v46 =	vor.u32 v20, v34;
	v8 =	vld.idx.msk [tilespmem:v53+s2+$0x0], $0xffff;
	[tilespmem:v54+s17+$0x0] =	vst.idx.msk $0xffff, v50;
	v50 =	vor.u32 v5, v61  }
0xbb: {  	v25 =	vor.u32 v7, v51;
	v45 =	vor.u32 v20, v27;
	[tilespmem:v55+s17+$0x0] =	vst.idx.msk $0xffff, v52;
	v12 =	vld.idx.msk [tilespmem:v39+s2+$0x0], $0xffff  }
0xbc: {  	_ =	sdelay $0x3  }
0xbd: {  	v39 =	vld.idx.msk [tilespmem:v47+s2+$0x0], $0xffff  }
0xbe: {  	[tilespmem:v60+s17+$0x0] =	vst.idx.msk $0xffff, v18  }
0xbf: {  	[tilespmem:v13+s17+$0x0] =	vst.idx.msk $0xffff, v49  }
0xc0: {  	v13 =	vor.u32 v10, v62;
	[tilespmem:v42+s17+$0x0] =	vst.idx.msk $0xffff, v8;
	v8 =	vld.idx.msk [tilespmem:v50+s2+$0x0], $0xffff  }
0xc1: {  	v18 =	vor.u32 v7, v61;
	[tilespmem:v35+s17+$0x0] =	vst.idx.msk $0xffff, v12;
	v12 =	vld.idx.msk [tilespmem:v44+s2+$0x0], $0xffff  }
0xc2: {  	[tilespmem:v4+s17+$0x0] =	vst.idx.msk $0xffff, v39;
	v4 =	vld.idx.msk [tilespmem:v6+s2+$0x0], $0xffff  }
0xc3: {  	[tilespmem:v59+s17+$0x0] =	vst.idx.msk $0xffff, v26;
	v6 =	vor.u32 v7, v63;
	v2 =	vld.idx.msk [tilespmem:v2+s2+$0x0], $0xffff  }
0xc4: {  	[tilespmem:v58+s17+$0x0] =	vst.idx.msk $0xffff, v33;
	v17 =	vor.u32 v7, v17;
	v19 =	vld.idx.msk [tilespmem:v19+s2+$0x0], $0xffff  }
0xc5: {  	[tilespmem:v13+s17+$0x0] =	vst.idx.msk $0xffff, v8;
	v8 =	vld.idx.msk [tilespmem:v36+s2+$0x0], $0xffff  }
0xc6: {  	v13 =	vor.u32 v11, v62;
	[tilespmem:v40+s17+$0x0] =	vst.idx.msk $0xffff, v12;
	v12 =	vld.idx.msk [tilespmem:v18+s2+$0x0], $0xffff  }
0xc7: {  	[tilespmem:v46+s17+$0x0] =	vst.idx.msk $0xffff, v4;
	v4 =	vor.u32 v11, v41;
	v18 =	vld.idx.msk [tilespmem:v25+s2+$0x0], $0xffff  }
0xc8: {  	[tilespmem:v45+s17+$0x0] =	vst.idx.msk $0xffff, v2;
	v2 =	vor.u32 v14, v34;
	v6 =	vld.idx.msk [tilespmem:v6+s2+$0x0], $0xffff  }
0xc9: {  	[tilespmem:v57+s17+$0x0] =	vst.idx.msk $0xffff, v19;
	v25 =	vor.u32 v14, v27;
	v17 =	vld.idx.msk [tilespmem:v17+s2+$0x0], $0xffff  }
0xca: {  	[tilespmem:v56+s17+$0x0] =	vst.idx.msk $0xffff, v8  }
0xcb: {  	[tilespmem:v13+s17+$0x0] =	vst.idx.msk $0xffff, v12  }
0xcc: {  	[tilespmem:v4+s17+$0x0] =	vst.idx.msk $0xffff, v18  }
0xcd: {  	[tilespmem:v2+s17+$0x0] =	vst.idx.msk $0xffff, v6  }
0xce: {  	[tilespmem:v25+s17+$0x0] =	vst.idx.msk $0xffff, v17  }
0xcf: {  	v2 =	vld [tilespmem:$0x1FD80];
	_ =	sdelay $0x2  }
0xd0: {  	v61 =	vld [tilespmem:$0x1FF30];
	_ =	sdelay $0x4  }
0xd1: {  	v4 =	vor.u32 v61, v24;
	v2 =	vld.idx.msk [tilespmem:v2+s14+$0x0], $0xffff;
	_ =	sdelay $0x1  }
0xd2: {  	v6 =	vld [tilespmem:$0x1FD90]  }
0xd3: {  	v12 =	vld [tilespmem:$0x1FDA0]  }
0xd4: {  	v17 =	vld [tilespmem:$0x1FDC0]  }
0xd5: {  	[tilespmem:v4+s17+$0x0] =	vst.idx.msk $0xffff, v2  }
0xd6: {  	v19 =	vld [tilespmem:$0x1FDB0];
	_ =	sdelay $0x2  }
0xd7: {  	v62 =	vld [tilespmem:$0x1FF40]  }
0xd8: {  	v8 =	vor.u32 v61, v31;
	v6 =	vld.idx.msk [tilespmem:v6+s14+$0x0], $0xffff  }
0xd9: {  	v13 =	vor.u32 v16, v48;
	v12 =	vld.idx.msk [tilespmem:v12+s14+$0x0], $0xffff  }
0xda: {  	v18 =	vor.u32 v16, v43;
	v17 =	vld.idx.msk [tilespmem:v17+s14+$0x0], $0xffff;
	_ =	sdelay $0x1  }
0xdb: {  	v25 =	vor.u32 v62, v24;
	v19 =	vld.idx.msk [tilespmem:v19+s14+$0x0], $0xffff  }
0xdc: {  	[tilespmem:v8+s17+$0x0] =	vst.idx.msk $0xffff, v6  }
0xdd: {  	v8 =	vld [tilespmem:$0x1FDD0];
	[tilespmem:v13+s17+$0x0] =	vst.idx.msk $0xffff, v12  }
0xde: {  	v60 =	vld [tilespmem:$0x1FF20];
	[tilespmem:v18+s17+$0x0] =	vst.idx.msk $0xffff, v17  }
0xdf: {  	v12 =	vld [tilespmem:$0x1FDE0]  }
0xe0: {  	v33 =	vld.idx.msk [tilespmem:v30+s14+$0x0], $0xffff;
	[tilespmem:v25+s17+$0x0] =	vst.idx.msk $0xffff, v19  }
0xe1: {  	v30 =	vld [tilespmem:$0x1FDF0];
	_ =	sdelay $0x2  }
0xe2: {  	v63 =	vld [tilespmem:$0x1FF50]  }
0xe3: {  	v2 =	vor.u32 $0x2000, v31  }
0xe4: {  	v27 =	vor.u32 v9, v2;
	v8 =	vld.idx.msk [tilespmem:v8+s14+$0x0], $0xffff  }
0xe5: {  	v26 =	vor.u32 v21, v43  }
0xe6: {  	s23 =	simm.s32 $0x4;
	v4 =	vor.u32 v21, v48;
	v12 =	vld.idx.msk [tilespmem:v12+s14+$0x0], $0xffff  }
0xe7: {  	s24 =	sand.u32 $0xC, s23;
	v56 =	vor.u32 v63, v24;
	v55 =	vld.idx.msk [tilespmem:v30+s14+$0x0], $0xffff  }
0xe8: {  	s25 =	sor.u32 $0x1, s24;
	s26 =	sor.u32 $0x3, s24;
	v6 =	vor.u32 v10, v2;
	v46 =	vor.u32 v11, v2;
	v2 =	vadd.s32 s24, v0;
	s24 =	sor.u32 $0x2, s24  }
0xe9: {  	v17 =	vadd.s32 s24, v0;
	[tilespmem:v27+s17+$0x0] =	vst.idx.msk $0xffff, v8  }
0xea: {  	v57 =	vand.u32 $0xF, v17;
	v17 =	vld [tilespmem:$0x1FE00];
	[tilespmem:v26+s17+$0x0] =	vst.idx.msk $0xffff, v33  }
0xeb: {  	v18 =	vadd.s32 s26, v0;
	[tilespmem:v4+s17+$0x0] =	vst.idx.msk $0xffff, v12  }
0xec: {  	v25 =	vand.u32 $0xF, v18;
	v26 =	vshll.u32 v18, $0x6;
	v18 =	vld [tilespmem:$0x1FE10];
	[tilespmem:v56+s17+$0x0] =	vst.idx.msk $0xffff, v55  }
0xed: {  	s31 =	sand.u32 $0x70, s23;
	v30 =	vld [tilespmem:$0x1FE20]  }
0xee: {  	v45 =	vor.u32 s31, v25  }
0xef: {  	v8 =	vor.u32 v1, v45  }
0xf0: {  	v42 =	vor.u32 s31, v57;
	v57 =	vld [tilespmem:$0x1FE40]  }
0xf1: {  	v58 =	vshll.u32 v45, $0x6  }
0xf2: {  	v13 =	vadd.s32 s25, v0;
	v26 =	vand.u32 $0x40, v26;
	v33 =	vand.u32 $0x1F80, v58  }
0xf3: {  	v19 =	vand.u32 $0xF, v13;
	v41 =	vor.u32 v26, v33;
	v25 =	vld.idx.msk [tilespmem:v17+s14+$0x0], $0xffff  }
0xf4: {  	v2 =	vand.u32 $0xF, v2;
	v19 =	vor.u32 s31, v19;
	v49 =	vor.u32 v61, v41;
	v40 =	vld.idx.msk [tilespmem:v8+s14+$0x0], $0xffff  }
0xf5: {  	v17 =	vor.u32 s31, v2;
	v2 =	vor.u32 v1, v19;
	v26 =	vor.u32 v57, v24;
	v36 =	vld.idx.msk [tilespmem:v30+s14+$0x0], $0xffff;
	_ =	sdelay $0x1  }
0xf6: {  	v47 =	vor.u32 v22, v43;
	v50 =	vor.u32 v22, v48;
	v27 =	vor.u32 v1, v42  }
0xf7: {  	v59 =	vshll.u32 v42, $0x6;
	v13 =	vshll.u32 v13, $0x6;
	v12 =	vshll.u32 v19, $0x6;
	[tilespmem:v6+s17+$0x0] =	vst.idx.msk $0xffff, v25  }
0xf8: {  	v13 =	vand.u32 $0x40, v13;
	v12 =	vand.u32 $0x1F80, v12;
	v4 =	vor.u32 v1, v17;
	[tilespmem:v49+s17+$0x0] =	vst.idx.msk $0xffff, v40  }
0xf9: {  	v34 =	vand.u32 $0x1F80, v59;
	v12 =	vor.u32 v13, v12;
	v13 =	vld.idx.msk [tilespmem:v2+s14+$0x0], $0xffff;
	[tilespmem:v26+s17+$0x0] =	vst.idx.msk $0xffff, v36  }
0xfa: {  	v44 =	vor.u32 v60, v48;
	v6 =	vor.u32 v61, v12;
	v25 =	vor.u32 v3, v45;
	v2 =	vld [tilespmem:$0x1FE30]  }
0xfb: {  	v52 =	vor.u32 v16, v34;
	v51 =	vld.idx.msk [tilespmem:v27+s14+$0x0], $0xffff;
	v8 =	vshll.u32 v17, $0x6;
	v55 =	vor.u32 v3, v19  }
0xfc: {  	v43 =	vor.u32 v60, v43;
	v27 =	vld.idx.msk [tilespmem:v29+s14+$0x0], $0xffff;
	v33 =	vand.u32 $0x1F80, v8;
	v56 =	vor.u32 v3, v42  }
0xfd: {  	v35 =	vor.u32 v21, v34;
	v48 =	vor.u32 $0x2000, v12;
	v54 =	vor.u32 v16, v33;
	v53 =	vld.idx.msk [tilespmem:v4+s14+$0x0], $0xffff  }
0xfe: {  	v39 =	vor.u32 v9, v48;
	v18 =	vld.idx.msk [tilespmem:v18+s14+$0x0], $0xffff;
	v8 =	vor.u32 v3, v17;
	v40 =	vor.u32 v5, v19  }
0xff: {  	v49 =	vor.u32 v22, v34;
	v19 =	vor.u32 v7, v19;
	v12 =	vld.idx.msk [tilespmem:v25+s14+$0x0], $0xffff;
	[tilespmem:v6+s17+$0x0] =	vst.idx.msk $0xffff, v13  }
0x100: {  	v4 =	vor.u32 v21, v33;
	v25 =	vor.u32 v10, v48;
	[tilespmem:v52+s17+$0x0] =	vst.idx.msk $0xffff, v51;
	v51 =	vld.idx.msk [tilespmem:v55+s14+$0x0], $0xffff  }
0x101: {  	v36 =	vor.u32 v22, v33;
	v6 =	vor.u32 v5, v42;
	v13 =	vor.u32 v62, v41;
	v52 =	vld.idx.msk [tilespmem:v56+s14+$0x0], $0xffff  }
0x102: {  	[tilespmem:v54+s17+$0x0] =	vst.idx.msk $0xffff, v53;
	v53 =	vor.u32 v5, v45;
	v26 =	vld.idx.msk [tilespmem:v2+s14+$0x0], $0xffff;
	v2 =	vor.u32 v5, v17  }
.LBB2_5:
0x103: {  	_ = 	snop  }
0x104: {  	s23 =	sadd.s32 $0x4, s23;
	v17 =	vor.u32 v7, v17  }
0x105: {  	v8 =	vld.idx.msk [tilespmem:v8+s14+$0x0], $0xffff;
	v42 =	vor.u32 v7, v42;
	[tilespmem:v50+s17+$0x0] =	vst.idx.msk $0xffff, v18;
	v48 =	vor.u32 v11, v48;
	s24 =	sand.u32 $0xC, s23  }
0x106: {  	v34 =	vor.u32 v60, v34;
	[tilespmem:v47+s17+$0x0] =	vst.idx.msk $0xffff, v27;
	v54 =	vld.idx.msk [tilespmem:v37+s14+$0x0], $0xffff;
	v18 =	vadd.s32 s24, v0;
	s25 =	sor.u32 $0x1, s24;
	s26 =	sor.u32 $0x2, s24;
	s24 =	sor.u32 $0x3, s24  }
0x107: {  	v33 =	vor.u32 v60, v33;
	v55 =	vadd.s32 s24, v0;
	[tilespmem:v13+s17+$0x0] =	vst.idx.msk $0xffff, v12;
	v12 =	vld.idx.msk [tilespmem:v38+s14+$0x0], $0xffff  }
0x108: {  	v38 =	vmovc v17;
	v13 =	vadd.s32 s25, v0;
	v17 =	vadd.s32 s26, v0;
	[tilespmem:v39+s17+$0x0] =	vst.idx.msk $0xffff, v51;
	v39 =	vor.u32 v63, v41  }
0x109: {  	s31 =	sand.u32 $0x70, s23;
	v58 =	vand.u32 $0xF, v55;
	[tilespmem:v35+s17+$0x0] =	vst.idx.msk $0xffff, v52;
	v35 =	vor.u32 v7, v45;
	v53 =	vld.idx.msk [tilespmem:v53+s14+$0x0], $0xffff;
	v27 =	vand.u32 $0xF, v13  }
0x10a: {  	v37 =	vmovc v42;
	v59 =	vand.u32 $0xF, v17;
	v45 =	vor.u32 s31, v58;
	v17 =	vand.u32 $0xF, v18  }
0x10b: {  	v40 =	vld.idx.msk [tilespmem:v40+s14+$0x0], $0xffff;
	[tilespmem:v4+s17+$0x0] =	vst.idx.msk $0xffff, v8;
	v13 =	vshll.u32 v13, $0x6;
	v52 =	vor.u32 s31, v27;
	v56 =	vor.u32 v1, v45  }
0x10c: {  	v18 =	vld.idx.msk [tilespmem:v6+s14+$0x0], $0xffff;
	[tilespmem:v46+s17+$0x0] =	vst.idx.msk $0xffff, v26;
	v26 =	vshll.u32 v55, $0x6;
	v17 =	vor.u32 s31, v17;
	v4 =	vor.u32 v1, v52  }
0x10d: {  	v42 =	vor.u32 s31, v59;
	v27 =	vld.idx.msk [tilespmem:v2+s14+$0x0], $0xffff;
	[tilespmem:v44+s17+$0x0] =	vst.idx.msk $0xffff, v54;
	v58 =	vshll.u32 v45, $0x6;
	v2 =	vor.u32 v1, v17  }
0x10e: {  	v47 =	vmovc v36;
	v26 =	vand.u32 $0x40, v26;
	v13 =	vand.u32 $0x40, v13;
	v8 =	vor.u32 v1, v42;
	[tilespmem:v39+s17+$0x0] =	vst.idx.msk $0xffff, v53  }
0x10f: {  	v6 =	vshll.u32 v52, $0x6;
	v59 =	vand.u32 $0x1F80, v58;
	v58 =	vor.u32 v3, v52;
	[tilespmem:v43+s17+$0x0] =	vst.idx.msk $0xffff, v12;
	v36 =	vld.idx.msk [tilespmem:v35+s14+$0x0], $0xffff  }
0x110: {  	v50 =	vmovc v49;
	v39 =	vor.u32 v57, v41;
	v41 =	vor.u32 v26, v59;
	v26 =	vshll.u32 v17, $0x6;
	v49 =	vld.idx.msk [tilespmem:v56+s14+$0x0], $0xffff  }
0x111: {  	v43 =	vmovc v33;
	v12 =	vshll.u32 v42, $0x6;
	v53 =	vor.u32 v61, v41;
	v33 =	vand.u32 $0x1F80, v26;
	v51 =	vld.idx.msk [tilespmem:v4+s14+$0x0], $0xffff  }
0x112: {  	v44 =	vmovc v34;
	v6 =	vand.u32 $0x1F80, v6;
	v34 =	vand.u32 $0x1F80, v12;
	v55 =	vld.idx.msk [tilespmem:v2+s14+$0x0], $0xffff;
	v57 =	vor.u32 v16, v33  }
0x113: {  	v12 =	vor.u32 v3, v45;
	v56 =	vor.u32 v16, v34;
	v4 =	vor.u32 v13, v6;
	v54 =	vld.idx.msk [tilespmem:v8+s14+$0x0], $0xffff  }
0x114: {  	v59 =	vor.u32 v3, v42;
	[tilespmem:v25+s17+$0x0] =	vst.idx.msk $0xffff, v40;
	v13 =	vor.u32 v61, v4  }
0x115: {  	p1 =	slt.u32 s23, $0x7C;
	v46 =	vmov v48;
	v35 =	vor.u32 v21, v34;
	v8 =	vor.u32 v3, v17;
	[tilespmem:v39+s17+$0x0] =	vst.idx.msk $0xffff, v36  }
.Ltmp3:
0x116: {  	v2 =	vor.u32 v5, v17;
	v40 =	vor.u32 v5, v52;
	v26 =	vld.idx.msk [tilespmem:v19+s14+$0x0], $0xffff;
	[tilespmem:v53+s17+$0x0] =	vst.idx.msk $0xffff, v49;
	(pc) =	sbr.rel @p1 .LBB2_5-.Ltmp3, $4  }
0x117: {  	v6 =	vor.u32 v5, v42;
	v48 =	vor.u32 $0x2000, v4;
	v4 =	vor.u32 v21, v33;
	[tilespmem:v57+s17+$0x0] =	vst.idx.msk $0xffff, v55;
	v57 =	vld [tilespmem:$0x1FE40]  }
0x118: {  	v19 =	vor.u32 v7, v52;
	v25 =	vor.u32 v10, v48;
	[tilespmem:v56+s17+$0x0] =	vst.idx.msk $0xffff, v54;
	v12 =	vld.idx.msk [tilespmem:v12+s14+$0x0], $0xffff  }
0x119: {  	v39 =	vor.u32 v9, v48;
	v36 =	vor.u32 v22, v33;
	[tilespmem:v13+s17+$0x0] =	vst.idx.msk $0xffff, v51;
	v52 =	vld.idx.msk [tilespmem:v59+s14+$0x0], $0xffff  }
0x11a: {  	v49 =	vor.u32 v22, v34;
	v53 =	vor.u32 v5, v45;
	v13 =	vor.u32 v62, v41;
	v51 =	vld.idx.msk [tilespmem:v58+s14+$0x0], $0xffff  }
0x11b: {  	_ =	sdelay $0x3  }
0x11c: {  	v8 =	vld.idx.msk [tilespmem:v8+s14+$0x0], $0xffff  }
0x11d: {  	[tilespmem:v50+s17+$0x0] =	vst.idx.msk $0xffff, v18  }
0x11e: {  	[tilespmem:v13+s17+$0x0] =	vst.idx.msk $0xffff, v12  }
0x11f: {  	v13 =	vor.u32 v63, v41;
	v12 =	vld.idx.msk [tilespmem:v53+s14+$0x0], $0xffff;
	[tilespmem:v39+s17+$0x0] =	vst.idx.msk $0xffff, v51  }
0x120: {  	v63 =	vor.u32 v7, v45;
	[tilespmem:v35+s17+$0x0] =	vst.idx.msk $0xffff, v52;
	v18 =	vld.idx.msk [tilespmem:v40+s14+$0x0], $0xffff  }
0x121: {  	[tilespmem:v4+s17+$0x0] =	vst.idx.msk $0xffff, v8;
	v4 =	vld.idx.msk [tilespmem:v6+s14+$0x0], $0xffff  }
0x122: {  	[tilespmem:v47+s17+$0x0] =	vst.idx.msk $0xffff, v27;
	v6 =	vor.u32 v7, v42;
	v2 =	vld.idx.msk [tilespmem:v2+s14+$0x0], $0xffff  }
0x123: {  	[tilespmem:v46+s17+$0x0] =	vst.idx.msk $0xffff, v26;
	v37 =	vld.idx.msk [tilespmem:v37+s14+$0x0], $0xffff;
	v8 =	vor.u32 v7, v17  }
0x124: {  	v17 =	vld.idx.msk [tilespmem:v38+s14+$0x0], $0xffff;
	[tilespmem:v13+s17+$0x0] =	vst.idx.msk $0xffff, v12  }
0x125: {  	v42 =	vld.idx.msk [tilespmem:v63+s14+$0x0], $0xffff;
	[tilespmem:v25+s17+$0x0] =	vst.idx.msk $0xffff, v18;
	v18 =	vor.u32 v57, v41  }
0x126: {  	v27 =	vor.u32 v11, v48;
	[tilespmem:v49+s17+$0x0] =	vst.idx.msk $0xffff, v4;
	v19 =	vld.idx.msk [tilespmem:v19+s14+$0x0], $0xffff  }
0x127: {  	v12 =	vor.u32 v60, v34;
	[tilespmem:v36+s17+$0x0] =	vst.idx.msk $0xffff, v2;
	v2 =	vld.idx.msk [tilespmem:v6+s14+$0x0], $0xffff  }
0x128: {  	s23 =	simm.s32 $0x0;
	[tilespmem:v44+s17+$0x0] =	vst.idx.msk $0xffff, v37;
	v13 =	vor.u32 v60, v33;
	v8 =	vld.idx.msk [tilespmem:v8+s14+$0x0], $0xffff  }
0x129: {  	s24 =	sand.u32 $0xC, s23;
	[tilespmem:v43+s17+$0x0] =	vst.idx.msk $0xffff, v17  }
0x12a: {  	s25 =	sor.u32 $0x1, s24;
	s26 =	sor.u32 $0x2, s24;
	v25 =	vadd.s32 s24, v0;
	s24 =	sor.u32 $0x3, s24;
	[tilespmem:v18+s17+$0x0] =	vst.idx.msk $0xffff, v42  }
0x12b: {  	v26 =	vadd.s32 s26, v0;
	v45 =	vadd.s32 s24, v0;
	[tilespmem:v27+s17+$0x0] =	vst.idx.msk $0xffff, v19  }
0x12c: {  	s23 =	sand.u32 $0x70, s23;
	v26 =	vand.u32 $0xF, v26;
	v46 =	vand.u32 $0xF, v45;
	[tilespmem:v12+s17+$0x0] =	vst.idx.msk $0xffff, v2  }
0x12d: {  	v4 =	vadd.s32 s25, v0;
	v17 =	vor.u32 s23, v26;
	v21 =	vor.u32 s23, v46;
	[tilespmem:v13+s17+$0x0] =	vst.idx.msk $0xffff, v8  }
0x12e: {  	v6 =	vand.u32 $0xF, v4;
	v25 =	vand.u32 $0xF, v25;
	v57 =	vor.u32 v1, v21;
	v16 =	vld [tilespmem:$0x1FE80]  }
0x12f: {  	v15 =	vor.u32 v1, v17;
	v47 =	vor.u32 s23, v6;
	v55 =	vor.u32 s23, v25  }
0x130: {  	v14 =	vor.u32 v1, v47;
	v18 =	vshll.u32 v45, $0x6;
	v19 =	vshll.u32 v21, $0x6  }
0x131: {  	v2 =	vshll.u32 v4, $0x6;
	v4 =	vand.u32 $0x40, v18;
	v12 =	vand.u32 $0x1F80, v19  }
0x132: {  	v56 =	vor.u32 v1, v55;
	v6 =	vshll.u32 v47, $0x6;
	v20 =	vor.u32 v4, v12;
	v24 =	vld [tilespmem:$0x1FE50]  }
0x133: {  	v6 =	vand.u32 $0x1F80, v6;
	v2 =	vand.u32 $0x40, v2;
	v4 =	vld.idx.msk [tilespmem:v57+s15+$0x0], $0xffff;
	v13 =	vor.u32 v16, v20  }
0x134: {  	v8 =	vshll.u32 v17, $0x6;
	v26 =	vor.u32 v2, v6;
	[tilespmem:$0x1FD00] =	vst v14  }
0x135: {  	v23 =	vor.u32 v3, v21;
	v18 =	vand.u32 $0x1F80, v8;
	v2 =	vld.idx.msk [tilespmem:v14+s15+$0x0], $0xffff;
	[tilespmem:$0x1FD10] =	vst v15;
	v8 =	vor.u32 v16, v26  }
0x136: {  	v12 =	vshll.u32 v55, $0x6;
	v25 =	vld.idx.msk [tilespmem:v15+s15+$0x0], $0xffff  }
0x137: {  	v19 =	vand.u32 $0x1F80, v12;
	v15 =	vor.u32 v3, v47;
	v37 =	vld.idx.msk [tilespmem:v56+s15+$0x0], $0xffff;
	[tilespmem:$0x1FD20] =	vst v26;
	v12 =	vor.u32 v24, v18  }
0x138: {  	v14 =	vld [tilespmem:$0x1FE60];
	[tilespmem:v13+s17+$0x0] =	vst.idx.msk $0xffff, v4  }
0x139: {  	[tilespmem:$0x1FD30] =	vst v23  }
0x13a: {  	v34 =	vld.idx.msk [tilespmem:v23+s15+$0x0], $0xffff;
	[tilespmem:v8+s17+$0x0] =	vst.idx.msk $0xffff, v2  }
0x13b: {  	v30 =	vld [tilespmem:$0x1FE90];
	[tilespmem:$0x1FD40] =	vst v15  }
0x13c: {  	v48 =	vor.u32 $0x4000, v26;
	v27 =	vor.u32 v24, v19;
	v26 =	vld.idx.msk [tilespmem:v15+s15+$0x0], $0xffff;
	[tilespmem:v12+s17+$0x0] =	vst.idx.msk $0xffff, v25  }
0x13d: {  	v15 =	vld [tilespmem:$0x1FE70]  }
0x13e: {  	v22 =	vor.u32 v3, v17  }
0x13f: {  	p2 =	por $0x1, $0x1  }
.Ltmp4:
0x140: {  	v35 =	vor.u32 v5, v17;
	v33 =	vor.u32 v5, v55;
	v6 =	vor.u32 v3, v55;
	(pc) =	sbr.rel @!p2 .LBB2_7-.Ltmp4, $4  }
0x141: {  	v52 =	vor.u32 v9, v48;
	v63 =	vor.u32 v10, v48;
	[tilespmem:v27+s17+$0x0] =	vst.idx.msk $0xffff, v37  }
0x142: {  	v50 =	vor.u32 v14, v18;
	v49 =	vor.u32 v14, v19;
	[tilespmem:$0x1FD50] =	vst v22;
	v13 =	vor.u32 v15, v18  }
0x143: {  	v4 =	vor.u32 v5, v47;
	v27 =	vld.idx.msk [tilespmem:v22+s15+$0x0], $0xffff;
	[tilespmem:$0x1FD60] =	vst v20;
	v12 =	vor.u32 v15, v19  }
0x144: {  	p1 =	por $0x0, $0x0;
	v8 =	vor.u32 v5, v21;
	v25 =	vor.u32 v7, v47;
	v31 =	vld [tilespmem:$0x1FFF0];
	[tilespmem:$0x1FD70] =	vst v21;
	v2 =	vor.u32 v30, v20  }
0x145: {  	_ = 	snop  }
0x146: {  	s23 =	simm.s32 $0x4  }
0x147: {  	[tilespmem:$0x1FCE0] =	vst v57;
	s24 =	sand.u32 $0xC, s23  }
0x148: {  	[tilespmem:$0x1FCF0] =	vst v56;
	v58 =	vor.u32 v7, v55;
	v61 =	vor.u32 v7, v17;
	v62 =	vor.u32 v11, v48;
	v28 =	vld [tilespmem:$0x1FF60];
	s25 =	sor.u32 $0x1, s24  }
0x149: {  	v22 =	vor.u32 v7, v21;
	[tilespmem:v2+s17+$0x0] =	vst.idx.msk $0xffff, v34;
	v36 =	vadd.s32 s24, v0;
	s26 =	sor.u32 $0x2, s24;
	s24 =	sor.u32 $0x3, s24;
	v2 =	vadd.s32 s25, v0  }
0x14a: {  	[tilespmem:v52+s17+$0x0] =	vst.idx.msk $0xffff, v26;
	v57 =	vadd.s32 s26, v0;
	v43 =	vadd.s32 s24, v0;
	v26 =	vand.u32 $0xF, v36  }
0x14b: {  	s31 =	sand.u32 $0x70, s23;
	v39 =	vld.idx.msk [tilespmem:v8+s15+$0x0], $0xffff;
	v37 =	vand.u32 $0xF, v2;
	v40 =	vand.u32 $0xF, v43;
	v41 =	vor.u32 v31, v20  }
0x14c: {  	v34 =	vand.u32 $0xF, v57;
	v36 =	vor.u32 s31, v26;
	v2 =	vshll.u32 v2, $0x6  }
0x14d: {  	v43 =	vshll.u32 v43, $0x6;
	v60 =	vor.u32 v28, v18;
	v46 =	vor.u32 s31, v40  }
0x14e: {  	[tilespmem:v50+s17+$0x0] =	vst.idx.msk $0xffff, v27;
	v38 =	vor.u32 s31, v37;
	v37 =	vor.u32 s31, v34;
	v50 =	vor.u32 v1, v36  }
0x14f: {  	v42 =	vld.idx.msk [tilespmem:v6+s15+$0x0], $0xffff;
	v32 =	vand.u32 $0x40, v43;
	v44 =	vor.u32 v1, v46;
	v45 =	vshll.u32 v46, $0x6  }
0x150: {  	v47 =	vld.idx.msk [tilespmem:v4+s15+$0x0], $0xffff;
	v53 =	vshll.u32 v36, $0x6;
	v48 =	vor.u32 v1, v37;
	v45 =	vand.u32 $0x1F80, v45;
	[tilespmem:v41+s17+$0x0] =	vst.idx.msk $0xffff, v39  }
0x151: {  	v26 =	vor.u32 v1, v38;
	v40 =	vshll.u32 v37, $0x6;
	v45 =	vor.u32 v32, v45;
	v32 =	vld [tilespmem:$0x1FEA0]  }
0x152: {  	v23 =	vshll.u32 v38, $0x6;
	v41 =	vand.u32 $0x1F80, v40;
	v40 =	vand.u32 $0x1F80, v53  }
0x153: {  	v2 =	vand.u32 $0x40, v2;
	v34 =	vand.u32 $0x1F80, v23;
	v21 =	vld.idx.msk [tilespmem:v50+s15+$0x0], $0xffff;
	v23 =	vor.u32 v24, v40  }
0x154: {  	v59 =	vor.u32 v28, v19;
	v2 =	vor.u32 v2, v34;
	v56 =	vor.u32 v16, v45;
	v54 =	vld.idx.msk [tilespmem:v44+s15+$0x0], $0xffff  }
0x155: {  	v34 =	vor.u32 v3, v46;
	[tilespmem:v63+s17+$0x0] =	vst.idx.msk $0xffff, v47;
	v27 =	vor.u32 v24, v41;
	v47 =	vld.idx.msk [tilespmem:v48+s15+$0x0], $0xffff  }
0x156: {  	v39 =	vor.u32 v5, v36;
	v43 =	vld.idx.msk [tilespmem:v22+s15+$0x0], $0xffff;
	[tilespmem:v49+s17+$0x0] =	vst.idx.msk $0xffff, v42;
	v52 =	vor.u32 v32, v20  }
0x157: {  	v63 =	vor.u32 v16, v2;
	v22 =	vor.u32 v3, v37;
	v50 =	vor.u32 v14, v41;
	v20 =	vld.idx.msk [tilespmem:v26+s15+$0x0], $0xffff  }
0x158: {  	p4 =	por $0x1, $0x1;
	v51 =	vld.idx.msk [tilespmem:v35+s15+$0x0], $0xffff;
	v49 =	vor.u32 v14, v40;
	v26 =	vor.u32 v3, v38;
	[tilespmem:v23+s17+$0x0] =	vst.idx.msk $0xffff, v21  }
.Ltmp5:
0x159: {  	v42 =	vor.u32 v5, v37;
	v57 =	vor.u32 v15, v40;
	v53 =	vld.idx.msk [tilespmem:v33+s15+$0x0], $0xffff;
	[tilespmem:v56+s17+$0x0] =	vst.idx.msk $0xffff, v54;
	(pc) =	sbr.rel @!p4 .LBB2_9-.Ltmp5, $4  }
0x15a: {  	v29 =	vmov v16;
	v44 =	vor.u32 v3, v36;
	v48 =	vor.u32 $0x4000, v2;
	v54 =	vld.idx.msk [tilespmem:v25+s15+$0x0], $0xffff;
	[tilespmem:v27+s17+$0x0] =	vst.idx.msk $0xffff, v47  }
0x15b: {  	v2 =	vor.u32 v30, v45;
	v56 =	vor.u32 v15, v41;
	v34 =	vld.idx.msk [tilespmem:v34+s15+$0x0], $0xffff;
	[tilespmem:v52+s17+$0x0] =	vst.idx.msk $0xffff, v43  }
0x15c: {  	v47 =	vor.u32 v5, v46;
	v27 =	vld.idx.msk [tilespmem:v22+s15+$0x0], $0xffff;
	v52 =	vor.u32 v9, v48;
	[tilespmem:v63+s17+$0x0] =	vst.idx.msk $0xffff, v20  }
0x15d: {  	p3 =	por $0x1, $0x1;
	v43 =	vor.u32 v5, v38;
	v63 =	vor.u32 v10, v48;
	v38 =	vor.u32 v7, v38;
	v26 =	vld.idx.msk [tilespmem:v26+s15+$0x0], $0xffff  }
.LBB2_10:
0x15e: {  	s23 =	sadd.s32 $0x4, s23  }
0x15f: {  	v36 =	vor.u32 v7, v36;
	v37 =	vor.u32 v7, v37;
	s24 =	sand.u32 $0xC, s23  }
0x160: {  	v44 =	vld.idx.msk [tilespmem:v44+s15+$0x0], $0xffff;
	[tilespmem:v13+s17+$0x0] =	vst.idx.msk $0xffff, v51;
	v48 =	vor.u32 v11, v48;
	v41 =	vor.u32 v28, v41;
	s26 =	sor.u32 $0x2, s24  }
0x161: {  	[tilespmem:v12+s17+$0x0] =	vst.idx.msk $0xffff, v53;
	v40 =	vor.u32 v28, v40;
	v13 =	vmovc v56;
	v51 =	vadd.s32 s24, v0;
	s25 =	sor.u32 $0x1, s24;
	s24 =	sor.u32 $0x3, s24;
	v21 =	vadd.s32 s26, v0  }
0x162: {  	v12 =	vmovc v57;
	v14 =	vld.idx.msk [tilespmem:v61+s15+$0x0], $0xffff;
	v15 =	vadd.s32 s24, v0;
	v57 =	vand.u32 $0xF, v51;
	[tilespmem:v2+s17+$0x0] =	vst.idx.msk $0xffff, v34;
	v34 =	vadd.s32 s25, v0  }
0x163: {  	s31 =	sand.u32 $0x70, s23;
	v2 =	vld.idx.msk [tilespmem:v58+s15+$0x0], $0xffff;
	v23 =	vand.u32 $0xF, v15;
	[tilespmem:v52+s17+$0x0] =	vst.idx.msk $0xffff, v26;
	v26 =	vor.u32 v31, v45;
	v56 =	vand.u32 $0xF, v21  }
0x164: {  	v58 =	vmovc v36;
	[tilespmem:v50+s17+$0x0] =	vst.idx.msk $0xffff, v27;
	v27 =	vor.u32 v7, v46;
	v36 =	vor.u32 s31, v57;
	v15 =	vshll.u32 v15, $0x6  }
0x165: {  	v61 =	vmovc v37;
	v52 =	vor.u32 v32, v45;
	v47 =	vld.idx.msk [tilespmem:v47+s15+$0x0], $0xffff;
	v22 =	vand.u32 $0xF, v34;
	v46 =	vor.u32 s31, v23  }
0x166: {  	v43 =	vld.idx.msk [tilespmem:v43+s15+$0x0], $0xffff;
	[tilespmem:v49+s17+$0x0] =	vst.idx.msk $0xffff, v44;
	v37 =	vor.u32 s31, v56;
	v21 =	vor.u32 v1, v36;
	v15 =	vand.u32 $0x40, v15  }
0x167: {  	[tilespmem:v62+s17+$0x0] =	vst.idx.msk $0xffff, v54;
	v16 =	vor.u32 s31, v22;
	v50 =	vor.u32 v1, v46;
	v23 =	vor.u32 v1, v37  }
0x168: {  	v51 =	vld.idx.msk [tilespmem:v42+s15+$0x0], $0xffff;
	[tilespmem:v60+s17+$0x0] =	vst.idx.msk $0xffff, v14;
	v14 =	vshll.u32 v34, $0x6;
	v57 =	vshll.u32 v46, $0x6;
	v42 =	vor.u32 v1, v16  }
0x169: {  	v53 =	vld.idx.msk [tilespmem:v39+s15+$0x0], $0xffff;
	v22 =	vshll.u32 v16, $0x6;
	v34 =	vand.u32 $0x1F80, v57;
	v14 =	vand.u32 $0x40, v14;
	[tilespmem:v59+s17+$0x0] =	vst.idx.msk $0xffff, v2  }
0x16a: {  	v45 =	vor.u32 v15, v34;
	v15 =	vshll.u32 v36, $0x6;
	[tilespmem:v26+s17+$0x0] =	vst.idx.msk $0xffff, v47;
	v26 =	vand.u32 $0x1F80, v22  }
0x16b: {  	v59 =	vmovc v40;
	v2 =	vshll.u32 v37, $0x6;
	v40 =	vand.u32 $0x1F80, v15;
	v20 =	vld.idx.msk [tilespmem:v21+s15+$0x0], $0xffff;
	v14 =	vor.u32 v14, v26  }
0x16c: {  	v62 =	vmovc v48;
	v22 =	vor.u32 v24, v40;
	v15 =	vor.u32 v29, v14;
	v48 =	vor.u32 $0x4000, v14;
	v14 =	vld [tilespmem:$0x1FE60]  }
0x16d: {  	v60 =	vmov v41;
	v41 =	vand.u32 $0x1F80, v2;
	v27 =	vld.idx.msk [tilespmem:v27+s15+$0x0], $0xffff  }
0x16e: {  	v57 =	vld.idx.msk [tilespmem:v23+s15+$0x0], $0xffff;
	v21 =	vor.u32 v24, v41  }
0x16f: {  	v34 =	vor.u32 v29, v45;
	v47 =	vld.idx.msk [tilespmem:v50+s15+$0x0], $0xffff;
	v23 =	vor.u32 v3, v37  }
0x170: {  	v2 =	vor.u32 v3, v46;
	v26 =	vor.u32 v3, v16;
	v56 =	vld.idx.msk [tilespmem:v42+s15+$0x0], $0xffff;
	[tilespmem:v63+s17+$0x0] =	vst.idx.msk $0xffff, v43  }
0x171: {  	p4 =	slt.u32 s23, $0x7C;
	[tilespmem:v22+s17+$0x0] =	vst.idx.msk $0xffff, v20;
	v50 =	vor.u32 v14, v41;
	v49 =	vor.u32 v14, v40;
	v14 =	vld [tilespmem:$0x1FE70]  }
.Ltmp6:
0x172: {  	v44 =	vor.u32 v3, v36;
	v39 =	vor.u32 v5, v36;
	[tilespmem:v52+s17+$0x0] =	vst.idx.msk $0xffff, v27;
	(pc) =	sbr.rel @p4 .LBB2_10-.Ltmp6, $4  }
0x173: {  	v43 =	vor.u32 v5, v16;
	v42 =	vor.u32 v5, v37;
	v54 =	vld.idx.msk [tilespmem:v38+s15+$0x0], $0xffff;
	[tilespmem:v21+s17+$0x0] =	vst.idx.msk $0xffff, v57  }
0x174: {  	v63 =	vor.u32 v10, v48;
	v38 =	vor.u32 v7, v16;
	[tilespmem:v34+s17+$0x0] =	vst.idx.msk $0xffff, v47;
	v27 =	vld.idx.msk [tilespmem:v23+s15+$0x0], $0xffff  }
0x175: {  	v52 =	vor.u32 v9, v48;
	[tilespmem:v15+s17+$0x0] =	vst.idx.msk $0xffff, v56;
	v47 =	vor.u32 v5, v46;
	v34 =	vld.idx.msk [tilespmem:v2+s15+$0x0], $0xffff  }
0x176: {  	v2 =	vor.u32 v30, v45;
	v26 =	vld.idx.msk [tilespmem:v26+s15+$0x0], $0xffff;
	v56 =	vor.u32 v14, v41;
	v57 =	vor.u32 v14, v40  }
0x177: {  	v28 =	vld [tilespmem:$0x1FF70]  }
0x178: {  	v24 =	vmov v32;
	v32 =	vld [tilespmem:$0x1FF80]  }
0x179: {  	v15 =	vmov v13;
	v13 =	vmov v56;
	v56 =	vld [tilespmem:$0x1FCF0]  }
0x17a: {  	v22 =	vmov v12;
	v12 =	vmov v57;
	v57 =	vld [tilespmem:$0x1FCE0]  }
.LBB2_12:
0x17b: {  	_ =	sdelay $0x3  }
0x17c: {  	[tilespmem:v15+s17+$0x0] =	vst.idx.msk @p3 $0xffff, v51  }
0x17d: {  	v14 =	vld.idx.msk [tilespmem:v44+s15+$0x0], $0xffff;
	[tilespmem:v2+s17+$0x0] =	vst.idx.msk $0xffff, v34  }
0x17e: {  	[tilespmem:v52+s17+$0x0] =	vst.idx.msk $0xffff, v26;
	v15 =	vor.u32 v31, v45;
	v2 =	vld.idx.msk [tilespmem:v47+s15+$0x0], $0xffff  }
0x17f: {  	[tilespmem:v50+s17+$0x0] =	vst.idx.msk $0xffff, v27;
	v16 =	vld.idx.msk [tilespmem:v43+s15+$0x0], $0xffff  }
0x180: {  	[tilespmem:v22+s17+$0x0] =	vst.idx.msk @p3 $0xffff, v53;
	v52 =	vld.idx.msk [tilespmem:v42+s15+$0x0], $0xffff  }
0x181: {  	[tilespmem:v62+s17+$0x0] =	vst.idx.msk @p3 $0xffff, v54  }
0x182: {  	[tilespmem:v49+s17+$0x0] =	vst.idx.msk $0xffff, v14  }
0x183: {  	[tilespmem:v15+s17+$0x0] =	vst.idx.msk $0xffff, v2  }
0x184: {  	v20 =	vor.u32 v7, v46;
	[tilespmem:v63+s17+$0x0] =	vst.idx.msk $0xffff, v16  }
0x185: {  	v22 =	vld.idx.msk [tilespmem:v39+s15+$0x0], $0xffff;
	[tilespmem:v13+s17+$0x0] =	vst.idx.msk $0xffff, v52  }
0x186: {  	v21 =	vor.u32 v7, v37;
	v15 =	vor.u32 v24, v45;
	v24 =	vld [tilespmem:$0x1FF60]  }
0x187: {  	v23 =	vor.u32 v7, v36;
	v26 =	vld.idx.msk @p3 [tilespmem:v61+s15+$0x0], $0xffff  }
0x188: {  	v27 =	vld.idx.msk @p3 [tilespmem:v58+s15+$0x0], $0xffff  }
0x189: {  	v2 =	vld.idx.msk [tilespmem:v20+s15+$0x0], $0xffff  }
0x18a: {  	v16 =	vor.u32 v11, v48;
	v20 =	vld.idx.msk [tilespmem:v38+s15+$0x0], $0xffff  }
0x18b: {  	v54 =	vld.idx.msk [tilespmem:v21+s15+$0x0], $0xffff;
	[tilespmem:v12+s17+$0x0] =	vst.idx.msk $0xffff, v22;
	v53 =	vor.u32 v24, v41  }
0x18c: {  	[tilespmem:v60+s17+$0x0] =	vst.idx.msk @p3 $0xffff, v26;
	v58 =	vor.u32 v24, v40;
	v21 =	vld.idx.msk [tilespmem:v23+s15+$0x0], $0xffff  }
0x18d: {  	[tilespmem:v59+s17+$0x0] =	vst.idx.msk @p3 $0xffff, v27  }
0x18e: {  	[tilespmem:v15+s17+$0x0] =	vst.idx.msk $0xffff, v2  }
0x18f: {  	[tilespmem:v16+s17+$0x0] =	vst.idx.msk $0xffff, v20  }
0x190: {  	[tilespmem:v53+s17+$0x0] =	vst.idx.msk $0xffff, v54  }
0x191: {  	[tilespmem:v58+s17+$0x0] =	vst.idx.msk $0xffff, v21  }
0x192: {  	v44 =	vld [tilespmem:$0x1FFB0]  }
0x193: {  	v13 =	vld [tilespmem:$0x1FD00]  }
0x194: {  	v23 =	vld [tilespmem:$0x1FD60]  }
0x195: {  	v15 =	vld [tilespmem:$0x1FD10]  }
0x196: {  	v22 =	vld [tilespmem:$0x1FD20];
	_ =	sdelay $0x3  }
0x197: {  	v2 =	vld.idx.msk [tilespmem:v57+s16+$0x0], $0xffff;
	v61 =	vor.u32 v44, v23  }
0x198: {  	v62 =	vor.u32 v44, v22;
	v13 =	vld.idx.msk [tilespmem:v13+s16+$0x0], $0xffff;
	_ =	sdelay $0x1  }
0x199: {  	v16 =	vor.u32 v28, v18;
	v15 =	vld.idx.msk [tilespmem:v15+s16+$0x0], $0xffff  }
0x19a: {  	v21 =	vor.u32 v28, v19;
	v20 =	vld.idx.msk [tilespmem:v56+s16+$0x0], $0xffff  }
0x19b: {  	[tilespmem:v61+s17+$0x0] =	vst.idx.msk $0xffff, v2  }
0x19c: {  	v2 =	vld [tilespmem:$0x1FD30];
	[tilespmem:v62+s17+$0x0] =	vst.idx.msk $0xffff, v13  }
0x19d: {  	v47 =	vld [tilespmem:$0x1FFC0]  }
0x19e: {  	v12 =	vld [tilespmem:$0x1FD40];
	[tilespmem:v16+s17+$0x0] =	vst.idx.msk $0xffff, v15  }
0x19f: {  	v42 =	vld [tilespmem:$0x1FF90];
	[tilespmem:v21+s17+$0x0] =	vst.idx.msk $0xffff, v20  }
0x1a0: {  	v63 =	vld [tilespmem:$0x1FD50];
	_ =	sdelay $0x3  }
.Ltmp7:
0x1a1: {  	v51 =	vor.u32 v42, v18;
	(pc) =	sbr.rel @!p2 .LBB2_13-.Ltmp7, $4  }
0x1a2: {  	v53 =	vor.u32 v42, v19  }
0x1a3: {  	v2 =	vld.idx.msk [tilespmem:v2+s16+$0x0], $0xffff  }
0x1a4: {  	v36 =	vor.u32 v32, v19;
	v56 =	vor.u32 v32, v18;
	v40 =	vor.u32 $0x6000, v22;
	v26 =	vld.idx.msk [tilespmem:v12+s16+$0x0], $0xffff  }
0x1a5: {  	v59 =	vor.u32 v9, v40;
	v46 =	vor.u32 v10, v40;
	v34 =	vor.u32 v47, v23;
	v27 =	vld.idx.msk [tilespmem:v63+s16+$0x0], $0xffff  }
0x1a6: {  	_ =	sdelay $0x2  }
0x1a7: {  	s23 =	simm.s32 $0x4  }
0x1a8: {  	v43 =	vld [tilespmem:$0x1FFA0];
	s24 =	sand.u32 $0xC, s23;
	[tilespmem:v34+s17+$0x0] =	vst.idx.msk $0xffff, v2  }
0x1a9: {  	v49 =	vor.u32 v7, v55;
	v52 =	vor.u32 v7, v17;
	s25 =	sor.u32 $0x1, s24;
	v29 =	vld [tilespmem:$0x1FFD0]  }
0x1aa: {  	v54 =	vor.u32 v11, v40;
	v12 =	vadd.s32 s24, v0;
	s26 =	sor.u32 $0x2, s24;
	s24 =	sor.u32 $0x3, s24;
	v2 =	vadd.s32 s25, v0  }
0x1ab: {  	v13 =	vadd.s32 s26, v0;
	v14 =	vadd.s32 s24, v0;
	v12 =	vand.u32 $0xF, v12  }
0x1ac: {  	s31 =	sand.u32 $0x70, s23;
	v15 =	vand.u32 $0xF, v2;
	v16 =	vand.u32 $0xF, v14;
	v13 =	vand.u32 $0xF, v13  }
0x1ad: {  	v6 =	vld.idx.msk [tilespmem:v6+s16+$0x0], $0xffff;
	v55 =	vor.u32 s31, v12;
	v2 =	vshll.u32 v2, $0x6;
	v14 =	vshll.u32 v14, $0x6  }
0x1ae: {  	v8 =	vld.idx.msk [tilespmem:v8+s16+$0x0], $0xffff;
	v50 =	vor.u32 v43, v18;
	v48 =	vor.u32 v43, v19;
	v18 =	vor.u32 v29, v23  }
0x1af: {  	v45 =	vor.u32 s31, v16;
	v16 =	vld [tilespmem:$0x1FD70];
	v15 =	vor.u32 s31, v15;
	v17 =	vor.u32 s31, v13  }
0x1b0: {  	[tilespmem:v59+s17+$0x0] =	vst.idx.msk $0xffff, v26;
	v13 =	vor.u32 v1, v55;
	v14 =	vand.u32 $0x40, v14;
	v19 =	vor.u32 v1, v45  }
0x1b1: {  	[tilespmem:v56+s17+$0x0] =	vst.idx.msk $0xffff, v27;
	v2 =	vand.u32 $0x40, v2;
	v4 =	vld.idx.msk [tilespmem:v4+s16+$0x0], $0xffff;
	v12 =	vor.u32 v1, v15;
	v20 =	vshll.u32 v15, $0x6  }
0x1b2: {  	v21 =	vor.u32 v1, v17;
	v57 =	vld.idx.msk [tilespmem:v35+s16+$0x0], $0xffff;
	v22 =	vshll.u32 v45, $0x6;
	v26 =	vor.u32 v3, v15  }
0x1b3: {  	v41 =	vor.u32 v3, v17;
	v35 =	vor.u32 v5, v17;
	[tilespmem:v18+s17+$0x0] =	vst.idx.msk $0xffff, v8;
	v18 =	vand.u32 $0x1F80, v22  }
0x1b4: {  	v16 =	vor.u32 v7, v16;
	v8 =	vand.u32 $0x1F80, v20;
	v37 =	vor.u32 v14, v18;
	v30 =	vld [tilespmem:$0x1FFE0]  }
0x1b5: {  	v61 =	vld.idx.msk [tilespmem:v19+s16+$0x0], $0xffff;
	v20 =	vshll.u32 v17, $0x6;
	v2 =	vor.u32 v2, v8;
	v62 =	vor.u32 v44, v37  }
0x1b6: {  	v12 =	vld.idx.msk [tilespmem:v12+s16+$0x0], $0xffff;
	[tilespmem:v36+s17+$0x0] =	vst.idx.msk $0xffff, v6;
	v6 =	vshll.u32 v55, $0x6;
	v18 =	vand.u32 $0x1F80, v20;
	v63 =	vor.u32 v44, v2  }
0x1b7: {  	v8 =	vor.u32 v3, v45;
	v20 =	vld.idx.msk [tilespmem:v21+s16+$0x0], $0xffff;
	v19 =	vand.u32 $0x1F80, v6;
	v27 =	vor.u32 v28, v18  }
0x1b8: {  	v13 =	vld.idx.msk [tilespmem:v13+s16+$0x0], $0xffff;
	[tilespmem:v46+s17+$0x0] =	vst.idx.msk $0xffff, v4;
	v4 =	vor.u32 v5, v15;
	v39 =	vor.u32 v28, v19  }
0x1b9: {  	p2 =	por $0x1, $0x1;
	v16 =	vld.idx.msk [tilespmem:v16+s16+$0x0], $0xffff;
	v6 =	vor.u32 v3, v55;
	v40 =	vor.u32 $0x6000, v2;
	v14 =	vor.u32 v30, v23  }
.Ltmp8:
0x1ba: {  	v56 =	vor.u32 v32, v18;
	v58 =	vld.idx.msk [tilespmem:v33+s16+$0x0], $0xffff;
	v33 =	vor.u32 v5, v55;
	[tilespmem:v62+s17+$0x0] =	vst.idx.msk $0xffff, v61;
	(pc) =	sbr.rel @!p2 .LBB2_15-.Ltmp8, $4  }
0x1bb: {  	v38 =	vld.idx.msk [tilespmem:v25+s16+$0x0], $0xffff;
	v34 =	vor.u32 v47, v37;
	v25 =	vor.u32 v7, v15;
	[tilespmem:v63+s17+$0x0] =	vst.idx.msk $0xffff, v12  }
0x1bc: {  	v36 =	vor.u32 v32, v19;
	v59 =	vor.u32 v9, v40;
	[tilespmem:v27+s17+$0x0] =	vst.idx.msk $0xffff, v20;
	v2 =	vld.idx.msk [tilespmem:v8+s16+$0x0], $0xffff  }
0x1bd: {  	v46 =	vor.u32 v10, v40;
	v26 =	vld.idx.msk [tilespmem:v26+s16+$0x0], $0xffff;
	v8 =	vor.u32 v5, v45;
	[tilespmem:v39+s17+$0x0] =	vst.idx.msk $0xffff, v13  }
0x1be: {  	p1 =	por $0x1, $0x1;
	v12 =	vor.u32 v42, v18;
	v39 =	vor.u32 v42, v19;
	v27 =	vld.idx.msk [tilespmem:v41+s16+$0x0], $0xffff;
	[tilespmem:v14+s17+$0x0] =	vst.idx.msk $0xffff, v16  }
.LBB2_16:
0x1bf: {  	s23 =	sadd.s32 $0x4, s23;
	v6 =	vld.idx.msk [tilespmem:v6+s16+$0x0], $0xffff;
	v13 =	vor.u32 v7, v55;
	v14 =	vor.u32 v7, v17;
	[tilespmem:v51+s17+$0x0] =	vst.idx.msk $0xffff, v57  }
0x1c0: {  	v15 =	vor.u32 v11, v40;
	v16 =	vor.u32 v43, v18;
	s24 =	sand.u32 $0xC, s23;
	p2 =	slt.u32 s23, $0x7C;
	[tilespmem:v53+s17+$0x0] =	vst.idx.msk $0xffff, v58;
	v18 =	vld.idx.msk [tilespmem:v52+s16+$0x0], $0xffff  }
0x1c1: {  	v19 =	vor.u32 v43, v19;
	v17 =	vadd.s32 s24, v0;
	s25 =	sor.u32 $0x1, s24;
	s26 =	sor.u32 $0x2, s24;
	s24 =	sor.u32 $0x3, s24;
	[tilespmem:v34+s17+$0x0] =	vst.idx.msk $0xffff, v2;
	v2 =	vld.idx.msk [tilespmem:v49+s16+$0x0], $0xffff;
	v49 =	vmov v13  }
0x1c2: {  	v51 =	vmovc v12;
	v52 =	vmovc v14;
	v13 =	vadd.s32 s25, v0;
	v20 =	vadd.s32 s26, v0;
	v21 =	vadd.s32 s24, v0;
	v8 =	vld.idx.msk [tilespmem:v8+s16+$0x0], $0xffff  }
0x1c3: {  	v22 =	vor.u32 v29, v37;
	v53 =	vmovc v39;
	s24 =	sand.u32 $0x70, s23;
	v12 =	vand.u32 $0xF, v13;
	v14 =	vand.u32 $0xF, v21;
	[tilespmem:v59+s17+$0x0] =	vst.idx.msk $0xffff, v26  }
0x1c4: {  	v23 =	vor.u32 v7, v45;
	v20 =	vand.u32 $0xF, v20;
	v4 =	vld.idx.msk [tilespmem:v4+s16+$0x0], $0xffff;
	[tilespmem:v56+s17+$0x0] =	vst.idx.msk $0xffff, v27;
	v45 =	vor.u32 s24, v14  }
0x1c5: {  	v14 =	vand.u32 $0xF, v17;
	v27 =	vor.u32 s24, v12;
	v12 =	vor.u32 v1, v45;
	[tilespmem:v36+s17+$0x0] =	vst.idx.msk $0xffff, v6;
	v57 =	vld.idx.msk [tilespmem:v35+s16+$0x0], $0xffff  }
0x1c6: {  	v17 =	vor.u32 s24, v20;
	v55 =	vor.u32 s24, v14;
	v6 =	vor.u32 v1, v27;
	v58 =	vld.idx.msk [tilespmem:v33+s16+$0x0], $0xffff;
	[tilespmem:v54+s17+$0x0] =	vst.idx.msk $0xffff, v38  }
0x1c7: {  	v20 =	vshll.u32 v27, $0x6;
	v26 =	vor.u32 v1, v17;
	v14 =	vor.u32 v1, v55;
	[tilespmem:v50+s17+$0x0] =	vst.idx.msk $0xffff, v18  }
0x1c8: {  	v13 =	vshll.u32 v13, $0x6;
	v54 =	vmovc v15;
	v18 =	vshll.u32 v21, $0x6;
	v21 =	vshll.u32 v45, $0x6;
	v50 =	vmovc v16;
	[tilespmem:v22+s17+$0x0] =	vst.idx.msk $0xffff, v8  }
0x1c9: {  	v8 =	vand.u32 $0x1F80, v20;
	v15 =	vand.u32 $0x40, v18;
	v16 =	vand.u32 $0x1F80, v21;
	v20 =	vld.idx.msk [tilespmem:v23+s16+$0x0], $0xffff;
	[tilespmem:v48+s17+$0x0] =	vst.idx.msk $0xffff, v2;
	v48 =	vmovc v19  }
0x1ca: {  	v21 =	vor.u32 v30, v37;
	v2 =	vshll.u32 v17, $0x6;
	v37 =	vor.u32 v15, v16;
	v12 =	vld.idx.msk [tilespmem:v12+s16+$0x0], $0xffff  }
0x1cb: {  	v13 =	vand.u32 $0x40, v13;
	v15 =	vshll.u32 v55, $0x6;
	v22 =	vor.u32 v44, v37;
	v16 =	vld.idx.msk [tilespmem:v6+s16+$0x0], $0xffff;
	[tilespmem:v46+s17+$0x0] =	vst.idx.msk $0xffff, v4  }
0x1cc: {  	v18 =	vand.u32 $0x1F80, v2;
	v2 =	vor.u32 v3, v45;
	v4 =	vor.u32 v13, v8;
	v8 =	vld.idx.msk [tilespmem:v26+s16+$0x0], $0xffff  }
0x1cd: {  	v19 =	vand.u32 $0x1F80, v15;
	v15 =	vor.u32 v28, v18;
	v13 =	vld.idx.msk [tilespmem:v14+s16+$0x0], $0xffff;
	v14 =	vor.u32 v44, v4  }
0x1ce: {  	v41 =	vor.u32 v3, v17;
	v23 =	vor.u32 v28, v19;
	v26 =	vor.u32 v3, v27;
	v38 =	vld.idx.msk [tilespmem:v25+s16+$0x0], $0xffff  }
0x1cf: {  	v6 =	vor.u32 v3, v55;
	v56 =	vor.u32 v32, v18;
	v40 =	vor.u32 $0x6000, v4;
	[tilespmem:v21+s17+$0x0] =	vst.idx.msk $0xffff, v20  }
.Ltmp9:
0x1d0: {  	v36 =	vor.u32 v32, v19;
	v59 =	vor.u32 v9, v40;
	[tilespmem:v22+s17+$0x0] =	vst.idx.msk $0xffff, v12;
	(pc) =	sbr.rel @p2 .LBB2_16-.Ltmp9, $4  }
0x1d1: {  	v35 =	vor.u32 v5, v17;
	v33 =	vor.u32 v5, v55;
	v4 =	vor.u32 v5, v27;
	v2 =	vld.idx.msk [tilespmem:v2+s16+$0x0], $0xffff  }
0x1d2: {  	v34 =	vor.u32 v47, v37;
	v46 =	vor.u32 v10, v40;
	[tilespmem:v14+s17+$0x0] =	vst.idx.msk $0xffff, v16  }
0x1d3: {  	v12 =	vor.u32 v42, v18;
	v26 =	vld.idx.msk [tilespmem:v26+s16+$0x0], $0xffff;
	[tilespmem:v15+s17+$0x0] =	vst.idx.msk $0xffff, v8;
	v8 =	vor.u32 v5, v45  }
0x1d4: {  	v39 =	vor.u32 v42, v19;
	v25 =	vor.u32 v7, v27;
	[tilespmem:v23+s17+$0x0] =	vst.idx.msk $0xffff, v13;
	v27 =	vld.idx.msk [tilespmem:v41+s16+$0x0], $0xffff  }
0x1d5: {  	v41 =	vmovc v51;
	v13 =	vmovc v53;
	v51 =	vmov v12;
	v23 =	vmov v37;
	v53 =	vmov v39  }
.LBB2_18:
0x1d6: {  	_ =	sdelay $0x3  }
0x1d7: {  	[tilespmem:v41+s17+$0x0] =	vst.idx.msk @p1 $0xffff, v57  }
0x1d8: {  	[tilespmem:v34+s17+$0x0] =	vst.idx.msk $0xffff, v2  }
0x1d9: {  	[tilespmem:v59+s17+$0x0] =	vst.idx.msk $0xffff, v26  }
0x1da: {  	v59 =	vld [tilespmem:$0x1FFD0];
	_ =	sdelay $0x2  }
0x1db: {  	v6 =	vld.idx.msk [tilespmem:v6+s16+$0x0], $0xffff;
	_ =	sdelay $0x1  }
0x1dc: {  	v2 =	vld.idx.msk [tilespmem:v8+s16+$0x0], $0xffff;
	v8 =	vor.u32 v59, v23  }
0x1dd: {  	v16 =	vld.idx.msk @p1 [tilespmem:v52+s16+$0x0], $0xffff;
	[tilespmem:v56+s17+$0x0] =	vst.idx.msk $0xffff, v27  }
0x1de: {  	v12 =	vor.u32 v7, v45;
	v4 =	vld.idx.msk [tilespmem:v4+s16+$0x0], $0xffff;
	[tilespmem:v13+s17+$0x0] =	vst.idx.msk @p1 $0xffff, v58  }
0x1df: {  	[tilespmem:v36+s17+$0x0] =	vst.idx.msk $0xffff, v6;
	v6 =	vld.idx.msk [tilespmem:v35+s16+$0x0], $0xffff  }
0x1e0: {  	v14 =	vor.u32 v7, v17;
	[tilespmem:v54+s17+$0x0] =	vst.idx.msk @p1 $0xffff, v38;
	v13 =	vld.idx.msk [tilespmem:v33+s16+$0x0], $0xffff  }
0x1e1: {  	v15 =	vor.u32 v7, v55;
	v17 =	vld.idx.msk @p1 [tilespmem:v49+s16+$0x0], $0xffff;
	[tilespmem:v8+s17+$0x0] =	vst.idx.msk $0xffff, v2  }
0x1e2: {  	v29 =	vld [tilespmem:$0x1FFE0]  }
0x1e3: {  	v2 =	vld.idx.msk [tilespmem:v12+s16+$0x0], $0xffff;
	[tilespmem:v46+s17+$0x0] =	vst.idx.msk $0xffff, v4  }
0x1e4: {  	v4 =	vor.u32 v11, v40;
	[tilespmem:v51+s17+$0x0] =	vst.idx.msk $0xffff, v6;
	v12 =	vld.idx.msk [tilespmem:v25+s16+$0x0], $0xffff  }
0x1e5: {  	v6 =	vor.u32 v43, v18;
	[tilespmem:v53+s17+$0x0] =	vst.idx.msk $0xffff, v13;
	v13 =	vld.idx.msk [tilespmem:v14+s16+$0x0], $0xffff  }
0x1e6: {  	v14 =	vor.u32 v43, v19;
	v15 =	vld.idx.msk [tilespmem:v15+s16+$0x0], $0xffff  }
0x1e7: {  	[tilespmem:v50+s17+$0x0] =	vst.idx.msk @p1 $0xffff, v16;
	v8 =	vor.u32 v29, v23  }
0x1e8: {  	[tilespmem:v48+s17+$0x0] =	vst.idx.msk @p1 $0xffff, v17  }
0x1e9: {  	[tilespmem:v4+s17+$0x0] =	vst.idx.msk $0xffff, v12  }
0x1ea: {  	[tilespmem:v6+s17+$0x0] =	vst.idx.msk $0xffff, v13  }
0x1eb: {  	s22 =	sand.u32 $0x1FFFFC00, s22;
	[tilespmem:v14+s17+$0x0] =	vst.idx.msk $0xffff, v15  }
0x1ec: {  	s22 =	sadd.s32 s4, s22;
	[tilespmem:v8+s17+$0x0] =	vst.idx.msk $0xffff, v2  }
0x1ed: {  	[hbm4b:s22+s2] =	stream.linear.scatter [tilespmem:s17], [sflag:$0x2], $0x8000, $0x38;
	[tilespmem:$0x12000] =	vst v63  }
0x1ee: {  	_ =	swait.ge [sflag:s18], $0x8000  }
0x1ef: {  	s21 =	sadd.s32 $0x1, s21;
	v23 =	vld [tilespmem:$0x1FEB0]  }
0x1f0: {  	p1 =	sne.s32 s21, s7;
	v15 =	vld [tilespmem:$0x1FEC0]  }
.Ltmp10:
0x1f1: {  	v20 =	vld [tilespmem:$0x1FED0];
	(pc) =	sbr.rel @p1 .LBB2_2-.Ltmp10, $4  }
.Ltmp11:
0x1f2: {  	v14 =	vld [tilespmem:$0x1FEE0];
	(pc) =	sbr.rel @!p1 .LBB2_19-.Ltmp11, $4  }
0x1f3: {  	v16 =	vld [tilespmem:$0x1FEF0]  }
0x1f4: {  	[sflag:s18] =	ssyncset.done $0x0;
	v21 =	vld [tilespmem:$0x1FF00]  }
0x1f5: {  	v22 =	vld [tilespmem:$0x1FF10];
	[sflag:s18] =	ssyncadd.s32 $0xFFFF8000  }
0x1f6: {  	_ = 	snop  }
.LBB2_7:
.Ltmp12:
0x1f7: {  	(pc) =	sbr.rel .LBB2_12-.Ltmp12, $4  }
0x1f8: {  	_ = 	snop  }
0x1f9: {  	v44 =	vmov v6;
	v36 =	vmov v55  }
0x1fa: {  	v37 =	vmovc v17;
	v41 =	vmovc v18;
	v40 =	vmov v19;
	v47 =	vmov v8;
	v45 =	vmov v20  }
0x1fb: {  	v43 =	vmovc v4;
	v46 =	vmovc v21;
	v42 =	vmov v35;
	v39 =	vmov v33;
	v38 =	vmov v25;
	p3 =	por $0x0, $0x0;
	v24 =	vld [tilespmem:$0x1FEA0]  }
.LBB2_13:
.Ltmp13:
0x1fc: {  	(pc) =	sbr.rel .LBB2_18-.Ltmp13, $3  }
0x1fd: {  	_ =	sdelay $0x1  }
0x1fe: {  	v43 =	vld [tilespmem:$0x1FFA0]  }
0x1ff: {  	v45 =	vld [tilespmem:$0x1FD70]  }
.LBB2_9:
.Ltmp14:
0x200: {  	(pc) =	sbr.rel .LBB2_12-.Ltmp14, $4  }
0x201: {  	v28 =	vld [tilespmem:$0x1FF70]  }
0x202: {  	v24 =	vmov v32;
	v32 =	vld [tilespmem:$0x1FF80]  }
0x203: {  	v15 =	vmov v13;
	v13 =	vmov v56;
	v56 =	vld [tilespmem:$0x1FCF0]  }
0x204: {  	v22 =	vmov v12;
	v12 =	vmov v57;
	v57 =	vld [tilespmem:$0x1FCE0]  }
.LBB2_15:
.Ltmp15:
0x205: {  	(pc) =	sbr.rel .LBB2_18-.Ltmp15, $2  }
0x206: {  	_ =	sdelay $0x2  }
0x207: {  	v41 =	vmovc v51;
	v13 =	vmovc v53;
	v51 =	vmov v12;
	v23 =	vmov v37;
	v53 =	vmov v39  }
.LBB2_19:
.Ltmp16:
0x208: {  	(pc) =	sbr.rel @p0 .LBB2_23-.Ltmp16, $1  }
0x209: {  	_ =	sdelay $0x3  }
0x20a: {  	s21 =	simm.s32 $0x0  }
0x20b: {  	s22 =	sand.u32 $0xC, s21  }
0x20c: {  	v2 =	vadd.s32 s22, v0;
	s23 =	sor.u32 $0x1, s22;
	s24 =	sor.u32 $0x2, s22;
	s22 =	sor.u32 $0x3, s22  }
0x20d: {  	v4 =	vadd.s32 s23, v0;
	v8 =	vadd.s32 s22, v0  }
0x20e: {  	s21 =	sand.u32 $0x10, s21;
	v6 =	vadd.s32 s24, v0;
	v2 =	vand.u32 $0xF, v2;
	v13 =	vand.u32 $0xF, v8  }
0x20f: {  	v12 =	vand.u32 $0xF, v4;
	v6 =	vand.u32 $0xF, v6;
	v13 =	vor.u32 s21, v13  }
0x210: {  	v57 =	vmovc v14;
	v2 =	vor.u32 s21, v2;
	v12 =	vor.u32 s21, v12;
	v14 =	vor.u32 v1, v13  }
0x211: {  	v56 =	vmovc v15;
	[tilespmem:s19], [sflag:$0x2] =	stream.strided.gather [hbm4b:s9+s12], $0x2000, s13, s12, $0x38;
	v8 =	vshll.u32 v8, $0x6;
	v4 =	vshll.u32 v4, $0x6;
	v15 =	vor.u32 v1, v12;
	[tilespmem:$0x12000] =	vst v63  }
0x212: {  	_ =	swait.ge [sflag:s18], $0x2000;
	v6 =	vor.u32 s21, v6;
	v16 =	vor.u32 v1, v2;
	v19 =	vshll.u32 v13, $0x6  }
0x213: {  	[sflag:s18] =	ssyncset.done $0x0;
	v8 =	vand.u32 $0x40, v8;
	v17 =	vshll.u32 v12, $0x6;
	v19 =	vand.u32 $0x780, v19  }
0x214: {  	[sflag:s18] =	ssyncadd.s32 $0xFFFFE000;
	v4 =	vand.u32 $0x40, v4;
	v17 =	vand.u32 $0x780, v17;
	v8 =	vor.u32 v8, v19  }
0x215: {  	v18 =	vor.u32 v1, v6;
	v4 =	vor.u32 v4, v17;
	v20 =	vor.u32 v0, v8;
	v14 =	vld.idx.msk [tilespmem:v14+s19+$0x0], $0xffff  }
0x216: {  	v22 =	vor.u32 v3, v13;
	v21 =	vor.u32 v0, v4;
	v15 =	vld.idx.msk [tilespmem:v15+s19+$0x0], $0xffff  }
0x217: {  	v33 =	vor.u32 v3, v2;
	v38 =	vor.u32 v7, v2;
	v26 =	vor.u32 v3, v12  }
0x218: {  	v27 =	vor.u32 v3, v6;
	v46 =	vor.u32 v5, v6;
	v19 =	vshll.u32 v6, $0x6  }
0x219: {  	s21 =	simm.s32 $0x4;
	v43 =	vor.u32 v5, v13;
	v17 =	vshll.u32 v2, $0x6;
	v19 =	vand.u32 $0x780, v19;
	v16 =	vld.idx.msk [tilespmem:v16+s19+$0x0], $0xffff  }
0x21a: {  	v55 =	vmov v23;
	s28 =	sand.u32 $0xC, s21;
	v17 =	vand.u32 $0x780, v17;
	v49 =	vor.u32 v23, v19;
	v18 =	vld.idx.msk [tilespmem:v18+s19+$0x0], $0xffff;
	[tilespmem:v20+s17+$0x0] =	vst.idx.msk $0xffff, v14  }
0x21b: {  	v40 =	vor.u32 v7, v6;
	s29 =	sor.u32 $0x1, s28;
	v25 =	vor.u32 v55, v17;
	[tilespmem:v21+s17+$0x0] =	vst.idx.msk $0xffff, v15;
	v15 =	vld.idx.msk [tilespmem:v22+s19+$0x0], $0xffff  }
0x21c: {  	v13 =	vor.u32 v7, v13;
	v6 =	vadd.s32 s29, v0;
	v34 =	vor.u32 v9, v4;
	v36 =	vld [tilespmem:$0x1FED0]  }
0x21d: {  	v50 =	vor.u32 v10, v4;
	v51 =	vor.u32 v9, v8;
	v39 =	vor.u32 v11, v4;
	v52 =	vld [tilespmem:$0x1FED0]  }
0x21e: {  	v54 =	vor.u32 v10, v8;
	v8 =	vor.u32 v11, v8;
	v35 =	vor.u32 v56, v17  }
0x21f: {  	s22 =	sor.u32 $0x3, s28;
	v4 =	vadd.s32 s28, v0;
	v44 =	vor.u32 v56, v19;
	v37 =	vor.u32 v57, v19;
	[tilespmem:v49+s17+$0x0] =	vst.idx.msk $0xffff, v18  }
0x220: {  	v4 =	vand.u32 $0xF, v4;
	v14 =	vor.u32 v5, v2;
	v2 =	vld.idx.msk [tilespmem:v26+s19+$0x0], $0xffff;
	v18 =	vadd.s32 s22, v0;
	[tilespmem:v25+s17+$0x0] =	vst.idx.msk $0xffff, v16  }
0x221: {  	v20 =	vor.u32 v5, v12;
	v53 =	vand.u32 $0xF, v18;
	v58 =	vld.idx.msk [tilespmem:v33+s19+$0x0], $0xffff;
	v42 =	vor.u32 v36, v19  }
0x222: {  	s30 =	sor.u32 $0x2, s28;
	v41 =	vor.u32 v52, v17;
	v36 =	vor.u32 v57, v17;
	v19 =	vld.idx.msk [tilespmem:v27+s19+$0x0], $0xffff;
	[tilespmem:v51+s17+$0x0] =	vst.idx.msk $0xffff, v15  }
0x223: {  	s31 =	sand.u32 $0x10, s21;
	v17 =	vadd.s32 s30, v0;
	v15 =	vand.u32 $0xF, v6;
	v6 =	vshll.u32 v6, $0x6;
	v26 =	vld.idx.msk [tilespmem:v43+s19+$0x0], $0xffff  }
0x224: {  	v27 =	vand.u32 $0xF, v17;
	v43 =	vor.u32 s31, v53;
	v15 =	vor.u32 s31, v15  }
0x225: {  	[tilespmem:v34+s17+$0x0] =	vst.idx.msk $0xffff, v2;
	v17 =	vor.u32 s31, v4;
	v6 =	vand.u32 $0x40, v6;
	v16 =	vor.u32 v1, v43  }
0x226: {  	[tilespmem:v35+s17+$0x0] =	vst.idx.msk $0xffff, v58;
	v4 =	vor.u32 v1, v15;
	v45 =	vor.u32 s31, v27;
	v25 =	vshll.u32 v15, $0x6  }
0x227: {  	v20 =	vld.idx.msk [tilespmem:v20+s19+$0x0], $0xffff;
	v59 =	vshll.u32 v43, $0x6;
	v27 =	vor.u32 v1, v45;
	[tilespmem:v44+s17+$0x0] =	vst.idx.msk $0xffff, v19;
	v19 =	vshll.u32 v18, $0x6  }
0x228: {  	v60 =	vand.u32 $0x780, v25;
	v25 =	vand.u32 $0x780, v59;
	[tilespmem:v54+s17+$0x0] =	vst.idx.msk $0xffff, v26;
	v19 =	vand.u32 $0x40, v19  }
0x229: {  	v2 =	vor.u32 v1, v17;
	v35 =	vor.u32 v6, v60;
	v13 =	vld.idx.msk [tilespmem:v13+s19+$0x0], $0xffff;
	v44 =	vor.u32 v19, v25  }
0x22a: {  	v26 =	vshll.u32 v45, $0x6;
	v16 =	vld.idx.msk [tilespmem:v16+s19+$0x0], $0xffff;
	v19 =	vshll.u32 v17, $0x6;
	v61 =	vor.u32 v0, v44  }
0x22b: {  	v25 =	vld.idx.msk [tilespmem:v4+s19+$0x0], $0xffff;
	v34 =	vand.u32 $0x780, v26;
	v33 =	vand.u32 $0x780, v19;
	v19 =	vor.u32 v0, v35  }
0x22c: {  	[tilespmem:v50+s17+$0x0] =	vst.idx.msk $0xffff, v20;
	v20 =	vor.u32 v55, v34;
	v63 =	vld.idx.msk [tilespmem:v27+s19+$0x0], $0xffff;
	_ =	sdelay $0x1  }
0x22d: {  	[tilespmem:v8+s17+$0x0] =	vst.idx.msk $0xffff, v13  }
0x22e: {  	v12 =	vor.u32 v7, v12;
	[tilespmem:v61+s17+$0x0] =	vst.idx.msk $0xffff, v16  }
0x22f: {  	v62 =	vor.u32 v3, v43;
	v54 =	vld.idx.msk [tilespmem:v2+s19+$0x0], $0xffff;
	[tilespmem:v19+s17+$0x0] =	vst.idx.msk $0xffff, v25  }
0x230: {  	v50 =	vor.u32 v3, v15;
	v26 =	vld.idx.msk [tilespmem:v14+s19+$0x0], $0xffff;
	[tilespmem:v20+s17+$0x0] =	vst.idx.msk $0xffff, v63  }
0x231: {  	v52 =	vor.u32 v3, v45;
	v49 =	vor.u32 v55, v33;
	v14 =	vld [tilespmem:$0x1FED0]  }
0x232: {  	v51 =	vor.u32 v3, v17;
	v48 =	vor.u32 v5, v15;
	v18 =	vld.idx.msk [tilespmem:v46+s19+$0x0], $0xffff  }
0x233: {  	v53 =	vor.u32 v5, v43;
	v6 =	vor.u32 v5, v45;
	v47 =	vor.u32 v9, v35;
	v27 =	vld.idx.msk [tilespmem:v12+s19+$0x0], $0xffff  }
0x234: {  	v2 =	vor.u32 v5, v17;
	v46 =	vor.u32 v56, v34;
	v4 =	vor.u32 v56, v33;
	v12 =	vld.idx.msk [tilespmem:v62+s19+$0x0], $0xffff  }
0x235: {  	v13 =	vor.u32 v9, v44;
	v19 =	vor.u32 v10, v35;
	v25 =	vor.u32 v7, v15;
	v8 =	vld.idx.msk [tilespmem:v50+s19+$0x0], $0xffff  }
0x236: {  	[tilespmem:v49+s17+$0x0] =	vst.idx.msk $0xffff, v54;
	v52 =	vld.idx.msk [tilespmem:v52+s19+$0x0], $0xffff;
	v50 =	vor.u32 v14, v34;
	v49 =	vor.u32 v14, v33  }
.LBB2_21:
0x237: {  	v15 =	vor.u32 v7, v17  }
0x238: {  	s21 =	sadd.s32 $0x4, s21;
	v14 =	vld.idx.msk [tilespmem:v51+s19+$0x0], $0xffff;
	v16 =	vor.u32 v7, v45;
	[tilespmem:v42+s17+$0x0] =	vst.idx.msk $0xffff, v18;
	v20 =	vor.u32 v11, v35  }
0x239: {  	v21 =	vor.u32 v57, v34;
	[tilespmem:v41+s17+$0x0] =	vst.idx.msk $0xffff, v26;
	v23 =	vor.u32 v57, v33;
	s22 =	sand.u32 $0xC, s21  }
0x23a: {  	v58 =	vor.u32 v7, v43;
	v22 =	vld.idx.msk [tilespmem:v40+s19+$0x0], $0xffff;
	v17 =	vadd.s32 s22, v0;
	s23 =	sor.u32 $0x1, s22;
	s24 =	sor.u32 $0x2, s22;
	s22 =	sor.u32 $0x3, s22;
	[tilespmem:v13+s17+$0x0] =	vst.idx.msk $0xffff, v12  }
0x23b: {  	v51 =	vadd.s32 s22, v0;
	v17 =	vand.u32 $0xF, v17;
	v12 =	vld.idx.msk [tilespmem:v38+s19+$0x0], $0xffff;
	v13 =	vadd.s32 s23, v0;
	[tilespmem:v47+s17+$0x0] =	vst.idx.msk $0xffff, v8  }
0x23c: {  	s31 =	sand.u32 $0x10, s21;
	v38 =	vmovc v15;
	v15 =	vadd.s32 s24, v0;
	v18 =	vand.u32 $0xF, v51;
	v8 =	vor.u32 v10, v44;
	[tilespmem:v46+s17+$0x0] =	vst.idx.msk $0xffff, v52  }
0x23d: {  	v40 =	vmovc v16;
	v17 =	vor.u32 s31, v17;
	v53 =	vld.idx.msk [tilespmem:v53+s19+$0x0], $0xffff;
	v16 =	vand.u32 $0xF, v13;
	v15 =	vand.u32 $0xF, v15;
	[tilespmem:v4+s17+$0x0] =	vst.idx.msk $0xffff, v14  }
0x23e: {  	v54 =	vld.idx.msk [tilespmem:v48+s19+$0x0], $0xffff;
	v43 =	vor.u32 s31, v18;
	[tilespmem:v39+s17+$0x0] =	vst.idx.msk $0xffff, v27;
	v13 =	vshll.u32 v13, $0x6;
	v16 =	vor.u32 s31, v16  }
0x23f: {  	v59 =	vor.u32 v1, v43;
	v45 =	vor.u32 s31, v15;
	v26 =	vld.idx.msk [tilespmem:v2+s19+$0x0], $0xffff;
	v2 =	vor.u32 v1, v17  }
0x240: {  	v18 =	vld.idx.msk [tilespmem:v6+s19+$0x0], $0xffff;
	[tilespmem:v37+s17+$0x0] =	vst.idx.msk $0xffff, v22;
	v15 =	vshll.u32 v51, $0x6;
	v22 =	vshll.u32 v43, $0x6;
	v13 =	vand.u32 $0x40, v13  }
0x241: {  	v39 =	vmovc v20;
	v51 =	vor.u32 v3, v17;
	v4 =	vor.u32 v1, v16;
	v6 =	vshll.u32 v16, $0x6  }
0x242: {  	v14 =	vor.u32 v1, v45;
	v63 =	vor.u32 v3, v16;
	v6 =	vand.u32 $0x780, v6;
	[tilespmem:v8+s17+$0x0] =	vst.idx.msk $0xffff, v53  }
0x243: {  	[tilespmem:v36+s17+$0x0] =	vst.idx.msk $0xffff, v12;
	v8 =	vand.u32 $0x40, v15;
	v15 =	vand.u32 $0x780, v22;
	v22 =	vor.u32 v11, v44;
	v20 =	vld.idx.msk [tilespmem:v58+s19+$0x0], $0xffff  }
0x244: {  	v37 =	vmovc v21;
	v12 =	vshll.u32 v45, $0x6;
	v35 =	vor.u32 v13, v6;
	v21 =	vld.idx.msk [tilespmem:v59+s19+$0x0], $0xffff;
	v44 =	vor.u32 v8, v15  }
0x245: {  	v36 =	vmovc v23;
	v34 =	vand.u32 $0x780, v12;
	v8 =	vshll.u32 v17, $0x6;
	v60 =	vld.idx.msk [tilespmem:v2+s19+$0x0], $0xffff;
	v23 =	vor.u32 v0, v44  }
0x246: {  	v12 =	vor.u32 v3, v43;
	v15 =	vld.idx.msk [tilespmem:v4+s19+$0x0], $0xffff;
	v33 =	vand.u32 $0x780, v8;
	v8 =	vor.u32 v0, v35  }
0x247: {  	v48 =	vor.u32 v5, v16;
	v61 =	vor.u32 v55, v34;
	[tilespmem:v19+s17+$0x0] =	vst.idx.msk $0xffff, v54;
	v14 =	vld.idx.msk [tilespmem:v14+s19+$0x0], $0xffff  }
0x248: {  	v42 =	vmov v50;
	p1 =	slt.u32 s21, $0x1C;
	v54 =	vor.u32 v3, v45;
	v62 =	vor.u32 v55, v33;
	[tilespmem:v22+s17+$0x0] =	vst.idx.msk $0xffff, v20;
	v20 =	vld [tilespmem:$0x1FED0]  }
.Ltmp17:
0x249: {  	v41 =	vmovc v49;
	v6 =	vor.u32 v5, v45;
	v47 =	vor.u32 v9, v35;
	v53 =	vor.u32 v5, v43;
	(pc) =	sbr.rel @p1 .LBB2_21-.Ltmp17, $4  }
0x24a: {  	v46 =	vor.u32 v56, v34;
	v2 =	vor.u32 v5, v17;
	v27 =	vld.idx.msk [tilespmem:v25+s19+$0x0], $0xffff;
	[tilespmem:v23+s17+$0x0] =	vst.idx.msk $0xffff, v21  }
0x24b: {  	v19 =	vor.u32 v10, v35;
	v13 =	vor.u32 v9, v44;
	[tilespmem:v8+s17+$0x0] =	vst.idx.msk $0xffff, v15;
	v12 =	vld.idx.msk [tilespmem:v12+s19+$0x0], $0xffff  }
0x24c: {  	v4 =	vor.u32 v56, v33;
	v25 =	vor.u32 v7, v16;
	[tilespmem:v61+s17+$0x0] =	vst.idx.msk $0xffff, v14;
	v8 =	vld.idx.msk [tilespmem:v63+s19+$0x0], $0xffff  }
0x24d: {  	[tilespmem:v62+s17+$0x0] =	vst.idx.msk $0xffff, v60;
	v52 =	vld.idx.msk [tilespmem:v54+s19+$0x0], $0xffff;
	v50 =	vor.u32 v20, v34;
	v49 =	vor.u32 v20, v33  }
0x24e: {  	_ =	sdelay $0x3  }
0x24f: {  	v14 =	vld.idx.msk [tilespmem:v51+s19+$0x0], $0xffff  }
0x250: {  	[tilespmem:v42+s17+$0x0] =	vst.idx.msk $0xffff, v18  }
0x251: {  	[tilespmem:v13+s17+$0x0] =	vst.idx.msk $0xffff, v12  }
0x252: {  	v12 =	vld.idx.msk [tilespmem:v53+s19+$0x0], $0xffff;
	[tilespmem:v47+s17+$0x0] =	vst.idx.msk $0xffff, v8;
	v8 =	vor.u32 v10, v44  }
0x253: {  	v15 =	vor.u32 v7, v43;
	v13 =	vld.idx.msk [tilespmem:v48+s19+$0x0], $0xffff;
	[tilespmem:v46+s17+$0x0] =	vst.idx.msk $0xffff, v52  }
0x254: {  	[tilespmem:v4+s17+$0x0] =	vst.idx.msk $0xffff, v14;
	v4 =	vld.idx.msk [tilespmem:v6+s19+$0x0], $0xffff  }
0x255: {  	[tilespmem:v41+s17+$0x0] =	vst.idx.msk $0xffff, v26;
	v6 =	vor.u32 v7, v45;
	v2 =	vld.idx.msk [tilespmem:v2+s19+$0x0], $0xffff  }
0x256: {  	v16 =	vld.idx.msk [tilespmem:v40+s19+$0x0], $0xffff;
	[tilespmem:v39+s17+$0x0] =	vst.idx.msk $0xffff, v27;
	v14 =	vor.u32 v7, v17  }
0x257: {  	v17 =	vld.idx.msk [tilespmem:v38+s19+$0x0], $0xffff;
	[tilespmem:v8+s17+$0x0] =	vst.idx.msk $0xffff, v12  }
0x258: {  	v12 =	vor.u32 v11, v44;
	v8 =	vld.idx.msk [tilespmem:v15+s19+$0x0], $0xffff;
	[tilespmem:v19+s17+$0x0] =	vst.idx.msk $0xffff, v13  }
0x259: {  	v13 =	vor.u32 v11, v35;
	v15 =	vld.idx.msk [tilespmem:v25+s19+$0x0], $0xffff;
	[tilespmem:v50+s17+$0x0] =	vst.idx.msk $0xffff, v4  }
0x25a: {  	v4 =	vor.u32 v57, v34;
	[tilespmem:v49+s17+$0x0] =	vst.idx.msk $0xffff, v2;
	v2 =	vld.idx.msk [tilespmem:v6+s19+$0x0], $0xffff  }
0x25b: {  	[tilespmem:v37+s17+$0x0] =	vst.idx.msk $0xffff, v16;
	v6 =	vor.u32 v57, v33;
	v14 =	vld.idx.msk [tilespmem:v14+s19+$0x0], $0xffff  }
0x25c: {  	[tilespmem:v36+s17+$0x0] =	vst.idx.msk $0xffff, v17  }
0x25d: {  	[tilespmem:v12+s17+$0x0] =	vst.idx.msk $0xffff, v8  }
0x25e: {  	[tilespmem:v13+s17+$0x0] =	vst.idx.msk $0xffff, v15  }
0x25f: {  	[tilespmem:v4+s17+$0x0] =	vst.idx.msk $0xffff, v2  }
0x260: {  	[tilespmem:v6+s17+$0x0] =	vst.idx.msk $0xffff, v14  }
0x261: {  	[hbm4b:s10+s2] =	stream.linear.scatter [tilespmem:s17], [sflag:$0x2], $0x800, $0x38;
	[tilespmem:$0x12000] =	vst v63  }
.Ltmp18:
0x262: {  	_ = 	snop;
	(pc) =	sbr.rel .LBB2_23-.Ltmp18, $4  }
0x263: {  	_ =	swait.ge [sflag:s18], $0x800  }
0x264: {  	v16 =	vld [tilespmem:$0x1FEF0]  }
0x265: {  	[sflag:s18] =	ssyncset.done $0x0;
	v21 =	vld [tilespmem:$0x1FF00]  }
0x266: {  	v23 =	vmov v55;
	v15 =	vmov v56;
	v14 =	vmov v57;
	v22 =	vld [tilespmem:$0x1FF10];
	[sflag:s18] =	ssyncadd.s32 $0xFFFFF800  }
.LBB2_24:
0x267: {  	_ =	sfence.sel $0x180000  }
0x268: {  	[bflag:$0x0] =	sbarrier.arrive $0xFFFF  }
0x269: {  	p0 =	sne.s32 s3, $0x0;
	_ =	strace $0x90000047  }
0x26a: {  	s0 =	sadd.s32 @!p0 $0x100000, s1;
	[bflag:$0x2] =	sbarrier.arrive $0xFFFF  }
0x26b: {  	[sflag:s0] =	ssyncadd.tile.s32 @!p0 $0x1;
	_ =	shalt  }
.Lfunc_end2:
_tile_overlayer_lowered:
.L_overlay_start_2:
0x26c: {  	(tag) =	ssettag $0x2  }
0x26d: {  	s0 =	rddreg [dreg:$0x0];
	s2 =	stileid.u32  }
0x26e: {  	s1 =	rddreg [dreg:$0x1];
	p0 =	sne.s32 s2, $0x0  }
0x26f: {  	s3 =	rddreg [dreg:$0x2];
	[bflag:$0x3] =	sbarrier.arrive $0xFFFF;
	s2 =	simm.s32 @!p0 $0x1C02  }
0x270: {  	[timem:s3], [sflag:s2] =	dma.local @!p0 [hbm:s0], s1  }
0x271: {  	s0 =	simm.s32 @!p0 $0x2  }
0x272: {  	_ =	swait.ge @!p0 [sflag:s0], s1  }
0x273: {  	s1 =	ssub.s32 @!p0 $0x0, s1;
	[sflag:s0] =	ssyncset.done @!p0 $0x0  }
0x274: {  	[sflag:s0] =	ssyncadd.s32 @!p0 s1  }
0x275: {  	[bflag:$0x3] =	sbarrier.arrive $0xFFFF  }
0x276: {  	_ =	shalt  }

// kernel: kernel.7.cloned.1.call-start
scs
__scs_entry_jumppad:
0x0: {  	(pc) =	sbr.rel $0x88, $3  }
0x1: {  	(tag) =	ssettag $0x0;
	lr =	simm.s32 $0x1  }
0x2: {  	[smem:$0x3F94] =	sst lr;
	_ =	strace $0xD0000000  }
0x3: {  	_ = 	snop  }
0x4: {  	_ = 	snop  }
0x5: {  	_ = 	snop  }
0x6: {  	_ = 	snop  }
0x7: {  	_ = 	snop  }
__scs_overlays_trampoline_lowered:
0x8: {  	[smem:$0x3FA3] =	sst s0  }
0x9: {  	[smem:$0x3FA4] =	sst s1  }
0xa: {  	[smem:$0x3FA5] =	sst s2  }
0xb: {  	[smem:$0x3FA6] =	sst s3  }
0xc: {  	[smem:$0x3FA7] =	sst s4  }
0xd: {  	[smem:$0x3FA8] =	sst s5  }
0xe: {  	[smem:$0x3FA9] =	sst s6  }
0xf: {  	[smem:$0x3FAA] =	sst s7  }
0x10: {  	[smem:$0x3FAB] =	sst s8  }
0x11: {  	[smem:$0x3FAC] =	sst s9;
	s0 =	simm.s32 @!p0 $0x0  }
0x12: {  	s1 =	sld [smem:$0x3F92];
	s0 =	simm.s32 @p0 $0x1  }
0x13: {  	[smem:$0x3FAD] =	sst s0;
	s0 =	simm.s32 @!p1 $0x0  }
0x14: {  	s2 =	sld [smem:$0x3F91];
	s0 =	simm.s32 @p1 $0x1  }
0x15: {  	[smem:$0x3FAE] =	sst s0;
	s0 =	simm.s32 @!p2 $0x0  }
0x16: {  	s3 =	sld [smem:$0x3FDB];
	s0 =	simm.s32 @p2 $0x1  }
0x17: {  	s4 =	simm.s32 $0x1BF5;
	[smem:$0x3FB0] =	sst s0  }
0x18: {  	s0 =	sld [smem:$0x3F93];
	_ =	swait.ge [sflag:s4], $0x0  }
0x19: {  	s7 =	sld [smem:$0x3F94]  }
0x1a: {  	s8 =	sadd.s32 $0xFFFFE003, lr  }
0x1b: {  	s9 =	sadd.s32 $0xFFFFFEF7, lr;
	s5 =	simm.s32 $0xFFFFFFFF;
	p2 =	slt.u32 s8, $0xFFFFF086  }
0x1c: {  	p1 =	slt.u32 s9, $0xF7A;
	s5 =	simm.s32 @!p2 $0x0  }
0x1d: {  	s5 =	simm.s32 @p1 $0x1;
	p0 =	seq.s32 s7, s2  }
0x1e: {  	s7 =	smul.u32 @!p0 $0xF7A, s2;
	p2 =	seq.s32 @!p0 s5, $0x0  }
0x1f: {  	s9 =	smul.u32 $0xF7A, s1;
	s8 =	simm.s32 @!p0 $0x1BF5;
	p2 =	por !p2, p0  }
0x20: {  	[sflag:s8] =	ssyncset.s32 @!p0 $0xFFFFF086;
	s6 =	sadd.s32 @!p0 s3, s7;
	s7 =	simm.s32 @!p0 $0x108  }
0x21: {  	s3 =	sadd.s32 s3, s9;
	s6 =	sadd.s32 @!p0 $0x88, s6;
	s7 =	simm.s32 @p2 $0x1082  }
0x22: {  	[simem:s7], [sflag:s8] =	dma.local @!p0 [hbm:s6], $0xF7A  }
0x23: {  	s9 =	sor.u32 $0xD0000000, s2;
	s6 =	simm.s32 $0x108;
	_ =	swait.ge @!p0 [sflag:s8], $0x0  }
0x24: {  	s3 =	sadd.s32 $0x88, s3;
	s6 =	simm.s32 @!p1 $0x1082;
	[sflag:s4] =	ssyncset.s32 $0xFFFFF086  }
0x25: {  	[simem:s6], [sflag:s4] =	dma.local [hbm:s3], $0xF7A  }
0x26: {  	[smem:$0x3F94] =	sst s1;
	(tag) =	ssettag s2;
	_ =	strace s9  }
0x27: {  	s1 =	sld [smem:$0x3FA4]  }
0x28: {  	s2 =	sld [smem:$0x3FA5]  }
0x29: {  	s4 =	sld [smem:$0x3FA7]  }
0x2a: {  	p0 =	seq.s32 s5, $0x0;
	s5 =	sld [smem:$0x3FA8]  }
0x2b: {  	s6 =	sld [smem:$0x3FA9]  }
0x2c: {  	s7 =	sld [smem:$0x3FAA]  }
0x2d: {  	s3 =	simm.s32 $0x108;
	s8 =	sld [smem:$0x3FAB]  }
0x2e: {  	s3 =	simm.s32 @!p0 $0x1082;
	s9 =	sld [smem:$0x3FAC]  }
0x2f: {  	lr =	sadd.s32 s0, s3;
	s0 =	sld [smem:$0x3FA3]  }
0x30: {  	s3 =	sld [smem:$0x3FA6]  }
0x31: {  	[smem:$0x3FAF] =	sst s10  }
0x32: {  	s10 =	sld [smem:$0x3FAD];
	_ =	sdelay $0x3  }
0x33: {  	p0 =	seq.s32 s10, $0x1;
	s10 =	sld [smem:$0x3FAF];
	_ =	sdelay $0x3  }
0x34: {  	[smem:$0x3FAF] =	sst s10  }
0x35: {  	s10 =	sld [smem:$0x3FAE];
	_ =	sdelay $0x3  }
0x36: {  	p1 =	seq.s32 s10, $0x1;
	s10 =	sld [smem:$0x3FAF];
	_ =	sdelay $0x3  }
0x37: {  	[smem:$0x3FAF] =	sst s10  }
0x38: {  	s10 =	sld [smem:$0x3FB0]  }
0x39: {  	_ = 	snop;
	(pc) =	sbr.ind lr, $3  }
0x3a: {  	_ = 	snop  }
0x3b: {  	_ = 	snop  }
0x3c: {  	p2 =	seq.s32 s10, $0x1;
	s10 =	sld [smem:$0x3FAF]  }
0x3d: {  	_ =	shalt  }
0x3e: {  	_ =	shalt  }
0x3f: {  	_ =	shalt  }
0x40: {  	_ =	shalt  }
0x41: {  	_ =	shalt  }
0x42: {  	_ =	shalt  }
0x43: {  	_ =	shalt  }
0x44: {  	_ =	shalt  }
0x45: {  	_ =	shalt  }
0x46: {  	_ =	shalt  }
0x47: {  	_ =	shalt  }
0x48: {  	_ =	shalt  }
0x49: {  	_ =	shalt  }
0x4a: {  	_ =	shalt  }
0x4b: {  	_ =	shalt  }
0x4c: {  	_ =	shalt  }
0x4d: {  	_ =	shalt  }
0x4e: {  	_ =	shalt  }
0x4f: {  	_ =	shalt  }
0x50: {  	_ =	shalt  }
0x51: {  	_ =	shalt  }
0x52: {  	_ =	shalt  }
0x53: {  	_ =	shalt  }
0x54: {  	_ =	shalt  }
0x55: {  	_ =	shalt  }
0x56: {  	_ =	shalt  }
0x57: {  	_ =	shalt  }
0x58: {  	_ =	shalt  }
0x59: {  	_ =	shalt  }
0x5a: {  	_ =	shalt  }
0x5b: {  	_ =	shalt  }
0x5c: {  	_ =	shalt  }
0x5d: {  	_ =	shalt  }
0x5e: {  	_ =	shalt  }
0x5f: {  	_ =	shalt  }
0x60: {  	_ =	shalt  }
0x61: {  	_ =	shalt  }
0x62: {  	_ =	shalt  }
0x63: {  	_ =	shalt  }
0x64: {  	_ =	shalt  }
0x65: {  	_ =	shalt  }
0x66: {  	_ =	shalt  }
0x67: {  	_ =	shalt  }
0x68: {  	_ =	shalt  }
0x69: {  	_ =	shalt  }
0x6a: {  	_ =	shalt  }
0x6b: {  	_ =	shalt  }
0x6c: {  	_ =	shalt  }
0x6d: {  	_ =	shalt  }
0x6e: {  	_ =	shalt  }
0x6f: {  	_ =	shalt  }
0x70: {  	_ =	shalt  }
0x71: {  	_ =	shalt  }
0x72: {  	_ =	shalt  }
0x73: {  	_ =	shalt  }
0x74: {  	_ =	shalt  }
0x75: {  	_ =	shalt  }
0x76: {  	_ =	shalt  }
0x77: {  	_ =	shalt  }
0x78: {  	_ =	shalt  }
0x79: {  	_ =	shalt  }
0x7a: {  	_ =	shalt  }
0x7b: {  	_ =	shalt  }
0x7c: {  	_ =	shalt  }
0x7d: {  	_ =	shalt  }
0x7e: {  	_ =	shalt  }
0x7f: {  	_ =	shalt  }
0x80: {  	_ =	shalt  }
0x81: {  	_ =	shalt  }
0x82: {  	_ =	shalt  }
0x83: {  	_ =	shalt  }
0x84: {  	_ =	shalt  }
0x85: {  	_ =	shalt  }
0x86: {  	_ =	shalt  }
0x87: {  	_ =	shalt  }
.Lfunc_end0:
.L_simem_size_0:
called_computation.1_lowered:
.L_overlay_start_0:
0x88: {  	s2 =	sld [smem:$0x3FD9]  }
0x89: {  	s3 =	sld [smem:$0x3FFE];
	_ =	sdelay $0x1  }
0x8a: {  	s1 =	srdreg.scid  }
0x8b: {  	s0 =	sand.u32 $0x1, s1  }
0x8c: {  	s17 =	sshll.u32 s0, $0xA;
	s2 =	sadd.s32 s3, s2  }
0x8d: {  	s2 =	sadd.s32 s2, s17  }
0x8e: {  	[smem:$0x3FBB] =	sst s2  }
0x8f: {  	_ = 	snop  }
0x90: {  	s2 =	sld [smem:$0x3FC9]  }
0x91: {  	s18 =	sld [smem:$0x3FC8]  }
0x92: {  	s4 =	sld [smem:$0x3FC7]  }
0x93: {  	s5 =	sld [smem:$0x3FC6]  }
0x94: {  	s6 =	sld [smem:$0x3FC5]  }
0x95: {  	s7 =	sld [smem:$0x3FC4]  }
0x96: {  	s8 =	sld [smem:$0x3FC3]  }
0x97: {  	s9 =	sld [smem:$0x3FC2]  }
0x98: {  	s10 =	sld [smem:$0x3FC1]  }
0x99: {  	s11 =	sld [smem:$0x3FD0];
	(tm) =	ssettm $0x1  }
0x9a: {  	s12 =	sld [smem:$0x3FFB];
	_ =	sdelay $0x3  }
0x9b: {  	_ =	strace s12  }
0x9c: {  	s12 =	sld [smem:$0x3FFC];
	_ =	sdelay $0x3  }
0x9d: {  	_ =	strace s12  }
0x9e: {  	s12 =	sld [smem:$0x3FFD];
	_ =	sdelay $0x3  }
0x9f: {  	_ =	strace s12  }
0xa0: {  	_ =	strace $0x8FFFFFFF  }
0xa1: {  	s19 =	sld [smem:$0x3FDB];
	_ =	sdelay $0x1  }
0xa2: {  	s13 =	simm.s32 $_scs_section_size  }
0xa3: {  	s14 =	simm.s32 $_size__tile_overlayer_lowered;
	s15 =	simm.s32 $_tile_overlayer_lowered  }
0xa4: {  	s22 =	simm.s32 $0x1BFF;
	s21 =	sshll.u32 s15, $0x1;
	s12 =	sadd.s32 s13, s19  }
0xa5: {  	s16 =	simm.s32 $0x0;
	s20 =	sshll.u32 s14, $0x1;
	s14 =	sadd.s32 s21, s12  }
0xa6: {  	[timem:s16], [sflag:s22] =	dma.local [hbm:s14], s20  }
0xa7: {  	_ =	swait.ge [sflag:s22], s20  }
0xa8: {  	s13 =	ssub.s32 $0x0, s20;
	[sflag:s22] =	ssyncset.done $0x0  }
0xa9: {  	[sflag:s22] =	ssyncadd.s32 s13;
	_ =	sdelay $0x1  }
0xaa: {  	s23 =	simm.s32 $0x1B8B  }
0xab: {  	_ =	swait.ge [sflag:s23], $0x1  }
0xac: {  	[sflag:s23] =	ssyncset.done $0x0  }
0xad: {  	s25 =	simm.s32 $0x1B8E;
	s24 =	sld [smem:$0x3FFE];
	[sflag:s23] =	ssyncadd.s32 $0xFFFFFFFF  }
0xae: {  	s26 =	simm.s32 $execute0_lowered;
	[smem:$0x3FD2] =	sst s25  }
0xaf: {  	s14 =	sshll.u32 s26, $0x1;
	_ =	strace $0x80000049;
	[dreg:$0x1] =	wrdreg $0xFFFFFFFF  }
0xb0: {  	s28 =	simm.s32 $_size_execute0_lowered;
	s12 =	sadd.s32 s12, s14;
	[dreg:$0x0] =	wrdreg $0x0  }
0xb1: {  	s14 =	sshll.u32 s28, $0x1;
	[dreg:$0x2] =	wrdreg s12  }
0xb2: {  	[dreg:$0x3] =	wrdreg s14  }
0xb3: {  	[dreg:$0x4] =	wrdreg $0xC0  }
0xb4: {  	_ =	task [dreg:s16], $0x5FFFF  }
0xb5: {  	[dreg:$0x1] =	wrdreg $0xFFFFFFFF  }
0xb6: {  	[dreg:$0x0] =	wrdreg $0x60  }
0xb7: {  	[dreg:$0x2] =	wrdreg s2  }
0xb8: {  	[dreg:$0x3] =	wrdreg s18  }
0xb9: {  	[dreg:$0x4] =	wrdreg s5  }
0xba: {  	[dreg:$0x5] =	wrdreg s6  }
0xbb: {  	[dreg:$0x6] =	wrdreg s4  }
0xbc: {  	[dreg:$0x7] =	wrdreg s7  }
0xbd: {  	[dreg:$0x8] =	wrdreg s8  }
0xbe: {  	[dreg:$0x9] =	wrdreg s9  }
0xbf: {  	[dreg:$0xa] =	wrdreg s10  }
0xc0: {  	[dreg:$0xb] =	wrdreg s24  }
0xc1: {  	[dreg:$0xc] =	wrdreg s11  }
0xc2: {  	[dreg:$0xd] =	wrdreg $0x9  }
0xc3: {  	_ =	task.clear_ibuf [dreg:s16], $0xEFFFF;
	_ =	strace $0x90000049  }
0xc4: {  	s29 =	simm.s32 $0x9;
	_ =	strace $0x8000004B  }
0xc5: {  	_ =	swait.ge [sflag:s29], $0x1  }
0xc6: {  	[sflag:s29] =	ssyncadd.s32 $0xFFFFFFFF  }
0xc7: {  	_ =	strace $0x9000004B  }
0xc8: {  	_ =	sfence  }
0xc9: {  	s30 =	sld [smem:$0x0];
	_ =	sdelay $0x2  }
0xca: {  	s31 =	sshll.u32 s1, $0xD;
	s1 =	sshrl.u32 s1, $0x2  }
0xcb: {  	s3 =	sand.u32 $0x4000, s31;
	s1 =	sadd.s32 s1, s30  }
0xcc: {  	s0 =	sor.u32 s3, s0;
	s1 =	sshll.u32 s1, $0x11  }
0xcd: {  	s0 =	sor.u32 s1, s0  }
0xce: {  	s0 =	sadd.s32 $0x8F2B, s0  }
0xcf: {  	[sflag:s0] =	ssyncadd.remote.s32 $0x1  }
0xd0: {  	_ =	sfence.sel $0xFFFF  }
0xd1: {  	[dreg:$0x0] =	wrdreg $0xFFFFFFFF;
	(pc) =	sbr.abs _section_cstart, $3  }
0xd2: {  	[dreg:$0x1] =	wrdreg $0xFFFFFFFF  }
0xd3: {  	_ =	task.clear_ibuf [dreg:s16], $0x2FFFF;
	_ =	strace $0x9FFFFFFF  }
0xd4: {  	(tm) =	ssettm $0x7FFFFFFF  }
0xd5: {  	_ =	shalt  }
tec
execute0_lowered:
.L_overlay_start_1:
0x0: {  	(tag) =	ssettag $0x1  }
0x1: {  	s1 =	rddreg [dreg:$0x0]  }
0x2: {  	s3 =	rddreg [dreg:$0x1]  }
0x3: {  	s4 =	rddreg [dreg:$0x2]  }
0x4: {  	s5 =	rddreg [dreg:$0x3]  }
0x5: {  	s6 =	rddreg [dreg:$0x4]  }
0x6: {  	s7 =	rddreg [dreg:$0x5]  }
0x7: {  	s8 =	rddreg [dreg:$0x6]  }
0x8: {  	s9 =	rddreg [dreg:$0x7]  }
0x9: {  	s10 =	rddreg [dreg:$0x8]  }
0xa: {  	s11 =	rddreg [dreg:$0x9];
	s2 =	srdreg.scid  }
0xb: {  	s12 =	rddreg [dreg:$0xa];
	s13 =	sand.u32 $0x1, s2;
	s2 =	simm.s32 $0x0  }
0xc: {  	s16 =	simm.s32 $0x10800;
	[smem:$0x7FF] =	sst s2  }
0xd: {  	s18 =	simm.s32 $0x10A00;
	_ =	strace $0x8000004A;
	[dreg:$0x19] =	wrdreg s16  }
0xe: {  	s19 =	simm.s32 $0x10C00;
	[dreg:$0x1a] =	wrdreg s18  }
0xf: {  	s0 =	stileid.u32;
	s20 =	simm.s32 $0x10E00;
	[dreg:$0x1b] =	wrdreg s19  }
0x10: {  	s21 =	simm.s32 $0x11000;
	s22 =	simm.s32 $0x100;
	[dreg:$0x1c] =	wrdreg s20  }
0x11: {  	s23 =	simm.s32 $0x180;
	s24 =	simm.s32 $0x280;
	[dreg:$0x1d] =	wrdreg s21  }
0x12: {  	v0 =	vlaneseq.u32;
	s25 =	simm.s32 $0x300;
	s26 =	simm.s32 $0x380;
	[dreg:$0x1e] =	wrdreg s22  }
0x13: {  	s28 =	simm.s32 $0x480;
	s14 =	sshll.u32 s0, $0x1;
	v0 =	vmul.u32 $0x8, v0;
	[dreg:$0x1f] =	wrdreg s23  }
0x14: {  	s31 =	simm.s32 $0x8;
	s14 =	sor.u32 s13, s14;
	[smem:$0x7F8] =	sst s24  }
0x15: {  	s15 =	sshll.u32 s14, $0x6;
	v1 =	vor.u32 $0x80, v0;
	v3 =	vor.u32 $0x180, v0;
	v4 =	vor.u32 $0x200, v0;
	s16 =	simm.s32 $0x4800;
	[smem:$0x7F9] =	sst s25  }
0x16: {  	v5 =	vor.u32 $0x280, v0;
	v6 =	vor.u32 $0x300, v0;
	v7 =	vor.u32 $0x380, v0;
	s18 =	simm.s32 $0x8800;
	s19 =	simm.s32 $0xA800;
	[smem:$0x7FA] =	sst s26  }
0x17: {  	v8 =	vor.u32 $0x400, v0;
	v9 =	vor.u32 $0x480, v0;
	v10 =	vor.u32 $0x500, v0;
	s20 =	simm.s32 $0xC800;
	[smem:$0x7FB] =	sst s28;
	s1 =	sadd.s32 s1, s15  }
0x18: {  	v11 =	vor.u32 $0x580, v0;
	v12 =	vor.u32 $0x600, v0;
	v13 =	vor.u32 $0x680, v0;
	s21 =	simm.s32 $0xE800;
	s29 =	sadd.s32 s3, s15;
	[dreg:$0xc] =	wrdreg s1  }
0x19: {  	v14 =	vor.u32 $0x700, v0;
	v15 =	vor.u32 $0x780, v0;
	v16 =	vor.u32 $0x800, v0;
	s22 =	simm.s32 $0x11200;
	s30 =	sadd.s32 s4, s15;
	[dreg:$0xd] =	wrdreg s29  }
0x1a: {  	v17 =	vor.u32 $0x880, v0;
	v18 =	vor.u32 $0x900, v0;
	v19 =	vor.u32 $0x980, v0;
	s23 =	simm.s32 $0x2;
	s0 =	sadd.s32 s5, s15;
	[dreg:$0xe] =	wrdreg s30  }
0x1b: {  	v20 =	vor.u32 $0xA00, v0;
	v21 =	vor.u32 $0xA80, v0;
	v22 =	vor.u32 $0xB00, v0;
	s24 =	simm.s32 $0x40;
	s3 =	sadd.s32 s6, s15;
	[dreg:$0xf] =	wrdreg s0  }
0x1c: {  	v23 =	vor.u32 $0xB80, v0;
	v24 =	vor.u32 $0xC00, v0;
	v25 =	vor.u32 $0xC80, v0;
	s25 =	simm.s32 $0x108;
	s4 =	sadd.s32 s7, s15;
	[dreg:$0x10] =	wrdreg s3  }
0x1d: {  	v26 =	vor.u32 $0xD00, v0;
	v27 =	vor.u32 $0xD80, v0;
	v28 =	vor.u32 $0xE00, v0;
	s26 =	simm.s32 $0x3;
	s5 =	sadd.s32 s8, s15;
	[dreg:$0x11] =	wrdreg s4  }
0x1e: {  	v29 =	vor.u32 $0xE80, v0;
	v30 =	vor.u32 $0xF00, v0;
	v31 =	vor.u32 $0xF80, v0;
	s6 =	smul.u32 $0x4200, s14;
	s7 =	sadd.s32 s9, s15;
	[dreg:$0x12] =	wrdreg s5  }
0x1f: {  	v32 =	vor.u32 $0x1, v0;
	v33 =	vor.u32 $0x81, v0;
	v34 =	vor.u32 $0x101, v0;
	s8 =	sadd.s32 s10, s15;
	s15 =	ssub.s32 $0x2, s13;
	[dreg:$0x13] =	wrdreg s7  }
0x20: {  	v35 =	vor.u32 $0x181, v0;
	v36 =	vor.u32 $0x201, v0;
	v37 =	vor.u32 $0x281, v0;
	s13 =	simm.s32 $0x80;
	s4 =	sadd.s32 $0xE00, s11;
	[dreg:$0x14] =	wrdreg s8  }
0x21: {  	v38 =	vor.u32 $0x301, v0;
	v39 =	vor.u32 $0x381, v0;
	v40 =	vor.u32 $0x401, v0;
	s5 =	sadd.s32 $0xC4400, s11;
	s7 =	sadd.s32 $0xC8400, s11;
	s17 =	sshrl.u32 s15, $0x1  }
0x22: {  	v41 =	vor.u32 $0x481, v0;
	v42 =	vor.u32 $0x501, v0;
	v43 =	vor.u32 $0x581, v0;
	s29 =	simm.s32 $0x500;
	s30 =	simm.s32 $0x580;
	s1 =	simm.s32 $0x4  }
0x23: {  	v44 =	vor.u32 $0x601, v0;
	v45 =	vor.u32 $0x681, v0;
	v46 =	vor.u32 $0x701, v0;
	s3 =	sadd.s32 s12, s6;
	s6 =	sadd.s32 $0xC6400, s11;
	[smem:$0x7FC] =	sst s29  }
0x24: {  	v47 =	vor.u32 $0x781, v0;
	v48 =	vor.u32 $0x801, v0;
	v49 =	vor.u32 $0x881, v0;
	s8 =	ssub.s32 s15, s17;
	[smem:$0x7FD] =	sst s30;
	s9 =	sadd.s32 $0x8, s3  }
0x25: {  	v50 =	vor.u32 $0x901, v0;
	v51 =	vor.u32 $0x981, v0;
	v52 =	vor.u32 $0xA01, v0;
	s11 =	simm.s32 $0x600;
	s10 =	sadd.s32 $0x10, s3;
	[dreg:$0x15] =	wrdreg s9  }
0x26: {  	v53 =	vor.u32 $0xA81, v0;
	v54 =	vor.u32 $0xB01, v0;
	v55 =	vor.u32 $0xB81, v0;
	s15 =	simm.s32 $0x2800;
	s12 =	sadd.s32 $0x18, s3;
	[dreg:$0x16] =	wrdreg s10  }
0x27: {  	v56 =	vor.u32 $0xC01, v0;
	v57 =	vor.u32 $0xC81, v0;
	v58 =	vor.u32 $0xD01, v0;
	s17 =	simm.s32 $0x6800;
	s14 =	sadd.s32 $0x20, s3;
	[dreg:$0x17] =	wrdreg s12  }
0x28: {  	v59 =	vor.u32 $0xD81, v0;
	v60 =	vor.u32 $0xE01, v0;
	[tilespmem:$0x1FFE0] =	vst v1;
	v1 =	vor.u32 $0x100, v0;
	s8 =	smax.u32 s8, $0x1;
	[dreg:$0x18] =	wrdreg s14;
	s9 =	simm.s32 $0x200  }
0x29: {  	v61 =	vor.u32 $0xE81, v0;
	v62 =	vor.u32 $0xF01, v0;
	v63 =	vor.u32 $0xF81, v0;
	[tilespmem:$0x1FFF0] =	vst v1;
	s10 =	simm.s32 $0x400;
	s12 =	simm.s32 $0x1;
	s14 =	simm.s32 $0x800  }
.LBB2_1:
0x2a: {  	s0 =	rddreg [dreg:$0xc]  }
0x2b: {  	s28 =	rddreg [dreg:$0xd]  }
0x2c: {  	s29 =	rddreg [dreg:$0xe]  }
0x2d: {  	s30 =	rddreg [dreg:$0x10]  }
0x2e: {  	[tilespmem:s2], [sflag:$0x1] =	stream.linear.gather [hbm4b:s0+s2], $0x200, $0x38;
	[tilespmem:$0x12200] =	vst v63  }
0x2f: {  	s0 =	rddreg [dreg:$0xf]  }
0x30: {  	[tilespmem:s9], [sflag:$0x1] =	stream.linear.gather [hbm4b:s28+s2], $0x200, $0x38;
	[tilespmem:$0x12200] =	vst v63  }
0x31: {  	s28 =	rddreg [dreg:$0x1a]  }
0x32: {  	[tilespmem:s10], [sflag:$0x1] =	stream.linear.gather [hbm4b:s29+s2], $0x200, $0x38;
	[tilespmem:$0x12200] =	vst v63  }
0x33: {  	s29 =	rddreg [dreg:$0x19]  }
0x34: {  	[tilespmem:s11], [sflag:$0x1] =	stream.linear.gather [hbm4b:s0+s2], $0x200, $0x38;
	[tilespmem:$0x12200] =	vst v63  }
0x35: {  	s0 =	rddreg [dreg:$0x11]  }
0x36: {  	[tilespmem:s29], [sflag:$0x1] =	stream.linear.gather [hbm4b:s30+s2], $0x200, $0x38;
	[tilespmem:$0x12200] =	vst v63  }
0x37: {  	s29 =	rddreg [dreg:$0x12]  }
0x38: {  	s30 =	rddreg [dreg:$0x1b]  }
0x39: {  	[tilespmem:s28], [sflag:$0x1] =	stream.linear.gather [hbm4b:s0+s2], $0x200, $0x38;
	[tilespmem:$0x12200] =	vst v63  }
0x3a: {  	s0 =	rddreg [dreg:$0x13]  }
0x3b: {  	s28 =	rddreg [dreg:$0x1c]  }
0x3c: {  	[tilespmem:s30], [sflag:$0x1] =	stream.linear.gather [hbm4b:s29+s2], $0x200, $0x38;
	[tilespmem:$0x12200] =	vst v63  }
0x3d: {  	s29 =	rddreg [dreg:$0x14]  }
0x3e: {  	[tilespmem:s28], [sflag:$0x1] =	stream.linear.gather [hbm4b:s0+s2], $0x200, $0x38;
	[tilespmem:$0x12200] =	vst v63  }
0x3f: {  	s30 =	rddreg [dreg:$0x1d]  }
0x40: {  	[tilespmem:s30], [sflag:$0x1] =	stream.linear.gather [hbm4b:s29+s2], $0x200, $0x38;
	[tilespmem:$0x12200] =	vst v63  }
0x41: {  	_ =	swait.ge [sflag:s12], $0x200  }
0x42: {  	[sflag:s12] =	ssyncset.done $0x0  }
0x43: {  	[sflag:s12] =	ssyncadd.s32 $0xFFFFFE00  }
0x44: {  	_ =	swait.ge [sflag:s12], $0x200  }
0x45: {  	[sflag:s12] =	ssyncset.done $0x0  }
0x46: {  	[sflag:s12] =	ssyncadd.s32 $0xFFFFFE00  }
0x47: {  	_ =	swait.ge [sflag:s12], $0x200  }
0x48: {  	[sflag:s12] =	ssyncset.done $0x0  }
0x49: {  	[sflag:s12] =	ssyncadd.s32 $0xFFFFFE00  }
0x4a: {  	_ =	swait.ge [sflag:s12], $0x200  }
0x4b: {  	[sflag:s12] =	ssyncset.done $0x0  }
0x4c: {  	[sflag:s12] =	ssyncadd.s32 $0xFFFFFE00  }
0x4d: {  	_ =	swait.ge [sflag:s12], $0x200  }
0x4e: {  	[sflag:s12] =	ssyncset.done $0x0  }
0x4f: {  	[sflag:s12] =	ssyncadd.s32 $0xFFFFFE00  }
0x50: {  	_ =	swait.ge [sflag:s12], $0x200  }
0x51: {  	[sflag:s12] =	ssyncset.done $0x0  }
0x52: {  	[sflag:s12] =	ssyncadd.s32 $0xFFFFFE00  }
0x53: {  	_ =	swait.ge [sflag:s12], $0x200  }
0x54: {  	[sflag:s12] =	ssyncset.done $0x0  }
0x55: {  	[sflag:s12] =	ssyncadd.s32 $0xFFFFFE00  }
0x56: {  	_ =	swait.ge [sflag:s12], $0x200  }
0x57: {  	[sflag:s12] =	ssyncset.done $0x0  }
0x58: {  	[sflag:s12] =	ssyncadd.s32 $0xFFFFFE00  }
0x59: {  	_ =	swait.ge [sflag:s12], $0x200  }
0x5a: {  	[sflag:s12] =	ssyncset.done $0x0  }
0x5b: {  	[sflag:s12] =	ssyncadd.s32 $0xFFFFFE00  }
0x5c: {  	[tilespmem:s14], [sflag:$0x2] =	stream.indirect.gather [hbm4b:s4+s13], $0x40, s2, s13, $0xb8;
	[tilespmem:$0x12200] =	vst v63  }
0x5d: {  	_ = 	snop  }
0x5e: {  	[tilespmem:s15], [sflag:$0x2] =	stream.indirect.gather [hbm4b:s4+s13], $0x40, s13, s13, $0xb8;
	[tilespmem:$0x12200] =	vst v63  }
0x5f: {  	s30 =	rddreg [dreg:$0x1e]  }
0x60: {  	[tilespmem:s16], [sflag:$0x2] =	stream.indirect.gather [hbm4b:s4+s13], $0x40, s30, s13, $0xb8;
	[tilespmem:$0x12200] =	vst v63  }
0x61: {  	s29 =	rddreg [dreg:$0x1f]  }
0x62: {  	[tilespmem:s17], [sflag:$0x2] =	stream.indirect.gather [hbm4b:s4+s13], $0x40, s29, s13, $0xb8;
	[tilespmem:$0x12200] =	vst v63  }
0x63: {  	s30 =	sld [smem:$0x7F8]  }
0x64: {  	[tilespmem:s18], [sflag:$0x2] =	stream.indirect.gather [hbm4b:s5+s13], $0x40, s9, s13, $0xb8;
	[tilespmem:$0x12200] =	vst v63  }
0x65: {  	s29 =	sld [smem:$0x7F9]  }
0x66: {  	[tilespmem:s19], [sflag:$0x2] =	stream.indirect.gather [hbm4b:s5+s13], $0x40, s30, s13, $0xb8;
	[tilespmem:$0x12200] =	vst v63  }
0x67: {  	s30 =	sld [smem:$0x7FA]  }
0x68: {  	[tilespmem:s20], [sflag:$0x2] =	stream.indirect.gather [hbm4b:s5+s13], $0x40, s29, s13, $0xb8;
	[tilespmem:$0x12200] =	vst v63  }
0x69: {  	_ = 	snop  }
0x6a: {  	[tilespmem:s21], [sflag:$0x2] =	stream.indirect.gather [hbm4b:s5+s13], $0x40, s30, s13, $0xb8;
	[tilespmem:$0x12200] =	vst v63  }
0x6b: {  	v1 =	vld [tilespmem:$0x10800];
	_ =	sdelay $0x2  }
0x6c: {  	v2 =	vld [tilespmem:$0x1FFE0];
	_ =	sdelay $0x1  }
0x6d: {  	[tilespmem:v0+s22+$0x0] =	vst.idx.msk $0xffff, v1  }
0x6e: {  	v1 =	vld [tilespmem:$0x10810];
	_ =	sdelay $0x4  }
0x6f: {  	[tilespmem:v2+s22+$0x0] =	vst.idx.msk $0xffff, v1;
	v2 =	vld [tilespmem:$0x1FFF0];
	_ =	sdelay $0x2  }
0x70: {  	v1 =	vld [tilespmem:$0x10820];
	_ =	sdelay $0x4  }
0x71: {  	[tilespmem:v2+s22+$0x0] =	vst.idx.msk $0xffff, v1  }
0x72: {  	v1 =	vld [tilespmem:$0x10830];
	_ =	sdelay $0x4  }
0x73: {  	[tilespmem:v3+s22+$0x0] =	vst.idx.msk $0xffff, v1  }
0x74: {  	v1 =	vld [tilespmem:$0x10840];
	_ =	sdelay $0x4  }
0x75: {  	[tilespmem:v4+s22+$0x0] =	vst.idx.msk $0xffff, v1  }
0x76: {  	v1 =	vld [tilespmem:$0x10850];
	_ =	sdelay $0x4  }
0x77: {  	[tilespmem:v5+s22+$0x0] =	vst.idx.msk $0xffff, v1  }
0x78: {  	v1 =	vld [tilespmem:$0x10860];
	_ =	sdelay $0x4  }
0x79: {  	[tilespmem:v6+s22+$0x0] =	vst.idx.msk $0xffff, v1  }
0x7a: {  	v1 =	vld [tilespmem:$0x10870];
	_ =	sdelay $0x4  }
0x7b: {  	[tilespmem:v7+s22+$0x0] =	vst.idx.msk $0xffff, v1  }
0x7c: {  	v1 =	vld [tilespmem:$0x10880];
	_ =	sdelay $0x4  }
0x7d: {  	[tilespmem:v8+s22+$0x0] =	vst.idx.msk $0xffff, v1  }
0x7e: {  	v1 =	vld [tilespmem:$0x10890];
	_ =	sdelay $0x4  }
0x7f: {  	[tilespmem:v9+s22+$0x0] =	vst.idx.msk $0xffff, v1  }
0x80: {  	v1 =	vld [tilespmem:$0x108A0];
	_ =	sdelay $0x4  }
0x81: {  	[tilespmem:v10+s22+$0x0] =	vst.idx.msk $0xffff, v1  }
0x82: {  	v1 =	vld [tilespmem:$0x108B0];
	_ =	sdelay $0x4  }
0x83: {  	[tilespmem:v11+s22+$0x0] =	vst.idx.msk $0xffff, v1  }
0x84: {  	v1 =	vld [tilespmem:$0x108C0];
	_ =	sdelay $0x4  }
0x85: {  	[tilespmem:v12+s22+$0x0] =	vst.idx.msk $0xffff, v1  }
0x86: {  	v1 =	vld [tilespmem:$0x108D0];
	_ =	sdelay $0x4  }
0x87: {  	[tilespmem:v13+s22+$0x0] =	vst.idx.msk $0xffff, v1  }
0x88: {  	v1 =	vld [tilespmem:$0x108E0];
	_ =	sdelay $0x4  }
0x89: {  	[tilespmem:v14+s22+$0x0] =	vst.idx.msk $0xffff, v1  }
0x8a: {  	v1 =	vld [tilespmem:$0x108F0];
	_ =	sdelay $0x4  }
0x8b: {  	[tilespmem:v15+s22+$0x0] =	vst.idx.msk $0xffff, v1  }
0x8c: {  	v1 =	vld [tilespmem:$0x10900];
	_ =	sdelay $0x4  }
0x8d: {  	[tilespmem:v16+s22+$0x0] =	vst.idx.msk $0xffff, v1  }
0x8e: {  	v1 =	vld [tilespmem:$0x10910];
	_ =	sdelay $0x4  }
0x8f: {  	[tilespmem:v17+s22+$0x0] =	vst.idx.msk $0xffff, v1  }
0x90: {  	v1 =	vld [tilespmem:$0x10920];
	_ =	sdelay $0x4  }
0x91: {  	[tilespmem:v18+s22+$0x0] =	vst.idx.msk $0xffff, v1  }
0x92: {  	v1 =	vld [tilespmem:$0x10930];
	_ =	sdelay $0x4  }
0x93: {  	[tilespmem:v19+s22+$0x0] =	vst.idx.msk $0xffff, v1  }
0x94: {  	v1 =	vld [tilespmem:$0x10940];
	_ =	sdelay $0x4  }
0x95: {  	[tilespmem:v20+s22+$0x0] =	vst.idx.msk $0xffff, v1  }
0x96: {  	v1 =	vld [tilespmem:$0x10950];
	_ =	sdelay $0x4  }
0x97: {  	[tilespmem:v21+s22+$0x0] =	vst.idx.msk $0xffff, v1  }
0x98: {  	v1 =	vld [tilespmem:$0x10960];
	_ =	sdelay $0x4  }
0x99: {  	[tilespmem:v22+s22+$0x0] =	vst.idx.msk $0xffff, v1  }
0x9a: {  	v1 =	vld [tilespmem:$0x10970];
	_ =	sdelay $0x4  }
0x9b: {  	[tilespmem:v23+s22+$0x0] =	vst.idx.msk $0xffff, v1  }
0x9c: {  	v1 =	vld [tilespmem:$0x10980];
	_ =	sdelay $0x4  }
0x9d: {  	[tilespmem:v24+s22+$0x0] =	vst.idx.msk $0xffff, v1  }
0x9e: {  	v1 =	vld [tilespmem:$0x10990];
	_ =	sdelay $0x4  }
0x9f: {  	[tilespmem:v25+s22+$0x0] =	vst.idx.msk $0xffff, v1  }
0xa0: {  	v1 =	vld [tilespmem:$0x109A0];
	_ =	sdelay $0x4  }
0xa1: {  	[tilespmem:v26+s22+$0x0] =	vst.idx.msk $0xffff, v1  }
0xa2: {  	v1 =	vld [tilespmem:$0x109B0];
	_ =	sdelay $0x4  }
0xa3: {  	[tilespmem:v27+s22+$0x0] =	vst.idx.msk $0xffff, v1  }
0xa4: {  	v1 =	vld [tilespmem:$0x109C0];
	_ =	sdelay $0x4  }
0xa5: {  	[tilespmem:v28+s22+$0x0] =	vst.idx.msk $0xffff, v1  }
0xa6: {  	v1 =	vld [tilespmem:$0x109D0];
	_ =	sdelay $0x4  }
0xa7: {  	[tilespmem:v29+s22+$0x0] =	vst.idx.msk $0xffff, v1  }
0xa8: {  	v1 =	vld [tilespmem:$0x109E0];
	_ =	sdelay $0x4  }
0xa9: {  	[tilespmem:v30+s22+$0x0] =	vst.idx.msk $0xffff, v1  }
0xaa: {  	v1 =	vld [tilespmem:$0x109F0];
	_ =	sdelay $0x4  }
0xab: {  	[tilespmem:v31+s22+$0x0] =	vst.idx.msk $0xffff, v1  }
0xac: {  	v1 =	vld [tilespmem:$0x10A00];
	_ =	sdelay $0x4  }
0xad: {  	[tilespmem:v32+s22+$0x0] =	vst.idx.msk $0xffff, v1  }
0xae: {  	v1 =	vld [tilespmem:$0x10A10];
	_ =	sdelay $0x4  }
0xaf: {  	[tilespmem:v33+s22+$0x0] =	vst.idx.msk $0xffff, v1  }
0xb0: {  	v1 =	vld [tilespmem:$0x10A20];
	_ =	sdelay $0x4  }
0xb1: {  	[tilespmem:v34+s22+$0x0] =	vst.idx.msk $0xffff, v1  }
0xb2: {  	v1 =	vld [tilespmem:$0x10A30];
	_ =	sdelay $0x4  }
0xb3: {  	[tilespmem:v35+s22+$0x0] =	vst.idx.msk $0xffff, v1  }
0xb4: {  	v1 =	vld [tilespmem:$0x10A40];
	_ =	sdelay $0x4  }
0xb5: {  	[tilespmem:v36+s22+$0x0] =	vst.idx.msk $0xffff, v1  }
0xb6: {  	v1 =	vld [tilespmem:$0x10A50];
	_ =	sdelay $0x4  }
0xb7: {  	[tilespmem:v37+s22+$0x0] =	vst.idx.msk $0xffff, v1  }
0xb8: {  	v1 =	vld [tilespmem:$0x10A60];
	_ =	sdelay $0x4  }
0xb9: {  	[tilespmem:v38+s22+$0x0] =	vst.idx.msk $0xffff, v1  }
0xba: {  	v1 =	vld [tilespmem:$0x10A70];
	_ =	sdelay $0x4  }
0xbb: {  	[tilespmem:v39+s22+$0x0] =	vst.idx.msk $0xffff, v1  }
0xbc: {  	v1 =	vld [tilespmem:$0x10A80];
	_ =	sdelay $0x4  }
0xbd: {  	[tilespmem:v40+s22+$0x0] =	vst.idx.msk $0xffff, v1  }
0xbe: {  	v1 =	vld [tilespmem:$0x10A90];
	_ =	sdelay $0x4  }
0xbf: {  	[tilespmem:v41+s22+$0x0] =	vst.idx.msk $0xffff, v1  }
0xc0: {  	v1 =	vld [tilespmem:$0x10AA0];
	_ =	sdelay $0x4  }
0xc1: {  	[tilespmem:v42+s22+$0x0] =	vst.idx.msk $0xffff, v1  }
0xc2: {  	v1 =	vld [tilespmem:$0x10AB0];
	_ =	sdelay $0x4  }
0xc3: {  	[tilespmem:v43+s22+$0x0] =	vst.idx.msk $0xffff, v1  }
0xc4: {  	v1 =	vld [tilespmem:$0x10AC0];
	_ =	sdelay $0x4  }
0xc5: {  	[tilespmem:v44+s22+$0x0] =	vst.idx.msk $0xffff, v1  }
0xc6: {  	v1 =	vld [tilespmem:$0x10AD0];
	_ =	sdelay $0x4  }
0xc7: {  	[tilespmem:v45+s22+$0x0] =	vst.idx.msk $0xffff, v1  }
0xc8: {  	v1 =	vld [tilespmem:$0x10AE0];
	_ =	sdelay $0x4  }
0xc9: {  	[tilespmem:v46+s22+$0x0] =	vst.idx.msk $0xffff, v1  }
0xca: {  	v1 =	vld [tilespmem:$0x10AF0];
	_ =	sdelay $0x4  }
0xcb: {  	[tilespmem:v47+s22+$0x0] =	vst.idx.msk $0xffff, v1  }
0xcc: {  	v1 =	vld [tilespmem:$0x10B00];
	_ =	sdelay $0x4  }
0xcd: {  	[tilespmem:v48+s22+$0x0] =	vst.idx.msk $0xffff, v1  }
0xce: {  	v1 =	vld [tilespmem:$0x10B10];
	_ =	sdelay $0x4  }
0xcf: {  	[tilespmem:v49+s22+$0x0] =	vst.idx.msk $0xffff, v1  }
0xd0: {  	v1 =	vld [tilespmem:$0x10B20];
	_ =	sdelay $0x4  }
0xd1: {  	[tilespmem:v50+s22+$0x0] =	vst.idx.msk $0xffff, v1  }
0xd2: {  	v1 =	vld [tilespmem:$0x10B30];
	_ =	sdelay $0x4  }
0xd3: {  	[tilespmem:v51+s22+$0x0] =	vst.idx.msk $0xffff, v1  }
0xd4: {  	v1 =	vld [tilespmem:$0x10B40];
	_ =	sdelay $0x4  }
0xd5: {  	[tilespmem:v52+s22+$0x0] =	vst.idx.msk $0xffff, v1  }
0xd6: {  	v1 =	vld [tilespmem:$0x10B50];
	_ =	sdelay $0x4  }
0xd7: {  	[tilespmem:v53+s22+$0x0] =	vst.idx.msk $0xffff, v1  }
0xd8: {  	v1 =	vld [tilespmem:$0x10B60];
	_ =	sdelay $0x4  }
0xd9: {  	[tilespmem:v54+s22+$0x0] =	vst.idx.msk $0xffff, v1  }
0xda: {  	v1 =	vld [tilespmem:$0x10B70];
	_ =	sdelay $0x4  }
0xdb: {  	[tilespmem:v55+s22+$0x0] =	vst.idx.msk $0xffff, v1  }
0xdc: {  	v1 =	vld [tilespmem:$0x10B80];
	_ =	sdelay $0x4  }
0xdd: {  	[tilespmem:v56+s22+$0x0] =	vst.idx.msk $0xffff, v1  }
0xde: {  	v1 =	vld [tilespmem:$0x10B90];
	_ =	sdelay $0x4  }
0xdf: {  	[tilespmem:v57+s22+$0x0] =	vst.idx.msk $0xffff, v1  }
0xe0: {  	v1 =	vld [tilespmem:$0x10BA0];
	_ =	sdelay $0x4  }
0xe1: {  	[tilespmem:v58+s22+$0x0] =	vst.idx.msk $0xffff, v1  }
0xe2: {  	v1 =	vld [tilespmem:$0x10BB0];
	_ =	sdelay $0x4  }
0xe3: {  	[tilespmem:v59+s22+$0x0] =	vst.idx.msk $0xffff, v1  }
0xe4: {  	v1 =	vld [tilespmem:$0x10BC0];
	_ =	sdelay $0x4  }
0xe5: {  	[tilespmem:v60+s22+$0x0] =	vst.idx.msk $0xffff, v1  }
0xe6: {  	v1 =	vld [tilespmem:$0x10BD0];
	_ =	sdelay $0x4  }
0xe7: {  	[tilespmem:v61+s22+$0x0] =	vst.idx.msk $0xffff, v1  }
0xe8: {  	v1 =	vld [tilespmem:$0x10BE0];
	_ =	sdelay $0x4  }
0xe9: {  	[tilespmem:v62+s22+$0x0] =	vst.idx.msk $0xffff, v1  }
0xea: {  	v1 =	vld [tilespmem:$0x10BF0];
	_ =	sdelay $0x4  }
0xeb: {  	[tilespmem:v63+s22+$0x0] =	vst.idx.msk $0xffff, v1  }
0xec: {  	v2 =	vor.u32 $0x2, v0;
	v1 =	vld [tilespmem:$0x10C00];
	_ =	sdelay $0x4  }
0xed: {  	[tilespmem:v2+s22+$0x0] =	vst.idx.msk $0xffff, v1  }
0xee: {  	v2 =	vor.u32 $0x82, v0;
	v1 =	vld [tilespmem:$0x10C10];
	_ =	sdelay $0x4  }
0xef: {  	[tilespmem:v2+s22+$0x0] =	vst.idx.msk $0xffff, v1  }
0xf0: {  	v2 =	vor.u32 $0x102, v0;
	v1 =	vld [tilespmem:$0x10C20];
	_ =	sdelay $0x4  }
0xf1: {  	[tilespmem:v2+s22+$0x0] =	vst.idx.msk $0xffff, v1  }
0xf2: {  	v2 =	vor.u32 $0x182, v0;
	v1 =	vld [tilespmem:$0x10C30];
	_ =	sdelay $0x4  }
0xf3: {  	[tilespmem:v2+s22+$0x0] =	vst.idx.msk $0xffff, v1  }
0xf4: {  	v2 =	vor.u32 $0x202, v0;
	v1 =	vld [tilespmem:$0x10C40];
	_ =	sdelay $0x4  }
0xf5: {  	[tilespmem:v2+s22+$0x0] =	vst.idx.msk $0xffff, v1  }
0xf6: {  	v2 =	vor.u32 $0x282, v0;
	v1 =	vld [tilespmem:$0x10C50];
	_ =	sdelay $0x4  }
0xf7: {  	[tilespmem:v2+s22+$0x0] =	vst.idx.msk $0xffff, v1  }
0xf8: {  	v2 =	vor.u32 $0x302, v0;
	v1 =	vld [tilespmem:$0x10C60];
	_ =	sdelay $0x4  }
0xf9: {  	[tilespmem:v2+s22+$0x0] =	vst.idx.msk $0xffff, v1  }
0xfa: {  	v2 =	vor.u32 $0x382, v0;
	v1 =	vld [tilespmem:$0x10C70];
	_ =	sdelay $0x4  }
0xfb: {  	[tilespmem:v2+s22+$0x0] =	vst.idx.msk $0xffff, v1  }
0xfc: {  	v2 =	vor.u32 $0x402, v0;
	v1 =	vld [tilespmem:$0x10C80];
	_ =	sdelay $0x4  }
0xfd: {  	[tilespmem:v2+s22+$0x0] =	vst.idx.msk $0xffff, v1  }
0xfe: {  	v2 =	vor.u32 $0x482, v0;
	v1 =	vld [tilespmem:$0x10C90];
	_ =	sdelay $0x4  }
0xff: {  	[tilespmem:v2+s22+$0x0] =	vst.idx.msk $0xffff, v1  }
0x100: {  	v2 =	vor.u32 $0x502, v0;
	v1 =	vld [tilespmem:$0x10CA0];
	_ =	sdelay $0x4  }
0x101: {  	[tilespmem:v2+s22+$0x0] =	vst.idx.msk $0xffff, v1  }
0x102: {  	v2 =	vor.u32 $0x582, v0;
	v1 =	vld [tilespmem:$0x10CB0];
	_ =	sdelay $0x4  }
0x103: {  	[tilespmem:v2+s22+$0x0] =	vst.idx.msk $0xffff, v1  }
0x104: {  	v2 =	vor.u32 $0x602, v0;
	v1 =	vld [tilespmem:$0x10CC0];
	_ =	sdelay $0x4  }
0x105: {  	[tilespmem:v2+s22+$0x0] =	vst.idx.msk $0xffff, v1  }
0x106: {  	v2 =	vor.u32 $0x682, v0;
	v1 =	vld [tilespmem:$0x10CD0];
	_ =	sdelay $0x4  }
0x107: {  	[tilespmem:v2+s22+$0x0] =	vst.idx.msk $0xffff, v1  }
0x108: {  	v2 =	vor.u32 $0x702, v0;
	v1 =	vld [tilespmem:$0x10CE0];
	_ =	sdelay $0x4  }
0x109: {  	[tilespmem:v2+s22+$0x0] =	vst.idx.msk $0xffff, v1  }
0x10a: {  	v2 =	vor.u32 $0x782, v0;
	v1 =	vld [tilespmem:$0x10CF0];
	_ =	sdelay $0x4  }
0x10b: {  	[tilespmem:v2+s22+$0x0] =	vst.idx.msk $0xffff, v1  }
0x10c: {  	v2 =	vor.u32 $0x802, v0;
	v1 =	vld [tilespmem:$0x10D00];
	_ =	sdelay $0x4  }
0x10d: {  	[tilespmem:v2+s22+$0x0] =	vst.idx.msk $0xffff, v1  }
0x10e: {  	v2 =	vor.u32 $0x882, v0;
	v1 =	vld [tilespmem:$0x10D10];
	_ =	sdelay $0x4  }
0x10f: {  	[tilespmem:v2+s22+$0x0] =	vst.idx.msk $0xffff, v1  }
0x110: {  	v2 =	vor.u32 $0x902, v0;
	v1 =	vld [tilespmem:$0x10D20];
	_ =	sdelay $0x4  }
0x111: {  	[tilespmem:v2+s22+$0x0] =	vst.idx.msk $0xffff, v1  }
0x112: {  	v2 =	vor.u32 $0x982, v0;
	v1 =	vld [tilespmem:$0x10D30];
	_ =	sdelay $0x4  }
0x113: {  	[tilespmem:v2+s22+$0x0] =	vst.idx.msk $0xffff, v1  }
0x114: {  	v2 =	vor.u32 $0xA02, v0;
	v1 =	vld [tilespmem:$0x10D40];
	_ =	sdelay $0x4  }
0x115: {  	[tilespmem:v2+s22+$0x0] =	vst.idx.msk $0xffff, v1  }
0x116: {  	v2 =	vor.u32 $0xA82, v0;
	v1 =	vld [tilespmem:$0x10D50];
	_ =	sdelay $0x4  }
0x117: {  	[tilespmem:v2+s22+$0x0] =	vst.idx.msk $0xffff, v1  }
0x118: {  	v2 =	vor.u32 $0xB02, v0;
	v1 =	vld [tilespmem:$0x10D60];
	_ =	sdelay $0x4  }
0x119: {  	[tilespmem:v2+s22+$0x0] =	vst.idx.msk $0xffff, v1  }
0x11a: {  	v2 =	vor.u32 $0xB82, v0;
	v1 =	vld [tilespmem:$0x10D70];
	_ =	sdelay $0x4  }
0x11b: {  	[tilespmem:v2+s22+$0x0] =	vst.idx.msk $0xffff, v1  }
0x11c: {  	v2 =	vor.u32 $0xC02, v0;
	v1 =	vld [tilespmem:$0x10D80];
	_ =	sdelay $0x4  }
0x11d: {  	[tilespmem:v2+s22+$0x0] =	vst.idx.msk $0xffff, v1  }
0x11e: {  	v2 =	vor.u32 $0xC82, v0;
	v1 =	vld [tilespmem:$0x10D90];
	_ =	sdelay $0x4  }
0x11f: {  	[tilespmem:v2+s22+$0x0] =	vst.idx.msk $0xffff, v1  }
0x120: {  	v2 =	vor.u32 $0xD02, v0;
	v1 =	vld [tilespmem:$0x10DA0];
	_ =	sdelay $0x4  }
0x121: {  	[tilespmem:v2+s22+$0x0] =	vst.idx.msk $0xffff, v1  }
0x122: {  	v2 =	vor.u32 $0xD82, v0;
	v1 =	vld [tilespmem:$0x10DB0];
	_ =	sdelay $0x4  }
0x123: {  	[tilespmem:v2+s22+$0x0] =	vst.idx.msk $0xffff, v1  }
0x124: {  	v2 =	vor.u32 $0xE02, v0;
	v1 =	vld [tilespmem:$0x10DC0];
	_ =	sdelay $0x4  }
0x125: {  	[tilespmem:v2+s22+$0x0] =	vst.idx.msk $0xffff, v1  }
0x126: {  	v2 =	vor.u32 $0xE82, v0;
	v1 =	vld [tilespmem:$0x10DD0];
	_ =	sdelay $0x4  }
0x127: {  	[tilespmem:v2+s22+$0x0] =	vst.idx.msk $0xffff, v1  }
0x128: {  	v2 =	vor.u32 $0xF02, v0;
	v1 =	vld [tilespmem:$0x10DE0];
	_ =	sdelay $0x4  }
0x129: {  	[tilespmem:v2+s22+$0x0] =	vst.idx.msk $0xffff, v1  }
0x12a: {  	v2 =	vor.u32 $0xF82, v0;
	v1 =	vld [tilespmem:$0x10DF0];
	_ =	sdelay $0x4  }
0x12b: {  	[tilespmem:v2+s22+$0x0] =	vst.idx.msk $0xffff, v1  }
0x12c: {  	v2 =	vor.u32 $0x3, v0;
	v1 =	vld [tilespmem:$0x10E00];
	_ =	sdelay $0x4  }
0x12d: {  	[tilespmem:v2+s22+$0x0] =	vst.idx.msk $0xffff, v1  }
0x12e: {  	v2 =	vor.u32 $0x83, v0;
	v1 =	vld [tilespmem:$0x10E10];
	_ =	sdelay $0x4  }
0x12f: {  	[tilespmem:v2+s22+$0x0] =	vst.idx.msk $0xffff, v1  }
0x130: {  	v2 =	vor.u32 $0x103, v0;
	v1 =	vld [tilespmem:$0x10E20];
	_ =	sdelay $0x4  }
0x131: {  	[tilespmem:v2+s22+$0x0] =	vst.idx.msk $0xffff, v1  }
0x132: {  	v2 =	vor.u32 $0x183, v0;
	v1 =	vld [tilespmem:$0x10E30];
	_ =	sdelay $0x4  }
0x133: {  	[tilespmem:v2+s22+$0x0] =	vst.idx.msk $0xffff, v1  }
0x134: {  	v2 =	vor.u32 $0x203, v0;
	v1 =	vld [tilespmem:$0x10E40];
	_ =	sdelay $0x4  }
0x135: {  	[tilespmem:v2+s22+$0x0] =	vst.idx.msk $0xffff, v1  }
0x136: {  	v2 =	vor.u32 $0x283, v0;
	v1 =	vld [tilespmem:$0x10E50];
	_ =	sdelay $0x4  }
0x137: {  	[tilespmem:v2+s22+$0x0] =	vst.idx.msk $0xffff, v1  }
0x138: {  	v2 =	vor.u32 $0x303, v0;
	v1 =	vld [tilespmem:$0x10E60];
	_ =	sdelay $0x4  }
0x139: {  	[tilespmem:v2+s22+$0x0] =	vst.idx.msk $0xffff, v1  }
0x13a: {  	v2 =	vor.u32 $0x383, v0;
	v1 =	vld [tilespmem:$0x10E70];
	_ =	sdelay $0x4  }
0x13b: {  	[tilespmem:v2+s22+$0x0] =	vst.idx.msk $0xffff, v1  }
0x13c: {  	v2 =	vor.u32 $0x403, v0;
	v1 =	vld [tilespmem:$0x10E80];
	_ =	sdelay $0x4  }
0x13d: {  	[tilespmem:v2+s22+$0x0] =	vst.idx.msk $0xffff, v1  }
0x13e: {  	v2 =	vor.u32 $0x483, v0;
	v1 =	vld [tilespmem:$0x10E90];
	_ =	sdelay $0x4  }
0x13f: {  	[tilespmem:v2+s22+$0x0] =	vst.idx.msk $0xffff, v1  }
0x140: {  	v2 =	vor.u32 $0x503, v0;
	v1 =	vld [tilespmem:$0x10EA0];
	_ =	sdelay $0x4  }
0x141: {  	[tilespmem:v2+s22+$0x0] =	vst.idx.msk $0xffff, v1  }
0x142: {  	v2 =	vor.u32 $0x583, v0;
	v1 =	vld [tilespmem:$0x10EB0];
	_ =	sdelay $0x4  }
0x143: {  	[tilespmem:v2+s22+$0x0] =	vst.idx.msk $0xffff, v1  }
0x144: {  	v2 =	vor.u32 $0x603, v0;
	v1 =	vld [tilespmem:$0x10EC0];
	_ =	sdelay $0x4  }
0x145: {  	[tilespmem:v2+s22+$0x0] =	vst.idx.msk $0xffff, v1  }
0x146: {  	v2 =	vor.u32 $0x683, v0;
	v1 =	vld [tilespmem:$0x10ED0];
	_ =	sdelay $0x4  }
0x147: {  	[tilespmem:v2+s22+$0x0] =	vst.idx.msk $0xffff, v1  }
0x148: {  	v2 =	vor.u32 $0x703, v0;
	v1 =	vld [tilespmem:$0x10EE0];
	_ =	sdelay $0x4  }
0x149: {  	[tilespmem:v2+s22+$0x0] =	vst.idx.msk $0xffff, v1  }
0x14a: {  	v2 =	vor.u32 $0x783, v0;
	v1 =	vld [tilespmem:$0x10EF0];
	_ =	sdelay $0x4  }
0x14b: {  	[tilespmem:v2+s22+$0x0] =	vst.idx.msk $0xffff, v1  }
0x14c: {  	v2 =	vor.u32 $0x803, v0;
	v1 =	vld [tilespmem:$0x10F00];
	_ =	sdelay $0x4  }
0x14d: {  	[tilespmem:v2+s22+$0x0] =	vst.idx.msk $0xffff, v1  }
0x14e: {  	v2 =	vor.u32 $0x883, v0;
	v1 =	vld [tilespmem:$0x10F10];
	_ =	sdelay $0x4  }
0x14f: {  	[tilespmem:v2+s22+$0x0] =	vst.idx.msk $0xffff, v1  }
0x150: {  	v2 =	vor.u32 $0x903, v0;
	v1 =	vld [tilespmem:$0x10F20];
	_ =	sdelay $0x4  }
0x151: {  	[tilespmem:v2+s22+$0x0] =	vst.idx.msk $0xffff, v1  }
0x152: {  	v2 =	vor.u32 $0x983, v0;
	v1 =	vld [tilespmem:$0x10F30];
	_ =	sdelay $0x4  }
0x153: {  	[tilespmem:v2+s22+$0x0] =	vst.idx.msk $0xffff, v1  }
0x154: {  	v2 =	vor.u32 $0xA03, v0;
	v1 =	vld [tilespmem:$0x10F40];
	_ =	sdelay $0x4  }
0x155: {  	[tilespmem:v2+s22+$0x0] =	vst.idx.msk $0xffff, v1  }
0x156: {  	v2 =	vor.u32 $0xA83, v0;
	v1 =	vld [tilespmem:$0x10F50];
	_ =	sdelay $0x4  }
0x157: {  	[tilespmem:v2+s22+$0x0] =	vst.idx.msk $0xffff, v1  }
0x158: {  	v2 =	vor.u32 $0xB03, v0;
	v1 =	vld [tilespmem:$0x10F60];
	_ =	sdelay $0x4  }
0x159: {  	[tilespmem:v2+s22+$0x0] =	vst.idx.msk $0xffff, v1  }
0x15a: {  	v2 =	vor.u32 $0xB83, v0;
	v1 =	vld [tilespmem:$0x10F70];
	_ =	sdelay $0x4  }
0x15b: {  	[tilespmem:v2+s22+$0x0] =	vst.idx.msk $0xffff, v1  }
0x15c: {  	v2 =	vor.u32 $0xC03, v0;
	v1 =	vld [tilespmem:$0x10F80];
	_ =	sdelay $0x4  }
0x15d: {  	[tilespmem:v2+s22+$0x0] =	vst.idx.msk $0xffff, v1  }
0x15e: {  	v2 =	vor.u32 $0xC83, v0;
	v1 =	vld [tilespmem:$0x10F90];
	_ =	sdelay $0x4  }
0x15f: {  	[tilespmem:v2+s22+$0x0] =	vst.idx.msk $0xffff, v1  }
0x160: {  	v2 =	vor.u32 $0xD03, v0;
	v1 =	vld [tilespmem:$0x10FA0];
	_ =	sdelay $0x4  }
0x161: {  	[tilespmem:v2+s22+$0x0] =	vst.idx.msk $0xffff, v1  }
0x162: {  	v2 =	vor.u32 $0xD83, v0;
	v1 =	vld [tilespmem:$0x10FB0];
	_ =	sdelay $0x4  }
0x163: {  	[tilespmem:v2+s22+$0x0] =	vst.idx.msk $0xffff, v1  }
0x164: {  	v2 =	vor.u32 $0xE03, v0;
	v1 =	vld [tilespmem:$0x10FC0];
	_ =	sdelay $0x4  }
0x165: {  	[tilespmem:v2+s22+$0x0] =	vst.idx.msk $0xffff, v1  }
0x166: {  	v2 =	vor.u32 $0xE83, v0;
	v1 =	vld [tilespmem:$0x10FD0];
	_ =	sdelay $0x4  }
0x167: {  	[tilespmem:v2+s22+$0x0] =	vst.idx.msk $0xffff, v1  }
0x168: {  	v2 =	vor.u32 $0xF03, v0;
	v1 =	vld [tilespmem:$0x10FE0];
	_ =	sdelay $0x4  }
0x169: {  	[tilespmem:v2+s22+$0x0] =	vst.idx.msk $0xffff, v1  }
0x16a: {  	v2 =	vor.u32 $0xF83, v0;
	v1 =	vld [tilespmem:$0x10FF0];
	_ =	sdelay $0x4  }
0x16b: {  	[tilespmem:v2+s22+$0x0] =	vst.idx.msk $0xffff, v1  }
0x16c: {  	v2 =	vor.u32 $0x4, v0;
	v1 =	vld [tilespmem:$0x11000];
	_ =	sdelay $0x4  }
0x16d: {  	[tilespmem:v2+s22+$0x0] =	vst.idx.msk $0xffff, v1  }
0x16e: {  	v2 =	vor.u32 $0x84, v0;
	v1 =	vld [tilespmem:$0x11010];
	_ =	sdelay $0x4  }
0x16f: {  	[tilespmem:v2+s22+$0x0] =	vst.idx.msk $0xffff, v1  }
0x170: {  	v2 =	vor.u32 $0x104, v0;
	v1 =	vld [tilespmem:$0x11020];
	_ =	sdelay $0x4  }
0x171: {  	[tilespmem:v2+s22+$0x0] =	vst.idx.msk $0xffff, v1  }
0x172: {  	v2 =	vor.u32 $0x184, v0;
	v1 =	vld [tilespmem:$0x11030];
	_ =	sdelay $0x4  }
0x173: {  	[tilespmem:v2+s22+$0x0] =	vst.idx.msk $0xffff, v1  }
0x174: {  	v2 =	vor.u32 $0x204, v0;
	v1 =	vld [tilespmem:$0x11040];
	_ =	sdelay $0x4  }
0x175: {  	[tilespmem:v2+s22+$0x0] =	vst.idx.msk $0xffff, v1  }
0x176: {  	v2 =	vor.u32 $0x284, v0;
	v1 =	vld [tilespmem:$0x11050];
	_ =	sdelay $0x4  }
0x177: {  	[tilespmem:v2+s22+$0x0] =	vst.idx.msk $0xffff, v1  }
0x178: {  	v2 =	vor.u32 $0x304, v0;
	v1 =	vld [tilespmem:$0x11060];
	_ =	sdelay $0x4  }
0x179: {  	[tilespmem:v2+s22+$0x0] =	vst.idx.msk $0xffff, v1  }
0x17a: {  	v2 =	vor.u32 $0x384, v0;
	v1 =	vld [tilespmem:$0x11070];
	_ =	sdelay $0x4  }
0x17b: {  	[tilespmem:v2+s22+$0x0] =	vst.idx.msk $0xffff, v1  }
0x17c: {  	v2 =	vor.u32 $0x404, v0;
	v1 =	vld [tilespmem:$0x11080];
	_ =	sdelay $0x4  }
0x17d: {  	[tilespmem:v2+s22+$0x0] =	vst.idx.msk $0xffff, v1  }
0x17e: {  	v2 =	vor.u32 $0x484, v0;
	v1 =	vld [tilespmem:$0x11090];
	_ =	sdelay $0x4  }
0x17f: {  	[tilespmem:v2+s22+$0x0] =	vst.idx.msk $0xffff, v1  }
0x180: {  	v2 =	vor.u32 $0x504, v0;
	v1 =	vld [tilespmem:$0x110A0];
	_ =	sdelay $0x4  }
0x181: {  	[tilespmem:v2+s22+$0x0] =	vst.idx.msk $0xffff, v1  }
0x182: {  	v2 =	vor.u32 $0x584, v0;
	v1 =	vld [tilespmem:$0x110B0];
	_ =	sdelay $0x4  }
0x183: {  	[tilespmem:v2+s22+$0x0] =	vst.idx.msk $0xffff, v1  }
0x184: {  	v2 =	vor.u32 $0x604, v0;
	v1 =	vld [tilespmem:$0x110C0];
	_ =	sdelay $0x4  }
0x185: {  	[tilespmem:v2+s22+$0x0] =	vst.idx.msk $0xffff, v1  }
0x186: {  	v2 =	vor.u32 $0x684, v0;
	v1 =	vld [tilespmem:$0x110D0];
	_ =	sdelay $0x4  }
0x187: {  	[tilespmem:v2+s22+$0x0] =	vst.idx.msk $0xffff, v1  }
0x188: {  	v2 =	vor.u32 $0x704, v0;
	v1 =	vld [tilespmem:$0x110E0];
	_ =	sdelay $0x4  }
0x189: {  	[tilespmem:v2+s22+$0x0] =	vst.idx.msk $0xffff, v1  }
0x18a: {  	v2 =	vor.u32 $0x784, v0;
	v1 =	vld [tilespmem:$0x110F0];
	_ =	sdelay $0x4  }
0x18b: {  	[tilespmem:v2+s22+$0x0] =	vst.idx.msk $0xffff, v1  }
0x18c: {  	v2 =	vor.u32 $0x804, v0;
	v1 =	vld [tilespmem:$0x11100];
	_ =	sdelay $0x4  }
0x18d: {  	[tilespmem:v2+s22+$0x0] =	vst.idx.msk $0xffff, v1  }
0x18e: {  	v2 =	vor.u32 $0x884, v0;
	v1 =	vld [tilespmem:$0x11110];
	_ =	sdelay $0x4  }
0x18f: {  	[tilespmem:v2+s22+$0x0] =	vst.idx.msk $0xffff, v1  }
0x190: {  	v2 =	vor.u32 $0x904, v0;
	v1 =	vld [tilespmem:$0x11120];
	_ =	sdelay $0x4  }
0x191: {  	[tilespmem:v2+s22+$0x0] =	vst.idx.msk $0xffff, v1  }
0x192: {  	v2 =	vor.u32 $0x984, v0;
	v1 =	vld [tilespmem:$0x11130];
	_ =	sdelay $0x4  }
0x193: {  	[tilespmem:v2+s22+$0x0] =	vst.idx.msk $0xffff, v1  }
0x194: {  	v2 =	vor.u32 $0xA04, v0;
	v1 =	vld [tilespmem:$0x11140];
	_ =	sdelay $0x4  }
0x195: {  	[tilespmem:v2+s22+$0x0] =	vst.idx.msk $0xffff, v1  }
0x196: {  	v2 =	vor.u32 $0xA84, v0;
	v1 =	vld [tilespmem:$0x11150];
	_ =	sdelay $0x4  }
0x197: {  	[tilespmem:v2+s22+$0x0] =	vst.idx.msk $0xffff, v1  }
0x198: {  	v2 =	vor.u32 $0xB04, v0;
	v1 =	vld [tilespmem:$0x11160];
	_ =	sdelay $0x4  }
0x199: {  	[tilespmem:v2+s22+$0x0] =	vst.idx.msk $0xffff, v1  }
0x19a: {  	v2 =	vor.u32 $0xB84, v0;
	v1 =	vld [tilespmem:$0x11170];
	_ =	sdelay $0x4  }
0x19b: {  	[tilespmem:v2+s22+$0x0] =	vst.idx.msk $0xffff, v1  }
0x19c: {  	v2 =	vor.u32 $0xC04, v0;
	v1 =	vld [tilespmem:$0x11180];
	_ =	sdelay $0x4  }
0x19d: {  	[tilespmem:v2+s22+$0x0] =	vst.idx.msk $0xffff, v1  }
0x19e: {  	v2 =	vor.u32 $0xC84, v0;
	v1 =	vld [tilespmem:$0x11190];
	_ =	sdelay $0x4  }
0x19f: {  	[tilespmem:v2+s22+$0x0] =	vst.idx.msk $0xffff, v1  }
0x1a0: {  	v2 =	vor.u32 $0xD04, v0;
	v1 =	vld [tilespmem:$0x111A0];
	_ =	sdelay $0x4  }
0x1a1: {  	[tilespmem:v2+s22+$0x0] =	vst.idx.msk $0xffff, v1  }
0x1a2: {  	v2 =	vor.u32 $0xD84, v0;
	v1 =	vld [tilespmem:$0x111B0];
	_ =	sdelay $0x4  }
0x1a3: {  	[tilespmem:v2+s22+$0x0] =	vst.idx.msk $0xffff, v1  }
0x1a4: {  	v2 =	vor.u32 $0xE04, v0;
	v1 =	vld [tilespmem:$0x111C0];
	_ =	sdelay $0x4  }
0x1a5: {  	[tilespmem:v2+s22+$0x0] =	vst.idx.msk $0xffff, v1  }
0x1a6: {  	v2 =	vor.u32 $0xE84, v0;
	v1 =	vld [tilespmem:$0x111D0];
	_ =	sdelay $0x4  }
0x1a7: {  	[tilespmem:v2+s22+$0x0] =	vst.idx.msk $0xffff, v1  }
0x1a8: {  	v2 =	vor.u32 $0xF04, v0;
	v1 =	vld [tilespmem:$0x111E0];
	_ =	sdelay $0x4  }
0x1a9: {  	[tilespmem:v2+s22+$0x0] =	vst.idx.msk $0xffff, v1  }
0x1aa: {  	v2 =	vor.u32 $0xF84, v0;
	v1 =	vld [tilespmem:$0x111F0];
	_ =	sdelay $0x4  }
0x1ab: {  	[tilespmem:v2+s22+$0x0] =	vst.idx.msk $0xffff, v1  }
0x1ac: {  	_ =	swait.ge [sflag:s23], $0x2000  }
0x1ad: {  	[sflag:s23] =	ssyncset.done $0x0  }
0x1ae: {  	[sflag:s23] =	ssyncadd.s32 $0xFFFFE000  }
0x1af: {  	_ =	swait.ge [sflag:s23], $0x2000  }
0x1b0: {  	[sflag:s23] =	ssyncset.done $0x0  }
0x1b1: {  	[sflag:s23] =	ssyncadd.s32 $0xFFFFE000  }
0x1b2: {  	_ =	swait.ge [sflag:s23], $0x2000  }
0x1b3: {  	[sflag:s23] =	ssyncset.done $0x0  }
0x1b4: {  	[sflag:s23] =	ssyncadd.s32 $0xFFFFE000  }
0x1b5: {  	_ =	swait.ge [sflag:s23], $0x2000  }
0x1b6: {  	[sflag:s23] =	ssyncset.done $0x0  }
0x1b7: {  	[sflag:s23] =	ssyncadd.s32 $0xFFFFE000  }
0x1b8: {  	[hbm4b:s3+s24] =	stream.strided.scatter [tilespmem:s14], [sflag:$0x3], $0x8000, s25, s24, $0x38;
	[tilespmem:$0x12200] =	vst v63  }
0x1b9: {  	_ =	swait.ge [sflag:s26], $0x8000  }
0x1ba: {  	[sflag:s26] =	ssyncset.done $0x0  }
0x1bb: {  	s29 =	sld [smem:$0x7FB];
	[sflag:s26] =	ssyncadd.s32 $0xFFFF8000  }
0x1bc: {  	[tilespmem:s14], [sflag:$0x2] =	stream.indirect.gather [hbm4b:s6+s13], $0x40, s10, s13, $0xb8;
	[tilespmem:$0x12200] =	vst v63  }
0x1bd: {  	s30 =	sld [smem:$0x7FC]  }
0x1be: {  	[tilespmem:s15], [sflag:$0x2] =	stream.indirect.gather [hbm4b:s6+s13], $0x40, s29, s13, $0xb8;
	[tilespmem:$0x12200] =	vst v63  }
0x1bf: {  	s29 =	sld [smem:$0x7FD]  }
0x1c0: {  	[tilespmem:s16], [sflag:$0x2] =	stream.indirect.gather [hbm4b:s6+s13], $0x40, s30, s13, $0xb8;
	[tilespmem:$0x12200] =	vst v63  }
0x1c1: {  	_ = 	snop  }
0x1c2: {  	[tilespmem:s17], [sflag:$0x2] =	stream.indirect.gather [hbm4b:s6+s13], $0x40, s29, s13, $0xb8;
	[tilespmem:$0x12200] =	vst v63  }
0x1c3: {  	_ =	swait.ge [sflag:s23], $0x2000  }
0x1c4: {  	[sflag:s23] =	ssyncset.done $0x0  }
0x1c5: {  	[sflag:s23] =	ssyncadd.s32 $0xFFFFE000  }
0x1c6: {  	_ =	swait.ge [sflag:s23], $0x2000  }
0x1c7: {  	[sflag:s23] =	ssyncset.done $0x0  }
0x1c8: {  	[sflag:s23] =	ssyncadd.s32 $0xFFFFE000  }
0x1c9: {  	_ =	swait.ge [sflag:s23], $0x2000  }
0x1ca: {  	[sflag:s23] =	ssyncset.done $0x0  }
0x1cb: {  	[sflag:s23] =	ssyncadd.s32 $0xFFFFE000  }
0x1cc: {  	_ =	swait.ge [sflag:s23], $0x2000  }
0x1cd: {  	[sflag:s23] =	ssyncset.done $0x0  }
0x1ce: {  	s30 =	rddreg [dreg:$0x15];
	[sflag:s23] =	ssyncadd.s32 $0xFFFFE000  }
0x1cf: {  	[hbm4b:s30+s24] =	stream.strided.scatter [tilespmem:s18], [sflag:$0x3], $0x8000, s25, s24, $0x38;
	[tilespmem:$0x12200] =	vst v63  }
0x1d0: {  	_ =	swait.ge [sflag:s26], $0x8000  }
0x1d1: {  	[sflag:s26] =	ssyncset.done $0x0  }
0x1d2: {  	[sflag:s26] =	ssyncadd.s32 $0xFFFF8000  }
0x1d3: {  	[tilespmem:s18], [sflag:$0x2] =	stream.indirect.gather [hbm4b:s7+s13], $0x40, s11, s13, $0xb8;
	[tilespmem:$0x12200] =	vst v63  }
0x1d4: {  	s28 =	simm.s32 $0x680  }
0x1d5: {  	[tilespmem:s19], [sflag:$0x2] =	stream.indirect.gather [hbm4b:s7+s13], $0x40, s28, s13, $0xb8;
	[tilespmem:$0x12200] =	vst v63  }
0x1d6: {  	s29 =	simm.s32 $0x700  }
0x1d7: {  	[tilespmem:s20], [sflag:$0x2] =	stream.indirect.gather [hbm4b:s7+s13], $0x40, s29, s13, $0xb8;
	[tilespmem:$0x12200] =	vst v63  }
0x1d8: {  	s30 =	simm.s32 $0x780  }
0x1d9: {  	[tilespmem:s21], [sflag:$0x2] =	stream.indirect.gather [hbm4b:s7+s13], $0x40, s30, s13, $0xb8;
	[tilespmem:$0x12200] =	vst v63  }
0x1da: {  	_ =	swait.ge [sflag:s23], $0x2000  }
0x1db: {  	[sflag:s23] =	ssyncset.done $0x0  }
0x1dc: {  	[sflag:s23] =	ssyncadd.s32 $0xFFFFE000  }
0x1dd: {  	_ =	swait.ge [sflag:s23], $0x2000  }
0x1de: {  	[sflag:s23] =	ssyncset.done $0x0  }
0x1df: {  	[sflag:s23] =	ssyncadd.s32 $0xFFFFE000  }
0x1e0: {  	_ =	swait.ge [sflag:s23], $0x2000  }
0x1e1: {  	[sflag:s23] =	ssyncset.done $0x0  }
0x1e2: {  	[sflag:s23] =	ssyncadd.s32 $0xFFFFE000  }
0x1e3: {  	_ =	swait.ge [sflag:s23], $0x2000  }
0x1e4: {  	[sflag:s23] =	ssyncset.done $0x0  }
0x1e5: {  	s28 =	rddreg [dreg:$0x16];
	[sflag:s23] =	ssyncadd.s32 $0xFFFFE000  }
0x1e6: {  	[hbm4b:s28+s24] =	stream.strided.scatter [tilespmem:s14], [sflag:$0x3], $0x8000, s25, s24, $0x38;
	[tilespmem:$0x12200] =	vst v63  }
0x1e7: {  	_ =	swait.ge [sflag:s23], $0x2000  }
0x1e8: {  	[sflag:s23] =	ssyncset.done $0x0  }
0x1e9: {  	[sflag:s23] =	ssyncadd.s32 $0xFFFFE000  }
0x1ea: {  	_ =	swait.ge [sflag:s23], $0x2000  }
0x1eb: {  	[sflag:s23] =	ssyncset.done $0x0  }
0x1ec: {  	[sflag:s23] =	ssyncadd.s32 $0xFFFFE000  }
0x1ed: {  	_ =	swait.ge [sflag:s23], $0x2000  }
0x1ee: {  	[sflag:s23] =	ssyncset.done $0x0  }
0x1ef: {  	[sflag:s23] =	ssyncadd.s32 $0xFFFFE000  }
0x1f0: {  	_ =	swait.ge [sflag:s23], $0x2000  }
0x1f1: {  	[sflag:s23] =	ssyncset.done $0x0  }
0x1f2: {  	s29 =	rddreg [dreg:$0x17];
	[sflag:s23] =	ssyncadd.s32 $0xFFFFE000  }
0x1f3: {  	[hbm4b:s29+s24] =	stream.strided.scatter [tilespmem:s18], [sflag:$0x3], $0x8000, s25, s24, $0x38;
	[tilespmem:$0x12200] =	vst v63  }
0x1f4: {  	s30 =	rddreg [dreg:$0x18]  }
0x1f5: {  	[hbm4b:s30+s31] =	stream.strided.scatter [tilespmem:s22], [sflag:$0x4], $0x1000, s25, s31, $0x38;
	[tilespmem:$0x12200] =	vst v63  }
0x1f6: {  	_ =	swait.ge [sflag:s1], $0x1000  }
0x1f7: {  	[sflag:s1] =	ssyncset.done $0x0  }
0x1f8: {  	[sflag:s1] =	ssyncadd.s32 $0xFFFFF000  }
0x1f9: {  	p0 =	sne.s32 s8, $0x1;
	_ =	swait.ge [sflag:s26], $0x8000  }
.Ltmp0:
0x1fa: {  	[sflag:s26] =	ssyncset.done $0x0;
	(pc) =	sbr.rel @p0 .LBB2_1-.Ltmp0, $4  }
0x1fb: {  	[sflag:s26] =	ssyncadd.s32 $0xFFFF8000  }
0x1fc: {  	_ =	swait.ge [sflag:s26], $0x8000  }
0x1fd: {  	[sflag:s26] =	ssyncset.done $0x0  }
0x1fe: {  	s8 =	sadd.s32 $0xFFFFFFFF, s8;
	[sflag:s26] =	ssyncadd.s32 $0xFFFF8000  }
0x1ff: {  	_ =	sfence.sel $0x180000  }
0x200: {  	[bflag:$0x0] =	sbarrier.arrive $0xFFFF  }
0x201: {  	_ =	strace $0x9000004A  }
0x202: {  	s0 =	stileid.u32;
	[bflag:$0x2] =	sbarrier.arrive $0xFFFF  }
0x203: {  	p0 =	sne.s32 s0, $0x0;
	s0 =	rddreg [dreg:$0xb]  }
0x204: {  	s0 =	sadd.s32 @!p0 $0x100000, s0  }
0x205: {  	[sflag:s0] =	ssyncadd.tile.s32 @!p0 $0x1;
	_ =	shalt  }
.Lfunc_end2:
_tile_overlayer_lowered:
.L_overlay_start_2:
0x206: {  	(tag) =	ssettag $0x2  }
0x207: {  	s0 =	rddreg [dreg:$0x0];
	s2 =	stileid.u32  }
0x208: {  	s1 =	rddreg [dreg:$0x1];
	p0 =	sne.s32 s2, $0x0  }
0x209: {  	s3 =	rddreg [dreg:$0x2];
	[bflag:$0x3] =	sbarrier.arrive $0xFFFF;
	s2 =	simm.s32 @!p0 $0x1C04  }
0x20a: {  	[timem:s3], [sflag:s2] =	dma.local @!p0 [hbm:s0], s1  }
0x20b: {  	s0 =	simm.s32 @!p0 $0x4  }
0x20c: {  	_ =	swait.ge @!p0 [sflag:s0], s1  }
0x20d: {  	s1 =	ssub.s32 @!p0 $0x0, s1;
	[sflag:s0] =	ssyncset.done @!p0 $0x0  }
0x20e: {  	[sflag:s0] =	ssyncadd.s32 @!p0 s1  }
0x20f: {  	[bflag:$0x3] =	sbarrier.arrive $0xFFFF  }
0x210: {  	_ =	shalt  }

</sc_bundles>
